<compile_context>
chip_gen: v7x
topology: tpu7x:2x2x1
jax: 0.10.2.dev20260603
libtpu: 0.0.44.dev20260713+nightly
codegen_flags: <defaults>
</compile_context>

<pallas_src>
import functools

import jax
import jax.numpy as jnp
from jax import lax
from jax.experimental import pallas as pl
from jax.experimental.pallas import tpu as pltpu
from jax.experimental.pallas import tpu_sc as plsc

NUM_CORES = 2
NUM_SUBCORES = 16
NW = NUM_CORES * NUM_SUBCORES
LANES = 16

G = 128


def _sc_body(idx_hbm, table_hbm, out_hbm, idx_v, rows_v, out_v, sidx_v,
             base_v, gsem0, gsem1, osem0, osem1,
             *, blocks_per_w, blocks_per_l, l_len, d, stage_rows):
    nsl = d // LANES
    wid = lax.axis_index("s") * NUM_CORES + lax.axis_index("c")
    blk0 = wid * blocks_per_w
    gsems = (gsem0, gsem1)
    osems = (osem0, osem1)

    row_lo = wid * (2 * blocks_per_w)
    astart = (row_lo // 8) * 8
    off = row_lo - astart
    pltpu.sync_copy(
        idx_hbm.at[pl.ds(pl.multiple_of(astart, 8), stage_rows)], idx_v)

    for s in range(G // LANES):
        base_v[pl.ds(s * LANES, LANES)] = (
            lax.iota(jnp.int32, LANES) + s * LANES) * l_len

    def start_g(j, b):
        pltpu.async_copy(table_hbm.at[idx_v.at[off + 2 * j]],
                         rows_v.at[b, pl.ds(0, G)], gsems[b])
        pltpu.async_copy(table_hbm.at[idx_v.at[off + 2 * j + 1]],
                         rows_v.at[b, pl.ds(G, G)], gsems[b])

    def wait_g(b):
        pltpu.make_async_copy(table_hbm.at[pl.ds(0, 2 * G)], rows_v.at[b],
                              gsems[b]).wait()

    def wait_o(b):
        pltpu.make_async_copy(out_v.at[b], out_hbm.at[sidx_v.at[b]],
                              osems[b]).wait()

    def compute_store(j, b, first):
        if not first:
            wait_o(b)
        blk = blk0 + j
        l = blk // blocks_per_l
        tc = blk - l * blocks_per_l
        cst = tc * (G * l_len) + l
        for s in range(G // LANES):
            sl = pl.ds(s * LANES, LANES)
            sidx_v[b, sl] = base_v[sl] + cst
        rref = rows_v.at[b]
        oref = out_v.at[b]

        @plsc.parallel_loop(0, G, unroll=4)
        def compute_row(c):
            for s in range(nsl):
                sl = pl.ds(s * LANES, LANES)
                oref[c, sl] = rref[c, sl] + rref[G + c, sl]

        pltpu.async_copy(oref, out_hbm.at[sidx_v.at[b]], osems[b])

    start_g(0, 0)
    start_g(1, 1)
    wait_g(0)
    compute_store(0, 0, True)
    start_g(2, 0)
    wait_g(1)
    compute_store(1, 1, True)

    def outer(kk, carry):
        j = 2 * kk
        start_g(j + 1, 1)
        wait_g(0)
        compute_store(j, 0, False)
        start_g(j + 2, 0)
        wait_g(1)
        compute_store(j + 1, 1, False)
        return carry

    lax.fori_loop(1, blocks_per_w // 2 - 1, outer, 0)
    start_g(blocks_per_w - 1, 1)
    wait_g(0)
    compute_store(blocks_per_w - 2, 0, False)
    wait_g(1)
    compute_store(blocks_per_w - 1, 1, False)
    wait_o(0)
    wait_o(1)


@functools.partial(jax.jit, static_argnums=(2, 3, 4))
def _sc_embed(idx2d, we, n_rows, l_len, d):
    blocks = (2 * n_rows) // (2 * G)
    blocks_per_w = blocks // NW
    blocks_per_l = n_rows // (l_len * G)
    assert blocks_per_w % 2 == 0 and blocks_per_w >= 6
    max_off = max((2 * blocks_per_w * w) % 8 for w in range(NW))
    stage_rows = 2 * blocks_per_w + max_off
    assert ((2 * blocks_per_w * (NW - 1)) // 8) * 8 + stage_rows \
        <= idx2d.shape[0]
    body = functools.partial(_sc_body, blocks_per_w=blocks_per_w,
                             blocks_per_l=blocks_per_l, l_len=l_len, d=d,
                             stage_rows=stage_rows)
    k = pl.kernel(
        body,
        out_type=jax.ShapeDtypeStruct((n_rows, d), jnp.float32),
        mesh=plsc.VectorSubcoreMesh(core_axis_name="c", subcore_axis_name="s"),
        scratch_types=[
            pltpu.VMEM((stage_rows, G), jnp.int32),
            pltpu.VMEM((2, 2 * G, d), jnp.float32),
            pltpu.VMEM((2, G, d), jnp.float32),
            pltpu.VMEM((2, G), jnp.int32),
            pltpu.VMEM((G,), jnp.int32),
            pltpu.SemaphoreType.DMA,
            pltpu.SemaphoreType.DMA,
            pltpu.SemaphoreType.DMA,
            pltpu.SemaphoreType.DMA,
        ],
    )
    return k(idx2d, we)


def kernel(inputs, we):
    b, l_len, two = inputs.shape
    n_rows = b * l_len
    d = we.shape[1]
    blocks_per_l = b // G
    x8 = inputs.astype(jnp.int32).reshape(blocks_per_l, G, l_len, two)
    wphys = jnp.transpose(x8, (2, 0, 3, 1))
    idx2d = wphys.reshape((n_rows * two) // G, G)
    out = _sc_embed(idx2d, we, n_rows, l_len, d)
    return out.reshape(b, l_len, d)

# --- scband reference (transcript-rebuilt; emitter-appended) ---
"""Pipeline reference for scband-embedding-layer-55894704390745 (READ-ONLY COPY).

The authoritative reference and input builder live on the scoring server;
editing this copy changes nothing except your own understanding.
"""

import jax, jax.numpy as jnp
import numpy as np

N_VOCAB = 100000
N_CTX = 2048
N_EMBD = 128

def setup_inputs(seed: int = 0) -> dict:
    key = jax.random.key(seed)
    k1, k2 = jax.random.split(key)
    inputs = jax.random.randint(k1, (1024, 200, 2), 0, N_VOCAB, dtype=jnp.int64 if jax.config.jax_enable_x64 else jnp.int32)
    we = jax.random.normal(k2, (N_CTX + N_VOCAB, N_EMBD), dtype=jnp.float32) * 0.02
    return {"inputs": inputs, "we": we}

def reference(inputs, we):
    # tf.reduce_sum(tf.gather(we, inputs), 2)
    gathered = jnp.take(we, inputs, axis=0)  # [B, L, 2, n_embd]
    return jnp.sum(gathered, axis=2)         # [B, L, n_embd]

if __name__ == "__main__":
    import jax
    _d = setup_inputs()
    print(jax.jit(kernel)(*tuple(_d.values())))

</pallas_src>

<mosaic_0001>
#map = affine_map<(d0, d1) -> (0, 0)>
module attributes {stable_mosaic.version = 14 : i64} {
  func.func @_sc_body(%arg0: i32, %arg1: i32, %arg2: memref<3200x128xi32, #tpu.memory_space<hbm>>, %arg3: memref<102048x128xf32, #tpu.memory_space<hbm>>, %arg4: memref<204800x128xf32, #tpu.memory_space<hbm>>, %arg5: memref<104x128xi32, #tpu.memory_space<vmem>>, %arg6: memref<2x256x128xf32, #tpu.memory_space<vmem>>, %arg7: memref<2x128x128xf32, #tpu.memory_space<vmem>>, %arg8: memref<2x128xi32, #tpu.memory_space<vmem>>, %arg9: memref<128xi32, #tpu.memory_space<vmem>>, %arg10: memref<!tpu.dma_semaphore, #tpu.memory_space<semaphore_mem>>, %arg11: memref<!tpu.dma_semaphore, #tpu.memory_space<semaphore_mem>>, %arg12: memref<!tpu.dma_semaphore, #tpu.memory_space<semaphore_mem>>, %arg13: memref<!tpu.dma_semaphore, #tpu.memory_space<semaphore_mem>>) attributes {dimension_semantics = [#tpu.dimension_semantics<core_parallel>, #tpu.dimension_semantics<subcore_parallel>], iteration_bounds = array<i64: 2, 16>, scalar_prefetch = 0 : i64, scratch_operands = 9 : i64, tpu.core_type = #tpu.core_type<sc_vector_subcore>, window_params = [{transform_indices = #map}, {transform_indices = #map}, {transform_indices = #map}]} {
    %mul3A = arith.constant 2 : i32
    %mul3A_0 = arith.muli %arg1, %mul3A : i32
    %add3A = arith.addi %mul3A_0, %arg0 : i32
    %mul3A_1 = arith.constant 50 : i32
    %mul3A_2 = arith.muli %add3A, %mul3A_1 : i32
    %mul3A_3 = arith.constant 100 : i32
    %mul3A_4 = arith.muli %add3A, %mul3A_3 : i32
    %jit3A = arith.constant 8 : i32
    %div3A = arith.divsi %mul3A_4, %jit3A : i32
    %sign3A = arith.constant 0 : i32
    %sign3A_5 = arith.cmpi sgt, %mul3A_4, %sign3A : i32
    %sign3A_6 = arith.extui %sign3A_5 : i1 to i32
    %sign3A_7 = arith.constant 0 : i32
    %sign3A_8 = arith.cmpi slt, %mul3A_4, %sign3A_7 : i32
    %sign3A_9 = arith.extui %sign3A_8 : i1 to i32
    %sign3A_10 = arith.subi %sign3A_6, %sign3A_9 : i32
    %sign3A_11 = arith.constant 0 : i32
    %sign3A_12 = arith.cmpi sgt, %jit3A, %sign3A_11 : i32
    %sign3A_13 = arith.extui %sign3A_12 : i1 to i32
    %sign3A_14 = arith.constant 0 : i32
    %sign3A_15 = arith.cmpi slt, %jit3A, %sign3A_14 : i32
    %sign3A_16 = arith.extui %sign3A_15 : i1 to i32
    %sign3A_17 = arith.subi %sign3A_13, %sign3A_16 : i32
    %ne3A = arith.cmpi ne, %sign3A_10, %sign3A_17 : i32
    %rem3A = arith.remsi %mul3A_4, %jit3A : i32
    %ne3A_18 = arith.constant 0 : i32
    %ne3A_19 = arith.cmpi ne, %rem3A, %ne3A_18 : i32
    %and3A = arith.andi %ne3A, %ne3A_19 : i1
    %sub3A = arith.constant 1 : i32
    %sub3A_20 = arith.subi %div3A, %sub3A : i32
    %select_n3A = arith.select %and3A, %sub3A_20, %div3A : i32
    %mul3A_21 = arith.constant 8 : i32
    %mul3A_22 = arith.muli %select_n3A, %mul3A_21 : i32
    %sub3A_23 = arith.subi %mul3A_4, %mul3A_22 : i32
    %multiple_of3A = tpu.assume_multiple %mul3A_22, 8 : i32
    "tpu.region"() ({
      %run_scoped3A = tpu.sem_alloc : memref<!tpu.dma_semaphore, #tpu.memory_space<semaphore_mem>>
      %dma_start3A_879 = arith.constant 0 : i32
      %dma_start3A_880 = tpu.memref_slice %arg2[%multiple_of3A, %dma_start3A_879] : memref<3200x128xi32, #tpu.memory_space<hbm>> -> memref<104x128xi32, #tpu.memory_space<hbm>>
      %dma_start3A_881 = arith.constant 0 : i32
      %dma_start3A_882 = tpu.memref_slice %arg2[%multiple_of3A, %dma_start3A_881] : memref<3200x128xi32, #tpu.memory_space<hbm>> -> memref<104x128xi32, #tpu.memory_space<hbm>>
      tpu.enqueue_dma source(%dma_start3A_882 : memref<104x128xi32, #tpu.memory_space<hbm>>) target(%arg5 : memref<104x128xi32, #tpu.memory_space<vmem>>) target_semaphore(%run_scoped3A : memref<!tpu.dma_semaphore, #tpu.memory_space<semaphore_mem>>)
      %dma_wait3A_883 = arith.constant 0 : i32
      %dma_wait3A_884 = tpu.memref_slice %arg2[%multiple_of3A, %dma_wait3A_883] : memref<3200x128xi32, #tpu.memory_space<hbm>> -> memref<104x128xi32, #tpu.memory_space<hbm>>
      %dma_wait3A_885 = arith.constant 0 : i32
      %dma_wait3A_886 = tpu.memref_slice %arg2[%multiple_of3A, %dma_wait3A_885] : memref<3200x128xi32, #tpu.memory_space<hbm>> -> memref<104x128xi32, #tpu.memory_space<hbm>>
      tpu.wait_dma2 semaphore(%run_scoped3A : memref<!tpu.dma_semaphore, #tpu.memory_space<semaphore_mem>>) src(%dma_wait3A_886 : memref<104x128xi32, #tpu.memory_space<hbm>>) dst(%arg5 : memref<104x128xi32, #tpu.memory_space<vmem>>)
      tpu.yield
    }) : () -> ()
    %iota3A = tpu.iota {dimensions = array<i32: 0>} : vector<16xi32>
    %add3A_24 = arith.constant 0 : i32
    %add3A_25 = vector.broadcast %add3A_24 : i32 to vector<16xi32>
    %add3A_26 = arith.addi %iota3A, %add3A_25 : vector<16xi32>
    %mul3A_27 = arith.constant 200 : i32
    %mul3A_28 = vector.broadcast %mul3A_27 : i32 to vector<16xi32>
    %mul3A_29 = arith.muli %add3A_26, %mul3A_28 : vector<16xi32>
    %swap3A = arith.constant 0 : index
    %swap3A_30 = tpu.vector_load %arg9[%swap3A] {strides = array<i32>} : memref<128xi32, #tpu.memory_space<vmem>>, vector<16xi32>,
    %swap3A_31 = vector.shape_cast %swap3A_30 : vector<16xi32> to vector<16xi32>
    %swap3A_32 = vector.shape_cast %mul3A_29 : vector<16xi32> to vector<16xi32>
    tpu.vector_store %arg9[%swap3A], %swap3A_32 {strides = array<i32>} : memref<128xi32, #tpu.memory_space<vmem>>, vector<16xi32>,
    %iota3A_33 = tpu.iota {dimensions = array<i32: 0>} : vector<16xi32>
    %add3A_34 = arith.constant 16 : i32
    %add3A_35 = vector.broadcast %add3A_34 : i32 to vector<16xi32>
    %add3A_36 = arith.addi %iota3A_33, %add3A_35 : vector<16xi32>
    %mul3A_37 = arith.constant 200 : i32
    %mul3A_38 = vector.broadcast %mul3A_37 : i32 to vector<16xi32>
    %mul3A_39 = arith.muli %add3A_36, %mul3A_38 : vector<16xi32>
    %swap3A_40 = arith.constant 16 : index
    %swap3A_41 = tpu.vector_load %arg9[%swap3A_40] {strides = array<i32>} : memref<128xi32, #tpu.memory_space<vmem>>, vector<16xi32>,
    %swap3A_42 = vector.shape_cast %swap3A_41 : vector<16xi32> to vector<16xi32>
    %swap3A_43 = vector.shape_cast %mul3A_39 : vector<16xi32> to vector<16xi32>
    tpu.vector_store %arg9[%swap3A_40], %swap3A_43 {strides = array<i32>} : memref<128xi32, #tpu.memory_space<vmem>>, vector<16xi32>,
    %iota3A_44 = tpu.iota {dimensions = array<i32: 0>} : vector<16xi32>
    %add3A_45 = arith.constant 32 : i32
    %add3A_46 = vector.broadcast %add3A_45 : i32 to vector<16xi32>
    %add3A_47 = arith.addi %iota3A_44, %add3A_46 : vector<16xi32>
    %mul3A_48 = arith.constant 200 : i32
    %mul3A_49 = vector.broadcast %mul3A_48 : i32 to vector<16xi32>
    %mul3A_50 = arith.muli %add3A_47, %mul3A_49 : vector<16xi32>
    %swap3A_51 = arith.constant 32 : index
    %swap3A_52 = tpu.vector_load %arg9[%swap3A_51] {strides = array<i32>} : memref<128xi32, #tpu.memory_space<vmem>>, vector<16xi32>,
    %swap3A_53 = vector.shape_cast %swap3A_52 : vector<16xi32> to vector<16xi32>
    %swap3A_54 = vector.shape_cast %mul3A_50 : vector<16xi32> to vector<16xi32>
    tpu.vector_store %arg9[%swap3A_51], %swap3A_54 {strides = array<i32>} : memref<128xi32, #tpu.memory_space<vmem>>, vector<16xi32>,
    %iota3A_55 = tpu.iota {dimensions = array<i32: 0>} : vector<16xi32>
    %add3A_56 = arith.constant 48 : i32
    %add3A_57 = vector.broadcast %add3A_56 : i32 to vector<16xi32>
    %add3A_58 = arith.addi %iota3A_55, %add3A_57 : vector<16xi32>
    %mul3A_59 = arith.constant 200 : i32
    %mul3A_60 = vector.broadcast %mul3A_59 : i32 to vector<16xi32>
    %mul3A_61 = arith.muli %add3A_58, %mul3A_60 : vector<16xi32>
    %swap3A_62 = arith.constant 48 : index
    %swap3A_63 = tpu.vector_load %arg9[%swap3A_62] {strides = array<i32>} : memref<128xi32, #tpu.memory_space<vmem>>, vector<16xi32>,
    %swap3A_64 = vector.shape_cast %swap3A_63 : vector<16xi32> to vector<16xi32>
    %swap3A_65 = vector.shape_cast %mul3A_61 : vector<16xi32> to vector<16xi32>
    tpu.vector_store %arg9[%swap3A_62], %swap3A_65 {strides = array<i32>} : memref<128xi32, #tpu.memory_space<vmem>>, vector<16xi32>,
    %iota3A_66 = tpu.iota {dimensions = array<i32: 0>} : vector<16xi32>
    %add3A_67 = arith.constant 64 : i32
    %add3A_68 = vector.broadcast %add3A_67 : i32 to vector<16xi32>
    %add3A_69 = arith.addi %iota3A_66, %add3A_68 : vector<16xi32>
    %mul3A_70 = arith.constant 200 : i32
    %mul3A_71 = vector.broadcast %mul3A_70 : i32 to vector<16xi32>
    %mul3A_72 = arith.muli %add3A_69, %mul3A_71 : vector<16xi32>
    %swap3A_73 = arith.constant 64 : index
    %swap3A_74 = tpu.vector_load %arg9[%swap3A_73] {strides = array<i32>} : memref<128xi32, #tpu.memory_space<vmem>>, vector<16xi32>,
    %swap3A_75 = vector.shape_cast %swap3A_74 : vector<16xi32> to vector<16xi32>
    %swap3A_76 = vector.shape_cast %mul3A_72 : vector<16xi32> to vector<16xi32>
    tpu.vector_store %arg9[%swap3A_73], %swap3A_76 {strides = array<i32>} : memref<128xi32, #tpu.memory_space<vmem>>, vector<16xi32>,
    %iota3A_77 = tpu.iota {dimensions = array<i32: 0>} : vector<16xi32>
    %add3A_78 = arith.constant 80 : i32
    %add3A_79 = vector.broadcast %add3A_78 : i32 to vector<16xi32>
    %add3A_80 = arith.addi %iota3A_77, %add3A_79 : vector<16xi32>
    %mul3A_81 = arith.constant 200 : i32
    %mul3A_82 = vector.broadcast %mul3A_81 : i32 to vector<16xi32>
    %mul3A_83 = arith.muli %add3A_80, %mul3A_82 : vector<16xi32>
    %swap3A_84 = arith.constant 80 : index
    %swap3A_85 = tpu.vector_load %arg9[%swap3A_84] {strides = array<i32>} : memref<128xi32, #tpu.memory_space<vmem>>, vector<16xi32>,
    %swap3A_86 = vector.shape_cast %swap3A_85 : vector<16xi32> to vector<16xi32>
    %swap3A_87 = vector.shape_cast %mul3A_83 : vector<16xi32> to vector<16xi32>
    tpu.vector_store %arg9[%swap3A_84], %swap3A_87 {strides = array<i32>} : memref<128xi32, #tpu.memory_space<vmem>>, vector<16xi32>,
    %iota3A_88 = tpu.iota {dimensions = array<i32: 0>} : vector<16xi32>
    %add3A_89 = arith.constant 96 : i32
    %add3A_90 = vector.broadcast %add3A_89 : i32 to vector<16xi32>
    %add3A_91 = arith.addi %iota3A_88, %add3A_90 : vector<16xi32>
    %mul3A_92 = arith.constant 200 : i32
    %mul3A_93 = vector.broadcast %mul3A_92 : i32 to vector<16xi32>
    %mul3A_94 = arith.muli %add3A_91, %mul3A_93 : vector<16xi32>
    %swap3A_95 = arith.constant 96 : index
    %swap3A_96 = tpu.vector_load %arg9[%swap3A_95] {strides = array<i32>} : memref<128xi32, #tpu.memory_space<vmem>>, vector<16xi32>,
    %swap3A_97 = vector.shape_cast %swap3A_96 : vector<16xi32> to vector<16xi32>
    %swap3A_98 = vector.shape_cast %mul3A_94 : vector<16xi32> to vector<16xi32>
    tpu.vector_store %arg9[%swap3A_95], %swap3A_98 {strides = array<i32>} : memref<128xi32, #tpu.memory_space<vmem>>, vector<16xi32>,
    %iota3A_99 = tpu.iota {dimensions = array<i32: 0>} : vector<16xi32>
    %add3A_100 = arith.constant 112 : i32
    %add3A_101 = vector.broadcast %add3A_100 : i32 to vector<16xi32>
    %add3A_102 = arith.addi %iota3A_99, %add3A_101 : vector<16xi32>
    %mul3A_103 = arith.constant 200 : i32
    %mul3A_104 = vector.broadcast %mul3A_103 : i32 to vector<16xi32>
    %mul3A_105 = arith.muli %add3A_102, %mul3A_104 : vector<16xi32>
    %swap3A_106 = arith.constant 112 : index
    %swap3A_107 = tpu.vector_load %arg9[%swap3A_106] {strides = array<i32>} : memref<128xi32, #tpu.memory_space<vmem>>, vector<16xi32>,
    %swap3A_108 = vector.shape_cast %swap3A_107 : vector<16xi32> to vector<16xi32>
    %swap3A_109 = vector.shape_cast %mul3A_105 : vector<16xi32> to vector<16xi32>
    tpu.vector_store %arg9[%swap3A_106], %swap3A_109 {strides = array<i32>} : memref<128xi32, #tpu.memory_space<vmem>>, vector<16xi32>,
    %add3A_110 = arith.constant 0 : i32
    %add3A_111 = arith.addi %sub3A_23, %add3A_110 : i32
    %dma_start3A = arith.constant 0 : i32
    %dma_start3A_112 = arith.constant 0 : i32
    %dma_start3A_113 = arith.constant 0 : i32
    %dma_start3A_114 = tpu.memref_slice %arg6[%dma_start3A, %dma_start3A_112, %dma_start3A_113] : memref<2x256x128xf32, #tpu.memory_space<vmem>> -> memref<1x128x128xf32, #tpu.memory_space<vmem>>
    %dma_start3A_115 = tpu.memref_squeeze %dma_start3A_114 : memref<1x128x128xf32, #tpu.memory_space<vmem>> -> memref<128x128xf32, #tpu.memory_space<vmem>>
    %dma_start3A_116 = arith.constant 0 : i32
    %dma_start3A_117 = tpu.memref_slice %arg5[%add3A_111, %dma_start3A_116] : memref<104x128xi32, #tpu.memory_space<vmem>> -> memref<1x128xi32, #tpu.memory_space<vmem>>
    %dma_start3A_118 = tpu.memref_squeeze %dma_start3A_117 : memref<1x128xi32, #tpu.memory_space<vmem>> -> memref<128xi32, #tpu.memory_space<vmem>>
    %dma_start3A_119 = arith.constant 0 : i32
    %dma_start3A_120 = arith.constant 0 : i32
    %dma_start3A_121 = tpu.memref_slice %arg3[%dma_start3A_119, %dma_start3A_120] : memref<102048x128xf32, #tpu.memory_space<hbm>> -> memref<102048x128xf32, #tpu.memory_space<hbm>>
    tpu.enqueue_indirect_dma source(%dma_start3A_121 : memref<102048x128xf32, #tpu.memory_space<hbm>>) target(%dma_start3A_115 : memref<128x128xf32, #tpu.memory_space<vmem>>) offsets(%dma_start3A_118 : memref<128xi32, #tpu.memory_space<vmem>>) semaphore(%arg10 : memref<!tpu.dma_semaphore, #tpu.memory_space<semaphore_mem>>)
    %add3A_122 = arith.constant 0 : i32
    %add3A_123 = arith.addi %sub3A_23, %add3A_122 : i32
    %add3A_124 = arith.constant 1 : i32
    %add3A_125 = arith.addi %add3A_123, %add3A_124 : i32
    %dma_start3A_126 = arith.constant 0 : i32
    %dma_start3A_127 = arith.constant 128 : i32
    %dma_start3A_128 = arith.constant 0 : i32
    %dma_start3A_129 = tpu.memref_slice %arg6[%dma_start3A_126, %dma_start3A_127, %dma_start3A_128] : memref<2x256x128xf32, #tpu.memory_space<vmem>> -> memref<1x128x128xf32, #tpu.memory_space<vmem>>
    %dma_start3A_130 = tpu.memref_squeeze %dma_start3A_129 : memref<1x128x128xf32, #tpu.memory_space<vmem>> -> memref<128x128xf32, #tpu.memory_space<vmem>>
    %dma_start3A_131 = arith.constant 0 : i32
    %dma_start3A_132 = tpu.memref_slice %arg5[%add3A_125, %dma_start3A_131] : memref<104x128xi32, #tpu.memory_space<vmem>> -> memref<1x128xi32, #tpu.memory_space<vmem>>
    %dma_start3A_133 = tpu.memref_squeeze %dma_start3A_132 : memref<1x128xi32, #tpu.memory_space<vmem>> -> memref<128xi32, #tpu.memory_space<vmem>>
    %dma_start3A_134 = arith.constant 0 : i32
    %dma_start3A_135 = arith.constant 0 : i32
    %dma_start3A_136 = tpu.memref_slice %arg3[%dma_start3A_134, %dma_start3A_135] : memref<102048x128xf32, #tpu.memory_space<hbm>> -> memref<102048x128xf32, #tpu.memory_space<hbm>>
    tpu.enqueue_indirect_dma source(%dma_start3A_136 : memref<102048x128xf32, #tpu.memory_space<hbm>>) target(%dma_start3A_130 : memref<128x128xf32, #tpu.memory_space<vmem>>) offsets(%dma_start3A_133 : memref<128xi32, #tpu.memory_space<vmem>>) semaphore(%arg10 : memref<!tpu.dma_semaphore, #tpu.memory_space<semaphore_mem>>)
    %add3A_137 = arith.constant 2 : i32
    %add3A_138 = arith.addi %sub3A_23, %add3A_137 : i32
    %dma_start3A_139 = arith.constant 1 : i32
    %dma_start3A_140 = arith.constant 0 : i32
    %dma_start3A_141 = arith.constant 0 : i32
    %dma_start3A_142 = tpu.memref_slice %arg6[%dma_start3A_139, %dma_start3A_140, %dma_start3A_141] : memref<2x256x128xf32, #tpu.memory_space<vmem>> -> memref<1x128x128xf32, #tpu.memory_space<vmem>>
    %dma_start3A_143 = tpu.memref_squeeze %dma_start3A_142 : memref<1x128x128xf32, #tpu.memory_space<vmem>> -> memref<128x128xf32, #tpu.memory_space<vmem>>
    %dma_start3A_144 = arith.constant 0 : i32
    %dma_start3A_145 = tpu.memref_slice %arg5[%add3A_138, %dma_start3A_144] : memref<104x128xi32, #tpu.memory_space<vmem>> -> memref<1x128xi32, #tpu.memory_space<vmem>>
    %dma_start3A_146 = tpu.memref_squeeze %dma_start3A_145 : memref<1x128xi32, #tpu.memory_space<vmem>> -> memref<128xi32, #tpu.memory_space<vmem>>
    %dma_start3A_147 = arith.constant 0 : i32
    %dma_start3A_148 = arith.constant 0 : i32
    %dma_start3A_149 = tpu.memref_slice %arg3[%dma_start3A_147, %dma_start3A_148] : memref<102048x128xf32, #tpu.memory_space<hbm>> -> memref<102048x128xf32, #tpu.memory_space<hbm>>
    tpu.enqueue_indirect_dma source(%dma_start3A_149 : memref<102048x128xf32, #tpu.memory_space<hbm>>) target(%dma_start3A_143 : memref<128x128xf32, #tpu.memory_space<vmem>>) offsets(%dma_start3A_146 : memref<128xi32, #tpu.memory_space<vmem>>) semaphore(%arg11 : memref<!tpu.dma_semaphore, #tpu.memory_space<semaphore_mem>>)
    %add3A_150 = arith.constant 2 : i32
    %add3A_151 = arith.addi %sub3A_23, %add3A_150 : i32
    %add3A_152 = arith.constant 1 : i32
    %add3A_153 = arith.addi %add3A_151, %add3A_152 : i32
    %dma_start3A_154 = arith.constant 1 : i32
    %dma_start3A_155 = arith.constant 128 : i32
    %dma_start3A_156 = arith.constant 0 : i32
    %dma_start3A_157 = tpu.memref_slice %arg6[%dma_start3A_154, %dma_start3A_155, %dma_start3A_156] : memref<2x256x128xf32, #tpu.memory_space<vmem>> -> memref<1x128x128xf32, #tpu.memory_space<vmem>>
    %dma_start3A_158 = tpu.memref_squeeze %dma_start3A_157 : memref<1x128x128xf32, #tpu.memory_space<vmem>> -> memref<128x128xf32, #tpu.memory_space<vmem>>
    %dma_start3A_159 = arith.constant 0 : i32
    %dma_start3A_160 = tpu.memref_slice %arg5[%add3A_153, %dma_start3A_159] : memref<104x128xi32, #tpu.memory_space<vmem>> -> memref<1x128xi32, #tpu.memory_space<vmem>>
    %dma_start3A_161 = tpu.memref_squeeze %dma_start3A_160 : memref<1x128xi32, #tpu.memory_space<vmem>> -> memref<128xi32, #tpu.memory_space<vmem>>
    %dma_start3A_162 = arith.constant 0 : i32
    %dma_start3A_163 = arith.constant 0 : i32
    %dma_start3A_164 = tpu.memref_slice %arg3[%dma_start3A_162, %dma_start3A_163] : memref<102048x128xf32, #tpu.memory_space<hbm>> -> memref<102048x128xf32, #tpu.memory_space<hbm>>
    tpu.enqueue_indirect_dma source(%dma_start3A_164 : memref<102048x128xf32, #tpu.memory_space<hbm>>) target(%dma_start3A_158 : memref<128x128xf32, #tpu.memory_space<vmem>>) offsets(%dma_start3A_161 : memref<128xi32, #tpu.memory_space<vmem>>) semaphore(%arg11 : memref<!tpu.dma_semaphore, #tpu.memory_space<semaphore_mem>>)
    %dma_wait3A = arith.constant 0 : i32
    %dma_wait3A_165 = arith.constant 0 : i32
    %dma_wait3A_166 = arith.constant 0 : i32
    %dma_wait3A_167 = tpu.memref_slice %arg6[%dma_wait3A, %dma_wait3A_165, %dma_wait3A_166] : memref<2x256x128xf32, #tpu.memory_space<vmem>> -> memref<1x256x128xf32, #tpu.memory_space<vmem>>
    %dma_wait3A_168 = tpu.memref_squeeze %dma_wait3A_167 : memref<1x256x128xf32, #tpu.memory_space<vmem>> -> memref<256x128xf32, #tpu.memory_space<vmem>>
    %dma_wait3A_169 = arith.constant 0 : i32
    %dma_wait3A_170 = arith.constant 0 : i32
    %dma_wait3A_171 = tpu.memref_slice %arg3[%dma_wait3A_169, %dma_wait3A_170] : memref<102048x128xf32, #tpu.memory_space<hbm>> -> memref<256x128xf32, #tpu.memory_space<hbm>>
    %dma_wait3A_172 = arith.constant 0 : i32
    %dma_wait3A_173 = arith.constant 0 : i32
    %dma_wait3A_174 = tpu.memref_slice %arg6[%dma_wait3A, %dma_wait3A_172, %dma_wait3A_173] : memref<2x256x128xf32, #tpu.memory_space<vmem>> -> memref<1x256x128xf32, #tpu.memory_space<vmem>>
    %dma_wait3A_175 = tpu.memref_squeeze %dma_wait3A_174 : memref<1x256x128xf32, #tpu.memory_space<vmem>> -> memref<256x128xf32, #tpu.memory_space<vmem>>
    %dma_wait3A_176 = arith.constant 0 : i32
    %dma_wait3A_177 = arith.constant 0 : i32
    %dma_wait3A_178 = tpu.memref_slice %arg3[%dma_wait3A_176, %dma_wait3A_177] : memref<102048x128xf32, #tpu.memory_space<hbm>> -> memref<256x128xf32, #tpu.memory_space<hbm>>
    tpu.wait_dma2 semaphore(%arg10 : memref<!tpu.dma_semaphore, #tpu.memory_space<semaphore_mem>>) src(%dma_wait3A_178 : memref<256x128xf32, #tpu.memory_space<hbm>>) dst(%dma_wait3A_175 : memref<256x128xf32, #tpu.memory_space<vmem>>)
    %add3A_179 = arith.constant 0 : i32
    %add3A_180 = arith.addi %mul3A_2, %add3A_179 : i32
    %jit3A_181 = arith.constant 8 : i32
    %div3A_182 = arith.divsi %add3A_180, %jit3A_181 : i32
    %sign3A_183 = arith.constant 0 : i32
    %sign3A_184 = arith.cmpi sgt, %add3A_180, %sign3A_183 : i32
    %sign3A_185 = arith.extui %sign3A_184 : i1 to i32
    %sign3A_186 = arith.constant 0 : i32
    %sign3A_187 = arith.cmpi slt, %add3A_180, %sign3A_186 : i32
    %sign3A_188 = arith.extui %sign3A_187 : i1 to i32
    %sign3A_189 = arith.subi %sign3A_185, %sign3A_188 : i32
    %sign3A_190 = arith.constant 0 : i32
    %sign3A_191 = arith.cmpi sgt, %jit3A_181, %sign3A_190 : i32
    %sign3A_192 = arith.extui %sign3A_191 : i1 to i32
    %sign3A_193 = arith.constant 0 : i32
    %sign3A_194 = arith.cmpi slt, %jit3A_181, %sign3A_193 : i32
    %sign3A_195 = arith.extui %sign3A_194 : i1 to i32
    %sign3A_196 = arith.subi %sign3A_192, %sign3A_195 : i32
    %ne3A_197 = arith.cmpi ne, %sign3A_189, %sign3A_196 : i32
    %rem3A_198 = arith.remsi %add3A_180, %jit3A_181 : i32
    %ne3A_199 = arith.constant 0 : i32
    %ne3A_200 = arith.cmpi ne, %rem3A_198, %ne3A_199 : i32
    %and3A_201 = arith.andi %ne3A_197, %ne3A_200 : i1
    %sub3A_202 = arith.constant 1 : i32
    %sub3A_203 = arith.subi %div3A_182, %sub3A_202 : i32
    %select_n3A_204 = arith.select %and3A_201, %sub3A_203, %div3A_182 : i32
    %mul3A_205 = arith.constant 8 : i32
    %mul3A_206 = arith.muli %select_n3A_204, %mul3A_205 : i32
    %sub3A_207 = arith.subi %add3A_180, %mul3A_206 : i32
    %mul3A_208 = arith.constant 25600 : i32
    %mul3A_209 = arith.muli %sub3A_207, %mul3A_208 : i32
    %add3A_210 = arith.addi %mul3A_209, %select_n3A_204 : i32
    %get3A = arith.constant 0 : index
    %get3A_211 = tpu.vector_load %arg9[%get3A] {strides = array<i32>} : memref<128xi32, #tpu.memory_space<vmem>>, vector<16xi32>,
    %get3A_212 = vector.shape_cast %get3A_211 : vector<16xi32> to vector<16xi32>
    %add3A_213 = vector.broadcast %add3A_210 : i32 to vector<16xi32>
    %add3A_214 = arith.addi %get3A_212, %add3A_213 : vector<16xi32>
    %swap3A_215 = arith.constant 0 : i32
    %swap3A_216 = arith.index_cast %swap3A_215 : i32 to index
    %swap3A_217 = arith.constant 0 : index
    %swap3A_218 = tpu.vector_load %arg8[%swap3A_216, %swap3A_217] {strides = array<i32>} : memref<2x128xi32, #tpu.memory_space<vmem>>, vector<1x16xi32>,
    %swap3A_219 = vector.shape_cast %swap3A_218 : vector<1x16xi32> to vector<16xi32>
    %swap3A_220 = vector.shape_cast %add3A_214 : vector<16xi32> to vector<1x16xi32>
    tpu.vector_store %arg8[%swap3A_216, %swap3A_217], %swap3A_220 {strides = array<i32>} : memref<2x128xi32, #tpu.memory_space<vmem>>, vector<1x16xi32>,
    %get3A_221 = arith.constant 16 : index
    %get3A_222 = tpu.vector_load %arg9[%get3A_221] {strides = array<i32>} : memref<128xi32, #tpu.memory_space<vmem>>, vector<16xi32>,
    %get3A_223 = vector.shape_cast %get3A_222 : vector<16xi32> to vector<16xi32>
    %add3A_224 = vector.broadcast %add3A_210 : i32 to vector<16xi32>
    %add3A_225 = arith.addi %get3A_223, %add3A_224 : vector<16xi32>
    %swap3A_226 = arith.constant 0 : i32
    %swap3A_227 = arith.index_cast %swap3A_226 : i32 to index
    %swap3A_228 = arith.constant 16 : index
    %swap3A_229 = tpu.vector_load %arg8[%swap3A_227, %swap3A_228] {strides = array<i32>} : memref<2x128xi32, #tpu.memory_space<vmem>>, vector<1x16xi32>,
    %swap3A_230 = vector.shape_cast %swap3A_229 : vector<1x16xi32> to vector<16xi32>
    %swap3A_231 = vector.shape_cast %add3A_225 : vector<16xi32> to vector<1x16xi32>
    tpu.vector_store %arg8[%swap3A_227, %swap3A_228], %swap3A_231 {strides = array<i32>} : memref<2x128xi32, #tpu.memory_space<vmem>>, vector<1x16xi32>,
    %get3A_232 = arith.constant 32 : index
    %get3A_233 = tpu.vector_load %arg9[%get3A_232] {strides = array<i32>} : memref<128xi32, #tpu.memory_space<vmem>>, vector<16xi32>,
    %get3A_234 = vector.shape_cast %get3A_233 : vector<16xi32> to vector<16xi32>
    %add3A_235 = vector.broadcast %add3A_210 : i32 to vector<16xi32>
    %add3A_236 = arith.addi %get3A_234, %add3A_235 : vector<16xi32>
    %swap3A_237 = arith.constant 0 : i32
    %swap3A_238 = arith.index_cast %swap3A_237 : i32 to index
    %swap3A_239 = arith.constant 32 : index
    %swap3A_240 = tpu.vector_load %arg8[%swap3A_238, %swap3A_239] {strides = array<i32>} : memref<2x128xi32, #tpu.memory_space<vmem>>, vector<1x16xi32>,
    %swap3A_241 = vector.shape_cast %swap3A_240 : vector<1x16xi32> to vector<16xi32>
    %swap3A_242 = vector.shape_cast %add3A_236 : vector<16xi32> to vector<1x16xi32>
    tpu.vector_store %arg8[%swap3A_238, %swap3A_239], %swap3A_242 {strides = array<i32>} : memref<2x128xi32, #tpu.memory_space<vmem>>, vector<1x16xi32>,
    %get3A_243 = arith.constant 48 : index
    %get3A_244 = tpu.vector_load %arg9[%get3A_243] {strides = array<i32>} : memref<128xi32, #tpu.memory_space<vmem>>, vector<16xi32>,
    %get3A_245 = vector.shape_cast %get3A_244 : vector<16xi32> to vector<16xi32>
    %add3A_246 = vector.broadcast %add3A_210 : i32 to vector<16xi32>
    %add3A_247 = arith.addi %get3A_245, %add3A_246 : vector<16xi32>
    %swap3A_248 = arith.constant 0 : i32
    %swap3A_249 = arith.index_cast %swap3A_248 : i32 to index
    %swap3A_250 = arith.constant 48 : index
    %swap3A_251 = tpu.vector_load %arg8[%swap3A_249, %swap3A_250] {strides = array<i32>} : memref<2x128xi32, #tpu.memory_space<vmem>>, vector<1x16xi32>,
    %swap3A_252 = vector.shape_cast %swap3A_251 : vector<1x16xi32> to vector<16xi32>
    %swap3A_253 = vector.shape_cast %add3A_247 : vector<16xi32> to vector<1x16xi32>
    tpu.vector_store %arg8[%swap3A_249, %swap3A_250], %swap3A_253 {strides = array<i32>} : memref<2x128xi32, #tpu.memory_space<vmem>>, vector<1x16xi32>,
    %get3A_254 = arith.constant 64 : index
    %get3A_255 = tpu.vector_load %arg9[%get3A_254] {strides = array<i32>} : memref<128xi32, #tpu.memory_space<vmem>>, vector<16xi32>,
    %get3A_256 = vector.shape_cast %get3A_255 : vector<16xi32> to vector<16xi32>
    %add3A_257 = vector.broadcast %add3A_210 : i32 to vector<16xi32>
    %add3A_258 = arith.addi %get3A_256, %add3A_257 : vector<16xi32>
    %swap3A_259 = arith.constant 0 : i32
    %swap3A_260 = arith.index_cast %swap3A_259 : i32 to index
    %swap3A_261 = arith.constant 64 : index
    %swap3A_262 = tpu.vector_load %arg8[%swap3A_260, %swap3A_261] {strides = array<i32>} : memref<2x128xi32, #tpu.memory_space<vmem>>, vector<1x16xi32>,
    %swap3A_263 = vector.shape_cast %swap3A_262 : vector<1x16xi32> to vector<16xi32>
    %swap3A_264 = vector.shape_cast %add3A_258 : vector<16xi32> to vector<1x16xi32>
    tpu.vector_store %arg8[%swap3A_260, %swap3A_261], %swap3A_264 {strides = array<i32>} : memref<2x128xi32, #tpu.memory_space<vmem>>, vector<1x16xi32>,
    %get3A_265 = arith.constant 80 : index
    %get3A_266 = tpu.vector_load %arg9[%get3A_265] {strides = array<i32>} : memref<128xi32, #tpu.memory_space<vmem>>, vector<16xi32>,
    %get3A_267 = vector.shape_cast %get3A_266 : vector<16xi32> to vector<16xi32>
    %add3A_268 = vector.broadcast %add3A_210 : i32 to vector<16xi32>
    %add3A_269 = arith.addi %get3A_267, %add3A_268 : vector<16xi32>
    %swap3A_270 = arith.constant 0 : i32
    %swap3A_271 = arith.index_cast %swap3A_270 : i32 to index
    %swap3A_272 = arith.constant 80 : index
    %swap3A_273 = tpu.vector_load %arg8[%swap3A_271, %swap3A_272] {strides = array<i32>} : memref<2x128xi32, #tpu.memory_space<vmem>>, vector<1x16xi32>,
    %swap3A_274 = vector.shape_cast %swap3A_273 : vector<1x16xi32> to vector<16xi32>
    %swap3A_275 = vector.shape_cast %add3A_269 : vector<16xi32> to vector<1x16xi32>
    tpu.vector_store %arg8[%swap3A_271, %swap3A_272], %swap3A_275 {strides = array<i32>} : memref<2x128xi32, #tpu.memory_space<vmem>>, vector<1x16xi32>,
    %get3A_276 = arith.constant 96 : index
    %get3A_277 = tpu.vector_load %arg9[%get3A_276] {strides = array<i32>} : memref<128xi32, #tpu.memory_space<vmem>>, vector<16xi32>,
    %get3A_278 = vector.shape_cast %get3A_277 : vector<16xi32> to vector<16xi32>
    %add3A_279 = vector.broadcast %add3A_210 : i32 to vector<16xi32>
    %add3A_280 = arith.addi %get3A_278, %add3A_279 : vector<16xi32>
    %swap3A_281 = arith.constant 0 : i32
    %swap3A_282 = arith.index_cast %swap3A_281 : i32 to index
    %swap3A_283 = arith.constant 96 : index
    %swap3A_284 = tpu.vector_load %arg8[%swap3A_282, %swap3A_283] {strides = array<i32>} : memref<2x128xi32, #tpu.memory_space<vmem>>, vector<1x16xi32>,
    %swap3A_285 = vector.shape_cast %swap3A_284 : vector<1x16xi32> to vector<16xi32>
    %swap3A_286 = vector.shape_cast %add3A_280 : vector<16xi32> to vector<1x16xi32>
    tpu.vector_store %arg8[%swap3A_282, %swap3A_283], %swap3A_286 {strides = array<i32>} : memref<2x128xi32, #tpu.memory_space<vmem>>, vector<1x16xi32>,
    %get3A_287 = arith.constant 112 : index
    %get3A_288 = tpu.vector_load %arg9[%get3A_287] {strides = array<i32>} : memref<128xi32, #tpu.memory_space<vmem>>, vector<16xi32>,
    %get3A_289 = vector.shape_cast %get3A_288 : vector<16xi32> to vector<16xi32>
    %add3A_290 = vector.broadcast %add3A_210 : i32 to vector<16xi32>
    %add3A_291 = arith.addi %get3A_289, %add3A_290 : vector<16xi32>
    %swap3A_292 = arith.constant 0 : i32
    %swap3A_293 = arith.index_cast %swap3A_292 : i32 to index
    %swap3A_294 = arith.constant 112 : index
    %swap3A_295 = tpu.vector_load %arg8[%swap3A_293, %swap3A_294] {strides = array<i32>} : memref<2x128xi32, #tpu.memory_space<vmem>>, vector<1x16xi32>,
    %swap3A_296 = vector.shape_cast %swap3A_295 : vector<1x16xi32> to vector<16xi32>
    %swap3A_297 = vector.shape_cast %add3A_291 : vector<16xi32> to vector<1x16xi32>
    tpu.vector_store %arg8[%swap3A_293, %swap3A_294], %swap3A_297 {strides = array<i32>} : memref<2x128xi32, #tpu.memory_space<vmem>>, vector<1x16xi32>,
    %parallel_loop3A = arith.constant 0 : i32
    %parallel_loop3A_298 = arith.constant 128 : i32
    %parallel_loop3A_299 = arith.constant 1 : i32
    %parallel_loop3A_300 = arith.constant 0 : i32
    %parallel_loop3A_301 = arith.constant 0 : i32
    scf.for %parallel_loop3A_879 = %parallel_loop3A to %parallel_loop3A_298 step %parallel_loop3A_299  : i32 {
      %parallel_loop3A_880 = arith.constant 0 : i32
      %parallel_loop3A_881 = arith.constant 0 : i32
      %parallel_loop3A_882 = tpu.memref_slice %arg6[%parallel_loop3A_300, %parallel_loop3A_880, %parallel_loop3A_881] : memref<2x256x128xf32, #tpu.memory_space<vmem>> -> memref<1x256x128xf32, #tpu.memory_space<vmem>>
      %parallel_loop3A_883 = tpu.memref_squeeze %parallel_loop3A_882 : memref<1x256x128xf32, #tpu.memory_space<vmem>> -> memref<256x128xf32, #tpu.memory_space<vmem>>
      %parallel_loop3A_884 = arith.index_cast %parallel_loop3A_879 : i32 to index
      %parallel_loop3A_885 = arith.constant 0 : index
      %parallel_loop3A_886 = tpu.vector_load %parallel_loop3A_883[%parallel_loop3A_884, %parallel_loop3A_885] {strides = array<i32>} : memref<256x128xf32, #tpu.memory_space<vmem>>, vector<1x16xf32>,
      %parallel_loop3A_887 = vector.shape_cast %parallel_loop3A_886 : vector<1x16xf32> to vector<16xf32>
      %parallel_loop3A_888 = arith.constant 128 : i32
      %parallel_loop3A_889 = arith.addi %parallel_loop3A_888, %parallel_loop3A_879 : i32
      %parallel_loop3A_890 = arith.constant 0 : i32
      %parallel_loop3A_891 = arith.constant 0 : i32
      %parallel_loop3A_892 = tpu.memref_slice %arg6[%parallel_loop3A_300, %parallel_loop3A_890, %parallel_loop3A_891] : memref<2x256x128xf32, #tpu.memory_space<vmem>> -> memref<1x256x128xf32, #tpu.memory_space<vmem>>
      %parallel_loop3A_893 = tpu.memref_squeeze %parallel_loop3A_892 : memref<1x256x128xf32, #tpu.memory_space<vmem>> -> memref<256x128xf32, #tpu.memory_space<vmem>>
      %parallel_loop3A_894 = arith.index_cast %parallel_loop3A_889 : i32 to index
      %parallel_loop3A_895 = arith.constant 0 : index
      %parallel_loop3A_896 = tpu.vector_load %parallel_loop3A_893[%parallel_loop3A_894, %parallel_loop3A_895] {strides = array<i32>} : memref<256x128xf32, #tpu.memory_space<vmem>>, vector<1x16xf32>,
      %parallel_loop3A_897 = vector.shape_cast %parallel_loop3A_896 : vector<1x16xf32> to vector<16xf32>
      %parallel_loop3A_898 = arith.addf %parallel_loop3A_887, %parallel_loop3A_897 : vector<16xf32>
      %parallel_loop3A_899 = arith.constant 0 : i32
      %parallel_loop3A_900 = arith.constant 0 : i32
      %parallel_loop3A_901 = tpu.memref_slice %arg7[%parallel_loop3A_301, %parallel_loop3A_899, %parallel_loop3A_900] : memref<2x128x128xf32, #tpu.memory_space<vmem>> -> memref<1x128x128xf32, #tpu.memory_space<vmem>>
      %parallel_loop3A_902 = tpu.memref_squeeze %parallel_loop3A_901 : memref<1x128x128xf32, #tpu.memory_space<vmem>> -> memref<128x128xf32, #tpu.memory_space<vmem>>
      %parallel_loop3A_903 = arith.index_cast %parallel_loop3A_879 : i32 to index
      %parallel_loop3A_904 = arith.constant 0 : index
      %parallel_loop3A_905 = tpu.vector_load %parallel_loop3A_902[%parallel_loop3A_903, %parallel_loop3A_904] {strides = array<i32>} : memref<128x128xf32, #tpu.memory_space<vmem>>, vector<1x16xf32>,
      %parallel_loop3A_906 = vector.shape_cast %parallel_loop3A_905 : vector<1x16xf32> to vector<16xf32>
      %parallel_loop3A_907 = vector.shape_cast %parallel_loop3A_898 : vector<16xf32> to vector<1x16xf32>
      tpu.vector_store %parallel_loop3A_902[%parallel_loop3A_903, %parallel_loop3A_904], %parallel_loop3A_907 {strides = array<i32>} : memref<128x128xf32, #tpu.memory_space<vmem>>, vector<1x16xf32>,
      %parallel_loop3A_908 = arith.constant 0 : i32
      %parallel_loop3A_909 = arith.constant 0 : i32
      %parallel_loop3A_910 = tpu.memref_slice %arg6[%parallel_loop3A_300, %parallel_loop3A_908, %parallel_loop3A_909] : memref<2x256x128xf32, #tpu.memory_space<vmem>> -> memref<1x256x128xf32, #tpu.memory_space<vmem>>
      %parallel_loop3A_911 = tpu.memref_squeeze %parallel_loop3A_910 : memref<1x256x128xf32, #tpu.memory_space<vmem>> -> memref<256x128xf32, #tpu.memory_space<vmem>>
      %parallel_loop3A_912 = arith.index_cast %parallel_loop3A_879 : i32 to index
      %parallel_loop3A_913 = arith.constant 16 : index
      %parallel_loop3A_914 = tpu.vector_load %parallel_loop3A_911[%parallel_loop3A_912, %parallel_loop3A_913] {strides = array<i32>} : memref<256x128xf32, #tpu.memory_space<vmem>>, vector<1x16xf32>,
      %parallel_loop3A_915 = vector.shape_cast %parallel_loop3A_914 : vector<1x16xf32> to vector<16xf32>
      %parallel_loop3A_916 = arith.constant 128 : i32
      %parallel_loop3A_917 = arith.addi %parallel_loop3A_916, %parallel_loop3A_879 : i32
      %parallel_loop3A_918 = arith.constant 0 : i32
      %parallel_loop3A_919 = arith.constant 0 : i32
      %parallel_loop3A_920 = tpu.memref_slice %arg6[%parallel_loop3A_300, %parallel_loop3A_918, %parallel_loop3A_919] : memref<2x256x128xf32, #tpu.memory_space<vmem>> -> memref<1x256x128xf32, #tpu.memory_space<vmem>>
      %parallel_loop3A_921 = tpu.memref_squeeze %parallel_loop3A_920 : memref<1x256x128xf32, #tpu.memory_space<vmem>> -> memref<256x128xf32, #tpu.memory_space<vmem>>
      %parallel_loop3A_922 = arith.index_cast %parallel_loop3A_917 : i32 to index
      %parallel_loop3A_923 = arith.constant 16 : index
      %parallel_loop3A_924 = tpu.vector_load %parallel_loop3A_921[%parallel_loop3A_922, %parallel_loop3A_923] {strides = array<i32>} : memref<256x128xf32, #tpu.memory_space<vmem>>, vector<1x16xf32>,
      %parallel_loop3A_925 = vector.shape_cast %parallel_loop3A_924 : vector<1x16xf32> to vector<16xf32>
      %parallel_loop3A_926 = arith.addf %parallel_loop3A_915, %parallel_loop3A_925 : vector<16xf32>
      %parallel_loop3A_927 = arith.constant 0 : i32
      %parallel_loop3A_928 = arith.constant 0 : i32
      %parallel_loop3A_929 = tpu.memref_slice %arg7[%parallel_loop3A_301, %parallel_loop3A_927, %parallel_loop3A_928] : memref<2x128x128xf32, #tpu.memory_space<vmem>> -> memref<1x128x128xf32, #tpu.memory_space<vmem>>
      %parallel_loop3A_930 = tpu.memref_squeeze %parallel_loop3A_929 : memref<1x128x128xf32, #tpu.memory_space<vmem>> -> memref<128x128xf32, #tpu.memory_space<vmem>>
      %parallel_loop3A_931 = arith.index_cast %parallel_loop3A_879 : i32 to index
      %parallel_loop3A_932 = arith.constant 16 : index
      %parallel_loop3A_933 = tpu.vector_load %parallel_loop3A_930[%parallel_loop3A_931, %parallel_loop3A_932] {strides = array<i32>} : memref<128x128xf32, #tpu.memory_space<vmem>>, vector<1x16xf32>,
      %parallel_loop3A_934 = vector.shape_cast %parallel_loop3A_933 : vector<1x16xf32> to vector<16xf32>
      %parallel_loop3A_935 = vector.shape_cast %parallel_loop3A_926 : vector<16xf32> to vector<1x16xf32>
      tpu.vector_store %parallel_loop3A_930[%parallel_loop3A_931, %parallel_loop3A_932], %parallel_loop3A_935 {strides = array<i32>} : memref<128x128xf32, #tpu.memory_space<vmem>>, vector<1x16xf32>,
      %parallel_loop3A_936 = arith.constant 0 : i32
      %parallel_loop3A_937 = arith.constant 0 : i32
      %parallel_loop3A_938 = tpu.memref_slice %arg6[%parallel_loop3A_300, %parallel_loop3A_936, %parallel_loop3A_937] : memref<2x256x128xf32, #tpu.memory_space<vmem>> -> memref<1x256x128xf32, #tpu.memory_space<vmem>>
      %parallel_loop3A_939 = tpu.memref_squeeze %parallel_loop3A_938 : memref<1x256x128xf32, #tpu.memory_space<vmem>> -> memref<256x128xf32, #tpu.memory_space<vmem>>
      %parallel_loop3A_940 = arith.index_cast %parallel_loop3A_879 : i32 to index
      %parallel_loop3A_941 = arith.constant 32 : index
      %parallel_loop3A_942 = tpu.vector_load %parallel_loop3A_939[%parallel_loop3A_940, %parallel_loop3A_941] {strides = array<i32>} : memref<256x128xf32, #tpu.memory_space<vmem>>, vector<1x16xf32>,
      %parallel_loop3A_943 = vector.shape_cast %parallel_loop3A_942 : vector<1x16xf32> to vector<16xf32>
      %parallel_loop3A_944 = arith.constant 128 : i32
      %parallel_loop3A_945 = arith.addi %parallel_loop3A_944, %parallel_loop3A_879 : i32
      %parallel_loop3A_946 = arith.constant 0 : i32
      %parallel_loop3A_947 = arith.constant 0 : i32
      %parallel_loop3A_948 = tpu.memref_slice %arg6[%parallel_loop3A_300, %parallel_loop3A_946, %parallel_loop3A_947] : memref<2x256x128xf32, #tpu.memory_space<vmem>> -> memref<1x256x128xf32, #tpu.memory_space<vmem>>
      %parallel_loop3A_949 = tpu.memref_squeeze %parallel_loop3A_948 : memref<1x256x128xf32, #tpu.memory_space<vmem>> -> memref<256x128xf32, #tpu.memory_space<vmem>>
      %parallel_loop3A_950 = arith.index_cast %parallel_loop3A_945 : i32 to index
      %parallel_loop3A_951 = arith.constant 32 : index
      %parallel_loop3A_952 = tpu.vector_load %parallel_loop3A_949[%parallel_loop3A_950, %parallel_loop3A_951] {strides = array<i32>} : memref<256x128xf32, #tpu.memory_space<vmem>>, vector<1x16xf32>,
      %parallel_loop3A_953 = vector.shape_cast %parallel_loop3A_952 : vector<1x16xf32> to vector<16xf32>
      %parallel_loop3A_954 = arith.addf %parallel_loop3A_943, %parallel_loop3A_953 : vector<16xf32>
      %parallel_loop3A_955 = arith.constant 0 : i32
      %parallel_loop3A_956 = arith.constant 0 : i32
      %parallel_loop3A_957 = tpu.memref_slice %arg7[%parallel_loop3A_301, %parallel_loop3A_955, %parallel_loop3A_956] : memref<2x128x128xf32, #tpu.memory_space<vmem>> -> memref<1x128x128xf32, #tpu.memory_space<vmem>>
      %parallel_loop3A_958 = tpu.memref_squeeze %parallel_loop3A_957 : memref<1x128x128xf32, #tpu.memory_space<vmem>> -> memref<128x128xf32, #tpu.memory_space<vmem>>
      %parallel_loop3A_959 = arith.index_cast %parallel_loop3A_879 : i32 to index
      %parallel_loop3A_960 = arith.constant 32 : index
      %parallel_loop3A_961 = tpu.vector_load %parallel_loop3A_958[%parallel_loop3A_959, %parallel_loop3A_960] {strides = array<i32>} : memref<128x128xf32, #tpu.memory_space<vmem>>, vector<1x16xf32>,
      %parallel_loop3A_962 = vector.shape_cast %parallel_loop3A_961 : vector<1x16xf32> to vector<16xf32>
      %parallel_loop3A_963 = vector.shape_cast %parallel_loop3A_954 : vector<16xf32> to vector<1x16xf32>
      tpu.vector_store %parallel_loop3A_958[%parallel_loop3A_959, %parallel_loop3A_960], %parallel_loop3A_963 {strides = array<i32>} : memref<128x128xf32, #tpu.memory_space<vmem>>, vector<1x16xf32>,
      %parallel_loop3A_964 = arith.constant 0 : i32
      %parallel_loop3A_965 = arith.constant 0 : i32
      %parallel_loop3A_966 = tpu.memref_slice %arg6[%parallel_loop3A_300, %parallel_loop3A_964, %parallel_loop3A_965] : memref<2x256x128xf32, #tpu.memory_space<vmem>> -> memref<1x256x128xf32, #tpu.memory_space<vmem>>
      %parallel_loop3A_967 = tpu.memref_squeeze %parallel_loop3A_966 : memref<1x256x128xf32, #tpu.memory_space<vmem>> -> memref<256x128xf32, #tpu.memory_space<vmem>>
      %parallel_loop3A_968 = arith.index_cast %parallel_loop3A_879 : i32 to index
      %parallel_loop3A_969 = arith.constant 48 : index
      %parallel_loop3A_970 = tpu.vector_load %parallel_loop3A_967[%parallel_loop3A_968, %parallel_loop3A_969] {strides = array<i32>} : memref<256x128xf32, #tpu.memory_space<vmem>>, vector<1x16xf32>,
      %parallel_loop3A_971 = vector.shape_cast %parallel_loop3A_970 : vector<1x16xf32> to vector<16xf32>
      %parallel_loop3A_972 = arith.constant 128 : i32
      %parallel_loop3A_973 = arith.addi %parallel_loop3A_972, %parallel_loop3A_879 : i32
      %parallel_loop3A_974 = arith.constant 0 : i32
      %parallel_loop3A_975 = arith.constant 0 : i32
      %parallel_loop3A_976 = tpu.memref_slice %arg6[%parallel_loop3A_300, %parallel_loop3A_974, %parallel_loop3A_975] : memref<2x256x128xf32, #tpu.memory_space<vmem>> -> memref<1x256x128xf32, #tpu.memory_space<vmem>>
      %parallel_loop3A_977 = tpu.memref_squeeze %parallel_loop3A_976 : memref<1x256x128xf32, #tpu.memory_space<vmem>> -> memref<256x128xf32, #tpu.memory_space<vmem>>
      %parallel_loop3A_978 = arith.index_cast %parallel_loop3A_973 : i32 to index
      %parallel_loop3A_979 = arith.constant 48 : index
      %parallel_loop3A_980 = tpu.vector_load %parallel_loop3A_977[%parallel_loop3A_978, %parallel_loop3A_979] {strides = array<i32>} : memref<256x128xf32, #tpu.memory_space<vmem>>, vector<1x16xf32>,
      %parallel_loop3A_981 = vector.shape_cast %parallel_loop3A_980 : vector<1x16xf32> to vector<16xf32>
      %parallel_loop3A_982 = arith.addf %parallel_loop3A_971, %parallel_loop3A_981 : vector<16xf32>
      %parallel_loop3A_983 = arith.constant 0 : i32
      %parallel_loop3A_984 = arith.constant 0 : i32
      %parallel_loop3A_985 = tpu.memref_slice %arg7[%parallel_loop3A_301, %parallel_loop3A_983, %parallel_loop3A_984] : memref<2x128x128xf32, #tpu.memory_space<vmem>> -> memref<1x128x128xf32, #tpu.memory_space<vmem>>
      %parallel_loop3A_986 = tpu.memref_squeeze %parallel_loop3A_985 : memref<1x128x128xf32, #tpu.memory_space<vmem>> -> memref<128x128xf32, #tpu.memory_space<vmem>>
      %parallel_loop3A_987 = arith.index_cast %parallel_loop3A_879 : i32 to index
      %parallel_loop3A_988 = arith.constant 48 : index
      %parallel_loop3A_989 = tpu.vector_load %parallel_loop3A_986[%parallel_loop3A_987, %parallel_loop3A_988] {strides = array<i32>} : memref<128x128xf32, #tpu.memory_space<vmem>>, vector<1x16xf32>,
      %parallel_loop3A_990 = vector.shape_cast %parallel_loop3A_989 : vector<1x16xf32> to vector<16xf32>
      %parallel_loop3A_991 = vector.shape_cast %parallel_loop3A_982 : vector<16xf32> to vector<1x16xf32>
      tpu.vector_store %parallel_loop3A_986[%parallel_loop3A_987, %parallel_loop3A_988], %parallel_loop3A_991 {strides = array<i32>} : memref<128x128xf32, #tpu.memory_space<vmem>>, vector<1x16xf32>,
      %parallel_loop3A_992 = arith.constant 0 : i32
      %parallel_loop3A_993 = arith.constant 0 : i32
      %parallel_loop3A_994 = tpu.memref_slice %arg6[%parallel_loop3A_300, %parallel_loop3A_992, %parallel_loop3A_993] : memref<2x256x128xf32, #tpu.memory_space<vmem>> -> memref<1x256x128xf32, #tpu.memory_space<vmem>>
      %parallel_loop3A_995 = tpu.memref_squeeze %parallel_loop3A_994 : memref<1x256x128xf32, #tpu.memory_space<vmem>> -> memref<256x128xf32, #tpu.memory_space<vmem>>
      %parallel_loop3A_996 = arith.index_cast %parallel_loop3A_879 : i32 to index
      %parallel_loop3A_997 = arith.constant 64 : index
      %parallel_loop3A_998 = tpu.vector_load %parallel_loop3A_995[%parallel_loop3A_996, %parallel_loop3A_997] {strides = array<i32>} : memref<256x128xf32, #tpu.memory_space<vmem>>, vector<1x16xf32>,
      %parallel_loop3A_999 = vector.shape_cast %parallel_loop3A_998 : vector<1x16xf32> to vector<16xf32>
      %parallel_loop3A_1000 = arith.constant 128 : i32
      %parallel_loop3A_1001 = arith.addi %parallel_loop3A_1000, %parallel_loop3A_879 : i32
      %parallel_loop3A_1002 = arith.constant 0 : i32
      %parallel_loop3A_1003 = arith.constant 0 : i32
      %parallel_loop3A_1004 = tpu.memref_slice %arg6[%parallel_loop3A_300, %parallel_loop3A_1002, %parallel_loop3A_1003] : memref<2x256x128xf32, #tpu.memory_space<vmem>> -> memref<1x256x128xf32, #tpu.memory_space<vmem>>
      %parallel_loop3A_1005 = tpu.memref_squeeze %parallel_loop3A_1004 : memref<1x256x128xf32, #tpu.memory_space<vmem>> -> memref<256x128xf32, #tpu.memory_space<vmem>>
      %parallel_loop3A_1006 = arith.index_cast %parallel_loop3A_1001 : i32 to index
      %parallel_loop3A_1007 = arith.constant 64 : index
      %parallel_loop3A_1008 = tpu.vector_load %parallel_loop3A_1005[%parallel_loop3A_1006, %parallel_loop3A_1007] {strides = array<i32>} : memref<256x128xf32, #tpu.memory_space<vmem>>, vector<1x16xf32>,
      %parallel_loop3A_1009 = vector.shape_cast %parallel_loop3A_1008 : vector<1x16xf32> to vector<16xf32>
      %parallel_loop3A_1010 = arith.addf %parallel_loop3A_999, %parallel_loop3A_1009 : vector<16xf32>
      %parallel_loop3A_1011 = arith.constant 0 : i32
      %parallel_loop3A_1012 = arith.constant 0 : i32
      %parallel_loop3A_1013 = tpu.memref_slice %arg7[%parallel_loop3A_301, %parallel_loop3A_1011, %parallel_loop3A_1012] : memref<2x128x128xf32, #tpu.memory_space<vmem>> -> memref<1x128x128xf32, #tpu.memory_space<vmem>>
      %parallel_loop3A_1014 = tpu.memref_squeeze %parallel_loop3A_1013 : memref<1x128x128xf32, #tpu.memory_space<vmem>> -> memref<128x128xf32, #tpu.memory_space<vmem>>
      %parallel_loop3A_1015 = arith.index_cast %parallel_loop3A_879 : i32 to index
      %parallel_loop3A_1016 = arith.constant 64 : index
      %parallel_loop3A_1017 = tpu.vector_load %parallel_loop3A_1014[%parallel_loop3A_1015, %parallel_loop3A_1016] {strides = array<i32>} : memref<128x128xf32, #tpu.memory_space<vmem>>, vector<1x16xf32>,
      %parallel_loop3A_1018 = vector.shape_cast %parallel_loop3A_1017 : vector<1x16xf32> to vector<16xf32>
      %parallel_loop3A_1019 = vector.shape_cast %parallel_loop3A_1010 : vector<16xf32> to vector<1x16xf32>
      tpu.vector_store %parallel_loop3A_1014[%parallel_loop3A_1015, %parallel_loop3A_1016], %parallel_loop3A_1019 {strides = array<i32>} : memref<128x128xf32, #tpu.memory_space<vmem>>, vector<1x16xf32>,
      %parallel_loop3A_1020 = arith.constant 0 : i32
      %parallel_loop3A_1021 = arith.constant 0 : i32
      %parallel_loop3A_1022 = tpu.memref_slice %arg6[%parallel_loop3A_300, %parallel_loop3A_1020, %parallel_loop3A_1021] : memref<2x256x128xf32, #tpu.memory_space<vmem>> -> memref<1x256x128xf32, #tpu.memory_space<vmem>>
      %parallel_loop3A_1023 = tpu.memref_squeeze %parallel_loop3A_1022 : memref<1x256x128xf32, #tpu.memory_space<vmem>> -> memref<256x128xf32, #tpu.memory_space<vmem>>
      %parallel_loop3A_1024 = arith.index_cast %parallel_loop3A_879 : i32 to index
      %parallel_loop3A_1025 = arith.constant 80 : index
      %parallel_loop3A_1026 = tpu.vector_load %parallel_loop3A_1023[%parallel_loop3A_1024, %parallel_loop3A_1025] {strides = array<i32>} : memref<256x128xf32, #tpu.memory_space<vmem>>, vector<1x16xf32>,
      %parallel_loop3A_1027 = vector.shape_cast %parallel_loop3A_1026 : vector<1x16xf32> to vector<16xf32>
      %parallel_loop3A_1028 = arith.constant 128 : i32
      %parallel_loop3A_1029 = arith.addi %parallel_loop3A_1028, %parallel_loop3A_879 : i32
      %parallel_loop3A_1030 = arith.constant 0 : i32
      %parallel_loop3A_1031 = arith.constant 0 : i32
      %parallel_loop3A_1032 = tpu.memref_slice %arg6[%parallel_loop3A_300, %parallel_loop3A_1030, %parallel_loop3A_1031] : memref<2x256x128xf32, #tpu.memory_space<vmem>> -> memref<1x256x128xf32, #tpu.memory_space<vmem>>
      %parallel_loop3A_1033 = tpu.memref_squeeze %parallel_loop3A_1032 : memref<1x256x128xf32, #tpu.memory_space<vmem>> -> memref<256x128xf32, #tpu.memory_space<vmem>>
      %parallel_loop3A_1034 = arith.index_cast %parallel_loop3A_1029 : i32 to index
      %parallel_loop3A_1035 = arith.constant 80 : index
      %parallel_loop3A_1036 = tpu.vector_load %parallel_loop3A_1033[%parallel_loop3A_1034, %parallel_loop3A_1035] {strides = array<i32>} : memref<256x128xf32, #tpu.memory_space<vmem>>, vector<1x16xf32>,
      %parallel_loop3A_1037 = vector.shape_cast %parallel_loop3A_1036 : vector<1x16xf32> to vector<16xf32>
      %parallel_loop3A_1038 = arith.addf %parallel_loop3A_1027, %parallel_loop3A_1037 : vector<16xf32>
      %parallel_loop3A_1039 = arith.constant 0 : i32
      %parallel_loop3A_1040 = arith.constant 0 : i32
      %parallel_loop3A_1041 = tpu.memref_slice %arg7[%parallel_loop3A_301, %parallel_loop3A_1039, %parallel_loop3A_1040] : memref<2x128x128xf32, #tpu.memory_space<vmem>> -> memref<1x128x128xf32, #tpu.memory_space<vmem>>
      %parallel_loop3A_1042 = tpu.memref_squeeze %parallel_loop3A_1041 : memref<1x128x128xf32, #tpu.memory_space<vmem>> -> memref<128x128xf32, #tpu.memory_space<vmem>>
      %parallel_loop3A_1043 = arith.index_cast %parallel_loop3A_879 : i32 to index
      %parallel_loop3A_1044 = arith.constant 80 : index
      %parallel_loop3A_1045 = tpu.vector_load %parallel_loop3A_1042[%parallel_loop3A_1043, %parallel_loop3A_1044] {strides = array<i32>} : memref<128x128xf32, #tpu.memory_space<vmem>>, vector<1x16xf32>,
      %parallel_loop3A_1046 = vector.shape_cast %parallel_loop3A_1045 : vector<1x16xf32> to vector<16xf32>
      %parallel_loop3A_1047 = vector.shape_cast %parallel_loop3A_1038 : vector<16xf32> to vector<1x16xf32>
      tpu.vector_store %parallel_loop3A_1042[%parallel_loop3A_1043, %parallel_loop3A_1044], %parallel_loop3A_1047 {strides = array<i32>} : memref<128x128xf32, #tpu.memory_space<vmem>>, vector<1x16xf32>,
      %parallel_loop3A_1048 = arith.constant 0 : i32
      %parallel_loop3A_1049 = arith.constant 0 : i32
      %parallel_loop3A_1050 = tpu.memref_slice %arg6[%parallel_loop3A_300, %parallel_loop3A_1048, %parallel_loop3A_1049] : memref<2x256x128xf32, #tpu.memory_space<vmem>> -> memref<1x256x128xf32, #tpu.memory_space<vmem>>
      %parallel_loop3A_1051 = tpu.memref_squeeze %parallel_loop3A_1050 : memref<1x256x128xf32, #tpu.memory_space<vmem>> -> memref<256x128xf32, #tpu.memory_space<vmem>>
      %parallel_loop3A_1052 = arith.index_cast %parallel_loop3A_879 : i32 to index
      %parallel_loop3A_1053 = arith.constant 96 : index
      %parallel_loop3A_1054 = tpu.vector_load %parallel_loop3A_1051[%parallel_loop3A_1052, %parallel_loop3A_1053] {strides = array<i32>} : memref<256x128xf32, #tpu.memory_space<vmem>>, vector<1x16xf32>,
      %parallel_loop3A_1055 = vector.shape_cast %parallel_loop3A_1054 : vector<1x16xf32> to vector<16xf32>
      %parallel_loop3A_1056 = arith.constant 128 : i32
      %parallel_loop3A_1057 = arith.addi %parallel_loop3A_1056, %parallel_loop3A_879 : i32
      %parallel_loop3A_1058 = arith.constant 0 : i32
      %parallel_loop3A_1059 = arith.constant 0 : i32
      %parallel_loop3A_1060 = tpu.memref_slice %arg6[%parallel_loop3A_300, %parallel_loop3A_1058, %parallel_loop3A_1059] : memref<2x256x128xf32, #tpu.memory_space<vmem>> -> memref<1x256x128xf32, #tpu.memory_space<vmem>>
      %parallel_loop3A_1061 = tpu.memref_squeeze %parallel_loop3A_1060 : memref<1x256x128xf32, #tpu.memory_space<vmem>> -> memref<256x128xf32, #tpu.memory_space<vmem>>
      %parallel_loop3A_1062 = arith.index_cast %parallel_loop3A_1057 : i32 to index
      %parallel_loop3A_1063 = arith.constant 96 : index
      %parallel_loop3A_1064 = tpu.vector_load %parallel_loop3A_1061[%parallel_loop3A_1062, %parallel_loop3A_1063] {strides = array<i32>} : memref<256x128xf32, #tpu.memory_space<vmem>>, vector<1x16xf32>,
      %parallel_loop3A_1065 = vector.shape_cast %parallel_loop3A_1064 : vector<1x16xf32> to vector<16xf32>
      %parallel_loop3A_1066 = arith.addf %parallel_loop3A_1055, %parallel_loop3A_1065 : vector<16xf32>
      %parallel_loop3A_1067 = arith.constant 0 : i32
      %parallel_loop3A_1068 = arith.constant 0 : i32
      %parallel_loop3A_1069 = tpu.memref_slice %arg7[%parallel_loop3A_301, %parallel_loop3A_1067, %parallel_loop3A_1068] : memref<2x128x128xf32, #tpu.memory_space<vmem>> -> memref<1x128x128xf32, #tpu.memory_space<vmem>>
      %parallel_loop3A_1070 = tpu.memref_squeeze %parallel_loop3A_1069 : memref<1x128x128xf32, #tpu.memory_space<vmem>> -> memref<128x128xf32, #tpu.memory_space<vmem>>
      %parallel_loop3A_1071 = arith.index_cast %parallel_loop3A_879 : i32 to index
      %parallel_loop3A_1072 = arith.constant 96 : index
      %parallel_loop3A_1073 = tpu.vector_load %parallel_loop3A_1070[%parallel_loop3A_1071, %parallel_loop3A_1072] {strides = array<i32>} : memref<128x128xf32, #tpu.memory_space<vmem>>, vector<1x16xf32>,
      %parallel_loop3A_1074 = vector.shape_cast %parallel_loop3A_1073 : vector<1x16xf32> to vector<16xf32>
      %parallel_loop3A_1075 = vector.shape_cast %parallel_loop3A_1066 : vector<16xf32> to vector<1x16xf32>
      tpu.vector_store %parallel_loop3A_1070[%parallel_loop3A_1071, %parallel_loop3A_1072], %parallel_loop3A_1075 {strides = array<i32>} : memref<128x128xf32, #tpu.memory_space<vmem>>, vector<1x16xf32>,
      %parallel_loop3A_1076 = arith.constant 0 : i32
      %parallel_loop3A_1077 = arith.constant 0 : i32
      %parallel_loop3A_1078 = tpu.memref_slice %arg6[%parallel_loop3A_300, %parallel_loop3A_1076, %parallel_loop3A_1077] : memref<2x256x128xf32, #tpu.memory_space<vmem>> -> memref<1x256x128xf32, #tpu.memory_space<vmem>>
      %parallel_loop3A_1079 = tpu.memref_squeeze %parallel_loop3A_1078 : memref<1x256x128xf32, #tpu.memory_space<vmem>> -> memref<256x128xf32, #tpu.memory_space<vmem>>
      %parallel_loop3A_1080 = arith.index_cast %parallel_loop3A_879 : i32 to index
      %parallel_loop3A_1081 = arith.constant 112 : index
      %parallel_loop3A_1082 = tpu.vector_load %parallel_loop3A_1079[%parallel_loop3A_1080, %parallel_loop3A_1081] {strides = array<i32>} : memref<256x128xf32, #tpu.memory_space<vmem>>, vector<1x16xf32>,
      %parallel_loop3A_1083 = vector.shape_cast %parallel_loop3A_1082 : vector<1x16xf32> to vector<16xf32>
      %parallel_loop3A_1084 = arith.constant 128 : i32
      %parallel_loop3A_1085 = arith.addi %parallel_loop3A_1084, %parallel_loop3A_879 : i32
      %parallel_loop3A_1086 = arith.constant 0 : i32
      %parallel_loop3A_1087 = arith.constant 0 : i32
      %parallel_loop3A_1088 = tpu.memref_slice %arg6[%parallel_loop3A_300, %parallel_loop3A_1086, %parallel_loop3A_1087] : memref<2x256x128xf32, #tpu.memory_space<vmem>> -> memref<1x256x128xf32, #tpu.memory_space<vmem>>
      %parallel_loop3A_1089 = tpu.memref_squeeze %parallel_loop3A_1088 : memref<1x256x128xf32, #tpu.memory_space<vmem>> -> memref<256x128xf32, #tpu.memory_space<vmem>>
      %parallel_loop3A_1090 = arith.index_cast %parallel_loop3A_1085 : i32 to index
      %parallel_loop3A_1091 = arith.constant 112 : index
      %parallel_loop3A_1092 = tpu.vector_load %parallel_loop3A_1089[%parallel_loop3A_1090, %parallel_loop3A_1091] {strides = array<i32>} : memref<256x128xf32, #tpu.memory_space<vmem>>, vector<1x16xf32>,
      %parallel_loop3A_1093 = vector.shape_cast %parallel_loop3A_1092 : vector<1x16xf32> to vector<16xf32>
      %parallel_loop3A_1094 = arith.addf %parallel_loop3A_1083, %parallel_loop3A_1093 : vector<16xf32>
      %parallel_loop3A_1095 = arith.constant 0 : i32
      %parallel_loop3A_1096 = arith.constant 0 : i32
      %parallel_loop3A_1097 = tpu.memref_slice %arg7[%parallel_loop3A_301, %parallel_loop3A_1095, %parallel_loop3A_1096] : memref<2x128x128xf32, #tpu.memory_space<vmem>> -> memref<1x128x128xf32, #tpu.memory_space<vmem>>
      %parallel_loop3A_1098 = tpu.memref_squeeze %parallel_loop3A_1097 : memref<1x128x128xf32, #tpu.memory_space<vmem>> -> memref<128x128xf32, #tpu.memory_space<vmem>>
      %parallel_loop3A_1099 = arith.index_cast %parallel_loop3A_879 : i32 to index
      %parallel_loop3A_1100 = arith.constant 112 : index
      %parallel_loop3A_1101 = tpu.vector_load %parallel_loop3A_1098[%parallel_loop3A_1099, %parallel_loop3A_1100] {strides = array<i32>} : memref<128x128xf32, #tpu.memory_space<vmem>>, vector<1x16xf32>,
      %parallel_loop3A_1102 = vector.shape_cast %parallel_loop3A_1101 : vector<1x16xf32> to vector<16xf32>
      %parallel_loop3A_1103 = vector.shape_cast %parallel_loop3A_1094 : vector<16xf32> to vector<1x16xf32>
      tpu.vector_store %parallel_loop3A_1098[%parallel_loop3A_1099, %parallel_loop3A_1100], %parallel_loop3A_1103 {strides = array<i32>} : memref<128x128xf32, #tpu.memory_space<vmem>>, vector<1x16xf32>,
    } {sc.loop_unroll_factor = 4 : i64, sc.parallel_access}
    %dma_start3A_302 = arith.constant 0 : i32
    %dma_start3A_303 = arith.constant 0 : i32
    %dma_start3A_304 = arith.constant 0 : i32
    %dma_start3A_305 = arith.constant 0 : i32
    %dma_start3A_306 = tpu.memref_slice %arg7[%dma_start3A_302, %dma_start3A_304, %dma_start3A_305] : memref<2x128x128xf32, #tpu.memory_space<vmem>> -> memref<1x128x128xf32, #tpu.memory_space<vmem>>
    %dma_start3A_307 = tpu.memref_squeeze %dma_start3A_306 : memref<1x128x128xf32, #tpu.memory_space<vmem>> -> memref<128x128xf32, #tpu.memory_space<vmem>>
    %dma_start3A_308 = arith.constant 0 : i32
    %dma_start3A_309 = tpu.memref_slice %arg8[%dma_start3A_303, %dma_start3A_308] : memref<2x128xi32, #tpu.memory_space<vmem>> -> memref<1x128xi32, #tpu.memory_space<vmem>>
    %dma_start3A_310 = tpu.memref_squeeze %dma_start3A_309 : memref<1x128xi32, #tpu.memory_space<vmem>> -> memref<128xi32, #tpu.memory_space<vmem>>
    %dma_start3A_311 = arith.constant 0 : i32
    %dma_start3A_312 = arith.constant 0 : i32
    %dma_start3A_313 = tpu.memref_slice %arg4[%dma_start3A_311, %dma_start3A_312] : memref<204800x128xf32, #tpu.memory_space<hbm>> -> memref<204800x128xf32, #tpu.memory_space<hbm>>
    tpu.enqueue_indirect_dma source(%dma_start3A_307 : memref<128x128xf32, #tpu.memory_space<vmem>>) target(%dma_start3A_313 : memref<204800x128xf32, #tpu.memory_space<hbm>>) offsets(%dma_start3A_310 : memref<128xi32, #tpu.memory_space<vmem>>) semaphore(%arg12 : memref<!tpu.dma_semaphore, #tpu.memory_space<semaphore_mem>>)
    %add3A_314 = arith.constant 4 : i32
    %add3A_315 = arith.addi %sub3A_23, %add3A_314 : i32
    %dma_start3A_316 = arith.constant 0 : i32
    %dma_start3A_317 = arith.constant 0 : i32
    %dma_start3A_318 = arith.constant 0 : i32
    %dma_start3A_319 = tpu.memref_slice %arg6[%dma_start3A_316, %dma_start3A_317, %dma_start3A_318] : memref<2x256x128xf32, #tpu.memory_space<vmem>> -> memref<1x128x128xf32, #tpu.memory_space<vmem>>
    %dma_start3A_320 = tpu.memref_squeeze %dma_start3A_319 : memref<1x128x128xf32, #tpu.memory_space<vmem>> -> memref<128x128xf32, #tpu.memory_space<vmem>>
    %dma_start3A_321 = arith.constant 0 : i32
    %dma_start3A_322 = tpu.memref_slice %arg5[%add3A_315, %dma_start3A_321] : memref<104x128xi32, #tpu.memory_space<vmem>> -> memref<1x128xi32, #tpu.memory_space<vmem>>
    %dma_start3A_323 = tpu.memref_squeeze %dma_start3A_322 : memref<1x128xi32, #tpu.memory_space<vmem>> -> memref<128xi32, #tpu.memory_space<vmem>>
    %dma_start3A_324 = arith.constant 0 : i32
    %dma_start3A_325 = arith.constant 0 : i32
    %dma_start3A_326 = tpu.memref_slice %arg3[%dma_start3A_324, %dma_start3A_325] : memref<102048x128xf32, #tpu.memory_space<hbm>> -> memref<102048x128xf32, #tpu.memory_space<hbm>>
    tpu.enqueue_indirect_dma source(%dma_start3A_326 : memref<102048x128xf32, #tpu.memory_space<hbm>>) target(%dma_start3A_320 : memref<128x128xf32, #tpu.memory_space<vmem>>) offsets(%dma_start3A_323 : memref<128xi32, #tpu.memory_space<vmem>>) semaphore(%arg10 : memref<!tpu.dma_semaphore, #tpu.memory_space<semaphore_mem>>)
    %add3A_327 = arith.constant 4 : i32
    %add3A_328 = arith.addi %sub3A_23, %add3A_327 : i32
    %add3A_329 = arith.constant 1 : i32
    %add3A_330 = arith.addi %add3A_328, %add3A_329 : i32
    %dma_start3A_331 = arith.constant 0 : i32
    %dma_start3A_332 = arith.constant 128 : i32
    %dma_start3A_333 = arith.constant 0 : i32
    %dma_start3A_334 = tpu.memref_slice %arg6[%dma_start3A_331, %dma_start3A_332, %dma_start3A_333] : memref<2x256x128xf32, #tpu.memory_space<vmem>> -> memref<1x128x128xf32, #tpu.memory_space<vmem>>
    %dma_start3A_335 = tpu.memref_squeeze %dma_start3A_334 : memref<1x128x128xf32, #tpu.memory_space<vmem>> -> memref<128x128xf32, #tpu.memory_space<vmem>>
    %dma_start3A_336 = arith.constant 0 : i32
    %dma_start3A_337 = tpu.memref_slice %arg5[%add3A_330, %dma_start3A_336] : memref<104x128xi32, #tpu.memory_space<vmem>> -> memref<1x128xi32, #tpu.memory_space<vmem>>
    %dma_start3A_338 = tpu.memref_squeeze %dma_start3A_337 : memref<1x128xi32, #tpu.memory_space<vmem>> -> memref<128xi32, #tpu.memory_space<vmem>>
    %dma_start3A_339 = arith.constant 0 : i32
    %dma_start3A_340 = arith.constant 0 : i32
    %dma_start3A_341 = tpu.memref_slice %arg3[%dma_start3A_339, %dma_start3A_340] : memref<102048x128xf32, #tpu.memory_space<hbm>> -> memref<102048x128xf32, #tpu.memory_space<hbm>>
    tpu.enqueue_indirect_dma source(%dma_start3A_341 : memref<102048x128xf32, #tpu.memory_space<hbm>>) target(%dma_start3A_335 : memref<128x128xf32, #tpu.memory_space<vmem>>) offsets(%dma_start3A_338 : memref<128xi32, #tpu.memory_space<vmem>>) semaphore(%arg10 : memref<!tpu.dma_semaphore, #tpu.memory_space<semaphore_mem>>)
    %dma_wait3A_342 = arith.constant 1 : i32
    %dma_wait3A_343 = arith.constant 0 : i32
    %dma_wait3A_344 = arith.constant 0 : i32
    %dma_wait3A_345 = tpu.memref_slice %arg6[%dma_wait3A_342, %dma_wait3A_343, %dma_wait3A_344] : memref<2x256x128xf32, #tpu.memory_space<vmem>> -> memref<1x256x128xf32, #tpu.memory_space<vmem>>
    %dma_wait3A_346 = tpu.memref_squeeze %dma_wait3A_345 : memref<1x256x128xf32, #tpu.memory_space<vmem>> -> memref<256x128xf32, #tpu.memory_space<vmem>>
    %dma_wait3A_347 = arith.constant 0 : i32
    %dma_wait3A_348 = arith.constant 0 : i32
    %dma_wait3A_349 = tpu.memref_slice %arg3[%dma_wait3A_347, %dma_wait3A_348] : memref<102048x128xf32, #tpu.memory_space<hbm>> -> memref<256x128xf32, #tpu.memory_space<hbm>>
    %dma_wait3A_350 = arith.constant 0 : i32
    %dma_wait3A_351 = arith.constant 0 : i32
    %dma_wait3A_352 = tpu.memref_slice %arg6[%dma_wait3A_342, %dma_wait3A_350, %dma_wait3A_351] : memref<2x256x128xf32, #tpu.memory_space<vmem>> -> memref<1x256x128xf32, #tpu.memory_space<vmem>>
    %dma_wait3A_353 = tpu.memref_squeeze %dma_wait3A_352 : memref<1x256x128xf32, #tpu.memory_space<vmem>> -> memref<256x128xf32, #tpu.memory_space<vmem>>
    %dma_wait3A_354 = arith.constant 0 : i32
    %dma_wait3A_355 = arith.constant 0 : i32
    %dma_wait3A_356 = tpu.memref_slice %arg3[%dma_wait3A_354, %dma_wait3A_355] : memref<102048x128xf32, #tpu.memory_space<hbm>> -> memref<256x128xf32, #tpu.memory_space<hbm>>
    tpu.wait_dma2 semaphore(%arg11 : memref<!tpu.dma_semaphore, #tpu.memory_space<semaphore_mem>>) src(%dma_wait3A_356 : memref<256x128xf32, #tpu.memory_space<hbm>>) dst(%dma_wait3A_353 : memref<256x128xf32, #tpu.memory_space<vmem>>)
    %add3A_357 = arith.constant 1 : i32
    %add3A_358 = arith.addi %mul3A_2, %add3A_357 : i32
    %jit3A_359 = arith.constant 8 : i32
    %div3A_360 = arith.divsi %add3A_358, %jit3A_359 : i32
    %sign3A_361 = arith.constant 0 : i32
    %sign3A_362 = arith.cmpi sgt, %add3A_358, %sign3A_361 : i32
    %sign3A_363 = arith.extui %sign3A_362 : i1 to i32
    %sign3A_364 = arith.constant 0 : i32
    %sign3A_365 = arith.cmpi slt, %add3A_358, %sign3A_364 : i32
    %sign3A_366 = arith.extui %sign3A_365 : i1 to i32
    %sign3A_367 = arith.subi %sign3A_363, %sign3A_366 : i32
    %sign3A_368 = arith.constant 0 : i32
    %sign3A_369 = arith.cmpi sgt, %jit3A_359, %sign3A_368 : i32
    %sign3A_370 = arith.extui %sign3A_369 : i1 to i32
    %sign3A_371 = arith.constant 0 : i32
    %sign3A_372 = arith.cmpi slt, %jit3A_359, %sign3A_371 : i32
    %sign3A_373 = arith.extui %sign3A_372 : i1 to i32
    %sign3A_374 = arith.subi %sign3A_370, %sign3A_373 : i32
    %ne3A_375 = arith.cmpi ne, %sign3A_367, %sign3A_374 : i32
    %rem3A_376 = arith.remsi %add3A_358, %jit3A_359 : i32
    %ne3A_377 = arith.constant 0 : i32
    %ne3A_378 = arith.cmpi ne, %rem3A_376, %ne3A_377 : i32
    %and3A_379 = arith.andi %ne3A_375, %ne3A_378 : i1
    %sub3A_380 = arith.constant 1 : i32
    %sub3A_381 = arith.subi %div3A_360, %sub3A_380 : i32
    %select_n3A_382 = arith.select %and3A_379, %sub3A_381, %div3A_360 : i32
    %mul3A_383 = arith.constant 8 : i32
    %mul3A_384 = arith.muli %select_n3A_382, %mul3A_383 : i32
    %sub3A_385 = arith.subi %add3A_358, %mul3A_384 : i32
    %mul3A_386 = arith.constant 25600 : i32
    %mul3A_387 = arith.muli %sub3A_385, %mul3A_386 : i32
    %add3A_388 = arith.addi %mul3A_387, %select_n3A_382 : i32
    %get3A_389 = arith.constant 0 : index
    %get3A_390 = tpu.vector_load %arg9[%get3A_389] {strides = array<i32>} : memref<128xi32, #tpu.memory_space<vmem>>, vector<16xi32>,
    %get3A_391 = vector.shape_cast %get3A_390 : vector<16xi32> to vector<16xi32>
    %add3A_392 = vector.broadcast %add3A_388 : i32 to vector<16xi32>
    %add3A_393 = arith.addi %get3A_391, %add3A_392 : vector<16xi32>
    %swap3A_394 = arith.constant 1 : i32
    %swap3A_395 = arith.index_cast %swap3A_394 : i32 to index
    %swap3A_396 = arith.constant 0 : index
    %swap3A_397 = tpu.vector_load %arg8[%swap3A_395, %swap3A_396] {strides = array<i32>} : memref<2x128xi32, #tpu.memory_space<vmem>>, vector<1x16xi32>,
    %swap3A_398 = vector.shape_cast %swap3A_397 : vector<1x16xi32> to vector<16xi32>
    %swap3A_399 = vector.shape_cast %add3A_393 : vector<16xi32> to vector<1x16xi32>
    tpu.vector_store %arg8[%swap3A_395, %swap3A_396], %swap3A_399 {strides = array<i32>} : memref<2x128xi32, #tpu.memory_space<vmem>>, vector<1x16xi32>,
    %get3A_400 = arith.constant 16 : index
    %get3A_401 = tpu.vector_load %arg9[%get3A_400] {strides = array<i32>} : memref<128xi32, #tpu.memory_space<vmem>>, vector<16xi32>,
    %get3A_402 = vector.shape_cast %get3A_401 : vector<16xi32> to vector<16xi32>
    %add3A_403 = vector.broadcast %add3A_388 : i32 to vector<16xi32>
    %add3A_404 = arith.addi %get3A_402, %add3A_403 : vector<16xi32>
    %swap3A_405 = arith.constant 1 : i32
    %swap3A_406 = arith.index_cast %swap3A_405 : i32 to index
    %swap3A_407 = arith.constant 16 : index
    %swap3A_408 = tpu.vector_load %arg8[%swap3A_406, %swap3A_407] {strides = array<i32>} : memref<2x128xi32, #tpu.memory_space<vmem>>, vector<1x16xi32>,
    %swap3A_409 = vector.shape_cast %swap3A_408 : vector<1x16xi32> to vector<16xi32>
    %swap3A_410 = vector.shape_cast %add3A_404 : vector<16xi32> to vector<1x16xi32>
    tpu.vector_store %arg8[%swap3A_406, %swap3A_407], %swap3A_410 {strides = array<i32>} : memref<2x128xi32, #tpu.memory_space<vmem>>, vector<1x16xi32>,
    %get3A_411 = arith.constant 32 : index
    %get3A_412 = tpu.vector_load %arg9[%get3A_411] {strides = array<i32>} : memref<128xi32, #tpu.memory_space<vmem>>, vector<16xi32>,
    %get3A_413 = vector.shape_cast %get3A_412 : vector<16xi32> to vector<16xi32>
    %add3A_414 = vector.broadcast %add3A_388 : i32 to vector<16xi32>
    %add3A_415 = arith.addi %get3A_413, %add3A_414 : vector<16xi32>
    %swap3A_416 = arith.constant 1 : i32
    %swap3A_417 = arith.index_cast %swap3A_416 : i32 to index
    %swap3A_418 = arith.constant 32 : index
    %swap3A_419 = tpu.vector_load %arg8[%swap3A_417, %swap3A_418] {strides = array<i32>} : memref<2x128xi32, #tpu.memory_space<vmem>>, vector<1x16xi32>,
    %swap3A_420 = vector.shape_cast %swap3A_419 : vector<1x16xi32> to vector<16xi32>
    %swap3A_421 = vector.shape_cast %add3A_415 : vector<16xi32> to vector<1x16xi32>
    tpu.vector_store %arg8[%swap3A_417, %swap3A_418], %swap3A_421 {strides = array<i32>} : memref<2x128xi32, #tpu.memory_space<vmem>>, vector<1x16xi32>,
    %get3A_422 = arith.constant 48 : index
    %get3A_423 = tpu.vector_load %arg9[%get3A_422] {strides = array<i32>} : memref<128xi32, #tpu.memory_space<vmem>>, vector<16xi32>,
    %get3A_424 = vector.shape_cast %get3A_423 : vector<16xi32> to vector<16xi32>
    %add3A_425 = vector.broadcast %add3A_388 : i32 to vector<16xi32>
    %add3A_426 = arith.addi %get3A_424, %add3A_425 : vector<16xi32>
    %swap3A_427 = arith.constant 1 : i32
    %swap3A_428 = arith.index_cast %swap3A_427 : i32 to index
    %swap3A_429 = arith.constant 48 : index
    %swap3A_430 = tpu.vector_load %arg8[%swap3A_428, %swap3A_429] {strides = array<i32>} : memref<2x128xi32, #tpu.memory_space<vmem>>, vector<1x16xi32>,
    %swap3A_431 = vector.shape_cast %swap3A_430 : vector<1x16xi32> to vector<16xi32>
    %swap3A_432 = vector.shape_cast %add3A_426 : vector<16xi32> to vector<1x16xi32>
    tpu.vector_store %arg8[%swap3A_428, %swap3A_429], %swap3A_432 {strides = array<i32>} : memref<2x128xi32, #tpu.memory_space<vmem>>, vector<1x16xi32>,
    %get3A_433 = arith.constant 64 : index
    %get3A_434 = tpu.vector_load %arg9[%get3A_433] {strides = array<i32>} : memref<128xi32, #tpu.memory_space<vmem>>, vector<16xi32>,
    %get3A_435 = vector.shape_cast %get3A_434 : vector<16xi32> to vector<16xi32>
    %add3A_436 = vector.broadcast %add3A_388 : i32 to vector<16xi32>
    %add3A_437 = arith.addi %get3A_435, %add3A_436 : vector<16xi32>
    %swap3A_438 = arith.constant 1 : i32
    %swap3A_439 = arith.index_cast %swap3A_438 : i32 to index
    %swap3A_440 = arith.constant 64 : index
    %swap3A_441 = tpu.vector_load %arg8[%swap3A_439, %swap3A_440] {strides = array<i32>} : memref<2x128xi32, #tpu.memory_space<vmem>>, vector<1x16xi32>,
    %swap3A_442 = vector.shape_cast %swap3A_441 : vector<1x16xi32> to vector<16xi32>
    %swap3A_443 = vector.shape_cast %add3A_437 : vector<16xi32> to vector<1x16xi32>
    tpu.vector_store %arg8[%swap3A_439, %swap3A_440], %swap3A_443 {strides = array<i32>} : memref<2x128xi32, #tpu.memory_space<vmem>>, vector<1x16xi32>,
    %get3A_444 = arith.constant 80 : index
    %get3A_445 = tpu.vector_load %arg9[%get3A_444] {strides = array<i32>} : memref<128xi32, #tpu.memory_space<vmem>>, vector<16xi32>,
    %get3A_446 = vector.shape_cast %get3A_445 : vector<16xi32> to vector<16xi32>
    %add3A_447 = vector.broadcast %add3A_388 : i32 to vector<16xi32>
    %add3A_448 = arith.addi %get3A_446, %add3A_447 : vector<16xi32>
    %swap3A_449 = arith.constant 1 : i32
    %swap3A_450 = arith.index_cast %swap3A_449 : i32 to index
    %swap3A_451 = arith.constant 80 : index
    %swap3A_452 = tpu.vector_load %arg8[%swap3A_450, %swap3A_451] {strides = array<i32>} : memref<2x128xi32, #tpu.memory_space<vmem>>, vector<1x16xi32>,
    %swap3A_453 = vector.shape_cast %swap3A_452 : vector<1x16xi32> to vector<16xi32>
    %swap3A_454 = vector.shape_cast %add3A_448 : vector<16xi32> to vector<1x16xi32>
    tpu.vector_store %arg8[%swap3A_450, %swap3A_451], %swap3A_454 {strides = array<i32>} : memref<2x128xi32, #tpu.memory_space<vmem>>, vector<1x16xi32>,
    %get3A_455 = arith.constant 96 : index
    %get3A_456 = tpu.vector_load %arg9[%get3A_455] {strides = array<i32>} : memref<128xi32, #tpu.memory_space<vmem>>, vector<16xi32>,
    %get3A_457 = vector.shape_cast %get3A_456 : vector<16xi32> to vector<16xi32>
    %add3A_458 = vector.broadcast %add3A_388 : i32 to vector<16xi32>
    %add3A_459 = arith.addi %get3A_457, %add3A_458 : vector<16xi32>
    %swap3A_460 = arith.constant 1 : i32
    %swap3A_461 = arith.index_cast %swap3A_460 : i32 to index
    %swap3A_462 = arith.constant 96 : index
    %swap3A_463 = tpu.vector_load %arg8[%swap3A_461, %swap3A_462] {strides = array<i32>} : memref<2x128xi32, #tpu.memory_space<vmem>>, vector<1x16xi32>,
    %swap3A_464 = vector.shape_cast %swap3A_463 : vector<1x16xi32> to vector<16xi32>
    %swap3A_465 = vector.shape_cast %add3A_459 : vector<16xi32> to vector<1x16xi32>
    tpu.vector_store %arg8[%swap3A_461, %swap3A_462], %swap3A_465 {strides = array<i32>} : memref<2x128xi32, #tpu.memory_space<vmem>>, vector<1x16xi32>,
    %get3A_466 = arith.constant 112 : index
    %get3A_467 = tpu.vector_load %arg9[%get3A_466] {strides = array<i32>} : memref<128xi32, #tpu.memory_space<vmem>>, vector<16xi32>,
    %get3A_468 = vector.shape_cast %get3A_467 : vector<16xi32> to vector<16xi32>
    %add3A_469 = vector.broadcast %add3A_388 : i32 to vector<16xi32>
    %add3A_470 = arith.addi %get3A_468, %add3A_469 : vector<16xi32>
    %swap3A_471 = arith.constant 1 : i32
    %swap3A_472 = arith.index_cast %swap3A_471 : i32 to index
    %swap3A_473 = arith.constant 112 : index
    %swap3A_474 = tpu.vector_load %arg8[%swap3A_472, %swap3A_473] {strides = array<i32>} : memref<2x128xi32, #tpu.memory_space<vmem>>, vector<1x16xi32>,
    %swap3A_475 = vector.shape_cast %swap3A_474 : vector<1x16xi32> to vector<16xi32>
    %swap3A_476 = vector.shape_cast %add3A_470 : vector<16xi32> to vector<1x16xi32>
    tpu.vector_store %arg8[%swap3A_472, %swap3A_473], %swap3A_476 {strides = array<i32>} : memref<2x128xi32, #tpu.memory_space<vmem>>, vector<1x16xi32>,
    %parallel_loop3A_477 = arith.constant 0 : i32
    %parallel_loop3A_478 = arith.constant 128 : i32
    %parallel_loop3A_479 = arith.constant 1 : i32
    %parallel_loop3A_480 = arith.constant 1 : i32
    %parallel_loop3A_481 = arith.constant 1 : i32
    scf.for %parallel_loop3A_879 = %parallel_loop3A_477 to %parallel_loop3A_478 step %parallel_loop3A_479  : i32 {
      %parallel_loop3A_880 = arith.constant 0 : i32
      %parallel_loop3A_881 = arith.constant 0 : i32
      %parallel_loop3A_882 = tpu.memref_slice %arg6[%parallel_loop3A_480, %parallel_loop3A_880, %parallel_loop3A_881] : memref<2x256x128xf32, #tpu.memory_space<vmem>> -> memref<1x256x128xf32, #tpu.memory_space<vmem>>
      %parallel_loop3A_883 = tpu.memref_squeeze %parallel_loop3A_882 : memref<1x256x128xf32, #tpu.memory_space<vmem>> -> memref<256x128xf32, #tpu.memory_space<vmem>>
      %parallel_loop3A_884 = arith.index_cast %parallel_loop3A_879 : i32 to index
      %parallel_loop3A_885 = arith.constant 0 : index
      %parallel_loop3A_886 = tpu.vector_load %parallel_loop3A_883[%parallel_loop3A_884, %parallel_loop3A_885] {strides = array<i32>} : memref<256x128xf32, #tpu.memory_space<vmem>>, vector<1x16xf32>,
      %parallel_loop3A_887 = vector.shape_cast %parallel_loop3A_886 : vector<1x16xf32> to vector<16xf32>
      %parallel_loop3A_888 = arith.constant 128 : i32
      %parallel_loop3A_889 = arith.addi %parallel_loop3A_888, %parallel_loop3A_879 : i32
      %parallel_loop3A_890 = arith.constant 0 : i32
      %parallel_loop3A_891 = arith.constant 0 : i32
      %parallel_loop3A_892 = tpu.memref_slice %arg6[%parallel_loop3A_480, %parallel_loop3A_890, %parallel_loop3A_891] : memref<2x256x128xf32, #tpu.memory_space<vmem>> -> memref<1x256x128xf32, #tpu.memory_space<vmem>>
      %parallel_loop3A_893 = tpu.memref_squeeze %parallel_loop3A_892 : memref<1x256x128xf32, #tpu.memory_space<vmem>> -> memref<256x128xf32, #tpu.memory_space<vmem>>
      %parallel_loop3A_894 = arith.index_cast %parallel_loop3A_889 : i32 to index
      %parallel_loop3A_895 = arith.constant 0 : index
      %parallel_loop3A_896 = tpu.vector_load %parallel_loop3A_893[%parallel_loop3A_894, %parallel_loop3A_895] {strides = array<i32>} : memref<256x128xf32, #tpu.memory_space<vmem>>, vector<1x16xf32>,
      %parallel_loop3A_897 = vector.shape_cast %parallel_loop3A_896 : vector<1x16xf32> to vector<16xf32>
      %parallel_loop3A_898 = arith.addf %parallel_loop3A_887, %parallel_loop3A_897 : vector<16xf32>
      %parallel_loop3A_899 = arith.constant 0 : i32
      %parallel_loop3A_900 = arith.constant 0 : i32
      %parallel_loop3A_901 = tpu.memref_slice %arg7[%parallel_loop3A_481, %parallel_loop3A_899, %parallel_loop3A_900] : memref<2x128x128xf32, #tpu.memory_space<vmem>> -> memref<1x128x128xf32, #tpu.memory_space<vmem>>
      %parallel_loop3A_902 = tpu.memref_squeeze %parallel_loop3A_901 : memref<1x128x128xf32, #tpu.memory_space<vmem>> -> memref<128x128xf32, #tpu.memory_space<vmem>>
      %parallel_loop3A_903 = arith.index_cast %parallel_loop3A_879 : i32 to index
      %parallel_loop3A_904 = arith.constant 0 : index
      %parallel_loop3A_905 = tpu.vector_load %parallel_loop3A_902[%parallel_loop3A_903, %parallel_loop3A_904] {strides = array<i32>} : memref<128x128xf32, #tpu.memory_space<vmem>>, vector<1x16xf32>,
      %parallel_loop3A_906 = vector.shape_cast %parallel_loop3A_905 : vector<1x16xf32> to vector<16xf32>
      %parallel_loop3A_907 = vector.shape_cast %parallel_loop3A_898 : vector<16xf32> to vector<1x16xf32>
      tpu.vector_store %parallel_loop3A_902[%parallel_loop3A_903, %parallel_loop3A_904], %parallel_loop3A_907 {strides = array<i32>} : memref<128x128xf32, #tpu.memory_space<vmem>>, vector<1x16xf32>,
      %parallel_loop3A_908 = arith.constant 0 : i32
      %parallel_loop3A_909 = arith.constant 0 : i32
      %parallel_loop3A_910 = tpu.memref_slice %arg6[%parallel_loop3A_480, %parallel_loop3A_908, %parallel_loop3A_909] : memref<2x256x128xf32, #tpu.memory_space<vmem>> -> memref<1x256x128xf32, #tpu.memory_space<vmem>>
      %parallel_loop3A_911 = tpu.memref_squeeze %parallel_loop3A_910 : memref<1x256x128xf32, #tpu.memory_space<vmem>> -> memref<256x128xf32, #tpu.memory_space<vmem>>
      %parallel_loop3A_912 = arith.index_cast %parallel_loop3A_879 : i32 to index
      %parallel_loop3A_913 = arith.constant 16 : index
      %parallel_loop3A_914 = tpu.vector_load %parallel_loop3A_911[%parallel_loop3A_912, %parallel_loop3A_913] {strides = array<i32>} : memref<256x128xf32, #tpu.memory_space<vmem>>, vector<1x16xf32>,
      %parallel_loop3A_915 = vector.shape_cast %parallel_loop3A_914 : vector<1x16xf32> to vector<16xf32>
      %parallel_loop3A_916 = arith.constant 128 : i32
      %parallel_loop3A_917 = arith.addi %parallel_loop3A_916, %parallel_loop3A_879 : i32
      %parallel_loop3A_918 = arith.constant 0 : i32
      %parallel_loop3A_919 = arith.constant 0 : i32
      %parallel_loop3A_920 = tpu.memref_slice %arg6[%parallel_loop3A_480, %parallel_loop3A_918, %parallel_loop3A_919] : memref<2x256x128xf32, #tpu.memory_space<vmem>> -> memref<1x256x128xf32, #tpu.memory_space<vmem>>
      %parallel_loop3A_921 = tpu.memref_squeeze %parallel_loop3A_920 : memref<1x256x128xf32, #tpu.memory_space<vmem>> -> memref<256x128xf32, #tpu.memory_space<vmem>>
      %parallel_loop3A_922 = arith.index_cast %parallel_loop3A_917 : i32 to index
      %parallel_loop3A_923 = arith.constant 16 : index
      %parallel_loop3A_924 = tpu.vector_load %parallel_loop3A_921[%parallel_loop3A_922, %parallel_loop3A_923] {strides = array<i32>} : memref<256x128xf32, #tpu.memory_space<vmem>>, vector<1x16xf32>,
      %parallel_loop3A_925 = vector.shape_cast %parallel_loop3A_924 : vector<1x16xf32> to vector<16xf32>
      %parallel_loop3A_926 = arith.addf %parallel_loop3A_915, %parallel_loop3A_925 : vector<16xf32>
      %parallel_loop3A_927 = arith.constant 0 : i32
      %parallel_loop3A_928 = arith.constant 0 : i32
      %parallel_loop3A_929 = tpu.memref_slice %arg7[%parallel_loop3A_481, %parallel_loop3A_927, %parallel_loop3A_928] : memref<2x128x128xf32, #tpu.memory_space<vmem>> -> memref<1x128x128xf32, #tpu.memory_space<vmem>>
      %parallel_loop3A_930 = tpu.memref_squeeze %parallel_loop3A_929 : memref<1x128x128xf32, #tpu.memory_space<vmem>> -> memref<128x128xf32, #tpu.memory_space<vmem>>
      %parallel_loop3A_931 = arith.index_cast %parallel_loop3A_879 : i32 to index
      %parallel_loop3A_932 = arith.constant 16 : index
      %parallel_loop3A_933 = tpu.vector_load %parallel_loop3A_930[%parallel_loop3A_931, %parallel_loop3A_932] {strides = array<i32>} : memref<128x128xf32, #tpu.memory_space<vmem>>, vector<1x16xf32>,
      %parallel_loop3A_934 = vector.shape_cast %parallel_loop3A_933 : vector<1x16xf32> to vector<16xf32>
      %parallel_loop3A_935 = vector.shape_cast %parallel_loop3A_926 : vector<16xf32> to vector<1x16xf32>
      tpu.vector_store %parallel_loop3A_930[%parallel_loop3A_931, %parallel_loop3A_932], %parallel_loop3A_935 {strides = array<i32>} : memref<128x128xf32, #tpu.memory_space<vmem>>, vector<1x16xf32>,
      %parallel_loop3A_936 = arith.constant 0 : i32
      %parallel_loop3A_937 = arith.constant 0 : i32
      %parallel_loop3A_938 = tpu.memref_slice %arg6[%parallel_loop3A_480, %parallel_loop3A_936, %parallel_loop3A_937] : memref<2x256x128xf32, #tpu.memory_space<vmem>> -> memref<1x256x128xf32, #tpu.memory_space<vmem>>
      %parallel_loop3A_939 = tpu.memref_squeeze %parallel_loop3A_938 : memref<1x256x128xf32, #tpu.memory_space<vmem>> -> memref<256x128xf32, #tpu.memory_space<vmem>>
      %parallel_loop3A_940 = arith.index_cast %parallel_loop3A_879 : i32 to index
      %parallel_loop3A_941 = arith.constant 32 : index
      %parallel_loop3A_942 = tpu.vector_load %parallel_loop3A_939[%parallel_loop3A_940, %parallel_loop3A_941] {strides = array<i32>} : memref<256x128xf32, #tpu.memory_space<vmem>>, vector<1x16xf32>,
      %parallel_loop3A_943 = vector.shape_cast %parallel_loop3A_942 : vector<1x16xf32> to vector<16xf32>
      %parallel_loop3A_944 = arith.constant 128 : i32
      %parallel_loop3A_945 = arith.addi %parallel_loop3A_944, %parallel_loop3A_879 : i32
      %parallel_loop3A_946 = arith.constant 0 : i32
      %parallel_loop3A_947 = arith.constant 0 : i32
      %parallel_loop3A_948 = tpu.memref_slice %arg6[%parallel_loop3A_480, %parallel_loop3A_946, %parallel_loop3A_947] : memref<2x256x128xf32, #tpu.memory_space<vmem>> -> memref<1x256x128xf32, #tpu.memory_space<vmem>>
      %parallel_loop3A_949 = tpu.memref_squeeze %parallel_loop3A_948 : memref<1x256x128xf32, #tpu.memory_space<vmem>> -> memref<256x128xf32, #tpu.memory_space<vmem>>
      %parallel_loop3A_950 = arith.index_cast %parallel_loop3A_945 : i32 to index
      %parallel_loop3A_951 = arith.constant 32 : index
      %parallel_loop3A_952 = tpu.vector_load %parallel_loop3A_949[%parallel_loop3A_950, %parallel_loop3A_951] {strides = array<i32>} : memref<256x128xf32, #tpu.memory_space<vmem>>, vector<1x16xf32>,
      %parallel_loop3A_953 = vector.shape_cast %parallel_loop3A_952 : vector<1x16xf32> to vector<16xf32>
      %parallel_loop3A_954 = arith.addf %parallel_loop3A_943, %parallel_loop3A_953 : vector<16xf32>
      %parallel_loop3A_955 = arith.constant 0 : i32
      %parallel_loop3A_956 = arith.constant 0 : i32
      %parallel_loop3A_957 = tpu.memref_slice %arg7[%parallel_loop3A_481, %parallel_loop3A_955, %parallel_loop3A_956] : memref<2x128x128xf32, #tpu.memory_space<vmem>> -> memref<1x128x128xf32, #tpu.memory_space<vmem>>
      %parallel_loop3A_958 = tpu.memref_squeeze %parallel_loop3A_957 : memref<1x128x128xf32, #tpu.memory_space<vmem>> -> memref<128x128xf32, #tpu.memory_space<vmem>>
      %parallel_loop3A_959 = arith.index_cast %parallel_loop3A_879 : i32 to index
      %parallel_loop3A_960 = arith.constant 32 : index
      %parallel_loop3A_961 = tpu.vector_load %parallel_loop3A_958[%parallel_loop3A_959, %parallel_loop3A_960] {strides = array<i32>} : memref<128x128xf32, #tpu.memory_space<vmem>>, vector<1x16xf32>,
      %parallel_loop3A_962 = vector.shape_cast %parallel_loop3A_961 : vector<1x16xf32> to vector<16xf32>
      %parallel_loop3A_963 = vector.shape_cast %parallel_loop3A_954 : vector<16xf32> to vector<1x16xf32>
      tpu.vector_store %parallel_loop3A_958[%parallel_loop3A_959, %parallel_loop3A_960], %parallel_loop3A_963 {strides = array<i32>} : memref<128x128xf32, #tpu.memory_space<vmem>>, vector<1x16xf32>,
      %parallel_loop3A_964 = arith.constant 0 : i32
      %parallel_loop3A_965 = arith.constant 0 : i32
      %parallel_loop3A_966 = tpu.memref_slice %arg6[%parallel_loop3A_480, %parallel_loop3A_964, %parallel_loop3A_965] : memref<2x256x128xf32, #tpu.memory_space<vmem>> -> memref<1x256x128xf32, #tpu.memory_space<vmem>>
      %parallel_loop3A_967 = tpu.memref_squeeze %parallel_loop3A_966 : memref<1x256x128xf32, #tpu.memory_space<vmem>> -> memref<256x128xf32, #tpu.memory_space<vmem>>
      %parallel_loop3A_968 = arith.index_cast %parallel_loop3A_879 : i32 to index
      %parallel_loop3A_969 = arith.constant 48 : index
      %parallel_loop3A_970 = tpu.vector_load %parallel_loop3A_967[%parallel_loop3A_968, %parallel_loop3A_969] {strides = array<i32>} : memref<256x128xf32, #tpu.memory_space<vmem>>, vector<1x16xf32>,
      %parallel_loop3A_971 = vector.shape_cast %parallel_loop3A_970 : vector<1x16xf32> to vector<16xf32>
      %parallel_loop3A_972 = arith.constant 128 : i32
      %parallel_loop3A_973 = arith.addi %parallel_loop3A_972, %parallel_loop3A_879 : i32
      %parallel_loop3A_974 = arith.constant 0 : i32
      %parallel_loop3A_975 = arith.constant 0 : i32
      %parallel_loop3A_976 = tpu.memref_slice %arg6[%parallel_loop3A_480, %parallel_loop3A_974, %parallel_loop3A_975] : memref<2x256x128xf32, #tpu.memory_space<vmem>> -> memref<1x256x128xf32, #tpu.memory_space<vmem>>
      %parallel_loop3A_977 = tpu.memref_squeeze %parallel_loop3A_976 : memref<1x256x128xf32, #tpu.memory_space<vmem>> -> memref<256x128xf32, #tpu.memory_space<vmem>>
      %parallel_loop3A_978 = arith.index_cast %parallel_loop3A_973 : i32 to index
      %parallel_loop3A_979 = arith.constant 48 : index
      %parallel_loop3A_980 = tpu.vector_load %parallel_loop3A_977[%parallel_loop3A_978, %parallel_loop3A_979] {strides = array<i32>} : memref<256x128xf32, #tpu.memory_space<vmem>>, vector<1x16xf32>,
      %parallel_loop3A_981 = vector.shape_cast %parallel_loop3A_980 : vector<1x16xf32> to vector<16xf32>
      %parallel_loop3A_982 = arith.addf %parallel_loop3A_971, %parallel_loop3A_981 : vector<16xf32>
      %parallel_loop3A_983 = arith.constant 0 : i32
      %parallel_loop3A_984 = arith.constant 0 : i32
      %parallel_loop3A_985 = tpu.memref_slice %arg7[%parallel_loop3A_481, %parallel_loop3A_983, %parallel_loop3A_984] : memref<2x128x128xf32, #tpu.memory_space<vmem>> -> memref<1x128x128xf32, #tpu.memory_space<vmem>>
      %parallel_loop3A_986 = tpu.memref_squeeze %parallel_loop3A_985 : memref<1x128x128xf32, #tpu.memory_space<vmem>> -> memref<128x128xf32, #tpu.memory_space<vmem>>
      %parallel_loop3A_987 = arith.index_cast %parallel_loop3A_879 : i32 to index
      %parallel_loop3A_988 = arith.constant 48 : index
      %parallel_loop3A_989 = tpu.vector_load %parallel_loop3A_986[%parallel_loop3A_987, %parallel_loop3A_988] {strides = array<i32>} : memref<128x128xf32, #tpu.memory_space<vmem>>, vector<1x16xf32>,
      %parallel_loop3A_990 = vector.shape_cast %parallel_loop3A_989 : vector<1x16xf32> to vector<16xf32>
      %parallel_loop3A_991 = vector.shape_cast %parallel_loop3A_982 : vector<16xf32> to vector<1x16xf32>
      tpu.vector_store %parallel_loop3A_986[%parallel_loop3A_987, %parallel_loop3A_988], %parallel_loop3A_991 {strides = array<i32>} : memref<128x128xf32, #tpu.memory_space<vmem>>, vector<1x16xf32>,
      %parallel_loop3A_992 = arith.constant 0 : i32
      %parallel_loop3A_993 = arith.constant 0 : i32
      %parallel_loop3A_994 = tpu.memref_slice %arg6[%parallel_loop3A_480, %parallel_loop3A_992, %parallel_loop3A_993] : memref<2x256x128xf32, #tpu.memory_space<vmem>> -> memref<1x256x128xf32, #tpu.memory_space<vmem>>
      %parallel_loop3A_995 = tpu.memref_squeeze %parallel_loop3A_994 : memref<1x256x128xf32, #tpu.memory_space<vmem>> -> memref<256x128xf32, #tpu.memory_space<vmem>>
      %parallel_loop3A_996 = arith.index_cast %parallel_loop3A_879 : i32 to index
      %parallel_loop3A_997 = arith.constant 64 : index
      %parallel_loop3A_998 = tpu.vector_load %parallel_loop3A_995[%parallel_loop3A_996, %parallel_loop3A_997] {strides = array<i32>} : memref<256x128xf32, #tpu.memory_space<vmem>>, vector<1x16xf32>,
      %parallel_loop3A_999 = vector.shape_cast %parallel_loop3A_998 : vector<1x16xf32> to vector<16xf32>
      %parallel_loop3A_1000 = arith.constant 128 : i32
      %parallel_loop3A_1001 = arith.addi %parallel_loop3A_1000, %parallel_loop3A_879 : i32
      %parallel_loop3A_1002 = arith.constant 0 : i32
      %parallel_loop3A_1003 = arith.constant 0 : i32
      %parallel_loop3A_1004 = tpu.memref_slice %arg6[%parallel_loop3A_480, %parallel_loop3A_1002, %parallel_loop3A_1003] : memref<2x256x128xf32, #tpu.memory_space<vmem>> -> memref<1x256x128xf32, #tpu.memory_space<vmem>>
      %parallel_loop3A_1005 = tpu.memref_squeeze %parallel_loop3A_1004 : memref<1x256x128xf32, #tpu.memory_space<vmem>> -> memref<256x128xf32, #tpu.memory_space<vmem>>
      %parallel_loop3A_1006 = arith.index_cast %parallel_loop3A_1001 : i32 to index
      %parallel_loop3A_1007 = arith.constant 64 : index
      %parallel_loop3A_1008 = tpu.vector_load %parallel_loop3A_1005[%parallel_loop3A_1006, %parallel_loop3A_1007] {strides = array<i32>} : memref<256x128xf32, #tpu.memory_space<vmem>>, vector<1x16xf32>,
      %parallel_loop3A_1009 = vector.shape_cast %parallel_loop3A_1008 : vector<1x16xf32> to vector<16xf32>
      %parallel_loop3A_1010 = arith.addf %parallel_loop3A_999, %parallel_loop3A_1009 : vector<16xf32>
      %parallel_loop3A_1011 = arith.constant 0 : i32
      %parallel_loop3A_1012 = arith.constant 0 : i32
      %parallel_loop3A_1013 = tpu.memref_slice %arg7[%parallel_loop3A_481, %parallel_loop3A_1011, %parallel_loop3A_1012] : memref<2x128x128xf32, #tpu.memory_space<vmem>> -> memref<1x128x128xf32, #tpu.memory_space<vmem>>
      %parallel_loop3A_1014 = tpu.memref_squeeze %parallel_loop3A_1013 : memref<1x128x128xf32, #tpu.memory_space<vmem>> -> memref<128x128xf32, #tpu.memory_space<vmem>>
      %parallel_loop3A_1015 = arith.index_cast %parallel_loop3A_879 : i32 to index
      %parallel_loop3A_1016 = arith.constant 64 : index
      %parallel_loop3A_1017 = tpu.vector_load %parallel_loop3A_1014[%parallel_loop3A_1015, %parallel_loop3A_1016] {strides = array<i32>} : memref<128x128xf32, #tpu.memory_space<vmem>>, vector<1x16xf32>,
      %parallel_loop3A_1018 = vector.shape_cast %parallel_loop3A_1017 : vector<1x16xf32> to vector<16xf32>
      %parallel_loop3A_1019 = vector.shape_cast %parallel_loop3A_1010 : vector<16xf32> to vector<1x16xf32>
      tpu.vector_store %parallel_loop3A_1014[%parallel_loop3A_1015, %parallel_loop3A_1016], %parallel_loop3A_1019 {strides = array<i32>} : memref<128x128xf32, #tpu.memory_space<vmem>>, vector<1x16xf32>,
      %parallel_loop3A_1020 = arith.constant 0 : i32
      %parallel_loop3A_1021 = arith.constant 0 : i32
      %parallel_loop3A_1022 = tpu.memref_slice %arg6[%parallel_loop3A_480, %parallel_loop3A_1020, %parallel_loop3A_1021] : memref<2x256x128xf32, #tpu.memory_space<vmem>> -> memref<1x256x128xf32, #tpu.memory_space<vmem>>
      %parallel_loop3A_1023 = tpu.memref_squeeze %parallel_loop3A_1022 : memref<1x256x128xf32, #tpu.memory_space<vmem>> -> memref<256x128xf32, #tpu.memory_space<vmem>>
      %parallel_loop3A_1024 = arith.index_cast %parallel_loop3A_879 : i32 to index
      %parallel_loop3A_1025 = arith.constant 80 : index
      %parallel_loop3A_1026 = tpu.vector_load %parallel_loop3A_1023[%parallel_loop3A_1024, %parallel_loop3A_1025] {strides = array<i32>} : memref<256x128xf32, #tpu.memory_space<vmem>>, vector<1x16xf32>,
      %parallel_loop3A_1027 = vector.shape_cast %parallel_loop3A_1026 : vector<1x16xf32> to vector<16xf32>
      %parallel_loop3A_1028 = arith.constant 128 : i32
      %parallel_loop3A_1029 = arith.addi %parallel_loop3A_1028, %parallel_loop3A_879 : i32
      %parallel_loop3A_1030 = arith.constant 0 : i32
      %parallel_loop3A_1031 = arith.constant 0 : i32
      %parallel_loop3A_1032 = tpu.memref_slice %arg6[%parallel_loop3A_480, %parallel_loop3A_1030, %parallel_loop3A_1031] : memref<2x256x128xf32, #tpu.memory_space<vmem>> -> memref<1x256x128xf32, #tpu.memory_space<vmem>>
      %parallel_loop3A_1033 = tpu.memref_squeeze %parallel_loop3A_1032 : memref<1x256x128xf32, #tpu.memory_space<vmem>> -> memref<256x128xf32, #tpu.memory_space<vmem>>
      %parallel_loop3A_1034 = arith.index_cast %parallel_loop3A_1029 : i32 to index
      %parallel_loop3A_1035 = arith.constant 80 : index
      %parallel_loop3A_1036 = tpu.vector_load %parallel_loop3A_1033[%parallel_loop3A_1034, %parallel_loop3A_1035] {strides = array<i32>} : memref<256x128xf32, #tpu.memory_space<vmem>>, vector<1x16xf32>,
      %parallel_loop3A_1037 = vector.shape_cast %parallel_loop3A_1036 : vector<1x16xf32> to vector<16xf32>
      %parallel_loop3A_1038 = arith.addf %parallel_loop3A_1027, %parallel_loop3A_1037 : vector<16xf32>
      %parallel_loop3A_1039 = arith.constant 0 : i32
      %parallel_loop3A_1040 = arith.constant 0 : i32
      %parallel_loop3A_1041 = tpu.memref_slice %arg7[%parallel_loop3A_481, %parallel_loop3A_1039, %parallel_loop3A_1040] : memref<2x128x128xf32, #tpu.memory_space<vmem>> -> memref<1x128x128xf32, #tpu.memory_space<vmem>>
      %parallel_loop3A_1042 = tpu.memref_squeeze %parallel_loop3A_1041 : memref<1x128x128xf32, #tpu.memory_space<vmem>> -> memref<128x128xf32, #tpu.memory_space<vmem>>
      %parallel_loop3A_1043 = arith.index_cast %parallel_loop3A_879 : i32 to index
      %parallel_loop3A_1044 = arith.constant 80 : index
      %parallel_loop3A_1045 = tpu.vector_load %parallel_loop3A_1042[%parallel_loop3A_1043, %parallel_loop3A_1044] {strides = array<i32>} : memref<128x128xf32, #tpu.memory_space<vmem>>, vector<1x16xf32>,
      %parallel_loop3A_1046 = vector.shape_cast %parallel_loop3A_1045 : vector<1x16xf32> to vector<16xf32>
      %parallel_loop3A_1047 = vector.shape_cast %parallel_loop3A_1038 : vector<16xf32> to vector<1x16xf32>
      tpu.vector_store %parallel_loop3A_1042[%parallel_loop3A_1043, %parallel_loop3A_1044], %parallel_loop3A_1047 {strides = array<i32>} : memref<128x128xf32, #tpu.memory_space<vmem>>, vector<1x16xf32>,
      %parallel_loop3A_1048 = arith.constant 0 : i32
      %parallel_loop3A_1049 = arith.constant 0 : i32
      %parallel_loop3A_1050 = tpu.memref_slice %arg6[%parallel_loop3A_480, %parallel_loop3A_1048, %parallel_loop3A_1049] : memref<2x256x128xf32, #tpu.memory_space<vmem>> -> memref<1x256x128xf32, #tpu.memory_space<vmem>>
      %parallel_loop3A_1051 = tpu.memref_squeeze %parallel_loop3A_1050 : memref<1x256x128xf32, #tpu.memory_space<vmem>> -> memref<256x128xf32, #tpu.memory_space<vmem>>
      %parallel_loop3A_1052 = arith.index_cast %parallel_loop3A_879 : i32 to index
      %parallel_loop3A_1053 = arith.constant 96 : index
      %parallel_loop3A_1054 = tpu.vector_load %parallel_loop3A_1051[%parallel_loop3A_1052, %parallel_loop3A_1053] {strides = array<i32>} : memref<256x128xf32, #tpu.memory_space<vmem>>, vector<1x16xf32>,
      %parallel_loop3A_1055 = vector.shape_cast %parallel_loop3A_1054 : vector<1x16xf32> to vector<16xf32>
      %parallel_loop3A_1056 = arith.constant 128 : i32
      %parallel_loop3A_1057 = arith.addi %parallel_loop3A_1056, %parallel_loop3A_879 : i32
      %parallel_loop3A_1058 = arith.constant 0 : i32
      %parallel_loop3A_1059 = arith.constant 0 : i32
      %parallel_loop3A_1060 = tpu.memref_slice %arg6[%parallel_loop3A_480, %parallel_loop3A_1058, %parallel_loop3A_1059] : memref<2x256x128xf32, #tpu.memory_space<vmem>> -> memref<1x256x128xf32, #tpu.memory_space<vmem>>
      %parallel_loop3A_1061 = tpu.memref_squeeze %parallel_loop3A_1060 : memref<1x256x128xf32, #tpu.memory_space<vmem>> -> memref<256x128xf32, #tpu.memory_space<vmem>>
      %parallel_loop3A_1062 = arith.index_cast %parallel_loop3A_1057 : i32 to index
      %parallel_loop3A_1063 = arith.constant 96 : index
      %parallel_loop3A_1064 = tpu.vector_load %parallel_loop3A_1061[%parallel_loop3A_1062, %parallel_loop3A_1063] {strides = array<i32>} : memref<256x128xf32, #tpu.memory_space<vmem>>, vector<1x16xf32>,
      %parallel_loop3A_1065 = vector.shape_cast %parallel_loop3A_1064 : vector<1x16xf32> to vector<16xf32>
      %parallel_loop3A_1066 = arith.addf %parallel_loop3A_1055, %parallel_loop3A_1065 : vector<16xf32>
      %parallel_loop3A_1067 = arith.constant 0 : i32
      %parallel_loop3A_1068 = arith.constant 0 : i32
      %parallel_loop3A_1069 = tpu.memref_slice %arg7[%parallel_loop3A_481, %parallel_loop3A_1067, %parallel_loop3A_1068] : memref<2x128x128xf32, #tpu.memory_space<vmem>> -> memref<1x128x128xf32, #tpu.memory_space<vmem>>
      %parallel_loop3A_1070 = tpu.memref_squeeze %parallel_loop3A_1069 : memref<1x128x128xf32, #tpu.memory_space<vmem>> -> memref<128x128xf32, #tpu.memory_space<vmem>>
      %parallel_loop3A_1071 = arith.index_cast %parallel_loop3A_879 : i32 to index
      %parallel_loop3A_1072 = arith.constant 96 : index
      %parallel_loop3A_1073 = tpu.vector_load %parallel_loop3A_1070[%parallel_loop3A_1071, %parallel_loop3A_1072] {strides = array<i32>} : memref<128x128xf32, #tpu.memory_space<vmem>>, vector<1x16xf32>,
      %parallel_loop3A_1074 = vector.shape_cast %parallel_loop3A_1073 : vector<1x16xf32> to vector<16xf32>
      %parallel_loop3A_1075 = vector.shape_cast %parallel_loop3A_1066 : vector<16xf32> to vector<1x16xf32>
      tpu.vector_store %parallel_loop3A_1070[%parallel_loop3A_1071, %parallel_loop3A_1072], %parallel_loop3A_1075 {strides = array<i32>} : memref<128x128xf32, #tpu.memory_space<vmem>>, vector<1x16xf32>,
      %parallel_loop3A_1076 = arith.constant 0 : i32
      %parallel_loop3A_1077 = arith.constant 0 : i32
      %parallel_loop3A_1078 = tpu.memref_slice %arg6[%parallel_loop3A_480, %parallel_loop3A_1076, %parallel_loop3A_1077] : memref<2x256x128xf32, #tpu.memory_space<vmem>> -> memref<1x256x128xf32, #tpu.memory_space<vmem>>
      %parallel_loop3A_1079 = tpu.memref_squeeze %parallel_loop3A_1078 : memref<1x256x128xf32, #tpu.memory_space<vmem>> -> memref<256x128xf32, #tpu.memory_space<vmem>>
      %parallel_loop3A_1080 = arith.index_cast %parallel_loop3A_879 : i32 to index
      %parallel_loop3A_1081 = arith.constant 112 : index
      %parallel_loop3A_1082 = tpu.vector_load %parallel_loop3A_1079[%parallel_loop3A_1080, %parallel_loop3A_1081] {strides = array<i32>} : memref<256x128xf32, #tpu.memory_space<vmem>>, vector<1x16xf32>,
      %parallel_loop3A_1083 = vector.shape_cast %parallel_loop3A_1082 : vector<1x16xf32> to vector<16xf32>
      %parallel_loop3A_1084 = arith.constant 128 : i32
      %parallel_loop3A_1085 = arith.addi %parallel_loop3A_1084, %parallel_loop3A_879 : i32
      %parallel_loop3A_1086 = arith.constant 0 : i32
      %parallel_loop3A_1087 = arith.constant 0 : i32
      %parallel_loop3A_1088 = tpu.memref_slice %arg6[%parallel_loop3A_480, %parallel_loop3A_1086, %parallel_loop3A_1087] : memref<2x256x128xf32, #tpu.memory_space<vmem>> -> memref<1x256x128xf32, #tpu.memory_space<vmem>>
      %parallel_loop3A_1089 = tpu.memref_squeeze %parallel_loop3A_1088 : memref<1x256x128xf32, #tpu.memory_space<vmem>> -> memref<256x128xf32, #tpu.memory_space<vmem>>
      %parallel_loop3A_1090 = arith.index_cast %parallel_loop3A_1085 : i32 to index
      %parallel_loop3A_1091 = arith.constant 112 : index
      %parallel_loop3A_1092 = tpu.vector_load %parallel_loop3A_1089[%parallel_loop3A_1090, %parallel_loop3A_1091] {strides = array<i32>} : memref<256x128xf32, #tpu.memory_space<vmem>>, vector<1x16xf32>,
      %parallel_loop3A_1093 = vector.shape_cast %parallel_loop3A_1092 : vector<1x16xf32> to vector<16xf32>
      %parallel_loop3A_1094 = arith.addf %parallel_loop3A_1083, %parallel_loop3A_1093 : vector<16xf32>
      %parallel_loop3A_1095 = arith.constant 0 : i32
      %parallel_loop3A_1096 = arith.constant 0 : i32
      %parallel_loop3A_1097 = tpu.memref_slice %arg7[%parallel_loop3A_481, %parallel_loop3A_1095, %parallel_loop3A_1096] : memref<2x128x128xf32, #tpu.memory_space<vmem>> -> memref<1x128x128xf32, #tpu.memory_space<vmem>>
      %parallel_loop3A_1098 = tpu.memref_squeeze %parallel_loop3A_1097 : memref<1x128x128xf32, #tpu.memory_space<vmem>> -> memref<128x128xf32, #tpu.memory_space<vmem>>
      %parallel_loop3A_1099 = arith.index_cast %parallel_loop3A_879 : i32 to index
      %parallel_loop3A_1100 = arith.constant 112 : index
      %parallel_loop3A_1101 = tpu.vector_load %parallel_loop3A_1098[%parallel_loop3A_1099, %parallel_loop3A_1100] {strides = array<i32>} : memref<128x128xf32, #tpu.memory_space<vmem>>, vector<1x16xf32>,
      %parallel_loop3A_1102 = vector.shape_cast %parallel_loop3A_1101 : vector<1x16xf32> to vector<16xf32>
      %parallel_loop3A_1103 = vector.shape_cast %parallel_loop3A_1094 : vector<16xf32> to vector<1x16xf32>
      tpu.vector_store %parallel_loop3A_1098[%parallel_loop3A_1099, %parallel_loop3A_1100], %parallel_loop3A_1103 {strides = array<i32>} : memref<128x128xf32, #tpu.memory_space<vmem>>, vector<1x16xf32>,
    } {sc.loop_unroll_factor = 4 : i64, sc.parallel_access}
    %dma_start3A_482 = arith.constant 1 : i32
    %dma_start3A_483 = arith.constant 1 : i32
    %dma_start3A_484 = arith.constant 0 : i32
    %dma_start3A_485 = arith.constant 0 : i32
    %dma_start3A_486 = tpu.memref_slice %arg7[%dma_start3A_482, %dma_start3A_484, %dma_start3A_485] : memref<2x128x128xf32, #tpu.memory_space<vmem>> -> memref<1x128x128xf32, #tpu.memory_space<vmem>>
    %dma_start3A_487 = tpu.memref_squeeze %dma_start3A_486 : memref<1x128x128xf32, #tpu.memory_space<vmem>> -> memref<128x128xf32, #tpu.memory_space<vmem>>
    %dma_start3A_488 = arith.constant 0 : i32
    %dma_start3A_489 = tpu.memref_slice %arg8[%dma_start3A_483, %dma_start3A_488] : memref<2x128xi32, #tpu.memory_space<vmem>> -> memref<1x128xi32, #tpu.memory_space<vmem>>
    %dma_start3A_490 = tpu.memref_squeeze %dma_start3A_489 : memref<1x128xi32, #tpu.memory_space<vmem>> -> memref<128xi32, #tpu.memory_space<vmem>>
    %dma_start3A_491 = arith.constant 0 : i32
    %dma_start3A_492 = arith.constant 0 : i32
    %dma_start3A_493 = tpu.memref_slice %arg4[%dma_start3A_491, %dma_start3A_492] : memref<204800x128xf32, #tpu.memory_space<hbm>> -> memref<204800x128xf32, #tpu.memory_space<hbm>>
    tpu.enqueue_indirect_dma source(%dma_start3A_487 : memref<128x128xf32, #tpu.memory_space<vmem>>) target(%dma_start3A_493 : memref<204800x128xf32, #tpu.memory_space<hbm>>) offsets(%dma_start3A_490 : memref<128xi32, #tpu.memory_space<vmem>>) semaphore(%arg13 : memref<!tpu.dma_semaphore, #tpu.memory_space<semaphore_mem>>)
    %scan3A = arith.constant 0 : i32
    %scan3A_494 = arith.constant 1 : i32
    %scan3A_495 = arith.constant 23 : i32
    %scan3A_496 = arith.addi %scan3A_494, %scan3A_495 : i32
    %scan3A_497 = arith.constant 1 : i32
    scf.for %scan3A_879 = %scan3A_494 to %scan3A_496 step %scan3A_497  : i32 {
      %mul3A_880 = arith.constant 2 : i32
      %mul3A_881 = arith.muli %mul3A_880, %scan3A_879 : i32
      %add3A_882 = arith.constant 1 : i32
      %add3A_883 = arith.addi %mul3A_881, %add3A_882 : i32
      %mul3A_884 = arith.constant 2 : i32
      %mul3A_885 = arith.muli %mul3A_884, %add3A_883 : i32
      %add3A_886 = arith.addi %sub3A_23, %mul3A_885 : i32
      %dma_start3A_887 = arith.constant 1 : i32
      %dma_start3A_888 = arith.constant 0 : i32
      %dma_start3A_889 = arith.constant 0 : i32
      %dma_start3A_890 = tpu.memref_slice %arg6[%dma_start3A_887, %dma_start3A_888, %dma_start3A_889] : memref<2x256x128xf32, #tpu.memory_space<vmem>> -> memref<1x128x128xf32, #tpu.memory_space<vmem>>
      %dma_start3A_891 = tpu.memref_squeeze %dma_start3A_890 : memref<1x128x128xf32, #tpu.memory_space<vmem>> -> memref<128x128xf32, #tpu.memory_space<vmem>>
      %dma_start3A_892 = arith.constant 0 : i32
      %dma_start3A_893 = tpu.memref_slice %arg5[%add3A_886, %dma_start3A_892] : memref<104x128xi32, #tpu.memory_space<vmem>> -> memref<1x128xi32, #tpu.memory_space<vmem>>
      %dma_start3A_894 = tpu.memref_squeeze %dma_start3A_893 : memref<1x128xi32, #tpu.memory_space<vmem>> -> memref<128xi32, #tpu.memory_space<vmem>>
      %dma_start3A_895 = arith.constant 0 : i32
      %dma_start3A_896 = arith.constant 0 : i32
      %dma_start3A_897 = tpu.memref_slice %arg3[%dma_start3A_895, %dma_start3A_896] : memref<102048x128xf32, #tpu.memory_space<hbm>> -> memref<102048x128xf32, #tpu.memory_space<hbm>>
      tpu.enqueue_indirect_dma source(%dma_start3A_897 : memref<102048x128xf32, #tpu.memory_space<hbm>>) target(%dma_start3A_891 : memref<128x128xf32, #tpu.memory_space<vmem>>) offsets(%dma_start3A_894 : memref<128xi32, #tpu.memory_space<vmem>>) semaphore(%arg11 : memref<!tpu.dma_semaphore, #tpu.memory_space<semaphore_mem>>)
      %mul3A_898 = arith.constant 2 : i32
      %mul3A_899 = arith.muli %mul3A_898, %add3A_883 : i32
      %add3A_900 = arith.addi %sub3A_23, %mul3A_899 : i32
      %add3A_901 = arith.constant 1 : i32
      %add3A_902 = arith.addi %add3A_900, %add3A_901 : i32
      %dma_start3A_903 = arith.constant 1 : i32
      %dma_start3A_904 = arith.constant 128 : i32
      %dma_start3A_905 = arith.constant 0 : i32
      %dma_start3A_906 = tpu.memref_slice %arg6[%dma_start3A_903, %dma_start3A_904, %dma_start3A_905] : memref<2x256x128xf32, #tpu.memory_space<vmem>> -> memref<1x128x128xf32, #tpu.memory_space<vmem>>
      %dma_start3A_907 = tpu.memref_squeeze %dma_start3A_906 : memref<1x128x128xf32, #tpu.memory_space<vmem>> -> memref<128x128xf32, #tpu.memory_space<vmem>>
      %dma_start3A_908 = arith.constant 0 : i32
      %dma_start3A_909 = tpu.memref_slice %arg5[%add3A_902, %dma_start3A_908] : memref<104x128xi32, #tpu.memory_space<vmem>> -> memref<1x128xi32, #tpu.memory_space<vmem>>
      %dma_start3A_910 = tpu.memref_squeeze %dma_start3A_909 : memref<1x128xi32, #tpu.memory_space<vmem>> -> memref<128xi32, #tpu.memory_space<vmem>>
      %dma_start3A_911 = arith.constant 0 : i32
      %dma_start3A_912 = arith.constant 0 : i32
      %dma_start3A_913 = tpu.memref_slice %arg3[%dma_start3A_911, %dma_start3A_912] : memref<102048x128xf32, #tpu.memory_space<hbm>> -> memref<102048x128xf32, #tpu.memory_space<hbm>>
      tpu.enqueue_indirect_dma source(%dma_start3A_913 : memref<102048x128xf32, #tpu.memory_space<hbm>>) target(%dma_start3A_907 : memref<128x128xf32, #tpu.memory_space<vmem>>) offsets(%dma_start3A_910 : memref<128xi32, #tpu.memory_space<vmem>>) semaphore(%arg11 : memref<!tpu.dma_semaphore, #tpu.memory_space<semaphore_mem>>)
      %dma_wait3A_914 = arith.constant 0 : i32
      %dma_wait3A_915 = arith.constant 0 : i32
      %dma_wait3A_916 = arith.constant 0 : i32
      %dma_wait3A_917 = tpu.memref_slice %arg6[%dma_wait3A_914, %dma_wait3A_915, %dma_wait3A_916] : memref<2x256x128xf32, #tpu.memory_space<vmem>> -> memref<1x256x128xf32, #tpu.memory_space<vmem>>
      %dma_wait3A_918 = tpu.memref_squeeze %dma_wait3A_917 : memref<1x256x128xf32, #tpu.memory_space<vmem>> -> memref<256x128xf32, #tpu.memory_space<vmem>>
      %dma_wait3A_919 = arith.constant 0 : i32
      %dma_wait3A_920 = arith.constant 0 : i32
      %dma_wait3A_921 = tpu.memref_slice %arg3[%dma_wait3A_919, %dma_wait3A_920] : memref<102048x128xf32, #tpu.memory_space<hbm>> -> memref<256x128xf32, #tpu.memory_space<hbm>>
      %dma_wait3A_922 = arith.constant 0 : i32
      %dma_wait3A_923 = arith.constant 0 : i32
      %dma_wait3A_924 = tpu.memref_slice %arg6[%dma_wait3A_914, %dma_wait3A_922, %dma_wait3A_923] : memref<2x256x128xf32, #tpu.memory_space<vmem>> -> memref<1x256x128xf32, #tpu.memory_space<vmem>>
      %dma_wait3A_925 = tpu.memref_squeeze %dma_wait3A_924 : memref<1x256x128xf32, #tpu.memory_space<vmem>> -> memref<256x128xf32, #tpu.memory_space<vmem>>
      %dma_wait3A_926 = arith.constant 0 : i32
      %dma_wait3A_927 = arith.constant 0 : i32
      %dma_wait3A_928 = tpu.memref_slice %arg3[%dma_wait3A_926, %dma_wait3A_927] : memref<102048x128xf32, #tpu.memory_space<hbm>> -> memref<256x128xf32, #tpu.memory_space<hbm>>
      tpu.wait_dma2 semaphore(%arg10 : memref<!tpu.dma_semaphore, #tpu.memory_space<semaphore_mem>>) src(%dma_wait3A_928 : memref<256x128xf32, #tpu.memory_space<hbm>>) dst(%dma_wait3A_925 : memref<256x128xf32, #tpu.memory_space<vmem>>)
      %dma_wait3A_929 = arith.constant 0 : i32
      %dma_wait3A_930 = arith.constant 0 : i32
      %dma_wait3A_931 = arith.constant 0 : i32
      %dma_wait3A_932 = arith.constant 0 : i32
      %dma_wait3A_933 = tpu.memref_slice %arg7[%dma_wait3A_929, %dma_wait3A_931, %dma_wait3A_932] : memref<2x128x128xf32, #tpu.memory_space<vmem>> -> memref<1x128x128xf32, #tpu.memory_space<vmem>>
      %dma_wait3A_934 = tpu.memref_squeeze %dma_wait3A_933 : memref<1x128x128xf32, #tpu.memory_space<vmem>> -> memref<128x128xf32, #tpu.memory_space<vmem>>
      %dma_wait3A_935 = arith.constant 0 : i32
      %dma_wait3A_936 = tpu.memref_slice %arg8[%dma_wait3A_930, %dma_wait3A_935] : memref<2x128xi32, #tpu.memory_space<vmem>> -> memref<1x128xi32, #tpu.memory_space<vmem>>
      %dma_wait3A_937 = tpu.memref_squeeze %dma_wait3A_936 : memref<1x128xi32, #tpu.memory_space<vmem>> -> memref<128xi32, #tpu.memory_space<vmem>>
      %dma_wait3A_938 = arith.constant 0 : i32
      %dma_wait3A_939 = arith.constant 0 : i32
      %dma_wait3A_940 = tpu.memref_slice %arg4[%dma_wait3A_938, %dma_wait3A_939] : memref<204800x128xf32, #tpu.memory_space<hbm>> -> memref<204800x128xf32, #tpu.memory_space<hbm>>
      tpu.wait_indirect_dma semaphore(%arg12 : memref<!tpu.dma_semaphore, #tpu.memory_space<semaphore_mem>>) src(%dma_wait3A_934 : memref<128x128xf32, #tpu.memory_space<vmem>>) dst(%dma_wait3A_940 : memref<204800x128xf32, #tpu.memory_space<hbm>>)
      %add3A_941 = arith.addi %mul3A_2, %mul3A_881 : i32
      %jit3A_942 = arith.constant 8 : i32
      %div3A_943 = arith.divsi %add3A_941, %jit3A_942 : i32
      %sign3A_944 = arith.constant 0 : i32
      %sign3A_945 = arith.cmpi sgt, %add3A_941, %sign3A_944 : i32
      %sign3A_946 = arith.extui %sign3A_945 : i1 to i32
      %sign3A_947 = arith.constant 0 : i32
      %sign3A_948 = arith.cmpi slt, %add3A_941, %sign3A_947 : i32
      %sign3A_949 = arith.extui %sign3A_948 : i1 to i32
      %sign3A_950 = arith.subi %sign3A_946, %sign3A_949 : i32
      %sign3A_951 = arith.constant 0 : i32
      %sign3A_952 = arith.cmpi sgt, %jit3A_942, %sign3A_951 : i32
      %sign3A_953 = arith.extui %sign3A_952 : i1 to i32
      %sign3A_954 = arith.constant 0 : i32
      %sign3A_955 = arith.cmpi slt, %jit3A_942, %sign3A_954 : i32
      %sign3A_956 = arith.extui %sign3A_955 : i1 to i32
      %sign3A_957 = arith.subi %sign3A_953, %sign3A_956 : i32
      %ne3A_958 = arith.cmpi ne, %sign3A_950, %sign3A_957 : i32
      %rem3A_959 = arith.remsi %add3A_941, %jit3A_942 : i32
      %ne3A_960 = arith.constant 0 : i32
      %ne3A_961 = arith.cmpi ne, %rem3A_959, %ne3A_960 : i32
      %and3A_962 = arith.andi %ne3A_958, %ne3A_961 : i1
      %sub3A_963 = arith.constant 1 : i32
      %sub3A_964 = arith.subi %div3A_943, %sub3A_963 : i32
      %select_n3A_965 = arith.select %and3A_962, %sub3A_964, %div3A_943 : i32
      %mul3A_966 = arith.constant 8 : i32
      %mul3A_967 = arith.muli %select_n3A_965, %mul3A_966 : i32
      %sub3A_968 = arith.subi %add3A_941, %mul3A_967 : i32
      %mul3A_969 = arith.constant 25600 : i32
      %mul3A_970 = arith.muli %sub3A_968, %mul3A_969 : i32
      %add3A_971 = arith.addi %mul3A_970, %select_n3A_965 : i32
      %get3A_972 = arith.constant 0 : index
      %get3A_973 = tpu.vector_load %arg9[%get3A_972] {strides = array<i32>} : memref<128xi32, #tpu.memory_space<vmem>>, vector<16xi32>,
      %get3A_974 = vector.shape_cast %get3A_973 : vector<16xi32> to vector<16xi32>
      %add3A_975 = vector.broadcast %add3A_971 : i32 to vector<16xi32>
      %add3A_976 = arith.addi %get3A_974, %add3A_975 : vector<16xi32>
      %swap3A_977 = arith.constant 0 : i32
      %swap3A_978 = arith.index_cast %swap3A_977 : i32 to index
      %swap3A_979 = arith.constant 0 : index
      %swap3A_980 = tpu.vector_load %arg8[%swap3A_978, %swap3A_979] {strides = array<i32>} : memref<2x128xi32, #tpu.memory_space<vmem>>, vector<1x16xi32>,
      %swap3A_981 = vector.shape_cast %swap3A_980 : vector<1x16xi32> to vector<16xi32>
      %swap3A_982 = vector.shape_cast %add3A_976 : vector<16xi32> to vector<1x16xi32>
      tpu.vector_store %arg8[%swap3A_978, %swap3A_979], %swap3A_982 {strides = array<i32>} : memref<2x128xi32, #tpu.memory_space<vmem>>, vector<1x16xi32>,
      %get3A_983 = arith.constant 16 : index
      %get3A_984 = tpu.vector_load %arg9[%get3A_983] {strides = array<i32>} : memref<128xi32, #tpu.memory_space<vmem>>, vector<16xi32>,
      %get3A_985 = vector.shape_cast %get3A_984 : vector<16xi32> to vector<16xi32>
      %add3A_986 = vector.broadcast %add3A_971 : i32 to vector<16xi32>
      %add3A_987 = arith.addi %get3A_985, %add3A_986 : vector<16xi32>
      %swap3A_988 = arith.constant 0 : i32
      %swap3A_989 = arith.index_cast %swap3A_988 : i32 to index
      %swap3A_990 = arith.constant 16 : index
      %swap3A_991 = tpu.vector_load %arg8[%swap3A_989, %swap3A_990] {strides = array<i32>} : memref<2x128xi32, #tpu.memory_space<vmem>>, vector<1x16xi32>,
      %swap3A_992 = vector.shape_cast %swap3A_991 : vector<1x16xi32> to vector<16xi32>
      %swap3A_993 = vector.shape_cast %add3A_987 : vector<16xi32> to vector<1x16xi32>
      tpu.vector_store %arg8[%swap3A_989, %swap3A_990], %swap3A_993 {strides = array<i32>} : memref<2x128xi32, #tpu.memory_space<vmem>>, vector<1x16xi32>,
      %get3A_994 = arith.constant 32 : index
      %get3A_995 = tpu.vector_load %arg9[%get3A_994] {strides = array<i32>} : memref<128xi32, #tpu.memory_space<vmem>>, vector<16xi32>,
      %get3A_996 = vector.shape_cast %get3A_995 : vector<16xi32> to vector<16xi32>
      %add3A_997 = vector.broadcast %add3A_971 : i32 to vector<16xi32>
      %add3A_998 = arith.addi %get3A_996, %add3A_997 : vector<16xi32>
      %swap3A_999 = arith.constant 0 : i32
      %swap3A_1000 = arith.index_cast %swap3A_999 : i32 to index
      %swap3A_1001 = arith.constant 32 : index
      %swap3A_1002 = tpu.vector_load %arg8[%swap3A_1000, %swap3A_1001] {strides = array<i32>} : memref<2x128xi32, #tpu.memory_space<vmem>>, vector<1x16xi32>,
      %swap3A_1003 = vector.shape_cast %swap3A_1002 : vector<1x16xi32> to vector<16xi32>
      %swap3A_1004 = vector.shape_cast %add3A_998 : vector<16xi32> to vector<1x16xi32>
      tpu.vector_store %arg8[%swap3A_1000, %swap3A_1001], %swap3A_1004 {strides = array<i32>} : memref<2x128xi32, #tpu.memory_space<vmem>>, vector<1x16xi32>,
      %get3A_1005 = arith.constant 48 : index
      %get3A_1006 = tpu.vector_load %arg9[%get3A_1005] {strides = array<i32>} : memref<128xi32, #tpu.memory_space<vmem>>, vector<16xi32>,
      %get3A_1007 = vector.shape_cast %get3A_1006 : vector<16xi32> to vector<16xi32>
      %add3A_1008 = vector.broadcast %add3A_971 : i32 to vector<16xi32>
      %add3A_1009 = arith.addi %get3A_1007, %add3A_1008 : vector<16xi32>
      %swap3A_1010 = arith.constant 0 : i32
      %swap3A_1011 = arith.index_cast %swap3A_1010 : i32 to index
      %swap3A_1012 = arith.constant 48 : index
      %swap3A_1013 = tpu.vector_load %arg8[%swap3A_1011, %swap3A_1012] {strides = array<i32>} : memref<2x128xi32, #tpu.memory_space<vmem>>, vector<1x16xi32>,
      %swap3A_1014 = vector.shape_cast %swap3A_1013 : vector<1x16xi32> to vector<16xi32>
      %swap3A_1015 = vector.shape_cast %add3A_1009 : vector<16xi32> to vector<1x16xi32>
      tpu.vector_store %arg8[%swap3A_1011, %swap3A_1012], %swap3A_1015 {strides = array<i32>} : memref<2x128xi32, #tpu.memory_space<vmem>>, vector<1x16xi32>,
      %get3A_1016 = arith.constant 64 : index
      %get3A_1017 = tpu.vector_load %arg9[%get3A_1016] {strides = array<i32>} : memref<128xi32, #tpu.memory_space<vmem>>, vector<16xi32>,
      %get3A_1018 = vector.shape_cast %get3A_1017 : vector<16xi32> to vector<16xi32>
      %add3A_1019 = vector.broadcast %add3A_971 : i32 to vector<16xi32>
      %add3A_1020 = arith.addi %get3A_1018, %add3A_1019 : vector<16xi32>
      %swap3A_1021 = arith.constant 0 : i32
      %swap3A_1022 = arith.index_cast %swap3A_1021 : i32 to index
      %swap3A_1023 = arith.constant 64 : index
      %swap3A_1024 = tpu.vector_load %arg8[%swap3A_1022, %swap3A_1023] {strides = array<i32>} : memref<2x128xi32, #tpu.memory_space<vmem>>, vector<1x16xi32>,
      %swap3A_1025 = vector.shape_cast %swap3A_1024 : vector<1x16xi32> to vector<16xi32>
      %swap3A_1026 = vector.shape_cast %add3A_1020 : vector<16xi32> to vector<1x16xi32>
      tpu.vector_store %arg8[%swap3A_1022, %swap3A_1023], %swap3A_1026 {strides = array<i32>} : memref<2x128xi32, #tpu.memory_space<vmem>>, vector<1x16xi32>,
      %get3A_1027 = arith.constant 80 : index
      %get3A_1028 = tpu.vector_load %arg9[%get3A_1027] {strides = array<i32>} : memref<128xi32, #tpu.memory_space<vmem>>, vector<16xi32>,
      %get3A_1029 = vector.shape_cast %get3A_1028 : vector<16xi32> to vector<16xi32>
      %add3A_1030 = vector.broadcast %add3A_971 : i32 to vector<16xi32>
      %add3A_1031 = arith.addi %get3A_1029, %add3A_1030 : vector<16xi32>
      %swap3A_1032 = arith.constant 0 : i32
      %swap3A_1033 = arith.index_cast %swap3A_1032 : i32 to index
      %swap3A_1034 = arith.constant 80 : index
      %swap3A_1035 = tpu.vector_load %arg8[%swap3A_1033, %swap3A_1034] {strides = array<i32>} : memref<2x128xi32, #tpu.memory_space<vmem>>, vector<1x16xi32>,
      %swap3A_1036 = vector.shape_cast %swap3A_1035 : vector<1x16xi32> to vector<16xi32>
      %swap3A_1037 = vector.shape_cast %add3A_1031 : vector<16xi32> to vector<1x16xi32>
      tpu.vector_store %arg8[%swap3A_1033, %swap3A_1034], %swap3A_1037 {strides = array<i32>} : memref<2x128xi32, #tpu.memory_space<vmem>>, vector<1x16xi32>,
      %get3A_1038 = arith.constant 96 : index
      %get3A_1039 = tpu.vector_load %arg9[%get3A_1038] {strides = array<i32>} : memref<128xi32, #tpu.memory_space<vmem>>, vector<16xi32>,
      %get3A_1040 = vector.shape_cast %get3A_1039 : vector<16xi32> to vector<16xi32>
      %add3A_1041 = vector.broadcast %add3A_971 : i32 to vector<16xi32>
      %add3A_1042 = arith.addi %get3A_1040, %add3A_1041 : vector<16xi32>
      %swap3A_1043 = arith.constant 0 : i32
      %swap3A_1044 = arith.index_cast %swap3A_1043 : i32 to index
      %swap3A_1045 = arith.constant 96 : index
      %swap3A_1046 = tpu.vector_load %arg8[%swap3A_1044, %swap3A_1045] {strides = array<i32>} : memref<2x128xi32, #tpu.memory_space<vmem>>, vector<1x16xi32>,
      %swap3A_1047 = vector.shape_cast %swap3A_1046 : vector<1x16xi32> to vector<16xi32>
      %swap3A_1048 = vector.shape_cast %add3A_1042 : vector<16xi32> to vector<1x16xi32>
      tpu.vector_store %arg8[%swap3A_1044, %swap3A_1045], %swap3A_1048 {strides = array<i32>} : memref<2x128xi32, #tpu.memory_space<vmem>>, vector<1x16xi32>,
      %get3A_1049 = arith.constant 112 : index
      %get3A_1050 = tpu.vector_load %arg9[%get3A_1049] {strides = array<i32>} : memref<128xi32, #tpu.memory_space<vmem>>, vector<16xi32>,
      %get3A_1051 = vector.shape_cast %get3A_1050 : vector<16xi32> to vector<16xi32>
      %add3A_1052 = vector.broadcast %add3A_971 : i32 to vector<16xi32>
      %add3A_1053 = arith.addi %get3A_1051, %add3A_1052 : vector<16xi32>
      %swap3A_1054 = arith.constant 0 : i32
      %swap3A_1055 = arith.index_cast %swap3A_1054 : i32 to index
      %swap3A_1056 = arith.constant 112 : index
      %swap3A_1057 = tpu.vector_load %arg8[%swap3A_1055, %swap3A_1056] {strides = array<i32>} : memref<2x128xi32, #tpu.memory_space<vmem>>, vector<1x16xi32>,
      %swap3A_1058 = vector.shape_cast %swap3A_1057 : vector<1x16xi32> to vector<16xi32>
      %swap3A_1059 = vector.shape_cast %add3A_1053 : vector<16xi32> to vector<1x16xi32>
      tpu.vector_store %arg8[%swap3A_1055, %swap3A_1056], %swap3A_1059 {strides = array<i32>} : memref<2x128xi32, #tpu.memory_space<vmem>>, vector<1x16xi32>,
      %parallel_loop3A_1060 = arith.constant 0 : i32
      %parallel_loop3A_1061 = arith.constant 128 : i32
      %parallel_loop3A_1062 = arith.constant 1 : i32
      %parallel_loop3A_1063 = arith.constant 0 : i32
      %parallel_loop3A_1064 = arith.constant 0 : i32
      scf.for %parallel_loop3A_1274 = %parallel_loop3A_1060 to %parallel_loop3A_1061 step %parallel_loop3A_1062  : i32 {
        %parallel_loop3A_1275 = arith.constant 0 : i32
        %parallel_loop3A_1276 = arith.constant 0 : i32
        %parallel_loop3A_1277 = tpu.memref_slice %arg6[%parallel_loop3A_1063, %parallel_loop3A_1275, %parallel_loop3A_1276] : memref<2x256x128xf32, #tpu.memory_space<vmem>> -> memref<1x256x128xf32, #tpu.memory_space<vmem>>
        %parallel_loop3A_1278 = tpu.memref_squeeze %parallel_loop3A_1277 : memref<1x256x128xf32, #tpu.memory_space<vmem>> -> memref<256x128xf32, #tpu.memory_space<vmem>>
        %parallel_loop3A_1279 = arith.index_cast %parallel_loop3A_1274 : i32 to index
        %parallel_loop3A_1280 = arith.constant 0 : index
        %parallel_loop3A_1281 = tpu.vector_load %parallel_loop3A_1278[%parallel_loop3A_1279, %parallel_loop3A_1280] {strides = array<i32>} : memref<256x128xf32, #tpu.memory_space<vmem>>, vector<1x16xf32>,
        %parallel_loop3A_1282 = vector.shape_cast %parallel_loop3A_1281 : vector<1x16xf32> to vector<16xf32>
        %parallel_loop3A_1283 = arith.constant 128 : i32
        %parallel_loop3A_1284 = arith.addi %parallel_loop3A_1283, %parallel_loop3A_1274 : i32
        %parallel_loop3A_1285 = arith.constant 0 : i32
        %parallel_loop3A_1286 = arith.constant 0 : i32
        %parallel_loop3A_1287 = tpu.memref_slice %arg6[%parallel_loop3A_1063, %parallel_loop3A_1285, %parallel_loop3A_1286] : memref<2x256x128xf32, #tpu.memory_space<vmem>> -> memref<1x256x128xf32, #tpu.memory_space<vmem>>
        %parallel_loop3A_1288 = tpu.memref_squeeze %parallel_loop3A_1287 : memref<1x256x128xf32, #tpu.memory_space<vmem>> -> memref<256x128xf32, #tpu.memory_space<vmem>>
        %parallel_loop3A_1289 = arith.index_cast %parallel_loop3A_1284 : i32 to index
        %parallel_loop3A_1290 = arith.constant 0 : index
        %parallel_loop3A_1291 = tpu.vector_load %parallel_loop3A_1288[%parallel_loop3A_1289, %parallel_loop3A_1290] {strides = array<i32>} : memref<256x128xf32, #tpu.memory_space<vmem>>, vector<1x16xf32>,
        %parallel_loop3A_1292 = vector.shape_cast %parallel_loop3A_1291 : vector<1x16xf32> to vector<16xf32>
        %parallel_loop3A_1293 = arith.addf %parallel_loop3A_1282, %parallel_loop3A_1292 : vector<16xf32>
        %parallel_loop3A_1294 = arith.constant 0 : i32
        %parallel_loop3A_1295 = arith.constant 0 : i32
        %parallel_loop3A_1296 = tpu.memref_slice %arg7[%parallel_loop3A_1064, %parallel_loop3A_1294, %parallel_loop3A_1295] : memref<2x128x128xf32, #tpu.memory_space<vmem>> -> memref<1x128x128xf32, #tpu.memory_space<vmem>>
        %parallel_loop3A_1297 = tpu.memref_squeeze %parallel_loop3A_1296 : memref<1x128x128xf32, #tpu.memory_space<vmem>> -> memref<128x128xf32, #tpu.memory_space<vmem>>
        %parallel_loop3A_1298 = arith.index_cast %parallel_loop3A_1274 : i32 to index
        %parallel_loop3A_1299 = arith.constant 0 : index
        %parallel_loop3A_1300 = tpu.vector_load %parallel_loop3A_1297[%parallel_loop3A_1298, %parallel_loop3A_1299] {strides = array<i32>} : memref<128x128xf32, #tpu.memory_space<vmem>>, vector<1x16xf32>,
        %parallel_loop3A_1301 = vector.shape_cast %parallel_loop3A_1300 : vector<1x16xf32> to vector<16xf32>
        %parallel_loop3A_1302 = vector.shape_cast %parallel_loop3A_1293 : vector<16xf32> to vector<1x16xf32>
        tpu.vector_store %parallel_loop3A_1297[%parallel_loop3A_1298, %parallel_loop3A_1299], %parallel_loop3A_1302 {strides = array<i32>} : memref<128x128xf32, #tpu.memory_space<vmem>>, vector<1x16xf32>,
        %parallel_loop3A_1303 = arith.constant 0 : i32
        %parallel_loop3A_1304 = arith.constant 0 : i32
        %parallel_loop3A_1305 = tpu.memref_slice %arg6[%parallel_loop3A_1063, %parallel_loop3A_1303, %parallel_loop3A_1304] : memref<2x256x128xf32, #tpu.memory_space<vmem>> -> memref<1x256x128xf32, #tpu.memory_space<vmem>>
        %parallel_loop3A_1306 = tpu.memref_squeeze %parallel_loop3A_1305 : memref<1x256x128xf32, #tpu.memory_space<vmem>> -> memref<256x128xf32, #tpu.memory_space<vmem>>
        %parallel_loop3A_1307 = arith.index_cast %parallel_loop3A_1274 : i32 to index
        %parallel_loop3A_1308 = arith.constant 16 : index
        %parallel_loop3A_1309 = tpu.vector_load %parallel_loop3A_1306[%parallel_loop3A_1307, %parallel_loop3A_1308] {strides = array<i32>} : memref<256x128xf32, #tpu.memory_space<vmem>>, vector<1x16xf32>,
        %parallel_loop3A_1310 = vector.shape_cast %parallel_loop3A_1309 : vector<1x16xf32> to vector<16xf32>
        %parallel_loop3A_1311 = arith.constant 128 : i32
        %parallel_loop3A_1312 = arith.addi %parallel_loop3A_1311, %parallel_loop3A_1274 : i32
        %parallel_loop3A_1313 = arith.constant 0 : i32
        %parallel_loop3A_1314 = arith.constant 0 : i32
        %parallel_loop3A_1315 = tpu.memref_slice %arg6[%parallel_loop3A_1063, %parallel_loop3A_1313, %parallel_loop3A_1314] : memref<2x256x128xf32, #tpu.memory_space<vmem>> -> memref<1x256x128xf32, #tpu.memory_space<vmem>>
        %parallel_loop3A_1316 = tpu.memref_squeeze %parallel_loop3A_1315 : memref<1x256x128xf32, #tpu.memory_space<vmem>> -> memref<256x128xf32, #tpu.memory_space<vmem>>
        %parallel_loop3A_1317 = arith.index_cast %parallel_loop3A_1312 : i32 to index
        %parallel_loop3A_1318 = arith.constant 16 : index
        %parallel_loop3A_1319 = tpu.vector_load %parallel_loop3A_1316[%parallel_loop3A_1317, %parallel_loop3A_1318] {strides = array<i32>} : memref<256x128xf32, #tpu.memory_space<vmem>>, vector<1x16xf32>,
        %parallel_loop3A_1320 = vector.shape_cast %parallel_loop3A_1319 : vector<1x16xf32> to vector<16xf32>
        %parallel_loop3A_1321 = arith.addf %parallel_loop3A_1310, %parallel_loop3A_1320 : vector<16xf32>
        %parallel_loop3A_1322 = arith.constant 0 : i32
        %parallel_loop3A_1323 = arith.constant 0 : i32
        %parallel_loop3A_1324 = tpu.memref_slice %arg7[%parallel_loop3A_1064, %parallel_loop3A_1322, %parallel_loop3A_1323] : memref<2x128x128xf32, #tpu.memory_space<vmem>> -> memref<1x128x128xf32, #tpu.memory_space<vmem>>
        %parallel_loop3A_1325 = tpu.memref_squeeze %parallel_loop3A_1324 : memref<1x128x128xf32, #tpu.memory_space<vmem>> -> memref<128x128xf32, #tpu.memory_space<vmem>>
        %parallel_loop3A_1326 = arith.index_cast %parallel_loop3A_1274 : i32 to index
        %parallel_loop3A_1327 = arith.constant 16 : index
        %parallel_loop3A_1328 = tpu.vector_load %parallel_loop3A_1325[%parallel_loop3A_1326, %parallel_loop3A_1327] {strides = array<i32>} : memref<128x128xf32, #tpu.memory_space<vmem>>, vector<1x16xf32>,
        %parallel_loop3A_1329 = vector.shape_cast %parallel_loop3A_1328 : vector<1x16xf32> to vector<16xf32>
        %parallel_loop3A_1330 = vector.shape_cast %parallel_loop3A_1321 : vector<16xf32> to vector<1x16xf32>
        tpu.vector_store %parallel_loop3A_1325[%parallel_loop3A_1326, %parallel_loop3A_1327], %parallel_loop3A_1330 {strides = array<i32>} : memref<128x128xf32, #tpu.memory_space<vmem>>, vector<1x16xf32>,
        %parallel_loop3A_1331 = arith.constant 0 : i32
        %parallel_loop3A_1332 = arith.constant 0 : i32
        %parallel_loop3A_1333 = tpu.memref_slice %arg6[%parallel_loop3A_1063, %parallel_loop3A_1331, %parallel_loop3A_1332] : memref<2x256x128xf32, #tpu.memory_space<vmem>> -> memref<1x256x128xf32, #tpu.memory_space<vmem>>
        %parallel_loop3A_1334 = tpu.memref_squeeze %parallel_loop3A_1333 : memref<1x256x128xf32, #tpu.memory_space<vmem>> -> memref<256x128xf32, #tpu.memory_space<vmem>>
        %parallel_loop3A_1335 = arith.index_cast %parallel_loop3A_1274 : i32 to index
        %parallel_loop3A_1336 = arith.constant 32 : index
        %parallel_loop3A_1337 = tpu.vector_load %parallel_loop3A_1334[%parallel_loop3A_1335, %parallel_loop3A_1336] {strides = array<i32>} : memref<256x128xf32, #tpu.memory_space<vmem>>, vector<1x16xf32>,
        %parallel_loop3A_1338 = vector.shape_cast %parallel_loop3A_1337 : vector<1x16xf32> to vector<16xf32>
        %parallel_loop3A_1339 = arith.constant 128 : i32
        %parallel_loop3A_1340 = arith.addi %parallel_loop3A_1339, %parallel_loop3A_1274 : i32
        %parallel_loop3A_1341 = arith.constant 0 : i32
        %parallel_loop3A_1342 = arith.constant 0 : i32
        %parallel_loop3A_1343 = tpu.memref_slice %arg6[%parallel_loop3A_1063, %parallel_loop3A_1341, %parallel_loop3A_1342] : memref<2x256x128xf32, #tpu.memory_space<vmem>> -> memref<1x256x128xf32, #tpu.memory_space<vmem>>
        %parallel_loop3A_1344 = tpu.memref_squeeze %parallel_loop3A_1343 : memref<1x256x128xf32, #tpu.memory_space<vmem>> -> memref<256x128xf32, #tpu.memory_space<vmem>>
        %parallel_loop3A_1345 = arith.index_cast %parallel_loop3A_1340 : i32 to index
        %parallel_loop3A_1346 = arith.constant 32 : index
        %parallel_loop3A_1347 = tpu.vector_load %parallel_loop3A_1344[%parallel_loop3A_1345, %parallel_loop3A_1346] {strides = array<i32>} : memref<256x128xf32, #tpu.memory_space<vmem>>, vector<1x16xf32>,
        %parallel_loop3A_1348 = vector.shape_cast %parallel_loop3A_1347 : vector<1x16xf32> to vector<16xf32>
        %parallel_loop3A_1349 = arith.addf %parallel_loop3A_1338, %parallel_loop3A_1348 : vector<16xf32>
        %parallel_loop3A_1350 = arith.constant 0 : i32
        %parallel_loop3A_1351 = arith.constant 0 : i32
        %parallel_loop3A_1352 = tpu.memref_slice %arg7[%parallel_loop3A_1064, %parallel_loop3A_1350, %parallel_loop3A_1351] : memref<2x128x128xf32, #tpu.memory_space<vmem>> -> memref<1x128x128xf32, #tpu.memory_space<vmem>>
        %parallel_loop3A_1353 = tpu.memref_squeeze %parallel_loop3A_1352 : memref<1x128x128xf32, #tpu.memory_space<vmem>> -> memref<128x128xf32, #tpu.memory_space<vmem>>
        %parallel_loop3A_1354 = arith.index_cast %parallel_loop3A_1274 : i32 to index
        %parallel_loop3A_1355 = arith.constant 32 : index
        %parallel_loop3A_1356 = tpu.vector_load %parallel_loop3A_1353[%parallel_loop3A_1354, %parallel_loop3A_1355] {strides = array<i32>} : memref<128x128xf32, #tpu.memory_space<vmem>>, vector<1x16xf32>,
        %parallel_loop3A_1357 = vector.shape_cast %parallel_loop3A_1356 : vector<1x16xf32> to vector<16xf32>
        %parallel_loop3A_1358 = vector.shape_cast %parallel_loop3A_1349 : vector<16xf32> to vector<1x16xf32>
        tpu.vector_store %parallel_loop3A_1353[%parallel_loop3A_1354, %parallel_loop3A_1355], %parallel_loop3A_1358 {strides = array<i32>} : memref<128x128xf32, #tpu.memory_space<vmem>>, vector<1x16xf32>,
        %parallel_loop3A_1359 = arith.constant 0 : i32
        %parallel_loop3A_1360 = arith.constant 0 : i32
        %parallel_loop3A_1361 = tpu.memref_slice %arg6[%parallel_loop3A_1063, %parallel_loop3A_1359, %parallel_loop3A_1360] : memref<2x256x128xf32, #tpu.memory_space<vmem>> -> memref<1x256x128xf32, #tpu.memory_space<vmem>>
        %parallel_loop3A_1362 = tpu.memref_squeeze %parallel_loop3A_1361 : memref<1x256x128xf32, #tpu.memory_space<vmem>> -> memref<256x128xf32, #tpu.memory_space<vmem>>
        %parallel_loop3A_1363 = arith.index_cast %parallel_loop3A_1274 : i32 to index
        %parallel_loop3A_1364 = arith.constant 48 : index
        %parallel_loop3A_1365 = tpu.vector_load %parallel_loop3A_1362[%parallel_loop3A_1363, %parallel_loop3A_1364] {strides = array<i32>} : memref<256x128xf32, #tpu.memory_space<vmem>>, vector<1x16xf32>,
        %parallel_loop3A_1366 = vector.shape_cast %parallel_loop3A_1365 : vector<1x16xf32> to vector<16xf32>
        %parallel_loop3A_1367 = arith.constant 128 : i32
        %parallel_loop3A_1368 = arith.addi %parallel_loop3A_1367, %parallel_loop3A_1274 : i32
        %parallel_loop3A_1369 = arith.constant 0 : i32
        %parallel_loop3A_1370 = arith.constant 0 : i32
        %parallel_loop3A_1371 = tpu.memref_slice %arg6[%parallel_loop3A_1063, %parallel_loop3A_1369, %parallel_loop3A_1370] : memref<2x256x128xf32, #tpu.memory_space<vmem>> -> memref<1x256x128xf32, #tpu.memory_space<vmem>>
        %parallel_loop3A_1372 = tpu.memref_squeeze %parallel_loop3A_1371 : memref<1x256x128xf32, #tpu.memory_space<vmem>> -> memref<256x128xf32, #tpu.memory_space<vmem>>
        %parallel_loop3A_1373 = arith.index_cast %parallel_loop3A_1368 : i32 to index
        %parallel_loop3A_1374 = arith.constant 48 : index
        %parallel_loop3A_1375 = tpu.vector_load %parallel_loop3A_1372[%parallel_loop3A_1373, %parallel_loop3A_1374] {strides = array<i32>} : memref<256x128xf32, #tpu.memory_space<vmem>>, vector<1x16xf32>,
        %parallel_loop3A_1376 = vector.shape_cast %parallel_loop3A_1375 : vector<1x16xf32> to vector<16xf32>
        %parallel_loop3A_1377 = arith.addf %parallel_loop3A_1366, %parallel_loop3A_1376 : vector<16xf32>
        %parallel_loop3A_1378 = arith.constant 0 : i32
        %parallel_loop3A_1379 = arith.constant 0 : i32
        %parallel_loop3A_1380 = tpu.memref_slice %arg7[%parallel_loop3A_1064, %parallel_loop3A_1378, %parallel_loop3A_1379] : memref<2x128x128xf32, #tpu.memory_space<vmem>> -> memref<1x128x128xf32, #tpu.memory_space<vmem>>
        %parallel_loop3A_1381 = tpu.memref_squeeze %parallel_loop3A_1380 : memref<1x128x128xf32, #tpu.memory_space<vmem>> -> memref<128x128xf32, #tpu.memory_space<vmem>>
        %parallel_loop3A_1382 = arith.index_cast %parallel_loop3A_1274 : i32 to index
        %parallel_loop3A_1383 = arith.constant 48 : index
        %parallel_loop3A_1384 = tpu.vector_load %parallel_loop3A_1381[%parallel_loop3A_1382, %parallel_loop3A_1383] {strides = array<i32>} : memref<128x128xf32, #tpu.memory_space<vmem>>, vector<1x16xf32>,
        %parallel_loop3A_1385 = vector.shape_cast %parallel_loop3A_1384 : vector<1x16xf32> to vector<16xf32>
        %parallel_loop3A_1386 = vector.shape_cast %parallel_loop3A_1377 : vector<16xf32> to vector<1x16xf32>
        tpu.vector_store %parallel_loop3A_1381[%parallel_loop3A_1382, %parallel_loop3A_1383], %parallel_loop3A_1386 {strides = array<i32>} : memref<128x128xf32, #tpu.memory_space<vmem>>, vector<1x16xf32>,
        %parallel_loop3A_1387 = arith.constant 0 : i32
        %parallel_loop3A_1388 = arith.constant 0 : i32
        %parallel_loop3A_1389 = tpu.memref_slice %arg6[%parallel_loop3A_1063, %parallel_loop3A_1387, %parallel_loop3A_1388] : memref<2x256x128xf32, #tpu.memory_space<vmem>> -> memref<1x256x128xf32, #tpu.memory_space<vmem>>
        %parallel_loop3A_1390 = tpu.memref_squeeze %parallel_loop3A_1389 : memref<1x256x128xf32, #tpu.memory_space<vmem>> -> memref<256x128xf32, #tpu.memory_space<vmem>>
        %parallel_loop3A_1391 = arith.index_cast %parallel_loop3A_1274 : i32 to index
        %parallel_loop3A_1392 = arith.constant 64 : index
        %parallel_loop3A_1393 = tpu.vector_load %parallel_loop3A_1390[%parallel_loop3A_1391, %parallel_loop3A_1392] {strides = array<i32>} : memref<256x128xf32, #tpu.memory_space<vmem>>, vector<1x16xf32>,
        %parallel_loop3A_1394 = vector.shape_cast %parallel_loop3A_1393 : vector<1x16xf32> to vector<16xf32>
        %parallel_loop3A_1395 = arith.constant 128 : i32
        %parallel_loop3A_1396 = arith.addi %parallel_loop3A_1395, %parallel_loop3A_1274 : i32
        %parallel_loop3A_1397 = arith.constant 0 : i32
        %parallel_loop3A_1398 = arith.constant 0 : i32
        %parallel_loop3A_1399 = tpu.memref_slice %arg6[%parallel_loop3A_1063, %parallel_loop3A_1397, %parallel_loop3A_1398] : memref<2x256x128xf32, #tpu.memory_space<vmem>> -> memref<1x256x128xf32, #tpu.memory_space<vmem>>
        %parallel_loop3A_1400 = tpu.memref_squeeze %parallel_loop3A_1399 : memref<1x256x128xf32, #tpu.memory_space<vmem>> -> memref<256x128xf32, #tpu.memory_space<vmem>>
        %parallel_loop3A_1401 = arith.index_cast %parallel_loop3A_1396 : i32 to index
        %parallel_loop3A_1402 = arith.constant 64 : index
        %parallel_loop3A_1403 = tpu.vector_load %parallel_loop3A_1400[%parallel_loop3A_1401, %parallel_loop3A_1402] {strides = array<i32>} : memref<256x128xf32, #tpu.memory_space<vmem>>, vector<1x16xf32>,
        %parallel_loop3A_1404 = vector.shape_cast %parallel_loop3A_1403 : vector<1x16xf32> to vector<16xf32>
        %parallel_loop3A_1405 = arith.addf %parallel_loop3A_1394, %parallel_loop3A_1404 : vector<16xf32>
        %parallel_loop3A_1406 = arith.constant 0 : i32
        %parallel_loop3A_1407 = arith.constant 0 : i32
        %parallel_loop3A_1408 = tpu.memref_slice %arg7[%parallel_loop3A_1064, %parallel_loop3A_1406, %parallel_loop3A_1407] : memref<2x128x128xf32, #tpu.memory_space<vmem>> -> memref<1x128x128xf32, #tpu.memory_space<vmem>>
        %parallel_loop3A_1409 = tpu.memref_squeeze %parallel_loop3A_1408 : memref<1x128x128xf32, #tpu.memory_space<vmem>> -> memref<128x128xf32, #tpu.memory_space<vmem>>
        %parallel_loop3A_1410 = arith.index_cast %parallel_loop3A_1274 : i32 to index
        %parallel_loop3A_1411 = arith.constant 64 : index
        %parallel_loop3A_1412 = tpu.vector_load %parallel_loop3A_1409[%parallel_loop3A_1410, %parallel_loop3A_1411] {strides = array<i32>} : memref<128x128xf32, #tpu.memory_space<vmem>>, vector<1x16xf32>,
        %parallel_loop3A_1413 = vector.shape_cast %parallel_loop3A_1412 : vector<1x16xf32> to vector<16xf32>
        %parallel_loop3A_1414 = vector.shape_cast %parallel_loop3A_1405 : vector<16xf32> to vector<1x16xf32>
        tpu.vector_store %parallel_loop3A_1409[%parallel_loop3A_1410, %parallel_loop3A_1411], %parallel_loop3A_1414 {strides = array<i32>} : memref<128x128xf32, #tpu.memory_space<vmem>>, vector<1x16xf32>,
        %parallel_loop3A_1415 = arith.constant 0 : i32
        %parallel_loop3A_1416 = arith.constant 0 : i32
        %parallel_loop3A_1417 = tpu.memref_slice %arg6[%parallel_loop3A_1063, %parallel_loop3A_1415, %parallel_loop3A_1416] : memref<2x256x128xf32, #tpu.memory_space<vmem>> -> memref<1x256x128xf32, #tpu.memory_space<vmem>>
        %parallel_loop3A_1418 = tpu.memref_squeeze %parallel_loop3A_1417 : memref<1x256x128xf32, #tpu.memory_space<vmem>> -> memref<256x128xf32, #tpu.memory_space<vmem>>
        %parallel_loop3A_1419 = arith.index_cast %parallel_loop3A_1274 : i32 to index
        %parallel_loop3A_1420 = arith.constant 80 : index
        %parallel_loop3A_1421 = tpu.vector_load %parallel_loop3A_1418[%parallel_loop3A_1419, %parallel_loop3A_1420] {strides = array<i32>} : memref<256x128xf32, #tpu.memory_space<vmem>>, vector<1x16xf32>,
        %parallel_loop3A_1422 = vector.shape_cast %parallel_loop3A_1421 : vector<1x16xf32> to vector<16xf32>
        %parallel_loop3A_1423 = arith.constant 128 : i32
        %parallel_loop3A_1424 = arith.addi %parallel_loop3A_1423, %parallel_loop3A_1274 : i32
        %parallel_loop3A_1425 = arith.constant 0 : i32
        %parallel_loop3A_1426 = arith.constant 0 : i32
        %parallel_loop3A_1427 = tpu.memref_slice %arg6[%parallel_loop3A_1063, %parallel_loop3A_1425, %parallel_loop3A_1426] : memref<2x256x128xf32, #tpu.memory_space<vmem>> -> memref<1x256x128xf32, #tpu.memory_space<vmem>>
        %parallel_loop3A_1428 = tpu.memref_squeeze %parallel_loop3A_1427 : memref<1x256x128xf32, #tpu.memory_space<vmem>> -> memref<256x128xf32, #tpu.memory_space<vmem>>
        %parallel_loop3A_1429 = arith.index_cast %parallel_loop3A_1424 : i32 to index
        %parallel_loop3A_1430 = arith.constant 80 : index
        %parallel_loop3A_1431 = tpu.vector_load %parallel_loop3A_1428[%parallel_loop3A_1429, %parallel_loop3A_1430] {strides = array<i32>} : memref<256x128xf32, #tpu.memory_space<vmem>>, vector<1x16xf32>,
        %parallel_loop3A_1432 = vector.shape_cast %parallel_loop3A_1431 : vector<1x16xf32> to vector<16xf32>
        %parallel_loop3A_1433 = arith.addf %parallel_loop3A_1422, %parallel_loop3A_1432 : vector<16xf32>
        %parallel_loop3A_1434 = arith.constant 0 : i32
        %parallel_loop3A_1435 = arith.constant 0 : i32
        %parallel_loop3A_1436 = tpu.memref_slice %arg7[%parallel_loop3A_1064, %parallel_loop3A_1434, %parallel_loop3A_1435] : memref<2x128x128xf32, #tpu.memory_space<vmem>> -> memref<1x128x128xf32, #tpu.memory_space<vmem>>
        %parallel_loop3A_1437 = tpu.memref_squeeze %parallel_loop3A_1436 : memref<1x128x128xf32, #tpu.memory_space<vmem>> -> memref<128x128xf32, #tpu.memory_space<vmem>>
        %parallel_loop3A_1438 = arith.index_cast %parallel_loop3A_1274 : i32 to index
        %parallel_loop3A_1439 = arith.constant 80 : index
        %parallel_loop3A_1440 = tpu.vector_load %parallel_loop3A_1437[%parallel_loop3A_1438, %parallel_loop3A_1439] {strides = array<i32>} : memref<128x128xf32, #tpu.memory_space<vmem>>, vector<1x16xf32>,
        %parallel_loop3A_1441 = vector.shape_cast %parallel_loop3A_1440 : vector<1x16xf32> to vector<16xf32>
        %parallel_loop3A_1442 = vector.shape_cast %parallel_loop3A_1433 : vector<16xf32> to vector<1x16xf32>
        tpu.vector_store %parallel_loop3A_1437[%parallel_loop3A_1438, %parallel_loop3A_1439], %parallel_loop3A_1442 {strides = array<i32>} : memref<128x128xf32, #tpu.memory_space<vmem>>, vector<1x16xf32>,
        %parallel_loop3A_1443 = arith.constant 0 : i32
        %parallel_loop3A_1444 = arith.constant 0 : i32
        %parallel_loop3A_1445 = tpu.memref_slice %arg6[%parallel_loop3A_1063, %parallel_loop3A_1443, %parallel_loop3A_1444] : memref<2x256x128xf32, #tpu.memory_space<vmem>> -> memref<1x256x128xf32, #tpu.memory_space<vmem>>
        %parallel_loop3A_1446 = tpu.memref_squeeze %parallel_loop3A_1445 : memref<1x256x128xf32, #tpu.memory_space<vmem>> -> memref<256x128xf32, #tpu.memory_space<vmem>>
        %parallel_loop3A_1447 = arith.index_cast %parallel_loop3A_1274 : i32 to index
        %parallel_loop3A_1448 = arith.constant 96 : index
        %parallel_loop3A_1449 = tpu.vector_load %parallel_loop3A_1446[%parallel_loop3A_1447, %parallel_loop3A_1448] {strides = array<i32>} : memref<256x128xf32, #tpu.memory_space<vmem>>, vector<1x16xf32>,
        %parallel_loop3A_1450 = vector.shape_cast %parallel_loop3A_1449 : vector<1x16xf32> to vector<16xf32>
        %parallel_loop3A_1451 = arith.constant 128 : i32
        %parallel_loop3A_1452 = arith.addi %parallel_loop3A_1451, %parallel_loop3A_1274 : i32
        %parallel_loop3A_1453 = arith.constant 0 : i32
        %parallel_loop3A_1454 = arith.constant 0 : i32
        %parallel_loop3A_1455 = tpu.memref_slice %arg6[%parallel_loop3A_1063, %parallel_loop3A_1453, %parallel_loop3A_1454] : memref<2x256x128xf32, #tpu.memory_space<vmem>> -> memref<1x256x128xf32, #tpu.memory_space<vmem>>
        %parallel_loop3A_1456 = tpu.memref_squeeze %parallel_loop3A_1455 : memref<1x256x128xf32, #tpu.memory_space<vmem>> -> memref<256x128xf32, #tpu.memory_space<vmem>>
        %parallel_loop3A_1457 = arith.index_cast %parallel_loop3A_1452 : i32 to index
        %parallel_loop3A_1458 = arith.constant 96 : index
        %parallel_loop3A_1459 = tpu.vector_load %parallel_loop3A_1456[%parallel_loop3A_1457, %parallel_loop3A_1458] {strides = array<i32>} : memref<256x128xf32, #tpu.memory_space<vmem>>, vector<1x16xf32>,
        %parallel_loop3A_1460 = vector.shape_cast %parallel_loop3A_1459 : vector<1x16xf32> to vector<16xf32>
        %parallel_loop3A_1461 = arith.addf %parallel_loop3A_1450, %parallel_loop3A_1460 : vector<16xf32>
        %parallel_loop3A_1462 = arith.constant 0 : i32
        %parallel_loop3A_1463 = arith.constant 0 : i32
        %parallel_loop3A_1464 = tpu.memref_slice %arg7[%parallel_loop3A_1064, %parallel_loop3A_1462, %parallel_loop3A_1463] : memref<2x128x128xf32, #tpu.memory_space<vmem>> -> memref<1x128x128xf32, #tpu.memory_space<vmem>>
        %parallel_loop3A_1465 = tpu.memref_squeeze %parallel_loop3A_1464 : memref<1x128x128xf32, #tpu.memory_space<vmem>> -> memref<128x128xf32, #tpu.memory_space<vmem>>
        %parallel_loop3A_1466 = arith.index_cast %parallel_loop3A_1274 : i32 to index
        %parallel_loop3A_1467 = arith.constant 96 : index
        %parallel_loop3A_1468 = tpu.vector_load %parallel_loop3A_1465[%parallel_loop3A_1466, %parallel_loop3A_1467] {strides = array<i32>} : memref<128x128xf32, #tpu.memory_space<vmem>>, vector<1x16xf32>,
        %parallel_loop3A_1469 = vector.shape_cast %parallel_loop3A_1468 : vector<1x16xf32> to vector<16xf32>
        %parallel_loop3A_1470 = vector.shape_cast %parallel_loop3A_1461 : vector<16xf32> to vector<1x16xf32>
        tpu.vector_store %parallel_loop3A_1465[%parallel_loop3A_1466, %parallel_loop3A_1467], %parallel_loop3A_1470 {strides = array<i32>} : memref<128x128xf32, #tpu.memory_space<vmem>>, vector<1x16xf32>,
        %parallel_loop3A_1471 = arith.constant 0 : i32
        %parallel_loop3A_1472 = arith.constant 0 : i32
        %parallel_loop3A_1473 = tpu.memref_slice %arg6[%parallel_loop3A_1063, %parallel_loop3A_1471, %parallel_loop3A_1472] : memref<2x256x128xf32, #tpu.memory_space<vmem>> -> memref<1x256x128xf32, #tpu.memory_space<vmem>>
        %parallel_loop3A_1474 = tpu.memref_squeeze %parallel_loop3A_1473 : memref<1x256x128xf32, #tpu.memory_space<vmem>> -> memref<256x128xf32, #tpu.memory_space<vmem>>
        %parallel_loop3A_1475 = arith.index_cast %parallel_loop3A_1274 : i32 to index
        %parallel_loop3A_1476 = arith.constant 112 : index
        %parallel_loop3A_1477 = tpu.vector_load %parallel_loop3A_1474[%parallel_loop3A_1475, %parallel_loop3A_1476] {strides = array<i32>} : memref<256x128xf32, #tpu.memory_space<vmem>>, vector<1x16xf32>,
        %parallel_loop3A_1478 = vector.shape_cast %parallel_loop3A_1477 : vector<1x16xf32> to vector<16xf32>
        %parallel_loop3A_1479 = arith.constant 128 : i32
        %parallel_loop3A_1480 = arith.addi %parallel_loop3A_1479, %parallel_loop3A_1274 : i32
        %parallel_loop3A_1481 = arith.constant 0 : i32
        %parallel_loop3A_1482 = arith.constant 0 : i32
        %parallel_loop3A_1483 = tpu.memref_slice %arg6[%parallel_loop3A_1063, %parallel_loop3A_1481, %parallel_loop3A_1482] : memref<2x256x128xf32, #tpu.memory_space<vmem>> -> memref<1x256x128xf32, #tpu.memory_space<vmem>>
        %parallel_loop3A_1484 = tpu.memref_squeeze %parallel_loop3A_1483 : memref<1x256x128xf32, #tpu.memory_space<vmem>> -> memref<256x128xf32, #tpu.memory_space<vmem>>
        %parallel_loop3A_1485 = arith.index_cast %parallel_loop3A_1480 : i32 to index
        %parallel_loop3A_1486 = arith.constant 112 : index
        %parallel_loop3A_1487 = tpu.vector_load %parallel_loop3A_1484[%parallel_loop3A_1485, %parallel_loop3A_1486] {strides = array<i32>} : memref<256x128xf32, #tpu.memory_space<vmem>>, vector<1x16xf32>,
        %parallel_loop3A_1488 = vector.shape_cast %parallel_loop3A_1487 : vector<1x16xf32> to vector<16xf32>
        %parallel_loop3A_1489 = arith.addf %parallel_loop3A_1478, %parallel_loop3A_1488 : vector<16xf32>
        %parallel_loop3A_1490 = arith.constant 0 : i32
        %parallel_loop3A_1491 = arith.constant 0 : i32
        %parallel_loop3A_1492 = tpu.memref_slice %arg7[%parallel_loop3A_1064, %parallel_loop3A_1490, %parallel_loop3A_1491] : memref<2x128x128xf32, #tpu.memory_space<vmem>> -> memref<1x128x128xf32, #tpu.memory_space<vmem>>
        %parallel_loop3A_1493 = tpu.memref_squeeze %parallel_loop3A_1492 : memref<1x128x128xf32, #tpu.memory_space<vmem>> -> memref<128x128xf32, #tpu.memory_space<vmem>>
        %parallel_loop3A_1494 = arith.index_cast %parallel_loop3A_1274 : i32 to index
        %parallel_loop3A_1495 = arith.constant 112 : index
        %parallel_loop3A_1496 = tpu.vector_load %parallel_loop3A_1493[%parallel_loop3A_1494, %parallel_loop3A_1495] {strides = array<i32>} : memref<128x128xf32, #tpu.memory_space<vmem>>, vector<1x16xf32>,
        %parallel_loop3A_1497 = vector.shape_cast %parallel_loop3A_1496 : vector<1x16xf32> to vector<16xf32>
        %parallel_loop3A_1498 = vector.shape_cast %parallel_loop3A_1489 : vector<16xf32> to vector<1x16xf32>
        tpu.vector_store %parallel_loop3A_1493[%parallel_loop3A_1494, %parallel_loop3A_1495], %parallel_loop3A_1498 {strides = array<i32>} : memref<128x128xf32, #tpu.memory_space<vmem>>, vector<1x16xf32>,
      } {sc.loop_unroll_factor = 4 : i64, sc.parallel_access}
      %dma_start3A_1065 = arith.constant 0 : i32
      %dma_start3A_1066 = arith.constant 0 : i32
      %dma_start3A_1067 = arith.constant 0 : i32
      %dma_start3A_1068 = arith.constant 0 : i32
      %dma_start3A_1069 = tpu.memref_slice %arg7[%dma_start3A_1065, %dma_start3A_1067, %dma_start3A_1068] : memref<2x128x128xf32, #tpu.memory_space<vmem>> -> memref<1x128x128xf32, #tpu.memory_space<vmem>>
      %dma_start3A_1070 = tpu.memref_squeeze %dma_start3A_1069 : memref<1x128x128xf32, #tpu.memory_space<vmem>> -> memref<128x128xf32, #tpu.memory_space<vmem>>
      %dma_start3A_1071 = arith.constant 0 : i32
      %dma_start3A_1072 = tpu.memref_slice %arg8[%dma_start3A_1066, %dma_start3A_1071] : memref<2x128xi32, #tpu.memory_space<vmem>> -> memref<1x128xi32, #tpu.memory_space<vmem>>
      %dma_start3A_1073 = tpu.memref_squeeze %dma_start3A_1072 : memref<1x128xi32, #tpu.memory_space<vmem>> -> memref<128xi32, #tpu.memory_space<vmem>>
      %dma_start3A_1074 = arith.constant 0 : i32
      %dma_start3A_1075 = arith.constant 0 : i32
      %dma_start3A_1076 = tpu.memref_slice %arg4[%dma_start3A_1074, %dma_start3A_1075] : memref<204800x128xf32, #tpu.memory_space<hbm>> -> memref<204800x128xf32, #tpu.memory_space<hbm>>
      tpu.enqueue_indirect_dma source(%dma_start3A_1070 : memref<128x128xf32, #tpu.memory_space<vmem>>) target(%dma_start3A_1076 : memref<204800x128xf32, #tpu.memory_space<hbm>>) offsets(%dma_start3A_1073 : memref<128xi32, #tpu.memory_space<vmem>>) semaphore(%arg12 : memref<!tpu.dma_semaphore, #tpu.memory_space<semaphore_mem>>)
      %add3A_1077 = arith.constant 2 : i32
      %add3A_1078 = arith.addi %mul3A_881, %add3A_1077 : i32
      %mul3A_1079 = arith.constant 2 : i32
      %mul3A_1080 = arith.muli %mul3A_1079, %add3A_1078 : i32
      %add3A_1081 = arith.addi %sub3A_23, %mul3A_1080 : i32
      %dma_start3A_1082 = arith.constant 0 : i32
      %dma_start3A_1083 = arith.constant 0 : i32
      %dma_start3A_1084 = arith.constant 0 : i32
      %dma_start3A_1085 = tpu.memref_slice %arg6[%dma_start3A_1082, %dma_start3A_1083, %dma_start3A_1084] : memref<2x256x128xf32, #tpu.memory_space<vmem>> -> memref<1x128x128xf32, #tpu.memory_space<vmem>>
      %dma_start3A_1086 = tpu.memref_squeeze %dma_start3A_1085 : memref<1x128x128xf32, #tpu.memory_space<vmem>> -> memref<128x128xf32, #tpu.memory_space<vmem>>
      %dma_start3A_1087 = arith.constant 0 : i32
      %dma_start3A_1088 = tpu.memref_slice %arg5[%add3A_1081, %dma_start3A_1087] : memref<104x128xi32, #tpu.memory_space<vmem>> -> memref<1x128xi32, #tpu.memory_space<vmem>>
      %dma_start3A_1089 = tpu.memref_squeeze %dma_start3A_1088 : memref<1x128xi32, #tpu.memory_space<vmem>> -> memref<128xi32, #tpu.memory_space<vmem>>
      %dma_start3A_1090 = arith.constant 0 : i32
      %dma_start3A_1091 = arith.constant 0 : i32
      %dma_start3A_1092 = tpu.memref_slice %arg3[%dma_start3A_1090, %dma_start3A_1091] : memref<102048x128xf32, #tpu.memory_space<hbm>> -> memref<102048x128xf32, #tpu.memory_space<hbm>>
      tpu.enqueue_indirect_dma source(%dma_start3A_1092 : memref<102048x128xf32, #tpu.memory_space<hbm>>) target(%dma_start3A_1086 : memref<128x128xf32, #tpu.memory_space<vmem>>) offsets(%dma_start3A_1089 : memref<128xi32, #tpu.memory_space<vmem>>) semaphore(%arg10 : memref<!tpu.dma_semaphore, #tpu.memory_space<semaphore_mem>>)
      %mul3A_1093 = arith.constant 2 : i32
      %mul3A_1094 = arith.muli %mul3A_1093, %add3A_1078 : i32
      %add3A_1095 = arith.addi %sub3A_23, %mul3A_1094 : i32
      %add3A_1096 = arith.constant 1 : i32
      %add3A_1097 = arith.addi %add3A_1095, %add3A_1096 : i32
      %dma_start3A_1098 = arith.constant 0 : i32
      %dma_start3A_1099 = arith.constant 128 : i32
      %dma_start3A_1100 = arith.constant 0 : i32
      %dma_start3A_1101 = tpu.memref_slice %arg6[%dma_start3A_1098, %dma_start3A_1099, %dma_start3A_1100] : memref<2x256x128xf32, #tpu.memory_space<vmem>> -> memref<1x128x128xf32, #tpu.memory_space<vmem>>
      %dma_start3A_1102 = tpu.memref_squeeze %dma_start3A_1101 : memref<1x128x128xf32, #tpu.memory_space<vmem>> -> memref<128x128xf32, #tpu.memory_space<vmem>>
      %dma_start3A_1103 = arith.constant 0 : i32
      %dma_start3A_1104 = tpu.memref_slice %arg5[%add3A_1097, %dma_start3A_1103] : memref<104x128xi32, #tpu.memory_space<vmem>> -> memref<1x128xi32, #tpu.memory_space<vmem>>
      %dma_start3A_1105 = tpu.memref_squeeze %dma_start3A_1104 : memref<1x128xi32, #tpu.memory_space<vmem>> -> memref<128xi32, #tpu.memory_space<vmem>>
      %dma_start3A_1106 = arith.constant 0 : i32
      %dma_start3A_1107 = arith.constant 0 : i32
      %dma_start3A_1108 = tpu.memref_slice %arg3[%dma_start3A_1106, %dma_start3A_1107] : memref<102048x128xf32, #tpu.memory_space<hbm>> -> memref<102048x128xf32, #tpu.memory_space<hbm>>
      tpu.enqueue_indirect_dma source(%dma_start3A_1108 : memref<102048x128xf32, #tpu.memory_space<hbm>>) target(%dma_start3A_1102 : memref<128x128xf32, #tpu.memory_space<vmem>>) offsets(%dma_start3A_1105 : memref<128xi32, #tpu.memory_space<vmem>>) semaphore(%arg10 : memref<!tpu.dma_semaphore, #tpu.memory_space<semaphore_mem>>)
      %dma_wait3A_1109 = arith.constant 1 : i32
      %dma_wait3A_1110 = arith.constant 0 : i32
      %dma_wait3A_1111 = arith.constant 0 : i32
      %dma_wait3A_1112 = tpu.memref_slice %arg6[%dma_wait3A_1109, %dma_wait3A_1110, %dma_wait3A_1111] : memref<2x256x128xf32, #tpu.memory_space<vmem>> -> memref<1x256x128xf32, #tpu.memory_space<vmem>>
      %dma_wait3A_1113 = tpu.memref_squeeze %dma_wait3A_1112 : memref<1x256x128xf32, #tpu.memory_space<vmem>> -> memref<256x128xf32, #tpu.memory_space<vmem>>
      %dma_wait3A_1114 = arith.constant 0 : i32
      %dma_wait3A_1115 = arith.constant 0 : i32
      %dma_wait3A_1116 = tpu.memref_slice %arg3[%dma_wait3A_1114, %dma_wait3A_1115] : memref<102048x128xf32, #tpu.memory_space<hbm>> -> memref<256x128xf32, #tpu.memory_space<hbm>>
      %dma_wait3A_1117 = arith.constant 0 : i32
      %dma_wait3A_1118 = arith.constant 0 : i32
      %dma_wait3A_1119 = tpu.memref_slice %arg6[%dma_wait3A_1109, %dma_wait3A_1117, %dma_wait3A_1118] : memref<2x256x128xf32, #tpu.memory_space<vmem>> -> memref<1x256x128xf32, #tpu.memory_space<vmem>>
      %dma_wait3A_1120 = tpu.memref_squeeze %dma_wait3A_1119 : memref<1x256x128xf32, #tpu.memory_space<vmem>> -> memref<256x128xf32, #tpu.memory_space<vmem>>
      %dma_wait3A_1121 = arith.constant 0 : i32
      %dma_wait3A_1122 = arith.constant 0 : i32
      %dma_wait3A_1123 = tpu.memref_slice %arg3[%dma_wait3A_1121, %dma_wait3A_1122] : memref<102048x128xf32, #tpu.memory_space<hbm>> -> memref<256x128xf32, #tpu.memory_space<hbm>>
      tpu.wait_dma2 semaphore(%arg11 : memref<!tpu.dma_semaphore, #tpu.memory_space<semaphore_mem>>) src(%dma_wait3A_1123 : memref<256x128xf32, #tpu.memory_space<hbm>>) dst(%dma_wait3A_1120 : memref<256x128xf32, #tpu.memory_space<vmem>>)
      %add3A_1124 = arith.constant 1 : i32
      %add3A_1125 = arith.addi %mul3A_881, %add3A_1124 : i32
      %dma_wait3A_1126 = arith.constant 1 : i32
      %dma_wait3A_1127 = arith.constant 1 : i32
      %dma_wait3A_1128 = arith.constant 0 : i32
      %dma_wait3A_1129 = arith.constant 0 : i32
      %dma_wait3A_1130 = tpu.memref_slice %arg7[%dma_wait3A_1126, %dma_wait3A_1128, %dma_wait3A_1129] : memref<2x128x128xf32, #tpu.memory_space<vmem>> -> memref<1x128x128xf32, #tpu.memory_space<vmem>>
      %dma_wait3A_1131 = tpu.memref_squeeze %dma_wait3A_1130 : memref<1x128x128xf32, #tpu.memory_space<vmem>> -> memref<128x128xf32, #tpu.memory_space<vmem>>
      %dma_wait3A_1132 = arith.constant 0 : i32
      %dma_wait3A_1133 = tpu.memref_slice %arg8[%dma_wait3A_1127, %dma_wait3A_1132] : memref<2x128xi32, #tpu.memory_space<vmem>> -> memref<1x128xi32, #tpu.memory_space<vmem>>
      %dma_wait3A_1134 = tpu.memref_squeeze %dma_wait3A_1133 : memref<1x128xi32, #tpu.memory_space<vmem>> -> memref<128xi32, #tpu.memory_space<vmem>>
      %dma_wait3A_1135 = arith.constant 0 : i32
      %dma_wait3A_1136 = arith.constant 0 : i32
      %dma_wait3A_1137 = tpu.memref_slice %arg4[%dma_wait3A_1135, %dma_wait3A_1136] : memref<204800x128xf32, #tpu.memory_space<hbm>> -> memref<204800x128xf32, #tpu.memory_space<hbm>>
      tpu.wait_indirect_dma semaphore(%arg13 : memref<!tpu.dma_semaphore, #tpu.memory_space<semaphore_mem>>) src(%dma_wait3A_1131 : memref<128x128xf32, #tpu.memory_space<vmem>>) dst(%dma_wait3A_1137 : memref<204800x128xf32, #tpu.memory_space<hbm>>)
      %add3A_1138 = arith.addi %mul3A_2, %add3A_1125 : i32
      %jit3A_1139 = arith.constant 8 : i32
      %div3A_1140 = arith.divsi %add3A_1138, %jit3A_1139 : i32
      %sign3A_1141 = arith.constant 0 : i32
      %sign3A_1142 = arith.cmpi sgt, %add3A_1138, %sign3A_1141 : i32
      %sign3A_1143 = arith.extui %sign3A_1142 : i1 to i32
      %sign3A_1144 = arith.constant 0 : i32
      %sign3A_1145 = arith.cmpi slt, %add3A_1138, %sign3A_1144 : i32
      %sign3A_1146 = arith.extui %sign3A_1145 : i1 to i32
      %sign3A_1147 = arith.subi %sign3A_1143, %sign3A_1146 : i32
      %sign3A_1148 = arith.constant 0 : i32
      %sign3A_1149 = arith.cmpi sgt, %jit3A_1139, %sign3A_1148 : i32
      %sign3A_1150 = arith.extui %sign3A_1149 : i1 to i32
      %sign3A_1151 = arith.constant 0 : i32
      %sign3A_1152 = arith.cmpi slt, %jit3A_1139, %sign3A_1151 : i32
      %sign3A_1153 = arith.extui %sign3A_1152 : i1 to i32
      %sign3A_1154 = arith.subi %sign3A_1150, %sign3A_1153 : i32
      %ne3A_1155 = arith.cmpi ne, %sign3A_1147, %sign3A_1154 : i32
      %rem3A_1156 = arith.remsi %add3A_1138, %jit3A_1139 : i32
      %ne3A_1157 = arith.constant 0 : i32
      %ne3A_1158 = arith.cmpi ne, %rem3A_1156, %ne3A_1157 : i32
      %and3A_1159 = arith.andi %ne3A_1155, %ne3A_1158 : i1
      %sub3A_1160 = arith.constant 1 : i32
      %sub3A_1161 = arith.subi %div3A_1140, %sub3A_1160 : i32
      %select_n3A_1162 = arith.select %and3A_1159, %sub3A_1161, %div3A_1140 : i32
      %mul3A_1163 = arith.constant 8 : i32
      %mul3A_1164 = arith.muli %select_n3A_1162, %mul3A_1163 : i32
      %sub3A_1165 = arith.subi %add3A_1138, %mul3A_1164 : i32
      %mul3A_1166 = arith.constant 25600 : i32
      %mul3A_1167 = arith.muli %sub3A_1165, %mul3A_1166 : i32
      %add3A_1168 = arith.addi %mul3A_1167, %select_n3A_1162 : i32
      %get3A_1169 = arith.constant 0 : index
      %get3A_1170 = tpu.vector_load %arg9[%get3A_1169] {strides = array<i32>} : memref<128xi32, #tpu.memory_space<vmem>>, vector<16xi32>,
      %get3A_1171 = vector.shape_cast %get3A_1170 : vector<16xi32> to vector<16xi32>
      %add3A_1172 = vector.broadcast %add3A_1168 : i32 to vector<16xi32>
      %add3A_1173 = arith.addi %get3A_1171, %add3A_1172 : vector<16xi32>
      %swap3A_1174 = arith.constant 1 : i32
      %swap3A_1175 = arith.index_cast %swap3A_1174 : i32 to index
      %swap3A_1176 = arith.constant 0 : index
      %swap3A_1177 = tpu.vector_load %arg8[%swap3A_1175, %swap3A_1176] {strides = array<i32>} : memref<2x128xi32, #tpu.memory_space<vmem>>, vector<1x16xi32>,
      %swap3A_1178 = vector.shape_cast %swap3A_1177 : vector<1x16xi32> to vector<16xi32>
      %swap3A_1179 = vector.shape_cast %add3A_1173 : vector<16xi32> to vector<1x16xi32>
      tpu.vector_store %arg8[%swap3A_1175, %swap3A_1176], %swap3A_1179 {strides = array<i32>} : memref<2x128xi32, #tpu.memory_space<vmem>>, vector<1x16xi32>,
      %get3A_1180 = arith.constant 16 : index
      %get3A_1181 = tpu.vector_load %arg9[%get3A_1180] {strides = array<i32>} : memref<128xi32, #tpu.memory_space<vmem>>, vector<16xi32>,
      %get3A_1182 = vector.shape_cast %get3A_1181 : vector<16xi32> to vector<16xi32>
      %add3A_1183 = vector.broadcast %add3A_1168 : i32 to vector<16xi32>
      %add3A_1184 = arith.addi %get3A_1182, %add3A_1183 : vector<16xi32>
      %swap3A_1185 = arith.constant 1 : i32
      %swap3A_1186 = arith.index_cast %swap3A_1185 : i32 to index
      %swap3A_1187 = arith.constant 16 : index
      %swap3A_1188 = tpu.vector_load %arg8[%swap3A_1186, %swap3A_1187] {strides = array<i32>} : memref<2x128xi32, #tpu.memory_space<vmem>>, vector<1x16xi32>,
      %swap3A_1189 = vector.shape_cast %swap3A_1188 : vector<1x16xi32> to vector<16xi32>
      %swap3A_1190 = vector.shape_cast %add3A_1184 : vector<16xi32> to vector<1x16xi32>
      tpu.vector_store %arg8[%swap3A_1186, %swap3A_1187], %swap3A_1190 {strides = array<i32>} : memref<2x128xi32, #tpu.memory_space<vmem>>, vector<1x16xi32>,
      %get3A_1191 = arith.constant 32 : index
      %get3A_1192 = tpu.vector_load %arg9[%get3A_1191] {strides = array<i32>} : memref<128xi32, #tpu.memory_space<vmem>>, vector<16xi32>,
      %get3A_1193 = vector.shape_cast %get3A_1192 : vector<16xi32> to vector<16xi32>
      %add3A_1194 = vector.broadcast %add3A_1168 : i32 to vector<16xi32>
      %add3A_1195 = arith.addi %get3A_1193, %add3A_1194 : vector<16xi32>
      %swap3A_1196 = arith.constant 1 : i32
      %swap3A_1197 = arith.index_cast %swap3A_1196 : i32 to index
      %swap3A_1198 = arith.constant 32 : index
      %swap3A_1199 = tpu.vector_load %arg8[%swap3A_1197, %swap3A_1198] {strides = array<i32>} : memref<2x128xi32, #tpu.memory_space<vmem>>, vector<1x16xi32>,
      %swap3A_1200 = vector.shape_cast %swap3A_1199 : vector<1x16xi32> to vector<16xi32>
      %swap3A_1201 = vector.shape_cast %add3A_1195 : vector<16xi32> to vector<1x16xi32>
      tpu.vector_store %arg8[%swap3A_1197, %swap3A_1198], %swap3A_1201 {strides = array<i32>} : memref<2x128xi32, #tpu.memory_space<vmem>>, vector<1x16xi32>,
      %get3A_1202 = arith.constant 48 : index
      %get3A_1203 = tpu.vector_load %arg9[%get3A_1202] {strides = array<i32>} : memref<128xi32, #tpu.memory_space<vmem>>, vector<16xi32>,
      %get3A_1204 = vector.shape_cast %get3A_1203 : vector<16xi32> to vector<16xi32>
      %add3A_1205 = vector.broadcast %add3A_1168 : i32 to vector<16xi32>
      %add3A_1206 = arith.addi %get3A_1204, %add3A_1205 : vector<16xi32>
      %swap3A_1207 = arith.constant 1 : i32
      %swap3A_1208 = arith.index_cast %swap3A_1207 : i32 to index
      %swap3A_1209 = arith.constant 48 : index
      %swap3A_1210 = tpu.vector_load %arg8[%swap3A_1208, %swap3A_1209] {strides = array<i32>} : memref<2x128xi32, #tpu.memory_space<vmem>>, vector<1x16xi32>,
      %swap3A_1211 = vector.shape_cast %swap3A_1210 : vector<1x16xi32> to vector<16xi32>
      %swap3A_1212 = vector.shape_cast %add3A_1206 : vector<16xi32> to vector<1x16xi32>
      tpu.vector_store %arg8[%swap3A_1208, %swap3A_1209], %swap3A_1212 {strides = array<i32>} : memref<2x128xi32, #tpu.memory_space<vmem>>, vector<1x16xi32>,
      %get3A_1213 = arith.constant 64 : index
      %get3A_1214 = tpu.vector_load %arg9[%get3A_1213] {strides = array<i32>} : memref<128xi32, #tpu.memory_space<vmem>>, vector<16xi32>,
      %get3A_1215 = vector.shape_cast %get3A_1214 : vector<16xi32> to vector<16xi32>
      %add3A_1216 = vector.broadcast %add3A_1168 : i32 to vector<16xi32>
      %add3A_1217 = arith.addi %get3A_1215, %add3A_1216 : vector<16xi32>
      %swap3A_1218 = arith.constant 1 : i32
      %swap3A_1219 = arith.index_cast %swap3A_1218 : i32 to index
      %swap3A_1220 = arith.constant 64 : index
      %swap3A_1221 = tpu.vector_load %arg8[%swap3A_1219, %swap3A_1220] {strides = array<i32>} : memref<2x128xi32, #tpu.memory_space<vmem>>, vector<1x16xi32>,
      %swap3A_1222 = vector.shape_cast %swap3A_1221 : vector<1x16xi32> to vector<16xi32>
      %swap3A_1223 = vector.shape_cast %add3A_1217 : vector<16xi32> to vector<1x16xi32>
      tpu.vector_store %arg8[%swap3A_1219, %swap3A_1220], %swap3A_1223 {strides = array<i32>} : memref<2x128xi32, #tpu.memory_space<vmem>>, vector<1x16xi32>,
      %get3A_1224 = arith.constant 80 : index
      %get3A_1225 = tpu.vector_load %arg9[%get3A_1224] {strides = array<i32>} : memref<128xi32, #tpu.memory_space<vmem>>, vector<16xi32>,
      %get3A_1226 = vector.shape_cast %get3A_1225 : vector<16xi32> to vector<16xi32>
      %add3A_1227 = vector.broadcast %add3A_1168 : i32 to vector<16xi32>
      %add3A_1228 = arith.addi %get3A_1226, %add3A_1227 : vector<16xi32>
      %swap3A_1229 = arith.constant 1 : i32
      %swap3A_1230 = arith.index_cast %swap3A_1229 : i32 to index
      %swap3A_1231 = arith.constant 80 : index
      %swap3A_1232 = tpu.vector_load %arg8[%swap3A_1230, %swap3A_1231] {strides = array<i32>} : memref<2x128xi32, #tpu.memory_space<vmem>>, vector<1x16xi32>,
      %swap3A_1233 = vector.shape_cast %swap3A_1232 : vector<1x16xi32> to vector<16xi32>
      %swap3A_1234 = vector.shape_cast %add3A_1228 : vector<16xi32> to vector<1x16xi32>
      tpu.vector_store %arg8[%swap3A_1230, %swap3A_1231], %swap3A_1234 {strides = array<i32>} : memref<2x128xi32, #tpu.memory_space<vmem>>, vector<1x16xi32>,
      %get3A_1235 = arith.constant 96 : index
      %get3A_1236 = tpu.vector_load %arg9[%get3A_1235] {strides = array<i32>} : memref<128xi32, #tpu.memory_space<vmem>>, vector<16xi32>,
      %get3A_1237 = vector.shape_cast %get3A_1236 : vector<16xi32> to vector<16xi32>
      %add3A_1238 = vector.broadcast %add3A_1168 : i32 to vector<16xi32>
      %add3A_1239 = arith.addi %get3A_1237, %add3A_1238 : vector<16xi32>
      %swap3A_1240 = arith.constant 1 : i32
      %swap3A_1241 = arith.index_cast %swap3A_1240 : i32 to index
      %swap3A_1242 = arith.constant 96 : index
      %swap3A_1243 = tpu.vector_load %arg8[%swap3A_1241, %swap3A_1242] {strides = array<i32>} : memref<2x128xi32, #tpu.memory_space<vmem>>, vector<1x16xi32>,
      %swap3A_1244 = vector.shape_cast %swap3A_1243 : vector<1x16xi32> to vector<16xi32>
      %swap3A_1245 = vector.shape_cast %add3A_1239 : vector<16xi32> to vector<1x16xi32>
      tpu.vector_store %arg8[%swap3A_1241, %swap3A_1242], %swap3A_1245 {strides = array<i32>} : memref<2x128xi32, #tpu.memory_space<vmem>>, vector<1x16xi32>,
      %get3A_1246 = arith.constant 112 : index
      %get3A_1247 = tpu.vector_load %arg9[%get3A_1246] {strides = array<i32>} : memref<128xi32, #tpu.memory_space<vmem>>, vector<16xi32>,
      %get3A_1248 = vector.shape_cast %get3A_1247 : vector<16xi32> to vector<16xi32>
      %add3A_1249 = vector.broadcast %add3A_1168 : i32 to vector<16xi32>
      %add3A_1250 = arith.addi %get3A_1248, %add3A_1249 : vector<16xi32>
      %swap3A_1251 = arith.constant 1 : i32
      %swap3A_1252 = arith.index_cast %swap3A_1251 : i32 to index
      %swap3A_1253 = arith.constant 112 : index
      %swap3A_1254 = tpu.vector_load %arg8[%swap3A_1252, %swap3A_1253] {strides = array<i32>} : memref<2x128xi32, #tpu.memory_space<vmem>>, vector<1x16xi32>,
      %swap3A_1255 = vector.shape_cast %swap3A_1254 : vector<1x16xi32> to vector<16xi32>
      %swap3A_1256 = vector.shape_cast %add3A_1250 : vector<16xi32> to vector<1x16xi32>
      tpu.vector_store %arg8[%swap3A_1252, %swap3A_1253], %swap3A_1256 {strides = array<i32>} : memref<2x128xi32, #tpu.memory_space<vmem>>, vector<1x16xi32>,
      %parallel_loop3A_1257 = arith.constant 0 : i32
      %parallel_loop3A_1258 = arith.constant 128 : i32
      %parallel_loop3A_1259 = arith.constant 1 : i32
      %parallel_loop3A_1260 = arith.constant 1 : i32
      %parallel_loop3A_1261 = arith.constant 1 : i32
      scf.for %parallel_loop3A_1274 = %parallel_loop3A_1257 to %parallel_loop3A_1258 step %parallel_loop3A_1259  : i32 {
        %parallel_loop3A_1275 = arith.constant 0 : i32
        %parallel_loop3A_1276 = arith.constant 0 : i32
        %parallel_loop3A_1277 = tpu.memref_slice %arg6[%parallel_loop3A_1260, %parallel_loop3A_1275, %parallel_loop3A_1276] : memref<2x256x128xf32, #tpu.memory_space<vmem>> -> memref<1x256x128xf32, #tpu.memory_space<vmem>>
        %parallel_loop3A_1278 = tpu.memref_squeeze %parallel_loop3A_1277 : memref<1x256x128xf32, #tpu.memory_space<vmem>> -> memref<256x128xf32, #tpu.memory_space<vmem>>
        %parallel_loop3A_1279 = arith.index_cast %parallel_loop3A_1274 : i32 to index
        %parallel_loop3A_1280 = arith.constant 0 : index
        %parallel_loop3A_1281 = tpu.vector_load %parallel_loop3A_1278[%parallel_loop3A_1279, %parallel_loop3A_1280] {strides = array<i32>} : memref<256x128xf32, #tpu.memory_space<vmem>>, vector<1x16xf32>,
        %parallel_loop3A_1282 = vector.shape_cast %parallel_loop3A_1281 : vector<1x16xf32> to vector<16xf32>
        %parallel_loop3A_1283 = arith.constant 128 : i32
        %parallel_loop3A_1284 = arith.addi %parallel_loop3A_1283, %parallel_loop3A_1274 : i32
        %parallel_loop3A_1285 = arith.constant 0 : i32
        %parallel_loop3A_1286 = arith.constant 0 : i32
        %parallel_loop3A_1287 = tpu.memref_slice %arg6[%parallel_loop3A_1260, %parallel_loop3A_1285, %parallel_loop3A_1286] : memref<2x256x128xf32, #tpu.memory_space<vmem>> -> memref<1x256x128xf32, #tpu.memory_space<vmem>>
        %parallel_loop3A_1288 = tpu.memref_squeeze %parallel_loop3A_1287 : memref<1x256x128xf32, #tpu.memory_space<vmem>> -> memref<256x128xf32, #tpu.memory_space<vmem>>
        %parallel_loop3A_1289 = arith.index_cast %parallel_loop3A_1284 : i32 to index
        %parallel_loop3A_1290 = arith.constant 0 : index
        %parallel_loop3A_1291 = tpu.vector_load %parallel_loop3A_1288[%parallel_loop3A_1289, %parallel_loop3A_1290] {strides = array<i32>} : memref<256x128xf32, #tpu.memory_space<vmem>>, vector<1x16xf32>,
        %parallel_loop3A_1292 = vector.shape_cast %parallel_loop3A_1291 : vector<1x16xf32> to vector<16xf32>
        %parallel_loop3A_1293 = arith.addf %parallel_loop3A_1282, %parallel_loop3A_1292 : vector<16xf32>
        %parallel_loop3A_1294 = arith.constant 0 : i32
        %parallel_loop3A_1295 = arith.constant 0 : i32
        %parallel_loop3A_1296 = tpu.memref_slice %arg7[%parallel_loop3A_1261, %parallel_loop3A_1294, %parallel_loop3A_1295] : memref<2x128x128xf32, #tpu.memory_space<vmem>> -> memref<1x128x128xf32, #tpu.memory_space<vmem>>
        %parallel_loop3A_1297 = tpu.memref_squeeze %parallel_loop3A_1296 : memref<1x128x128xf32, #tpu.memory_space<vmem>> -> memref<128x128xf32, #tpu.memory_space<vmem>>
        %parallel_loop3A_1298 = arith.index_cast %parallel_loop3A_1274 : i32 to index
        %parallel_loop3A_1299 = arith.constant 0 : index
        %parallel_loop3A_1300 = tpu.vector_load %parallel_loop3A_1297[%parallel_loop3A_1298, %parallel_loop3A_1299] {strides = array<i32>} : memref<128x128xf32, #tpu.memory_space<vmem>>, vector<1x16xf32>,
        %parallel_loop3A_1301 = vector.shape_cast %parallel_loop3A_1300 : vector<1x16xf32> to vector<16xf32>
        %parallel_loop3A_1302 = vector.shape_cast %parallel_loop3A_1293 : vector<16xf32> to vector<1x16xf32>
        tpu.vector_store %parallel_loop3A_1297[%parallel_loop3A_1298, %parallel_loop3A_1299], %parallel_loop3A_1302 {strides = array<i32>} : memref<128x128xf32, #tpu.memory_space<vmem>>, vector<1x16xf32>,
        %parallel_loop3A_1303 = arith.constant 0 : i32
        %parallel_loop3A_1304 = arith.constant 0 : i32
        %parallel_loop3A_1305 = tpu.memref_slice %arg6[%parallel_loop3A_1260, %parallel_loop3A_1303, %parallel_loop3A_1304] : memref<2x256x128xf32, #tpu.memory_space<vmem>> -> memref<1x256x128xf32, #tpu.memory_space<vmem>>
        %parallel_loop3A_1306 = tpu.memref_squeeze %parallel_loop3A_1305 : memref<1x256x128xf32, #tpu.memory_space<vmem>> -> memref<256x128xf32, #tpu.memory_space<vmem>>
        %parallel_loop3A_1307 = arith.index_cast %parallel_loop3A_1274 : i32 to index
        %parallel_loop3A_1308 = arith.constant 16 : index
        %parallel_loop3A_1309 = tpu.vector_load %parallel_loop3A_1306[%parallel_loop3A_1307, %parallel_loop3A_1308] {strides = array<i32>} : memref<256x128xf32, #tpu.memory_space<vmem>>, vector<1x16xf32>,
        %parallel_loop3A_1310 = vector.shape_cast %parallel_loop3A_1309 : vector<1x16xf32> to vector<16xf32>
        %parallel_loop3A_1311 = arith.constant 128 : i32
        %parallel_loop3A_1312 = arith.addi %parallel_loop3A_1311, %parallel_loop3A_1274 : i32
        %parallel_loop3A_1313 = arith.constant 0 : i32
        %parallel_loop3A_1314 = arith.constant 0 : i32
        %parallel_loop3A_1315 = tpu.memref_slice %arg6[%parallel_loop3A_1260, %parallel_loop3A_1313, %parallel_loop3A_1314] : memref<2x256x128xf32, #tpu.memory_space<vmem>> -> memref<1x256x128xf32, #tpu.memory_space<vmem>>
        %parallel_loop3A_1316 = tpu.memref_squeeze %parallel_loop3A_1315 : memref<1x256x128xf32, #tpu.memory_space<vmem>> -> memref<256x128xf32, #tpu.memory_space<vmem>>
        %parallel_loop3A_1317 = arith.index_cast %parallel_loop3A_1312 : i32 to index
        %parallel_loop3A_1318 = arith.constant 16 : index
        %parallel_loop3A_1319 = tpu.vector_load %parallel_loop3A_1316[%parallel_loop3A_1317, %parallel_loop3A_1318] {strides = array<i32>} : memref<256x128xf32, #tpu.memory_space<vmem>>, vector<1x16xf32>,
        %parallel_loop3A_1320 = vector.shape_cast %parallel_loop3A_1319 : vector<1x16xf32> to vector<16xf32>
        %parallel_loop3A_1321 = arith.addf %parallel_loop3A_1310, %parallel_loop3A_1320 : vector<16xf32>
        %parallel_loop3A_1322 = arith.constant 0 : i32
        %parallel_loop3A_1323 = arith.constant 0 : i32
        %parallel_loop3A_1324 = tpu.memref_slice %arg7[%parallel_loop3A_1261, %parallel_loop3A_1322, %parallel_loop3A_1323] : memref<2x128x128xf32, #tpu.memory_space<vmem>> -> memref<1x128x128xf32, #tpu.memory_space<vmem>>
        %parallel_loop3A_1325 = tpu.memref_squeeze %parallel_loop3A_1324 : memref<1x128x128xf32, #tpu.memory_space<vmem>> -> memref<128x128xf32, #tpu.memory_space<vmem>>
        %parallel_loop3A_1326 = arith.index_cast %parallel_loop3A_1274 : i32 to index
        %parallel_loop3A_1327 = arith.constant 16 : index
        %parallel_loop3A_1328 = tpu.vector_load %parallel_loop3A_1325[%parallel_loop3A_1326, %parallel_loop3A_1327] {strides = array<i32>} : memref<128x128xf32, #tpu.memory_space<vmem>>, vector<1x16xf32>,
        %parallel_loop3A_1329 = vector.shape_cast %parallel_loop3A_1328 : vector<1x16xf32> to vector<16xf32>
        %parallel_loop3A_1330 = vector.shape_cast %parallel_loop3A_1321 : vector<16xf32> to vector<1x16xf32>
        tpu.vector_store %parallel_loop3A_1325[%parallel_loop3A_1326, %parallel_loop3A_1327], %parallel_loop3A_1330 {strides = array<i32>} : memref<128x128xf32, #tpu.memory_space<vmem>>, vector<1x16xf32>,
        %parallel_loop3A_1331 = arith.constant 0 : i32
        %parallel_loop3A_1332 = arith.constant 0 : i32
        %parallel_loop3A_1333 = tpu.memref_slice %arg6[%parallel_loop3A_1260, %parallel_loop3A_1331, %parallel_loop3A_1332] : memref<2x256x128xf32, #tpu.memory_space<vmem>> -> memref<1x256x128xf32, #tpu.memory_space<vmem>>
        %parallel_loop3A_1334 = tpu.memref_squeeze %parallel_loop3A_1333 : memref<1x256x128xf32, #tpu.memory_space<vmem>> -> memref<256x128xf32, #tpu.memory_space<vmem>>
        %parallel_loop3A_1335 = arith.index_cast %parallel_loop3A_1274 : i32 to index
        %parallel_loop3A_1336 = arith.constant 32 : index
        %parallel_loop3A_1337 = tpu.vector_load %parallel_loop3A_1334[%parallel_loop3A_1335, %parallel_loop3A_1336] {strides = array<i32>} : memref<256x128xf32, #tpu.memory_space<vmem>>, vector<1x16xf32>,
        %parallel_loop3A_1338 = vector.shape_cast %parallel_loop3A_1337 : vector<1x16xf32> to vector<16xf32>
        %parallel_loop3A_1339 = arith.constant 128 : i32
        %parallel_loop3A_1340 = arith.addi %parallel_loop3A_1339, %parallel_loop3A_1274 : i32
        %parallel_loop3A_1341 = arith.constant 0 : i32
        %parallel_loop3A_1342 = arith.constant 0 : i32
        %parallel_loop3A_1343 = tpu.memref_slice %arg6[%parallel_loop3A_1260, %parallel_loop3A_1341, %parallel_loop3A_1342] : memref<2x256x128xf32, #tpu.memory_space<vmem>> -> memref<1x256x128xf32, #tpu.memory_space<vmem>>
        %parallel_loop3A_1344 = tpu.memref_squeeze %parallel_loop3A_1343 : memref<1x256x128xf32, #tpu.memory_space<vmem>> -> memref<256x128xf32, #tpu.memory_space<vmem>>
        %parallel_loop3A_1345 = arith.index_cast %parallel_loop3A_1340 : i32 to index
        %parallel_loop3A_1346 = arith.constant 32 : index
        %parallel_loop3A_1347 = tpu.vector_load %parallel_loop3A_1344[%parallel_loop3A_1345, %parallel_loop3A_1346] {strides = array<i32>} : memref<256x128xf32, #tpu.memory_space<vmem>>, vector<1x16xf32>,
        %parallel_loop3A_1348 = vector.shape_cast %parallel_loop3A_1347 : vector<1x16xf32> to vector<16xf32>
        %parallel_loop3A_1349 = arith.addf %parallel_loop3A_1338, %parallel_loop3A_1348 : vector<16xf32>
        %parallel_loop3A_1350 = arith.constant 0 : i32
        %parallel_loop3A_1351 = arith.constant 0 : i32
        %parallel_loop3A_1352 = tpu.memref_slice %arg7[%parallel_loop3A_1261, %parallel_loop3A_1350, %parallel_loop3A_1351] : memref<2x128x128xf32, #tpu.memory_space<vmem>> -> memref<1x128x128xf32, #tpu.memory_space<vmem>>
        %parallel_loop3A_1353 = tpu.memref_squeeze %parallel_loop3A_1352 : memref<1x128x128xf32, #tpu.memory_space<vmem>> -> memref<128x128xf32, #tpu.memory_space<vmem>>
        %parallel_loop3A_1354 = arith.index_cast %parallel_loop3A_1274 : i32 to index
        %parallel_loop3A_1355 = arith.constant 32 : index
        %parallel_loop3A_1356 = tpu.vector_load %parallel_loop3A_1353[%parallel_loop3A_1354, %parallel_loop3A_1355] {strides = array<i32>} : memref<128x128xf32, #tpu.memory_space<vmem>>, vector<1x16xf32>,
        %parallel_loop3A_1357 = vector.shape_cast %parallel_loop3A_1356 : vector<1x16xf32> to vector<16xf32>
        %parallel_loop3A_1358 = vector.shape_cast %parallel_loop3A_1349 : vector<16xf32> to vector<1x16xf32>
        tpu.vector_store %parallel_loop3A_1353[%parallel_loop3A_1354, %parallel_loop3A_1355], %parallel_loop3A_1358 {strides = array<i32>} : memref<128x128xf32, #tpu.memory_space<vmem>>, vector<1x16xf32>,
        %parallel_loop3A_1359 = arith.constant 0 : i32
        %parallel_loop3A_1360 = arith.constant 0 : i32
        %parallel_loop3A_1361 = tpu.memref_slice %arg6[%parallel_loop3A_1260, %parallel_loop3A_1359, %parallel_loop3A_1360] : memref<2x256x128xf32, #tpu.memory_space<vmem>> -> memref<1x256x128xf32, #tpu.memory_space<vmem>>
        %parallel_loop3A_1362 = tpu.memref_squeeze %parallel_loop3A_1361 : memref<1x256x128xf32, #tpu.memory_space<vmem>> -> memref<256x128xf32, #tpu.memory_space<vmem>>
        %parallel_loop3A_1363 = arith.index_cast %parallel_loop3A_1274 : i32 to index
        %parallel_loop3A_1364 = arith.constant 48 : index
        %parallel_loop3A_1365 = tpu.vector_load %parallel_loop3A_1362[%parallel_loop3A_1363, %parallel_loop3A_1364] {strides = array<i32>} : memref<256x128xf32, #tpu.memory_space<vmem>>, vector<1x16xf32>,
        %parallel_loop3A_1366 = vector.shape_cast %parallel_loop3A_1365 : vector<1x16xf32> to vector<16xf32>
        %parallel_loop3A_1367 = arith.constant 128 : i32
        %parallel_loop3A_1368 = arith.addi %parallel_loop3A_1367, %parallel_loop3A_1274 : i32
        %parallel_loop3A_1369 = arith.constant 0 : i32
        %parallel_loop3A_1370 = arith.constant 0 : i32
        %parallel_loop3A_1371 = tpu.memref_slice %arg6[%parallel_loop3A_1260, %parallel_loop3A_1369, %parallel_loop3A_1370] : memref<2x256x128xf32, #tpu.memory_space<vmem>> -> memref<1x256x128xf32, #tpu.memory_space<vmem>>
        %parallel_loop3A_1372 = tpu.memref_squeeze %parallel_loop3A_1371 : memref<1x256x128xf32, #tpu.memory_space<vmem>> -> memref<256x128xf32, #tpu.memory_space<vmem>>
        %parallel_loop3A_1373 = arith.index_cast %parallel_loop3A_1368 : i32 to index
        %parallel_loop3A_1374 = arith.constant 48 : index
        %parallel_loop3A_1375 = tpu.vector_load %parallel_loop3A_1372[%parallel_loop3A_1373, %parallel_loop3A_1374] {strides = array<i32>} : memref<256x128xf32, #tpu.memory_space<vmem>>, vector<1x16xf32>,
        %parallel_loop3A_1376 = vector.shape_cast %parallel_loop3A_1375 : vector<1x16xf32> to vector<16xf32>
        %parallel_loop3A_1377 = arith.addf %parallel_loop3A_1366, %parallel_loop3A_1376 : vector<16xf32>
        %parallel_loop3A_1378 = arith.constant 0 : i32
        %parallel_loop3A_1379 = arith.constant 0 : i32
        %parallel_loop3A_1380 = tpu.memref_slice %arg7[%parallel_loop3A_1261, %parallel_loop3A_1378, %parallel_loop3A_1379] : memref<2x128x128xf32, #tpu.memory_space<vmem>> -> memref<1x128x128xf32, #tpu.memory_space<vmem>>
        %parallel_loop3A_1381 = tpu.memref_squeeze %parallel_loop3A_1380 : memref<1x128x128xf32, #tpu.memory_space<vmem>> -> memref<128x128xf32, #tpu.memory_space<vmem>>
        %parallel_loop3A_1382 = arith.index_cast %parallel_loop3A_1274 : i32 to index
        %parallel_loop3A_1383 = arith.constant 48 : index
        %parallel_loop3A_1384 = tpu.vector_load %parallel_loop3A_1381[%parallel_loop3A_1382, %parallel_loop3A_1383] {strides = array<i32>} : memref<128x128xf32, #tpu.memory_space<vmem>>, vector<1x16xf32>,
        %parallel_loop3A_1385 = vector.shape_cast %parallel_loop3A_1384 : vector<1x16xf32> to vector<16xf32>
        %parallel_loop3A_1386 = vector.shape_cast %parallel_loop3A_1377 : vector<16xf32> to vector<1x16xf32>
        tpu.vector_store %parallel_loop3A_1381[%parallel_loop3A_1382, %parallel_loop3A_1383], %parallel_loop3A_1386 {strides = array<i32>} : memref<128x128xf32, #tpu.memory_space<vmem>>, vector<1x16xf32>,
        %parallel_loop3A_1387 = arith.constant 0 : i32
        %parallel_loop3A_1388 = arith.constant 0 : i32
        %parallel_loop3A_1389 = tpu.memref_slice %arg6[%parallel_loop3A_1260, %parallel_loop3A_1387, %parallel_loop3A_1388] : memref<2x256x128xf32, #tpu.memory_space<vmem>> -> memref<1x256x128xf32, #tpu.memory_space<vmem>>
        %parallel_loop3A_1390 = tpu.memref_squeeze %parallel_loop3A_1389 : memref<1x256x128xf32, #tpu.memory_space<vmem>> -> memref<256x128xf32, #tpu.memory_space<vmem>>
        %parallel_loop3A_1391 = arith.index_cast %parallel_loop3A_1274 : i32 to index
        %parallel_loop3A_1392 = arith.constant 64 : index
        %parallel_loop3A_1393 = tpu.vector_load %parallel_loop3A_1390[%parallel_loop3A_1391, %parallel_loop3A_1392] {strides = array<i32>} : memref<256x128xf32, #tpu.memory_space<vmem>>, vector<1x16xf32>,
        %parallel_loop3A_1394 = vector.shape_cast %parallel_loop3A_1393 : vector<1x16xf32> to vector<16xf32>
        %parallel_loop3A_1395 = arith.constant 128 : i32
        %parallel_loop3A_1396 = arith.addi %parallel_loop3A_1395, %parallel_loop3A_1274 : i32
        %parallel_loop3A_1397 = arith.constant 0 : i32
        %parallel_loop3A_1398 = arith.constant 0 : i32
        %parallel_loop3A_1399 = tpu.memref_slice %arg6[%parallel_loop3A_1260, %parallel_loop3A_1397, %parallel_loop3A_1398] : memref<2x256x128xf32, #tpu.memory_space<vmem>> -> memref<1x256x128xf32, #tpu.memory_space<vmem>>
        %parallel_loop3A_1400 = tpu.memref_squeeze %parallel_loop3A_1399 : memref<1x256x128xf32, #tpu.memory_space<vmem>> -> memref<256x128xf32, #tpu.memory_space<vmem>>
        %parallel_loop3A_1401 = arith.index_cast %parallel_loop3A_1396 : i32 to index
        %parallel_loop3A_1402 = arith.constant 64 : index
        %parallel_loop3A_1403 = tpu.vector_load %parallel_loop3A_1400[%parallel_loop3A_1401, %parallel_loop3A_1402] {strides = array<i32>} : memref<256x128xf32, #tpu.memory_space<vmem>>, vector<1x16xf32>,
        %parallel_loop3A_1404 = vector.shape_cast %parallel_loop3A_1403 : vector<1x16xf32> to vector<16xf32>
        %parallel_loop3A_1405 = arith.addf %parallel_loop3A_1394, %parallel_loop3A_1404 : vector<16xf32>
        %parallel_loop3A_1406 = arith.constant 0 : i32
        %parallel_loop3A_1407 = arith.constant 0 : i32
        %parallel_loop3A_1408 = tpu.memref_slice %arg7[%parallel_loop3A_1261, %parallel_loop3A_1406, %parallel_loop3A_1407] : memref<2x128x128xf32, #tpu.memory_space<vmem>> -> memref<1x128x128xf32, #tpu.memory_space<vmem>>
        %parallel_loop3A_1409 = tpu.memref_squeeze %parallel_loop3A_1408 : memref<1x128x128xf32, #tpu.memory_space<vmem>> -> memref<128x128xf32, #tpu.memory_space<vmem>>
        %parallel_loop3A_1410 = arith.index_cast %parallel_loop3A_1274 : i32 to index
        %parallel_loop3A_1411 = arith.constant 64 : index
        %parallel_loop3A_1412 = tpu.vector_load %parallel_loop3A_1409[%parallel_loop3A_1410, %parallel_loop3A_1411] {strides = array<i32>} : memref<128x128xf32, #tpu.memory_space<vmem>>, vector<1x16xf32>,
        %parallel_loop3A_1413 = vector.shape_cast %parallel_loop3A_1412 : vector<1x16xf32> to vector<16xf32>
        %parallel_loop3A_1414 = vector.shape_cast %parallel_loop3A_1405 : vector<16xf32> to vector<1x16xf32>
        tpu.vector_store %parallel_loop3A_1409[%parallel_loop3A_1410, %parallel_loop3A_1411], %parallel_loop3A_1414 {strides = array<i32>} : memref<128x128xf32, #tpu.memory_space<vmem>>, vector<1x16xf32>,
        %parallel_loop3A_1415 = arith.constant 0 : i32
        %parallel_loop3A_1416 = arith.constant 0 : i32
        %parallel_loop3A_1417 = tpu.memref_slice %arg6[%parallel_loop3A_1260, %parallel_loop3A_1415, %parallel_loop3A_1416] : memref<2x256x128xf32, #tpu.memory_space<vmem>> -> memref<1x256x128xf32, #tpu.memory_space<vmem>>
        %parallel_loop3A_1418 = tpu.memref_squeeze %parallel_loop3A_1417 : memref<1x256x128xf32, #tpu.memory_space<vmem>> -> memref<256x128xf32, #tpu.memory_space<vmem>>
        %parallel_loop3A_1419 = arith.index_cast %parallel_loop3A_1274 : i32 to index
        %parallel_loop3A_1420 = arith.constant 80 : index
        %parallel_loop3A_1421 = tpu.vector_load %parallel_loop3A_1418[%parallel_loop3A_1419, %parallel_loop3A_1420] {strides = array<i32>} : memref<256x128xf32, #tpu.memory_space<vmem>>, vector<1x16xf32>,
        %parallel_loop3A_1422 = vector.shape_cast %parallel_loop3A_1421 : vector<1x16xf32> to vector<16xf32>
        %parallel_loop3A_1423 = arith.constant 128 : i32
        %parallel_loop3A_1424 = arith.addi %parallel_loop3A_1423, %parallel_loop3A_1274 : i32
        %parallel_loop3A_1425 = arith.constant 0 : i32
        %parallel_loop3A_1426 = arith.constant 0 : i32
        %parallel_loop3A_1427 = tpu.memref_slice %arg6[%parallel_loop3A_1260, %parallel_loop3A_1425, %parallel_loop3A_1426] : memref<2x256x128xf32, #tpu.memory_space<vmem>> -> memref<1x256x128xf32, #tpu.memory_space<vmem>>
        %parallel_loop3A_1428 = tpu.memref_squeeze %parallel_loop3A_1427 : memref<1x256x128xf32, #tpu.memory_space<vmem>> -> memref<256x128xf32, #tpu.memory_space<vmem>>
        %parallel_loop3A_1429 = arith.index_cast %parallel_loop3A_1424 : i32 to index
        %parallel_loop3A_1430 = arith.constant 80 : index
        %parallel_loop3A_1431 = tpu.vector_load %parallel_loop3A_1428[%parallel_loop3A_1429, %parallel_loop3A_1430] {strides = array<i32>} : memref<256x128xf32, #tpu.memory_space<vmem>>, vector<1x16xf32>,
        %parallel_loop3A_1432 = vector.shape_cast %parallel_loop3A_1431 : vector<1x16xf32> to vector<16xf32>
        %parallel_loop3A_1433 = arith.addf %parallel_loop3A_1422, %parallel_loop3A_1432 : vector<16xf32>
        %parallel_loop3A_1434 = arith.constant 0 : i32
        %parallel_loop3A_1435 = arith.constant 0 : i32
        %parallel_loop3A_1436 = tpu.memref_slice %arg7[%parallel_loop3A_1261, %parallel_loop3A_1434, %parallel_loop3A_1435] : memref<2x128x128xf32, #tpu.memory_space<vmem>> -> memref<1x128x128xf32, #tpu.memory_space<vmem>>
        %parallel_loop3A_1437 = tpu.memref_squeeze %parallel_loop3A_1436 : memref<1x128x128xf32, #tpu.memory_space<vmem>> -> memref<128x128xf32, #tpu.memory_space<vmem>>
        %parallel_loop3A_1438 = arith.index_cast %parallel_loop3A_1274 : i32 to index
        %parallel_loop3A_1439 = arith.constant 80 : index
        %parallel_loop3A_1440 = tpu.vector_load %parallel_loop3A_1437[%parallel_loop3A_1438, %parallel_loop3A_1439] {strides = array<i32>} : memref<128x128xf32, #tpu.memory_space<vmem>>, vector<1x16xf32>,
        %parallel_loop3A_1441 = vector.shape_cast %parallel_loop3A_1440 : vector<1x16xf32> to vector<16xf32>
        %parallel_loop3A_1442 = vector.shape_cast %parallel_loop3A_1433 : vector<16xf32> to vector<1x16xf32>
        tpu.vector_store %parallel_loop3A_1437[%parallel_loop3A_1438, %parallel_loop3A_1439], %parallel_loop3A_1442 {strides = array<i32>} : memref<128x128xf32, #tpu.memory_space<vmem>>, vector<1x16xf32>,
        %parallel_loop3A_1443 = arith.constant 0 : i32
        %parallel_loop3A_1444 = arith.constant 0 : i32
        %parallel_loop3A_1445 = tpu.memref_slice %arg6[%parallel_loop3A_1260, %parallel_loop3A_1443, %parallel_loop3A_1444] : memref<2x256x128xf32, #tpu.memory_space<vmem>> -> memref<1x256x128xf32, #tpu.memory_space<vmem>>
        %parallel_loop3A_1446 = tpu.memref_squeeze %parallel_loop3A_1445 : memref<1x256x128xf32, #tpu.memory_space<vmem>> -> memref<256x128xf32, #tpu.memory_space<vmem>>
        %parallel_loop3A_1447 = arith.index_cast %parallel_loop3A_1274 : i32 to index
        %parallel_loop3A_1448 = arith.constant 96 : index
        %parallel_loop3A_1449 = tpu.vector_load %parallel_loop3A_1446[%parallel_loop3A_1447, %parallel_loop3A_1448] {strides = array<i32>} : memref<256x128xf32, #tpu.memory_space<vmem>>, vector<1x16xf32>,
        %parallel_loop3A_1450 = vector.shape_cast %parallel_loop3A_1449 : vector<1x16xf32> to vector<16xf32>
        %parallel_loop3A_1451 = arith.constant 128 : i32
        %parallel_loop3A_1452 = arith.addi %parallel_loop3A_1451, %parallel_loop3A_1274 : i32
        %parallel_loop3A_1453 = arith.constant 0 : i32
        %parallel_loop3A_1454 = arith.constant 0 : i32
        %parallel_loop3A_1455 = tpu.memref_slice %arg6[%parallel_loop3A_1260, %parallel_loop3A_1453, %parallel_loop3A_1454] : memref<2x256x128xf32, #tpu.memory_space<vmem>> -> memref<1x256x128xf32, #tpu.memory_space<vmem>>
        %parallel_loop3A_1456 = tpu.memref_squeeze %parallel_loop3A_1455 : memref<1x256x128xf32, #tpu.memory_space<vmem>> -> memref<256x128xf32, #tpu.memory_space<vmem>>
        %parallel_loop3A_1457 = arith.index_cast %parallel_loop3A_1452 : i32 to index
        %parallel_loop3A_1458 = arith.constant 96 : index
        %parallel_loop3A_1459 = tpu.vector_load %parallel_loop3A_1456[%parallel_loop3A_1457, %parallel_loop3A_1458] {strides = array<i32>} : memref<256x128xf32, #tpu.memory_space<vmem>>, vector<1x16xf32>,
        %parallel_loop3A_1460 = vector.shape_cast %parallel_loop3A_1459 : vector<1x16xf32> to vector<16xf32>
        %parallel_loop3A_1461 = arith.addf %parallel_loop3A_1450, %parallel_loop3A_1460 : vector<16xf32>
        %parallel_loop3A_1462 = arith.constant 0 : i32
        %parallel_loop3A_1463 = arith.constant 0 : i32
        %parallel_loop3A_1464 = tpu.memref_slice %arg7[%parallel_loop3A_1261, %parallel_loop3A_1462, %parallel_loop3A_1463] : memref<2x128x128xf32, #tpu.memory_space<vmem>> -> memref<1x128x128xf32, #tpu.memory_space<vmem>>
        %parallel_loop3A_1465 = tpu.memref_squeeze %parallel_loop3A_1464 : memref<1x128x128xf32, #tpu.memory_space<vmem>> -> memref<128x128xf32, #tpu.memory_space<vmem>>
        %parallel_loop3A_1466 = arith.index_cast %parallel_loop3A_1274 : i32 to index
        %parallel_loop3A_1467 = arith.constant 96 : index
        %parallel_loop3A_1468 = tpu.vector_load %parallel_loop3A_1465[%parallel_loop3A_1466, %parallel_loop3A_1467] {strides = array<i32>} : memref<128x128xf32, #tpu.memory_space<vmem>>, vector<1x16xf32>,
        %parallel_loop3A_1469 = vector.shape_cast %parallel_loop3A_1468 : vector<1x16xf32> to vector<16xf32>
        %parallel_loop3A_1470 = vector.shape_cast %parallel_loop3A_1461 : vector<16xf32> to vector<1x16xf32>
        tpu.vector_store %parallel_loop3A_1465[%parallel_loop3A_1466, %parallel_loop3A_1467], %parallel_loop3A_1470 {strides = array<i32>} : memref<128x128xf32, #tpu.memory_space<vmem>>, vector<1x16xf32>,
        %parallel_loop3A_1471 = arith.constant 0 : i32
        %parallel_loop3A_1472 = arith.constant 0 : i32
        %parallel_loop3A_1473 = tpu.memref_slice %arg6[%parallel_loop3A_1260, %parallel_loop3A_1471, %parallel_loop3A_1472] : memref<2x256x128xf32, #tpu.memory_space<vmem>> -> memref<1x256x128xf32, #tpu.memory_space<vmem>>
        %parallel_loop3A_1474 = tpu.memref_squeeze %parallel_loop3A_1473 : memref<1x256x128xf32, #tpu.memory_space<vmem>> -> memref<256x128xf32, #tpu.memory_space<vmem>>
        %parallel_loop3A_1475 = arith.index_cast %parallel_loop3A_1274 : i32 to index
        %parallel_loop3A_1476 = arith.constant 112 : index
        %parallel_loop3A_1477 = tpu.vector_load %parallel_loop3A_1474[%parallel_loop3A_1475, %parallel_loop3A_1476] {strides = array<i32>} : memref<256x128xf32, #tpu.memory_space<vmem>>, vector<1x16xf32>,
        %parallel_loop3A_1478 = vector.shape_cast %parallel_loop3A_1477 : vector<1x16xf32> to vector<16xf32>
        %parallel_loop3A_1479 = arith.constant 128 : i32
        %parallel_loop3A_1480 = arith.addi %parallel_loop3A_1479, %parallel_loop3A_1274 : i32
        %parallel_loop3A_1481 = arith.constant 0 : i32
        %parallel_loop3A_1482 = arith.constant 0 : i32
        %parallel_loop3A_1483 = tpu.memref_slice %arg6[%parallel_loop3A_1260, %parallel_loop3A_1481, %parallel_loop3A_1482] : memref<2x256x128xf32, #tpu.memory_space<vmem>> -> memref<1x256x128xf32, #tpu.memory_space<vmem>>
        %parallel_loop3A_1484 = tpu.memref_squeeze %parallel_loop3A_1483 : memref<1x256x128xf32, #tpu.memory_space<vmem>> -> memref<256x128xf32, #tpu.memory_space<vmem>>
        %parallel_loop3A_1485 = arith.index_cast %parallel_loop3A_1480 : i32 to index
        %parallel_loop3A_1486 = arith.constant 112 : index
        %parallel_loop3A_1487 = tpu.vector_load %parallel_loop3A_1484[%parallel_loop3A_1485, %parallel_loop3A_1486] {strides = array<i32>} : memref<256x128xf32, #tpu.memory_space<vmem>>, vector<1x16xf32>,
        %parallel_loop3A_1488 = vector.shape_cast %parallel_loop3A_1487 : vector<1x16xf32> to vector<16xf32>
        %parallel_loop3A_1489 = arith.addf %parallel_loop3A_1478, %parallel_loop3A_1488 : vector<16xf32>
        %parallel_loop3A_1490 = arith.constant 0 : i32
        %parallel_loop3A_1491 = arith.constant 0 : i32
        %parallel_loop3A_1492 = tpu.memref_slice %arg7[%parallel_loop3A_1261, %parallel_loop3A_1490, %parallel_loop3A_1491] : memref<2x128x128xf32, #tpu.memory_space<vmem>> -> memref<1x128x128xf32, #tpu.memory_space<vmem>>
        %parallel_loop3A_1493 = tpu.memref_squeeze %parallel_loop3A_1492 : memref<1x128x128xf32, #tpu.memory_space<vmem>> -> memref<128x128xf32, #tpu.memory_space<vmem>>
        %parallel_loop3A_1494 = arith.index_cast %parallel_loop3A_1274 : i32 to index
        %parallel_loop3A_1495 = arith.constant 112 : index
        %parallel_loop3A_1496 = tpu.vector_load %parallel_loop3A_1493[%parallel_loop3A_1494, %parallel_loop3A_1495] {strides = array<i32>} : memref<128x128xf32, #tpu.memory_space<vmem>>, vector<1x16xf32>,
        %parallel_loop3A_1497 = vector.shape_cast %parallel_loop3A_1496 : vector<1x16xf32> to vector<16xf32>
        %parallel_loop3A_1498 = vector.shape_cast %parallel_loop3A_1489 : vector<16xf32> to vector<1x16xf32>
        tpu.vector_store %parallel_loop3A_1493[%parallel_loop3A_1494, %parallel_loop3A_1495], %parallel_loop3A_1498 {strides = array<i32>} : memref<128x128xf32, #tpu.memory_space<vmem>>, vector<1x16xf32>,
      } {sc.loop_unroll_factor = 4 : i64, sc.parallel_access}
      %dma_start3A_1262 = arith.constant 1 : i32
      %dma_start3A_1263 = arith.constant 1 : i32
      %dma_start3A_1264 = arith.constant 0 : i32
      %dma_start3A_1265 = arith.constant 0 : i32
      %dma_start3A_1266 = tpu.memref_slice %arg7[%dma_start3A_1262, %dma_start3A_1264, %dma_start3A_1265] : memref<2x128x128xf32, #tpu.memory_space<vmem>> -> memref<1x128x128xf32, #tpu.memory_space<vmem>>
      %dma_start3A_1267 = tpu.memref_squeeze %dma_start3A_1266 : memref<1x128x128xf32, #tpu.memory_space<vmem>> -> memref<128x128xf32, #tpu.memory_space<vmem>>
      %dma_start3A_1268 = arith.constant 0 : i32
      %dma_start3A_1269 = tpu.memref_slice %arg8[%dma_start3A_1263, %dma_start3A_1268] : memref<2x128xi32, #tpu.memory_space<vmem>> -> memref<1x128xi32, #tpu.memory_space<vmem>>
      %dma_start3A_1270 = tpu.memref_squeeze %dma_start3A_1269 : memref<1x128xi32, #tpu.memory_space<vmem>> -> memref<128xi32, #tpu.memory_space<vmem>>
      %dma_start3A_1271 = arith.constant 0 : i32
      %dma_start3A_1272 = arith.constant 0 : i32
      %dma_start3A_1273 = tpu.memref_slice %arg4[%dma_start3A_1271, %dma_start3A_1272] : memref<204800x128xf32, #tpu.memory_space<hbm>> -> memref<204800x128xf32, #tpu.memory_space<hbm>>
      tpu.enqueue_indirect_dma source(%dma_start3A_1267 : memref<128x128xf32, #tpu.memory_space<vmem>>) target(%dma_start3A_1273 : memref<204800x128xf32, #tpu.memory_space<hbm>>) offsets(%dma_start3A_1270 : memref<128xi32, #tpu.memory_space<vmem>>) semaphore(%arg13 : memref<!tpu.dma_semaphore, #tpu.memory_space<semaphore_mem>>)
    }
    %scan3A_498 = arith.constant 23 : i32
    %add3A_499 = arith.constant 98 : i32
    %add3A_500 = arith.addi %sub3A_23, %add3A_499 : i32
    %dma_start3A_501 = arith.constant 1 : i32
    %dma_start3A_502 = arith.constant 0 : i32
    %dma_start3A_503 = arith.constant 0 : i32
    %dma_start3A_504 = tpu.memref_slice %arg6[%dma_start3A_501, %dma_start3A_502, %dma_start3A_503] : memref<2x256x128xf32, #tpu.memory_space<vmem>> -> memref<1x128x128xf32, #tpu.memory_space<vmem>>
    %dma_start3A_505 = tpu.memref_squeeze %dma_start3A_504 : memref<1x128x128xf32, #tpu.memory_space<vmem>> -> memref<128x128xf32, #tpu.memory_space<vmem>>
    %dma_start3A_506 = arith.constant 0 : i32
    %dma_start3A_507 = tpu.memref_slice %arg5[%add3A_500, %dma_start3A_506] : memref<104x128xi32, #tpu.memory_space<vmem>> -> memref<1x128xi32, #tpu.memory_space<vmem>>
    %dma_start3A_508 = tpu.memref_squeeze %dma_start3A_507 : memref<1x128xi32, #tpu.memory_space<vmem>> -> memref<128xi32, #tpu.memory_space<vmem>>
    %dma_start3A_509 = arith.constant 0 : i32
    %dma_start3A_510 = arith.constant 0 : i32
    %dma_start3A_511 = tpu.memref_slice %arg3[%dma_start3A_509, %dma_start3A_510] : memref<102048x128xf32, #tpu.memory_space<hbm>> -> memref<102048x128xf32, #tpu.memory_space<hbm>>
    tpu.enqueue_indirect_dma source(%dma_start3A_511 : memref<102048x128xf32, #tpu.memory_space<hbm>>) target(%dma_start3A_505 : memref<128x128xf32, #tpu.memory_space<vmem>>) offsets(%dma_start3A_508 : memref<128xi32, #tpu.memory_space<vmem>>) semaphore(%arg11 : memref<!tpu.dma_semaphore, #tpu.memory_space<semaphore_mem>>)
    %add3A_512 = arith.constant 98 : i32
    %add3A_513 = arith.addi %sub3A_23, %add3A_512 : i32
    %add3A_514 = arith.constant 1 : i32
    %add3A_515 = arith.addi %add3A_513, %add3A_514 : i32
    %dma_start3A_516 = arith.constant 1 : i32
    %dma_start3A_517 = arith.constant 128 : i32
    %dma_start3A_518 = arith.constant 0 : i32
    %dma_start3A_519 = tpu.memref_slice %arg6[%dma_start3A_516, %dma_start3A_517, %dma_start3A_518] : memref<2x256x128xf32, #tpu.memory_space<vmem>> -> memref<1x128x128xf32, #tpu.memory_space<vmem>>
    %dma_start3A_520 = tpu.memref_squeeze %dma_start3A_519 : memref<1x128x128xf32, #tpu.memory_space<vmem>> -> memref<128x128xf32, #tpu.memory_space<vmem>>
    %dma_start3A_521 = arith.constant 0 : i32
    %dma_start3A_522 = tpu.memref_slice %arg5[%add3A_515, %dma_start3A_521] : memref<104x128xi32, #tpu.memory_space<vmem>> -> memref<1x128xi32, #tpu.memory_space<vmem>>
    %dma_start3A_523 = tpu.memref_squeeze %dma_start3A_522 : memref<1x128xi32, #tpu.memory_space<vmem>> -> memref<128xi32, #tpu.memory_space<vmem>>
    %dma_start3A_524 = arith.constant 0 : i32
    %dma_start3A_525 = arith.constant 0 : i32
    %dma_start3A_526 = tpu.memref_slice %arg3[%dma_start3A_524, %dma_start3A_525] : memref<102048x128xf32, #tpu.memory_space<hbm>> -> memref<102048x128xf32, #tpu.memory_space<hbm>>
    tpu.enqueue_indirect_dma source(%dma_start3A_526 : memref<102048x128xf32, #tpu.memory_space<hbm>>) target(%dma_start3A_520 : memref<128x128xf32, #tpu.memory_space<vmem>>) offsets(%dma_start3A_523 : memref<128xi32, #tpu.memory_space<vmem>>) semaphore(%arg11 : memref<!tpu.dma_semaphore, #tpu.memory_space<semaphore_mem>>)
    %dma_wait3A_527 = arith.constant 0 : i32
    %dma_wait3A_528 = arith.constant 0 : i32
    %dma_wait3A_529 = arith.constant 0 : i32
    %dma_wait3A_530 = tpu.memref_slice %arg6[%dma_wait3A_527, %dma_wait3A_528, %dma_wait3A_529] : memref<2x256x128xf32, #tpu.memory_space<vmem>> -> memref<1x256x128xf32, #tpu.memory_space<vmem>>
    %dma_wait3A_531 = tpu.memref_squeeze %dma_wait3A_530 : memref<1x256x128xf32, #tpu.memory_space<vmem>> -> memref<256x128xf32, #tpu.memory_space<vmem>>
    %dma_wait3A_532 = arith.constant 0 : i32
    %dma_wait3A_533 = arith.constant 0 : i32
    %dma_wait3A_534 = tpu.memref_slice %arg3[%dma_wait3A_532, %dma_wait3A_533] : memref<102048x128xf32, #tpu.memory_space<hbm>> -> memref<256x128xf32, #tpu.memory_space<hbm>>
    %dma_wait3A_535 = arith.constant 0 : i32
    %dma_wait3A_536 = arith.constant 0 : i32
    %dma_wait3A_537 = tpu.memref_slice %arg6[%dma_wait3A_527, %dma_wait3A_535, %dma_wait3A_536] : memref<2x256x128xf32, #tpu.memory_space<vmem>> -> memref<1x256x128xf32, #tpu.memory_space<vmem>>
    %dma_wait3A_538 = tpu.memref_squeeze %dma_wait3A_537 : memref<1x256x128xf32, #tpu.memory_space<vmem>> -> memref<256x128xf32, #tpu.memory_space<vmem>>
    %dma_wait3A_539 = arith.constant 0 : i32
    %dma_wait3A_540 = arith.constant 0 : i32
    %dma_wait3A_541 = tpu.memref_slice %arg3[%dma_wait3A_539, %dma_wait3A_540] : memref<102048x128xf32, #tpu.memory_space<hbm>> -> memref<256x128xf32, #tpu.memory_space<hbm>>
    tpu.wait_dma2 semaphore(%arg10 : memref<!tpu.dma_semaphore, #tpu.memory_space<semaphore_mem>>) src(%dma_wait3A_541 : memref<256x128xf32, #tpu.memory_space<hbm>>) dst(%dma_wait3A_538 : memref<256x128xf32, #tpu.memory_space<vmem>>)
    %dma_wait3A_542 = arith.constant 0 : i32
    %dma_wait3A_543 = arith.constant 0 : i32
    %dma_wait3A_544 = arith.constant 0 : i32
    %dma_wait3A_545 = arith.constant 0 : i32
    %dma_wait3A_546 = tpu.memref_slice %arg7[%dma_wait3A_542, %dma_wait3A_544, %dma_wait3A_545] : memref<2x128x128xf32, #tpu.memory_space<vmem>> -> memref<1x128x128xf32, #tpu.memory_space<vmem>>
    %dma_wait3A_547 = tpu.memref_squeeze %dma_wait3A_546 : memref<1x128x128xf32, #tpu.memory_space<vmem>> -> memref<128x128xf32, #tpu.memory_space<vmem>>
    %dma_wait3A_548 = arith.constant 0 : i32
    %dma_wait3A_549 = tpu.memref_slice %arg8[%dma_wait3A_543, %dma_wait3A_548] : memref<2x128xi32, #tpu.memory_space<vmem>> -> memref<1x128xi32, #tpu.memory_space<vmem>>
    %dma_wait3A_550 = tpu.memref_squeeze %dma_wait3A_549 : memref<1x128xi32, #tpu.memory_space<vmem>> -> memref<128xi32, #tpu.memory_space<vmem>>
    %dma_wait3A_551 = arith.constant 0 : i32
    %dma_wait3A_552 = arith.constant 0 : i32
    %dma_wait3A_553 = tpu.memref_slice %arg4[%dma_wait3A_551, %dma_wait3A_552] : memref<204800x128xf32, #tpu.memory_space<hbm>> -> memref<204800x128xf32, #tpu.memory_space<hbm>>
    tpu.wait_indirect_dma semaphore(%arg12 : memref<!tpu.dma_semaphore, #tpu.memory_space<semaphore_mem>>) src(%dma_wait3A_547 : memref<128x128xf32, #tpu.memory_space<vmem>>) dst(%dma_wait3A_553 : memref<204800x128xf32, #tpu.memory_space<hbm>>)
    %add3A_554 = arith.constant 48 : i32
    %add3A_555 = arith.addi %mul3A_2, %add3A_554 : i32
    %jit3A_556 = arith.constant 8 : i32
    %div3A_557 = arith.divsi %add3A_555, %jit3A_556 : i32
    %sign3A_558 = arith.constant 0 : i32
    %sign3A_559 = arith.cmpi sgt, %add3A_555, %sign3A_558 : i32
    %sign3A_560 = arith.extui %sign3A_559 : i1 to i32
    %sign3A_561 = arith.constant 0 : i32
    %sign3A_562 = arith.cmpi slt, %add3A_555, %sign3A_561 : i32
    %sign3A_563 = arith.extui %sign3A_562 : i1 to i32
    %sign3A_564 = arith.subi %sign3A_560, %sign3A_563 : i32
    %sign3A_565 = arith.constant 0 : i32
    %sign3A_566 = arith.cmpi sgt, %jit3A_556, %sign3A_565 : i32
    %sign3A_567 = arith.extui %sign3A_566 : i1 to i32
    %sign3A_568 = arith.constant 0 : i32
    %sign3A_569 = arith.cmpi slt, %jit3A_556, %sign3A_568 : i32
    %sign3A_570 = arith.extui %sign3A_569 : i1 to i32
    %sign3A_571 = arith.subi %sign3A_567, %sign3A_570 : i32
    %ne3A_572 = arith.cmpi ne, %sign3A_564, %sign3A_571 : i32
    %rem3A_573 = arith.remsi %add3A_555, %jit3A_556 : i32
    %ne3A_574 = arith.constant 0 : i32
    %ne3A_575 = arith.cmpi ne, %rem3A_573, %ne3A_574 : i32
    %and3A_576 = arith.andi %ne3A_572, %ne3A_575 : i1
    %sub3A_577 = arith.constant 1 : i32
    %sub3A_578 = arith.subi %div3A_557, %sub3A_577 : i32
    %select_n3A_579 = arith.select %and3A_576, %sub3A_578, %div3A_557 : i32
    %mul3A_580 = arith.constant 8 : i32
    %mul3A_581 = arith.muli %select_n3A_579, %mul3A_580 : i32
    %sub3A_582 = arith.subi %add3A_555, %mul3A_581 : i32
    %mul3A_583 = arith.constant 25600 : i32
    %mul3A_584 = arith.muli %sub3A_582, %mul3A_583 : i32
    %add3A_585 = arith.addi %mul3A_584, %select_n3A_579 : i32
    %get3A_586 = arith.constant 0 : index
    %get3A_587 = tpu.vector_load %arg9[%get3A_586] {strides = array<i32>} : memref<128xi32, #tpu.memory_space<vmem>>, vector<16xi32>,
    %get3A_588 = vector.shape_cast %get3A_587 : vector<16xi32> to vector<16xi32>
    %add3A_589 = vector.broadcast %add3A_585 : i32 to vector<16xi32>
    %add3A_590 = arith.addi %get3A_588, %add3A_589 : vector<16xi32>
    %swap3A_591 = arith.constant 0 : i32
    %swap3A_592 = arith.index_cast %swap3A_591 : i32 to index
    %swap3A_593 = arith.constant 0 : index
    %swap3A_594 = tpu.vector_load %arg8[%swap3A_592, %swap3A_593] {strides = array<i32>} : memref<2x128xi32, #tpu.memory_space<vmem>>, vector<1x16xi32>,
    %swap3A_595 = vector.shape_cast %swap3A_594 : vector<1x16xi32> to vector<16xi32>
    %swap3A_596 = vector.shape_cast %add3A_590 : vector<16xi32> to vector<1x16xi32>
    tpu.vector_store %arg8[%swap3A_592, %swap3A_593], %swap3A_596 {strides = array<i32>} : memref<2x128xi32, #tpu.memory_space<vmem>>, vector<1x16xi32>,
    %get3A_597 = arith.constant 16 : index
    %get3A_598 = tpu.vector_load %arg9[%get3A_597] {strides = array<i32>} : memref<128xi32, #tpu.memory_space<vmem>>, vector<16xi32>,
    %get3A_599 = vector.shape_cast %get3A_598 : vector<16xi32> to vector<16xi32>
    %add3A_600 = vector.broadcast %add3A_585 : i32 to vector<16xi32>
    %add3A_601 = arith.addi %get3A_599, %add3A_600 : vector<16xi32>
    %swap3A_602 = arith.constant 0 : i32
    %swap3A_603 = arith.index_cast %swap3A_602 : i32 to index
    %swap3A_604 = arith.constant 16 : index
    %swap3A_605 = tpu.vector_load %arg8[%swap3A_603, %swap3A_604] {strides = array<i32>} : memref<2x128xi32, #tpu.memory_space<vmem>>, vector<1x16xi32>,
    %swap3A_606 = vector.shape_cast %swap3A_605 : vector<1x16xi32> to vector<16xi32>
    %swap3A_607 = vector.shape_cast %add3A_601 : vector<16xi32> to vector<1x16xi32>
    tpu.vector_store %arg8[%swap3A_603, %swap3A_604], %swap3A_607 {strides = array<i32>} : memref<2x128xi32, #tpu.memory_space<vmem>>, vector<1x16xi32>,
    %get3A_608 = arith.constant 32 : index
    %get3A_609 = tpu.vector_load %arg9[%get3A_608] {strides = array<i32>} : memref<128xi32, #tpu.memory_space<vmem>>, vector<16xi32>,
    %get3A_610 = vector.shape_cast %get3A_609 : vector<16xi32> to vector<16xi32>
    %add3A_611 = vector.broadcast %add3A_585 : i32 to vector<16xi32>
    %add3A_612 = arith.addi %get3A_610, %add3A_611 : vector<16xi32>
    %swap3A_613 = arith.constant 0 : i32
    %swap3A_614 = arith.index_cast %swap3A_613 : i32 to index
    %swap3A_615 = arith.constant 32 : index
    %swap3A_616 = tpu.vector_load %arg8[%swap3A_614, %swap3A_615] {strides = array<i32>} : memref<2x128xi32, #tpu.memory_space<vmem>>, vector<1x16xi32>,
    %swap3A_617 = vector.shape_cast %swap3A_616 : vector<1x16xi32> to vector<16xi32>
    %swap3A_618 = vector.shape_cast %add3A_612 : vector<16xi32> to vector<1x16xi32>
    tpu.vector_store %arg8[%swap3A_614, %swap3A_615], %swap3A_618 {strides = array<i32>} : memref<2x128xi32, #tpu.memory_space<vmem>>, vector<1x16xi32>,
    %get3A_619 = arith.constant 48 : index
    %get3A_620 = tpu.vector_load %arg9[%get3A_619] {strides = array<i32>} : memref<128xi32, #tpu.memory_space<vmem>>, vector<16xi32>,
    %get3A_621 = vector.shape_cast %get3A_620 : vector<16xi32> to vector<16xi32>
    %add3A_622 = vector.broadcast %add3A_585 : i32 to vector<16xi32>
    %add3A_623 = arith.addi %get3A_621, %add3A_622 : vector<16xi32>
    %swap3A_624 = arith.constant 0 : i32
    %swap3A_625 = arith.index_cast %swap3A_624 : i32 to index
    %swap3A_626 = arith.constant 48 : index
    %swap3A_627 = tpu.vector_load %arg8[%swap3A_625, %swap3A_626] {strides = array<i32>} : memref<2x128xi32, #tpu.memory_space<vmem>>, vector<1x16xi32>,
    %swap3A_628 = vector.shape_cast %swap3A_627 : vector<1x16xi32> to vector<16xi32>
    %swap3A_629 = vector.shape_cast %add3A_623 : vector<16xi32> to vector<1x16xi32>
    tpu.vector_store %arg8[%swap3A_625, %swap3A_626], %swap3A_629 {strides = array<i32>} : memref<2x128xi32, #tpu.memory_space<vmem>>, vector<1x16xi32>,
    %get3A_630 = arith.constant 64 : index
    %get3A_631 = tpu.vector_load %arg9[%get3A_630] {strides = array<i32>} : memref<128xi32, #tpu.memory_space<vmem>>, vector<16xi32>,
    %get3A_632 = vector.shape_cast %get3A_631 : vector<16xi32> to vector<16xi32>
    %add3A_633 = vector.broadcast %add3A_585 : i32 to vector<16xi32>
    %add3A_634 = arith.addi %get3A_632, %add3A_633 : vector<16xi32>
    %swap3A_635 = arith.constant 0 : i32
    %swap3A_636 = arith.index_cast %swap3A_635 : i32 to index
    %swap3A_637 = arith.constant 64 : index
    %swap3A_638 = tpu.vector_load %arg8[%swap3A_636, %swap3A_637] {strides = array<i32>} : memref<2x128xi32, #tpu.memory_space<vmem>>, vector<1x16xi32>,
    %swap3A_639 = vector.shape_cast %swap3A_638 : vector<1x16xi32> to vector<16xi32>
    %swap3A_640 = vector.shape_cast %add3A_634 : vector<16xi32> to vector<1x16xi32>
    tpu.vector_store %arg8[%swap3A_636, %swap3A_637], %swap3A_640 {strides = array<i32>} : memref<2x128xi32, #tpu.memory_space<vmem>>, vector<1x16xi32>,
    %get3A_641 = arith.constant 80 : index
    %get3A_642 = tpu.vector_load %arg9[%get3A_641] {strides = array<i32>} : memref<128xi32, #tpu.memory_space<vmem>>, vector<16xi32>,
    %get3A_643 = vector.shape_cast %get3A_642 : vector<16xi32> to vector<16xi32>
    %add3A_644 = vector.broadcast %add3A_585 : i32 to vector<16xi32>
    %add3A_645 = arith.addi %get3A_643, %add3A_644 : vector<16xi32>
    %swap3A_646 = arith.constant 0 : i32
    %swap3A_647 = arith.index_cast %swap3A_646 : i32 to index
    %swap3A_648 = arith.constant 80 : index
    %swap3A_649 = tpu.vector_load %arg8[%swap3A_647, %swap3A_648] {strides = array<i32>} : memref<2x128xi32, #tpu.memory_space<vmem>>, vector<1x16xi32>,
    %swap3A_650 = vector.shape_cast %swap3A_649 : vector<1x16xi32> to vector<16xi32>
    %swap3A_651 = vector.shape_cast %add3A_645 : vector<16xi32> to vector<1x16xi32>
    tpu.vector_store %arg8[%swap3A_647, %swap3A_648], %swap3A_651 {strides = array<i32>} : memref<2x128xi32, #tpu.memory_space<vmem>>, vector<1x16xi32>,
    %get3A_652 = arith.constant 96 : index
    %get3A_653 = tpu.vector_load %arg9[%get3A_652] {strides = array<i32>} : memref<128xi32, #tpu.memory_space<vmem>>, vector<16xi32>,
    %get3A_654 = vector.shape_cast %get3A_653 : vector<16xi32> to vector<16xi32>
    %add3A_655 = vector.broadcast %add3A_585 : i32 to vector<16xi32>
    %add3A_656 = arith.addi %get3A_654, %add3A_655 : vector<16xi32>
    %swap3A_657 = arith.constant 0 : i32
    %swap3A_658 = arith.index_cast %swap3A_657 : i32 to index
    %swap3A_659 = arith.constant 96 : index
    %swap3A_660 = tpu.vector_load %arg8[%swap3A_658, %swap3A_659] {strides = array<i32>} : memref<2x128xi32, #tpu.memory_space<vmem>>, vector<1x16xi32>,
    %swap3A_661 = vector.shape_cast %swap3A_660 : vector<1x16xi32> to vector<16xi32>
    %swap3A_662 = vector.shape_cast %add3A_656 : vector<16xi32> to vector<1x16xi32>
    tpu.vector_store %arg8[%swap3A_658, %swap3A_659], %swap3A_662 {strides = array<i32>} : memref<2x128xi32, #tpu.memory_space<vmem>>, vector<1x16xi32>,
    %get3A_663 = arith.constant 112 : index
    %get3A_664 = tpu.vector_load %arg9[%get3A_663] {strides = array<i32>} : memref<128xi32, #tpu.memory_space<vmem>>, vector<16xi32>,
    %get3A_665 = vector.shape_cast %get3A_664 : vector<16xi32> to vector<16xi32>
    %add3A_666 = vector.broadcast %add3A_585 : i32 to vector<16xi32>
    %add3A_667 = arith.addi %get3A_665, %add3A_666 : vector<16xi32>
    %swap3A_668 = arith.constant 0 : i32
    %swap3A_669 = arith.index_cast %swap3A_668 : i32 to index
    %swap3A_670 = arith.constant 112 : index
    %swap3A_671 = tpu.vector_load %arg8[%swap3A_669, %swap3A_670] {strides = array<i32>} : memref<2x128xi32, #tpu.memory_space<vmem>>, vector<1x16xi32>,
    %swap3A_672 = vector.shape_cast %swap3A_671 : vector<1x16xi32> to vector<16xi32>
    %swap3A_673 = vector.shape_cast %add3A_667 : vector<16xi32> to vector<1x16xi32>
    tpu.vector_store %arg8[%swap3A_669, %swap3A_670], %swap3A_673 {strides = array<i32>} : memref<2x128xi32, #tpu.memory_space<vmem>>, vector<1x16xi32>,
    %parallel_loop3A_674 = arith.constant 0 : i32
    %parallel_loop3A_675 = arith.constant 128 : i32
    %parallel_loop3A_676 = arith.constant 1 : i32
    %parallel_loop3A_677 = arith.constant 0 : i32
    %parallel_loop3A_678 = arith.constant 0 : i32
    scf.for %parallel_loop3A_879 = %parallel_loop3A_674 to %parallel_loop3A_675 step %parallel_loop3A_676  : i32 {
      %parallel_loop3A_880 = arith.constant 0 : i32
      %parallel_loop3A_881 = arith.constant 0 : i32
      %parallel_loop3A_882 = tpu.memref_slice %arg6[%parallel_loop3A_677, %parallel_loop3A_880, %parallel_loop3A_881] : memref<2x256x128xf32, #tpu.memory_space<vmem>> -> memref<1x256x128xf32, #tpu.memory_space<vmem>>
      %parallel_loop3A_883 = tpu.memref_squeeze %parallel_loop3A_882 : memref<1x256x128xf32, #tpu.memory_space<vmem>> -> memref<256x128xf32, #tpu.memory_space<vmem>>
      %parallel_loop3A_884 = arith.index_cast %parallel_loop3A_879 : i32 to index
      %parallel_loop3A_885 = arith.constant 0 : index
      %parallel_loop3A_886 = tpu.vector_load %parallel_loop3A_883[%parallel_loop3A_884, %parallel_loop3A_885] {strides = array<i32>} : memref<256x128xf32, #tpu.memory_space<vmem>>, vector<1x16xf32>,
      %parallel_loop3A_887 = vector.shape_cast %parallel_loop3A_886 : vector<1x16xf32> to vector<16xf32>
      %parallel_loop3A_888 = arith.constant 128 : i32
      %parallel_loop3A_889 = arith.addi %parallel_loop3A_888, %parallel_loop3A_879 : i32
      %parallel_loop3A_890 = arith.constant 0 : i32
      %parallel_loop3A_891 = arith.constant 0 : i32
      %parallel_loop3A_892 = tpu.memref_slice %arg6[%parallel_loop3A_677, %parallel_loop3A_890, %parallel_loop3A_891] : memref<2x256x128xf32, #tpu.memory_space<vmem>> -> memref<1x256x128xf32, #tpu.memory_space<vmem>>
      %parallel_loop3A_893 = tpu.memref_squeeze %parallel_loop3A_892 : memref<1x256x128xf32, #tpu.memory_space<vmem>> -> memref<256x128xf32, #tpu.memory_space<vmem>>
      %parallel_loop3A_894 = arith.index_cast %parallel_loop3A_889 : i32 to index
      %parallel_loop3A_895 = arith.constant 0 : index
      %parallel_loop3A_896 = tpu.vector_load %parallel_loop3A_893[%parallel_loop3A_894, %parallel_loop3A_895] {strides = array<i32>} : memref<256x128xf32, #tpu.memory_space<vmem>>, vector<1x16xf32>,
      %parallel_loop3A_897 = vector.shape_cast %parallel_loop3A_896 : vector<1x16xf32> to vector<16xf32>
      %parallel_loop3A_898 = arith.addf %parallel_loop3A_887, %parallel_loop3A_897 : vector<16xf32>
      %parallel_loop3A_899 = arith.constant 0 : i32
      %parallel_loop3A_900 = arith.constant 0 : i32
      %parallel_loop3A_901 = tpu.memref_slice %arg7[%parallel_loop3A_678, %parallel_loop3A_899, %parallel_loop3A_900] : memref<2x128x128xf32, #tpu.memory_space<vmem>> -> memref<1x128x128xf32, #tpu.memory_space<vmem>>
      %parallel_loop3A_902 = tpu.memref_squeeze %parallel_loop3A_901 : memref<1x128x128xf32, #tpu.memory_space<vmem>> -> memref<128x128xf32, #tpu.memory_space<vmem>>
      %parallel_loop3A_903 = arith.index_cast %parallel_loop3A_879 : i32 to index
      %parallel_loop3A_904 = arith.constant 0 : index
      %parallel_loop3A_905 = tpu.vector_load %parallel_loop3A_902[%parallel_loop3A_903, %parallel_loop3A_904] {strides = array<i32>} : memref<128x128xf32, #tpu.memory_space<vmem>>, vector<1x16xf32>,
      %parallel_loop3A_906 = vector.shape_cast %parallel_loop3A_905 : vector<1x16xf32> to vector<16xf32>
      %parallel_loop3A_907 = vector.shape_cast %parallel_loop3A_898 : vector<16xf32> to vector<1x16xf32>
      tpu.vector_store %parallel_loop3A_902[%parallel_loop3A_903, %parallel_loop3A_904], %parallel_loop3A_907 {strides = array<i32>} : memref<128x128xf32, #tpu.memory_space<vmem>>, vector<1x16xf32>,
      %parallel_loop3A_908 = arith.constant 0 : i32
      %parallel_loop3A_909 = arith.constant 0 : i32
      %parallel_loop3A_910 = tpu.memref_slice %arg6[%parallel_loop3A_677, %parallel_loop3A_908, %parallel_loop3A_909] : memref<2x256x128xf32, #tpu.memory_space<vmem>> -> memref<1x256x128xf32, #tpu.memory_space<vmem>>
      %parallel_loop3A_911 = tpu.memref_squeeze %parallel_loop3A_910 : memref<1x256x128xf32, #tpu.memory_space<vmem>> -> memref<256x128xf32, #tpu.memory_space<vmem>>
      %parallel_loop3A_912 = arith.index_cast %parallel_loop3A_879 : i32 to index
      %parallel_loop3A_913 = arith.constant 16 : index
      %parallel_loop3A_914 = tpu.vector_load %parallel_loop3A_911[%parallel_loop3A_912, %parallel_loop3A_913] {strides = array<i32>} : memref<256x128xf32, #tpu.memory_space<vmem>>, vector<1x16xf32>,
      %parallel_loop3A_915 = vector.shape_cast %parallel_loop3A_914 : vector<1x16xf32> to vector<16xf32>
      %parallel_loop3A_916 = arith.constant 128 : i32
      %parallel_loop3A_917 = arith.addi %parallel_loop3A_916, %parallel_loop3A_879 : i32
      %parallel_loop3A_918 = arith.constant 0 : i32
      %parallel_loop3A_919 = arith.constant 0 : i32
      %parallel_loop3A_920 = tpu.memref_slice %arg6[%parallel_loop3A_677, %parallel_loop3A_918, %parallel_loop3A_919] : memref<2x256x128xf32, #tpu.memory_space<vmem>> -> memref<1x256x128xf32, #tpu.memory_space<vmem>>
      %parallel_loop3A_921 = tpu.memref_squeeze %parallel_loop3A_920 : memref<1x256x128xf32, #tpu.memory_space<vmem>> -> memref<256x128xf32, #tpu.memory_space<vmem>>
      %parallel_loop3A_922 = arith.index_cast %parallel_loop3A_917 : i32 to index
      %parallel_loop3A_923 = arith.constant 16 : index
      %parallel_loop3A_924 = tpu.vector_load %parallel_loop3A_921[%parallel_loop3A_922, %parallel_loop3A_923] {strides = array<i32>} : memref<256x128xf32, #tpu.memory_space<vmem>>, vector<1x16xf32>,
      %parallel_loop3A_925 = vector.shape_cast %parallel_loop3A_924 : vector<1x16xf32> to vector<16xf32>
      %parallel_loop3A_926 = arith.addf %parallel_loop3A_915, %parallel_loop3A_925 : vector<16xf32>
      %parallel_loop3A_927 = arith.constant 0 : i32
      %parallel_loop3A_928 = arith.constant 0 : i32
      %parallel_loop3A_929 = tpu.memref_slice %arg7[%parallel_loop3A_678, %parallel_loop3A_927, %parallel_loop3A_928] : memref<2x128x128xf32, #tpu.memory_space<vmem>> -> memref<1x128x128xf32, #tpu.memory_space<vmem>>
      %parallel_loop3A_930 = tpu.memref_squeeze %parallel_loop3A_929 : memref<1x128x128xf32, #tpu.memory_space<vmem>> -> memref<128x128xf32, #tpu.memory_space<vmem>>
      %parallel_loop3A_931 = arith.index_cast %parallel_loop3A_879 : i32 to index
      %parallel_loop3A_932 = arith.constant 16 : index
      %parallel_loop3A_933 = tpu.vector_load %parallel_loop3A_930[%parallel_loop3A_931, %parallel_loop3A_932] {strides = array<i32>} : memref<128x128xf32, #tpu.memory_space<vmem>>, vector<1x16xf32>,
      %parallel_loop3A_934 = vector.shape_cast %parallel_loop3A_933 : vector<1x16xf32> to vector<16xf32>
      %parallel_loop3A_935 = vector.shape_cast %parallel_loop3A_926 : vector<16xf32> to vector<1x16xf32>
      tpu.vector_store %parallel_loop3A_930[%parallel_loop3A_931, %parallel_loop3A_932], %parallel_loop3A_935 {strides = array<i32>} : memref<128x128xf32, #tpu.memory_space<vmem>>, vector<1x16xf32>,
      %parallel_loop3A_936 = arith.constant 0 : i32
      %parallel_loop3A_937 = arith.constant 0 : i32
      %parallel_loop3A_938 = tpu.memref_slice %arg6[%parallel_loop3A_677, %parallel_loop3A_936, %parallel_loop3A_937] : memref<2x256x128xf32, #tpu.memory_space<vmem>> -> memref<1x256x128xf32, #tpu.memory_space<vmem>>
      %parallel_loop3A_939 = tpu.memref_squeeze %parallel_loop3A_938 : memref<1x256x128xf32, #tpu.memory_space<vmem>> -> memref<256x128xf32, #tpu.memory_space<vmem>>
      %parallel_loop3A_940 = arith.index_cast %parallel_loop3A_879 : i32 to index
      %parallel_loop3A_941 = arith.constant 32 : index
      %parallel_loop3A_942 = tpu.vector_load %parallel_loop3A_939[%parallel_loop3A_940, %parallel_loop3A_941] {strides = array<i32>} : memref<256x128xf32, #tpu.memory_space<vmem>>, vector<1x16xf32>,
      %parallel_loop3A_943 = vector.shape_cast %parallel_loop3A_942 : vector<1x16xf32> to vector<16xf32>
      %parallel_loop3A_944 = arith.constant 128 : i32
      %parallel_loop3A_945 = arith.addi %parallel_loop3A_944, %parallel_loop3A_879 : i32
      %parallel_loop3A_946 = arith.constant 0 : i32
      %parallel_loop3A_947 = arith.constant 0 : i32
      %parallel_loop3A_948 = tpu.memref_slice %arg6[%parallel_loop3A_677, %parallel_loop3A_946, %parallel_loop3A_947] : memref<2x256x128xf32, #tpu.memory_space<vmem>> -> memref<1x256x128xf32, #tpu.memory_space<vmem>>
      %parallel_loop3A_949 = tpu.memref_squeeze %parallel_loop3A_948 : memref<1x256x128xf32, #tpu.memory_space<vmem>> -> memref<256x128xf32, #tpu.memory_space<vmem>>
      %parallel_loop3A_950 = arith.index_cast %parallel_loop3A_945 : i32 to index
      %parallel_loop3A_951 = arith.constant 32 : index
      %parallel_loop3A_952 = tpu.vector_load %parallel_loop3A_949[%parallel_loop3A_950, %parallel_loop3A_951] {strides = array<i32>} : memref<256x128xf32, #tpu.memory_space<vmem>>, vector<1x16xf32>,
      %parallel_loop3A_953 = vector.shape_cast %parallel_loop3A_952 : vector<1x16xf32> to vector<16xf32>
      %parallel_loop3A_954 = arith.addf %parallel_loop3A_943, %parallel_loop3A_953 : vector<16xf32>
      %parallel_loop3A_955 = arith.constant 0 : i32
      %parallel_loop3A_956 = arith.constant 0 : i32
      %parallel_loop3A_957 = tpu.memref_slice %arg7[%parallel_loop3A_678, %parallel_loop3A_955, %parallel_loop3A_956] : memref<2x128x128xf32, #tpu.memory_space<vmem>> -> memref<1x128x128xf32, #tpu.memory_space<vmem>>
      %parallel_loop3A_958 = tpu.memref_squeeze %parallel_loop3A_957 : memref<1x128x128xf32, #tpu.memory_space<vmem>> -> memref<128x128xf32, #tpu.memory_space<vmem>>
      %parallel_loop3A_959 = arith.index_cast %parallel_loop3A_879 : i32 to index
      %parallel_loop3A_960 = arith.constant 32 : index
      %parallel_loop3A_961 = tpu.vector_load %parallel_loop3A_958[%parallel_loop3A_959, %parallel_loop3A_960] {strides = array<i32>} : memref<128x128xf32, #tpu.memory_space<vmem>>, vector<1x16xf32>,
      %parallel_loop3A_962 = vector.shape_cast %parallel_loop3A_961 : vector<1x16xf32> to vector<16xf32>
      %parallel_loop3A_963 = vector.shape_cast %parallel_loop3A_954 : vector<16xf32> to vector<1x16xf32>
      tpu.vector_store %parallel_loop3A_958[%parallel_loop3A_959, %parallel_loop3A_960], %parallel_loop3A_963 {strides = array<i32>} : memref<128x128xf32, #tpu.memory_space<vmem>>, vector<1x16xf32>,
      %parallel_loop3A_964 = arith.constant 0 : i32
      %parallel_loop3A_965 = arith.constant 0 : i32
      %parallel_loop3A_966 = tpu.memref_slice %arg6[%parallel_loop3A_677, %parallel_loop3A_964, %parallel_loop3A_965] : memref<2x256x128xf32, #tpu.memory_space<vmem>> -> memref<1x256x128xf32, #tpu.memory_space<vmem>>
      %parallel_loop3A_967 = tpu.memref_squeeze %parallel_loop3A_966 : memref<1x256x128xf32, #tpu.memory_space<vmem>> -> memref<256x128xf32, #tpu.memory_space<vmem>>
      %parallel_loop3A_968 = arith.index_cast %parallel_loop3A_879 : i32 to index
      %parallel_loop3A_969 = arith.constant 48 : index
      %parallel_loop3A_970 = tpu.vector_load %parallel_loop3A_967[%parallel_loop3A_968, %parallel_loop3A_969] {strides = array<i32>} : memref<256x128xf32, #tpu.memory_space<vmem>>, vector<1x16xf32>,
      %parallel_loop3A_971 = vector.shape_cast %parallel_loop3A_970 : vector<1x16xf32> to vector<16xf32>
      %parallel_loop3A_972 = arith.constant 128 : i32
      %parallel_loop3A_973 = arith.addi %parallel_loop3A_972, %parallel_loop3A_879 : i32
      %parallel_loop3A_974 = arith.constant 0 : i32
      %parallel_loop3A_975 = arith.constant 0 : i32
      %parallel_loop3A_976 = tpu.memref_slice %arg6[%parallel_loop3A_677, %parallel_loop3A_974, %parallel_loop3A_975] : memref<2x256x128xf32, #tpu.memory_space<vmem>> -> memref<1x256x128xf32, #tpu.memory_space<vmem>>
      %parallel_loop3A_977 = tpu.memref_squeeze %parallel_loop3A_976 : memref<1x256x128xf32, #tpu.memory_space<vmem>> -> memref<256x128xf32, #tpu.memory_space<vmem>>
      %parallel_loop3A_978 = arith.index_cast %parallel_loop3A_973 : i32 to index
      %parallel_loop3A_979 = arith.constant 48 : index
      %parallel_loop3A_980 = tpu.vector_load %parallel_loop3A_977[%parallel_loop3A_978, %parallel_loop3A_979] {strides = array<i32>} : memref<256x128xf32, #tpu.memory_space<vmem>>, vector<1x16xf32>,
      %parallel_loop3A_981 = vector.shape_cast %parallel_loop3A_980 : vector<1x16xf32> to vector<16xf32>
      %parallel_loop3A_982 = arith.addf %parallel_loop3A_971, %parallel_loop3A_981 : vector<16xf32>
      %parallel_loop3A_983 = arith.constant 0 : i32
      %parallel_loop3A_984 = arith.constant 0 : i32
      %parallel_loop3A_985 = tpu.memref_slice %arg7[%parallel_loop3A_678, %parallel_loop3A_983, %parallel_loop3A_984] : memref<2x128x128xf32, #tpu.memory_space<vmem>> -> memref<1x128x128xf32, #tpu.memory_space<vmem>>
      %parallel_loop3A_986 = tpu.memref_squeeze %parallel_loop3A_985 : memref<1x128x128xf32, #tpu.memory_space<vmem>> -> memref<128x128xf32, #tpu.memory_space<vmem>>
      %parallel_loop3A_987 = arith.index_cast %parallel_loop3A_879 : i32 to index
      %parallel_loop3A_988 = arith.constant 48 : index
      %parallel_loop3A_989 = tpu.vector_load %parallel_loop3A_986[%parallel_loop3A_987, %parallel_loop3A_988] {strides = array<i32>} : memref<128x128xf32, #tpu.memory_space<vmem>>, vector<1x16xf32>,
      %parallel_loop3A_990 = vector.shape_cast %parallel_loop3A_989 : vector<1x16xf32> to vector<16xf32>
      %parallel_loop3A_991 = vector.shape_cast %parallel_loop3A_982 : vector<16xf32> to vector<1x16xf32>
      tpu.vector_store %parallel_loop3A_986[%parallel_loop3A_987, %parallel_loop3A_988], %parallel_loop3A_991 {strides = array<i32>} : memref<128x128xf32, #tpu.memory_space<vmem>>, vector<1x16xf32>,
      %parallel_loop3A_992 = arith.constant 0 : i32
      %parallel_loop3A_993 = arith.constant 0 : i32
      %parallel_loop3A_994 = tpu.memref_slice %arg6[%parallel_loop3A_677, %parallel_loop3A_992, %parallel_loop3A_993] : memref<2x256x128xf32, #tpu.memory_space<vmem>> -> memref<1x256x128xf32, #tpu.memory_space<vmem>>
      %parallel_loop3A_995 = tpu.memref_squeeze %parallel_loop3A_994 : memref<1x256x128xf32, #tpu.memory_space<vmem>> -> memref<256x128xf32, #tpu.memory_space<vmem>>
      %parallel_loop3A_996 = arith.index_cast %parallel_loop3A_879 : i32 to index
      %parallel_loop3A_997 = arith.constant 64 : index
      %parallel_loop3A_998 = tpu.vector_load %parallel_loop3A_995[%parallel_loop3A_996, %parallel_loop3A_997] {strides = array<i32>} : memref<256x128xf32, #tpu.memory_space<vmem>>, vector<1x16xf32>,
      %parallel_loop3A_999 = vector.shape_cast %parallel_loop3A_998 : vector<1x16xf32> to vector<16xf32>
      %parallel_loop3A_1000 = arith.constant 128 : i32
      %parallel_loop3A_1001 = arith.addi %parallel_loop3A_1000, %parallel_loop3A_879 : i32
      %parallel_loop3A_1002 = arith.constant 0 : i32
      %parallel_loop3A_1003 = arith.constant 0 : i32
      %parallel_loop3A_1004 = tpu.memref_slice %arg6[%parallel_loop3A_677, %parallel_loop3A_1002, %parallel_loop3A_1003] : memref<2x256x128xf32, #tpu.memory_space<vmem>> -> memref<1x256x128xf32, #tpu.memory_space<vmem>>
      %parallel_loop3A_1005 = tpu.memref_squeeze %parallel_loop3A_1004 : memref<1x256x128xf32, #tpu.memory_space<vmem>> -> memref<256x128xf32, #tpu.memory_space<vmem>>
      %parallel_loop3A_1006 = arith.index_cast %parallel_loop3A_1001 : i32 to index
      %parallel_loop3A_1007 = arith.constant 64 : index
      %parallel_loop3A_1008 = tpu.vector_load %parallel_loop3A_1005[%parallel_loop3A_1006, %parallel_loop3A_1007] {strides = array<i32>} : memref<256x128xf32, #tpu.memory_space<vmem>>, vector<1x16xf32>,
      %parallel_loop3A_1009 = vector.shape_cast %parallel_loop3A_1008 : vector<1x16xf32> to vector<16xf32>
      %parallel_loop3A_1010 = arith.addf %parallel_loop3A_999, %parallel_loop3A_1009 : vector<16xf32>
      %parallel_loop3A_1011 = arith.constant 0 : i32
      %parallel_loop3A_1012 = arith.constant 0 : i32
      %parallel_loop3A_1013 = tpu.memref_slice %arg7[%parallel_loop3A_678, %parallel_loop3A_1011, %parallel_loop3A_1012] : memref<2x128x128xf32, #tpu.memory_space<vmem>> -> memref<1x128x128xf32, #tpu.memory_space<vmem>>
      %parallel_loop3A_1014 = tpu.memref_squeeze %parallel_loop3A_1013 : memref<1x128x128xf32, #tpu.memory_space<vmem>> -> memref<128x128xf32, #tpu.memory_space<vmem>>
      %parallel_loop3A_1015 = arith.index_cast %parallel_loop3A_879 : i32 to index
      %parallel_loop3A_1016 = arith.constant 64 : index
      %parallel_loop3A_1017 = tpu.vector_load %parallel_loop3A_1014[%parallel_loop3A_1015, %parallel_loop3A_1016] {strides = array<i32>} : memref<128x128xf32, #tpu.memory_space<vmem>>, vector<1x16xf32>,
      %parallel_loop3A_1018 = vector.shape_cast %parallel_loop3A_1017 : vector<1x16xf32> to vector<16xf32>
      %parallel_loop3A_1019 = vector.shape_cast %parallel_loop3A_1010 : vector<16xf32> to vector<1x16xf32>
      tpu.vector_store %parallel_loop3A_1014[%parallel_loop3A_1015, %parallel_loop3A_1016], %parallel_loop3A_1019 {strides = array<i32>} : memref<128x128xf32, #tpu.memory_space<vmem>>, vector<1x16xf32>,
      %parallel_loop3A_1020 = arith.constant 0 : i32
      %parallel_loop3A_1021 = arith.constant 0 : i32
      %parallel_loop3A_1022 = tpu.memref_slice %arg6[%parallel_loop3A_677, %parallel_loop3A_1020, %parallel_loop3A_1021] : memref<2x256x128xf32, #tpu.memory_space<vmem>> -> memref<1x256x128xf32, #tpu.memory_space<vmem>>
      %parallel_loop3A_1023 = tpu.memref_squeeze %parallel_loop3A_1022 : memref<1x256x128xf32, #tpu.memory_space<vmem>> -> memref<256x128xf32, #tpu.memory_space<vmem>>
      %parallel_loop3A_1024 = arith.index_cast %parallel_loop3A_879 : i32 to index
      %parallel_loop3A_1025 = arith.constant 80 : index
      %parallel_loop3A_1026 = tpu.vector_load %parallel_loop3A_1023[%parallel_loop3A_1024, %parallel_loop3A_1025] {strides = array<i32>} : memref<256x128xf32, #tpu.memory_space<vmem>>, vector<1x16xf32>,
      %parallel_loop3A_1027 = vector.shape_cast %parallel_loop3A_1026 : vector<1x16xf32> to vector<16xf32>
      %parallel_loop3A_1028 = arith.constant 128 : i32
      %parallel_loop3A_1029 = arith.addi %parallel_loop3A_1028, %parallel_loop3A_879 : i32
      %parallel_loop3A_1030 = arith.constant 0 : i32
      %parallel_loop3A_1031 = arith.constant 0 : i32
      %parallel_loop3A_1032 = tpu.memref_slice %arg6[%parallel_loop3A_677, %parallel_loop3A_1030, %parallel_loop3A_1031] : memref<2x256x128xf32, #tpu.memory_space<vmem>> -> memref<1x256x128xf32, #tpu.memory_space<vmem>>
      %parallel_loop3A_1033 = tpu.memref_squeeze %parallel_loop3A_1032 : memref<1x256x128xf32, #tpu.memory_space<vmem>> -> memref<256x128xf32, #tpu.memory_space<vmem>>
      %parallel_loop3A_1034 = arith.index_cast %parallel_loop3A_1029 : i32 to index
      %parallel_loop3A_1035 = arith.constant 80 : index
      %parallel_loop3A_1036 = tpu.vector_load %parallel_loop3A_1033[%parallel_loop3A_1034, %parallel_loop3A_1035] {strides = array<i32>} : memref<256x128xf32, #tpu.memory_space<vmem>>, vector<1x16xf32>,
      %parallel_loop3A_1037 = vector.shape_cast %parallel_loop3A_1036 : vector<1x16xf32> to vector<16xf32>
      %parallel_loop3A_1038 = arith.addf %parallel_loop3A_1027, %parallel_loop3A_1037 : vector<16xf32>
      %parallel_loop3A_1039 = arith.constant 0 : i32
      %parallel_loop3A_1040 = arith.constant 0 : i32
      %parallel_loop3A_1041 = tpu.memref_slice %arg7[%parallel_loop3A_678, %parallel_loop3A_1039, %parallel_loop3A_1040] : memref<2x128x128xf32, #tpu.memory_space<vmem>> -> memref<1x128x128xf32, #tpu.memory_space<vmem>>
      %parallel_loop3A_1042 = tpu.memref_squeeze %parallel_loop3A_1041 : memref<1x128x128xf32, #tpu.memory_space<vmem>> -> memref<128x128xf32, #tpu.memory_space<vmem>>
      %parallel_loop3A_1043 = arith.index_cast %parallel_loop3A_879 : i32 to index
      %parallel_loop3A_1044 = arith.constant 80 : index
      %parallel_loop3A_1045 = tpu.vector_load %parallel_loop3A_1042[%parallel_loop3A_1043, %parallel_loop3A_1044] {strides = array<i32>} : memref<128x128xf32, #tpu.memory_space<vmem>>, vector<1x16xf32>,
      %parallel_loop3A_1046 = vector.shape_cast %parallel_loop3A_1045 : vector<1x16xf32> to vector<16xf32>
      %parallel_loop3A_1047 = vector.shape_cast %parallel_loop3A_1038 : vector<16xf32> to vector<1x16xf32>
      tpu.vector_store %parallel_loop3A_1042[%parallel_loop3A_1043, %parallel_loop3A_1044], %parallel_loop3A_1047 {strides = array<i32>} : memref<128x128xf32, #tpu.memory_space<vmem>>, vector<1x16xf32>,
      %parallel_loop3A_1048 = arith.constant 0 : i32
      %parallel_loop3A_1049 = arith.constant 0 : i32
      %parallel_loop3A_1050 = tpu.memref_slice %arg6[%parallel_loop3A_677, %parallel_loop3A_1048, %parallel_loop3A_1049] : memref<2x256x128xf32, #tpu.memory_space<vmem>> -> memref<1x256x128xf32, #tpu.memory_space<vmem>>
      %parallel_loop3A_1051 = tpu.memref_squeeze %parallel_loop3A_1050 : memref<1x256x128xf32, #tpu.memory_space<vmem>> -> memref<256x128xf32, #tpu.memory_space<vmem>>
      %parallel_loop3A_1052 = arith.index_cast %parallel_loop3A_879 : i32 to index
      %parallel_loop3A_1053 = arith.constant 96 : index
      %parallel_loop3A_1054 = tpu.vector_load %parallel_loop3A_1051[%parallel_loop3A_1052, %parallel_loop3A_1053] {strides = array<i32>} : memref<256x128xf32, #tpu.memory_space<vmem>>, vector<1x16xf32>,
      %parallel_loop3A_1055 = vector.shape_cast %parallel_loop3A_1054 : vector<1x16xf32> to vector<16xf32>
      %parallel_loop3A_1056 = arith.constant 128 : i32
      %parallel_loop3A_1057 = arith.addi %parallel_loop3A_1056, %parallel_loop3A_879 : i32
      %parallel_loop3A_1058 = arith.constant 0 : i32
      %parallel_loop3A_1059 = arith.constant 0 : i32
      %parallel_loop3A_1060 = tpu.memref_slice %arg6[%parallel_loop3A_677, %parallel_loop3A_1058, %parallel_loop3A_1059] : memref<2x256x128xf32, #tpu.memory_space<vmem>> -> memref<1x256x128xf32, #tpu.memory_space<vmem>>
      %parallel_loop3A_1061 = tpu.memref_squeeze %parallel_loop3A_1060 : memref<1x256x128xf32, #tpu.memory_space<vmem>> -> memref<256x128xf32, #tpu.memory_space<vmem>>
      %parallel_loop3A_1062 = arith.index_cast %parallel_loop3A_1057 : i32 to index
      %parallel_loop3A_1063 = arith.constant 96 : index
      %parallel_loop3A_1064 = tpu.vector_load %parallel_loop3A_1061[%parallel_loop3A_1062, %parallel_loop3A_1063] {strides = array<i32>} : memref<256x128xf32, #tpu.memory_space<vmem>>, vector<1x16xf32>,
      %parallel_loop3A_1065 = vector.shape_cast %parallel_loop3A_1064 : vector<1x16xf32> to vector<16xf32>
      %parallel_loop3A_1066 = arith.addf %parallel_loop3A_1055, %parallel_loop3A_1065 : vector<16xf32>
      %parallel_loop3A_1067 = arith.constant 0 : i32
      %parallel_loop3A_1068 = arith.constant 0 : i32
      %parallel_loop3A_1069 = tpu.memref_slice %arg7[%parallel_loop3A_678, %parallel_loop3A_1067, %parallel_loop3A_1068] : memref<2x128x128xf32, #tpu.memory_space<vmem>> -> memref<1x128x128xf32, #tpu.memory_space<vmem>>
      %parallel_loop3A_1070 = tpu.memref_squeeze %parallel_loop3A_1069 : memref<1x128x128xf32, #tpu.memory_space<vmem>> -> memref<128x128xf32, #tpu.memory_space<vmem>>
      %parallel_loop3A_1071 = arith.index_cast %parallel_loop3A_879 : i32 to index
      %parallel_loop3A_1072 = arith.constant 96 : index
      %parallel_loop3A_1073 = tpu.vector_load %parallel_loop3A_1070[%parallel_loop3A_1071, %parallel_loop3A_1072] {strides = array<i32>} : memref<128x128xf32, #tpu.memory_space<vmem>>, vector<1x16xf32>,
      %parallel_loop3A_1074 = vector.shape_cast %parallel_loop3A_1073 : vector<1x16xf32> to vector<16xf32>
      %parallel_loop3A_1075 = vector.shape_cast %parallel_loop3A_1066 : vector<16xf32> to vector<1x16xf32>
      tpu.vector_store %parallel_loop3A_1070[%parallel_loop3A_1071, %parallel_loop3A_1072], %parallel_loop3A_1075 {strides = array<i32>} : memref<128x128xf32, #tpu.memory_space<vmem>>, vector<1x16xf32>,
      %parallel_loop3A_1076 = arith.constant 0 : i32
      %parallel_loop3A_1077 = arith.constant 0 : i32
      %parallel_loop3A_1078 = tpu.memref_slice %arg6[%parallel_loop3A_677, %parallel_loop3A_1076, %parallel_loop3A_1077] : memref<2x256x128xf32, #tpu.memory_space<vmem>> -> memref<1x256x128xf32, #tpu.memory_space<vmem>>
      %parallel_loop3A_1079 = tpu.memref_squeeze %parallel_loop3A_1078 : memref<1x256x128xf32, #tpu.memory_space<vmem>> -> memref<256x128xf32, #tpu.memory_space<vmem>>
      %parallel_loop3A_1080 = arith.index_cast %parallel_loop3A_879 : i32 to index
      %parallel_loop3A_1081 = arith.constant 112 : index
      %parallel_loop3A_1082 = tpu.vector_load %parallel_loop3A_1079[%parallel_loop3A_1080, %parallel_loop3A_1081] {strides = array<i32>} : memref<256x128xf32, #tpu.memory_space<vmem>>, vector<1x16xf32>,
      %parallel_loop3A_1083 = vector.shape_cast %parallel_loop3A_1082 : vector<1x16xf32> to vector<16xf32>
      %parallel_loop3A_1084 = arith.constant 128 : i32
      %parallel_loop3A_1085 = arith.addi %parallel_loop3A_1084, %parallel_loop3A_879 : i32
      %parallel_loop3A_1086 = arith.constant 0 : i32
      %parallel_loop3A_1087 = arith.constant 0 : i32
      %parallel_loop3A_1088 = tpu.memref_slice %arg6[%parallel_loop3A_677, %parallel_loop3A_1086, %parallel_loop3A_1087] : memref<2x256x128xf32, #tpu.memory_space<vmem>> -> memref<1x256x128xf32, #tpu.memory_space<vmem>>
      %parallel_loop3A_1089 = tpu.memref_squeeze %parallel_loop3A_1088 : memref<1x256x128xf32, #tpu.memory_space<vmem>> -> memref<256x128xf32, #tpu.memory_space<vmem>>
      %parallel_loop3A_1090 = arith.index_cast %parallel_loop3A_1085 : i32 to index
      %parallel_loop3A_1091 = arith.constant 112 : index
      %parallel_loop3A_1092 = tpu.vector_load %parallel_loop3A_1089[%parallel_loop3A_1090, %parallel_loop3A_1091] {strides = array<i32>} : memref<256x128xf32, #tpu.memory_space<vmem>>, vector<1x16xf32>,
      %parallel_loop3A_1093 = vector.shape_cast %parallel_loop3A_1092 : vector<1x16xf32> to vector<16xf32>
      %parallel_loop3A_1094 = arith.addf %parallel_loop3A_1083, %parallel_loop3A_1093 : vector<16xf32>
      %parallel_loop3A_1095 = arith.constant 0 : i32
      %parallel_loop3A_1096 = arith.constant 0 : i32
      %parallel_loop3A_1097 = tpu.memref_slice %arg7[%parallel_loop3A_678, %parallel_loop3A_1095, %parallel_loop3A_1096] : memref<2x128x128xf32, #tpu.memory_space<vmem>> -> memref<1x128x128xf32, #tpu.memory_space<vmem>>
      %parallel_loop3A_1098 = tpu.memref_squeeze %parallel_loop3A_1097 : memref<1x128x128xf32, #tpu.memory_space<vmem>> -> memref<128x128xf32, #tpu.memory_space<vmem>>
      %parallel_loop3A_1099 = arith.index_cast %parallel_loop3A_879 : i32 to index
      %parallel_loop3A_1100 = arith.constant 112 : index
      %parallel_loop3A_1101 = tpu.vector_load %parallel_loop3A_1098[%parallel_loop3A_1099, %parallel_loop3A_1100] {strides = array<i32>} : memref<128x128xf32, #tpu.memory_space<vmem>>, vector<1x16xf32>,
      %parallel_loop3A_1102 = vector.shape_cast %parallel_loop3A_1101 : vector<1x16xf32> to vector<16xf32>
      %parallel_loop3A_1103 = vector.shape_cast %parallel_loop3A_1094 : vector<16xf32> to vector<1x16xf32>
      tpu.vector_store %parallel_loop3A_1098[%parallel_loop3A_1099, %parallel_loop3A_1100], %parallel_loop3A_1103 {strides = array<i32>} : memref<128x128xf32, #tpu.memory_space<vmem>>, vector<1x16xf32>,
    } {sc.loop_unroll_factor = 4 : i64, sc.parallel_access}
    %dma_start3A_679 = arith.constant 0 : i32
    %dma_start3A_680 = arith.constant 0 : i32
    %dma_start3A_681 = arith.constant 0 : i32
    %dma_start3A_682 = arith.constant 0 : i32
    %dma_start3A_683 = tpu.memref_slice %arg7[%dma_start3A_679, %dma_start3A_681, %dma_start3A_682] : memref<2x128x128xf32, #tpu.memory_space<vmem>> -> memref<1x128x128xf32, #tpu.memory_space<vmem>>
    %dma_start3A_684 = tpu.memref_squeeze %dma_start3A_683 : memref<1x128x128xf32, #tpu.memory_space<vmem>> -> memref<128x128xf32, #tpu.memory_space<vmem>>
    %dma_start3A_685 = arith.constant 0 : i32
    %dma_start3A_686 = tpu.memref_slice %arg8[%dma_start3A_680, %dma_start3A_685] : memref<2x128xi32, #tpu.memory_space<vmem>> -> memref<1x128xi32, #tpu.memory_space<vmem>>
    %dma_start3A_687 = tpu.memref_squeeze %dma_start3A_686 : memref<1x128xi32, #tpu.memory_space<vmem>> -> memref<128xi32, #tpu.memory_space<vmem>>
    %dma_start3A_688 = arith.constant 0 : i32
    %dma_start3A_689 = arith.constant 0 : i32
    %dma_start3A_690 = tpu.memref_slice %arg4[%dma_start3A_688, %dma_start3A_689] : memref<204800x128xf32, #tpu.memory_space<hbm>> -> memref<204800x128xf32, #tpu.memory_space<hbm>>
    tpu.enqueue_indirect_dma source(%dma_start3A_684 : memref<128x128xf32, #tpu.memory_space<vmem>>) target(%dma_start3A_690 : memref<204800x128xf32, #tpu.memory_space<hbm>>) offsets(%dma_start3A_687 : memref<128xi32, #tpu.memory_space<vmem>>) semaphore(%arg12 : memref<!tpu.dma_semaphore, #tpu.memory_space<semaphore_mem>>)
    %dma_wait3A_691 = arith.constant 1 : i32
    %dma_wait3A_692 = arith.constant 0 : i32
    %dma_wait3A_693 = arith.constant 0 : i32
    %dma_wait3A_694 = tpu.memref_slice %arg6[%dma_wait3A_691, %dma_wait3A_692, %dma_wait3A_693] : memref<2x256x128xf32, #tpu.memory_space<vmem>> -> memref<1x256x128xf32, #tpu.memory_space<vmem>>
    %dma_wait3A_695 = tpu.memref_squeeze %dma_wait3A_694 : memref<1x256x128xf32, #tpu.memory_space<vmem>> -> memref<256x128xf32, #tpu.memory_space<vmem>>
    %dma_wait3A_696 = arith.constant 0 : i32
    %dma_wait3A_697 = arith.constant 0 : i32
    %dma_wait3A_698 = tpu.memref_slice %arg3[%dma_wait3A_696, %dma_wait3A_697] : memref<102048x128xf32, #tpu.memory_space<hbm>> -> memref<256x128xf32, #tpu.memory_space<hbm>>
    %dma_wait3A_699 = arith.constant 0 : i32
    %dma_wait3A_700 = arith.constant 0 : i32
    %dma_wait3A_701 = tpu.memref_slice %arg6[%dma_wait3A_691, %dma_wait3A_699, %dma_wait3A_700] : memref<2x256x128xf32, #tpu.memory_space<vmem>> -> memref<1x256x128xf32, #tpu.memory_space<vmem>>
    %dma_wait3A_702 = tpu.memref_squeeze %dma_wait3A_701 : memref<1x256x128xf32, #tpu.memory_space<vmem>> -> memref<256x128xf32, #tpu.memory_space<vmem>>
    %dma_wait3A_703 = arith.constant 0 : i32
    %dma_wait3A_704 = arith.constant 0 : i32
    %dma_wait3A_705 = tpu.memref_slice %arg3[%dma_wait3A_703, %dma_wait3A_704] : memref<102048x128xf32, #tpu.memory_space<hbm>> -> memref<256x128xf32, #tpu.memory_space<hbm>>
    tpu.wait_dma2 semaphore(%arg11 : memref<!tpu.dma_semaphore, #tpu.memory_space<semaphore_mem>>) src(%dma_wait3A_705 : memref<256x128xf32, #tpu.memory_space<hbm>>) dst(%dma_wait3A_702 : memref<256x128xf32, #tpu.memory_space<vmem>>)
    %dma_wait3A_706 = arith.constant 1 : i32
    %dma_wait3A_707 = arith.constant 1 : i32
    %dma_wait3A_708 = arith.constant 0 : i32
    %dma_wait3A_709 = arith.constant 0 : i32
    %dma_wait3A_710 = tpu.memref_slice %arg7[%dma_wait3A_706, %dma_wait3A_708, %dma_wait3A_709] : memref<2x128x128xf32, #tpu.memory_space<vmem>> -> memref<1x128x128xf32, #tpu.memory_space<vmem>>
    %dma_wait3A_711 = tpu.memref_squeeze %dma_wait3A_710 : memref<1x128x128xf32, #tpu.memory_space<vmem>> -> memref<128x128xf32, #tpu.memory_space<vmem>>
    %dma_wait3A_712 = arith.constant 0 : i32
    %dma_wait3A_713 = tpu.memref_slice %arg8[%dma_wait3A_707, %dma_wait3A_712] : memref<2x128xi32, #tpu.memory_space<vmem>> -> memref<1x128xi32, #tpu.memory_space<vmem>>
    %dma_wait3A_714 = tpu.memref_squeeze %dma_wait3A_713 : memref<1x128xi32, #tpu.memory_space<vmem>> -> memref<128xi32, #tpu.memory_space<vmem>>
    %dma_wait3A_715 = arith.constant 0 : i32
    %dma_wait3A_716 = arith.constant 0 : i32
    %dma_wait3A_717 = tpu.memref_slice %arg4[%dma_wait3A_715, %dma_wait3A_716] : memref<204800x128xf32, #tpu.memory_space<hbm>> -> memref<204800x128xf32, #tpu.memory_space<hbm>>
    tpu.wait_indirect_dma semaphore(%arg13 : memref<!tpu.dma_semaphore, #tpu.memory_space<semaphore_mem>>) src(%dma_wait3A_711 : memref<128x128xf32, #tpu.memory_space<vmem>>) dst(%dma_wait3A_717 : memref<204800x128xf32, #tpu.memory_space<hbm>>)
    %add3A_718 = arith.constant 49 : i32
    %add3A_719 = arith.addi %mul3A_2, %add3A_718 : i32
    %jit3A_720 = arith.constant 8 : i32
    %div3A_721 = arith.divsi %add3A_719, %jit3A_720 : i32
    %sign3A_722 = arith.constant 0 : i32
    %sign3A_723 = arith.cmpi sgt, %add3A_719, %sign3A_722 : i32
    %sign3A_724 = arith.extui %sign3A_723 : i1 to i32
    %sign3A_725 = arith.constant 0 : i32
    %sign3A_726 = arith.cmpi slt, %add3A_719, %sign3A_725 : i32
    %sign3A_727 = arith.extui %sign3A_726 : i1 to i32
    %sign3A_728 = arith.subi %sign3A_724, %sign3A_727 : i32
    %sign3A_729 = arith.constant 0 : i32
    %sign3A_730 = arith.cmpi sgt, %jit3A_720, %sign3A_729 : i32
    %sign3A_731 = arith.extui %sign3A_730 : i1 to i32
    %sign3A_732 = arith.constant 0 : i32
    %sign3A_733 = arith.cmpi slt, %jit3A_720, %sign3A_732 : i32
    %sign3A_734 = arith.extui %sign3A_733 : i1 to i32
    %sign3A_735 = arith.subi %sign3A_731, %sign3A_734 : i32
    %ne3A_736 = arith.cmpi ne, %sign3A_728, %sign3A_735 : i32
    %rem3A_737 = arith.remsi %add3A_719, %jit3A_720 : i32
    %ne3A_738 = arith.constant 0 : i32
    %ne3A_739 = arith.cmpi ne, %rem3A_737, %ne3A_738 : i32
    %and3A_740 = arith.andi %ne3A_736, %ne3A_739 : i1
    %sub3A_741 = arith.constant 1 : i32
    %sub3A_742 = arith.subi %div3A_721, %sub3A_741 : i32
    %select_n3A_743 = arith.select %and3A_740, %sub3A_742, %div3A_721 : i32
    %mul3A_744 = arith.constant 8 : i32
    %mul3A_745 = arith.muli %select_n3A_743, %mul3A_744 : i32
    %sub3A_746 = arith.subi %add3A_719, %mul3A_745 : i32
    %mul3A_747 = arith.constant 25600 : i32
    %mul3A_748 = arith.muli %sub3A_746, %mul3A_747 : i32
    %add3A_749 = arith.addi %mul3A_748, %select_n3A_743 : i32
    %get3A_750 = arith.constant 0 : index
    %get3A_751 = tpu.vector_load %arg9[%get3A_750] {strides = array<i32>} : memref<128xi32, #tpu.memory_space<vmem>>, vector<16xi32>,
    %get3A_752 = vector.shape_cast %get3A_751 : vector<16xi32> to vector<16xi32>
    %add3A_753 = vector.broadcast %add3A_749 : i32 to vector<16xi32>
    %add3A_754 = arith.addi %get3A_752, %add3A_753 : vector<16xi32>
    %swap3A_755 = arith.constant 1 : i32
    %swap3A_756 = arith.index_cast %swap3A_755 : i32 to index
    %swap3A_757 = arith.constant 0 : index
    %swap3A_758 = tpu.vector_load %arg8[%swap3A_756, %swap3A_757] {strides = array<i32>} : memref<2x128xi32, #tpu.memory_space<vmem>>, vector<1x16xi32>,
    %swap3A_759 = vector.shape_cast %swap3A_758 : vector<1x16xi32> to vector<16xi32>
    %swap3A_760 = vector.shape_cast %add3A_754 : vector<16xi32> to vector<1x16xi32>
    tpu.vector_store %arg8[%swap3A_756, %swap3A_757], %swap3A_760 {strides = array<i32>} : memref<2x128xi32, #tpu.memory_space<vmem>>, vector<1x16xi32>,
    %get3A_761 = arith.constant 16 : index
    %get3A_762 = tpu.vector_load %arg9[%get3A_761] {strides = array<i32>} : memref<128xi32, #tpu.memory_space<vmem>>, vector<16xi32>,
    %get3A_763 = vector.shape_cast %get3A_762 : vector<16xi32> to vector<16xi32>
    %add3A_764 = vector.broadcast %add3A_749 : i32 to vector<16xi32>
    %add3A_765 = arith.addi %get3A_763, %add3A_764 : vector<16xi32>
    %swap3A_766 = arith.constant 1 : i32
    %swap3A_767 = arith.index_cast %swap3A_766 : i32 to index
    %swap3A_768 = arith.constant 16 : index
    %swap3A_769 = tpu.vector_load %arg8[%swap3A_767, %swap3A_768] {strides = array<i32>} : memref<2x128xi32, #tpu.memory_space<vmem>>, vector<1x16xi32>,
    %swap3A_770 = vector.shape_cast %swap3A_769 : vector<1x16xi32> to vector<16xi32>
    %swap3A_771 = vector.shape_cast %add3A_765 : vector<16xi32> to vector<1x16xi32>
    tpu.vector_store %arg8[%swap3A_767, %swap3A_768], %swap3A_771 {strides = array<i32>} : memref<2x128xi32, #tpu.memory_space<vmem>>, vector<1x16xi32>,
    %get3A_772 = arith.constant 32 : index
    %get3A_773 = tpu.vector_load %arg9[%get3A_772] {strides = array<i32>} : memref<128xi32, #tpu.memory_space<vmem>>, vector<16xi32>,
    %get3A_774 = vector.shape_cast %get3A_773 : vector<16xi32> to vector<16xi32>
    %add3A_775 = vector.broadcast %add3A_749 : i32 to vector<16xi32>
    %add3A_776 = arith.addi %get3A_774, %add3A_775 : vector<16xi32>
    %swap3A_777 = arith.constant 1 : i32
    %swap3A_778 = arith.index_cast %swap3A_777 : i32 to index
    %swap3A_779 = arith.constant 32 : index
    %swap3A_780 = tpu.vector_load %arg8[%swap3A_778, %swap3A_779] {strides = array<i32>} : memref<2x128xi32, #tpu.memory_space<vmem>>, vector<1x16xi32>,
    %swap3A_781 = vector.shape_cast %swap3A_780 : vector<1x16xi32> to vector<16xi32>
    %swap3A_782 = vector.shape_cast %add3A_776 : vector<16xi32> to vector<1x16xi32>
    tpu.vector_store %arg8[%swap3A_778, %swap3A_779], %swap3A_782 {strides = array<i32>} : memref<2x128xi32, #tpu.memory_space<vmem>>, vector<1x16xi32>,
    %get3A_783 = arith.constant 48 : index
    %get3A_784 = tpu.vector_load %arg9[%get3A_783] {strides = array<i32>} : memref<128xi32, #tpu.memory_space<vmem>>, vector<16xi32>,
    %get3A_785 = vector.shape_cast %get3A_784 : vector<16xi32> to vector<16xi32>
    %add3A_786 = vector.broadcast %add3A_749 : i32 to vector<16xi32>
    %add3A_787 = arith.addi %get3A_785, %add3A_786 : vector<16xi32>
    %swap3A_788 = arith.constant 1 : i32
    %swap3A_789 = arith.index_cast %swap3A_788 : i32 to index
    %swap3A_790 = arith.constant 48 : index
    %swap3A_791 = tpu.vector_load %arg8[%swap3A_789, %swap3A_790] {strides = array<i32>} : memref<2x128xi32, #tpu.memory_space<vmem>>, vector<1x16xi32>,
    %swap3A_792 = vector.shape_cast %swap3A_791 : vector<1x16xi32> to vector<16xi32>
    %swap3A_793 = vector.shape_cast %add3A_787 : vector<16xi32> to vector<1x16xi32>
    tpu.vector_store %arg8[%swap3A_789, %swap3A_790], %swap3A_793 {strides = array<i32>} : memref<2x128xi32, #tpu.memory_space<vmem>>, vector<1x16xi32>,
    %get3A_794 = arith.constant 64 : index
    %get3A_795 = tpu.vector_load %arg9[%get3A_794] {strides = array<i32>} : memref<128xi32, #tpu.memory_space<vmem>>, vector<16xi32>,
    %get3A_796 = vector.shape_cast %get3A_795 : vector<16xi32> to vector<16xi32>
    %add3A_797 = vector.broadcast %add3A_749 : i32 to vector<16xi32>
    %add3A_798 = arith.addi %get3A_796, %add3A_797 : vector<16xi32>
    %swap3A_799 = arith.constant 1 : i32
    %swap3A_800 = arith.index_cast %swap3A_799 : i32 to index
    %swap3A_801 = arith.constant 64 : index
    %swap3A_802 = tpu.vector_load %arg8[%swap3A_800, %swap3A_801] {strides = array<i32>} : memref<2x128xi32, #tpu.memory_space<vmem>>, vector<1x16xi32>,
    %swap3A_803 = vector.shape_cast %swap3A_802 : vector<1x16xi32> to vector<16xi32>
    %swap3A_804 = vector.shape_cast %add3A_798 : vector<16xi32> to vector<1x16xi32>
    tpu.vector_store %arg8[%swap3A_800, %swap3A_801], %swap3A_804 {strides = array<i32>} : memref<2x128xi32, #tpu.memory_space<vmem>>, vector<1x16xi32>,
    %get3A_805 = arith.constant 80 : index
    %get3A_806 = tpu.vector_load %arg9[%get3A_805] {strides = array<i32>} : memref<128xi32, #tpu.memory_space<vmem>>, vector<16xi32>,
    %get3A_807 = vector.shape_cast %get3A_806 : vector<16xi32> to vector<16xi32>
    %add3A_808 = vector.broadcast %add3A_749 : i32 to vector<16xi32>
    %add3A_809 = arith.addi %get3A_807, %add3A_808 : vector<16xi32>
    %swap3A_810 = arith.constant 1 : i32
    %swap3A_811 = arith.index_cast %swap3A_810 : i32 to index
    %swap3A_812 = arith.constant 80 : index
    %swap3A_813 = tpu.vector_load %arg8[%swap3A_811, %swap3A_812] {strides = array<i32>} : memref<2x128xi32, #tpu.memory_space<vmem>>, vector<1x16xi32>,
    %swap3A_814 = vector.shape_cast %swap3A_813 : vector<1x16xi32> to vector<16xi32>
    %swap3A_815 = vector.shape_cast %add3A_809 : vector<16xi32> to vector<1x16xi32>
    tpu.vector_store %arg8[%swap3A_811, %swap3A_812], %swap3A_815 {strides = array<i32>} : memref<2x128xi32, #tpu.memory_space<vmem>>, vector<1x16xi32>,
    %get3A_816 = arith.constant 96 : index
    %get3A_817 = tpu.vector_load %arg9[%get3A_816] {strides = array<i32>} : memref<128xi32, #tpu.memory_space<vmem>>, vector<16xi32>,
    %get3A_818 = vector.shape_cast %get3A_817 : vector<16xi32> to vector<16xi32>
    %add3A_819 = vector.broadcast %add3A_749 : i32 to vector<16xi32>
    %add3A_820 = arith.addi %get3A_818, %add3A_819 : vector<16xi32>
    %swap3A_821 = arith.constant 1 : i32
    %swap3A_822 = arith.index_cast %swap3A_821 : i32 to index
    %swap3A_823 = arith.constant 96 : index
    %swap3A_824 = tpu.vector_load %arg8[%swap3A_822, %swap3A_823] {strides = array<i32>} : memref<2x128xi32, #tpu.memory_space<vmem>>, vector<1x16xi32>,
    %swap3A_825 = vector.shape_cast %swap3A_824 : vector<1x16xi32> to vector<16xi32>
    %swap3A_826 = vector.shape_cast %add3A_820 : vector<16xi32> to vector<1x16xi32>
    tpu.vector_store %arg8[%swap3A_822, %swap3A_823], %swap3A_826 {strides = array<i32>} : memref<2x128xi32, #tpu.memory_space<vmem>>, vector<1x16xi32>,
    %get3A_827 = arith.constant 112 : index
    %get3A_828 = tpu.vector_load %arg9[%get3A_827] {strides = array<i32>} : memref<128xi32, #tpu.memory_space<vmem>>, vector<16xi32>,
    %get3A_829 = vector.shape_cast %get3A_828 : vector<16xi32> to vector<16xi32>
    %add3A_830 = vector.broadcast %add3A_749 : i32 to vector<16xi32>
    %add3A_831 = arith.addi %get3A_829, %add3A_830 : vector<16xi32>
    %swap3A_832 = arith.constant 1 : i32
    %swap3A_833 = arith.index_cast %swap3A_832 : i32 to index
    %swap3A_834 = arith.constant 112 : index
    %swap3A_835 = tpu.vector_load %arg8[%swap3A_833, %swap3A_834] {strides = array<i32>} : memref<2x128xi32, #tpu.memory_space<vmem>>, vector<1x16xi32>,
    %swap3A_836 = vector.shape_cast %swap3A_835 : vector<1x16xi32> to vector<16xi32>
    %swap3A_837 = vector.shape_cast %add3A_831 : vector<16xi32> to vector<1x16xi32>
    tpu.vector_store %arg8[%swap3A_833, %swap3A_834], %swap3A_837 {strides = array<i32>} : memref<2x128xi32, #tpu.memory_space<vmem>>, vector<1x16xi32>,
    %parallel_loop3A_838 = arith.constant 0 : i32
    %parallel_loop3A_839 = arith.constant 128 : i32
    %parallel_loop3A_840 = arith.constant 1 : i32
    %parallel_loop3A_841 = arith.constant 1 : i32
    %parallel_loop3A_842 = arith.constant 1 : i32
    scf.for %parallel_loop3A_879 = %parallel_loop3A_838 to %parallel_loop3A_839 step %parallel_loop3A_840  : i32 {
      %parallel_loop3A_880 = arith.constant 0 : i32
      %parallel_loop3A_881 = arith.constant 0 : i32
      %parallel_loop3A_882 = tpu.memref_slice %arg6[%parallel_loop3A_841, %parallel_loop3A_880, %parallel_loop3A_881] : memref<2x256x128xf32, #tpu.memory_space<vmem>> -> memref<1x256x128xf32, #tpu.memory_space<vmem>>
      %parallel_loop3A_883 = tpu.memref_squeeze %parallel_loop3A_882 : memref<1x256x128xf32, #tpu.memory_space<vmem>> -> memref<256x128xf32, #tpu.memory_space<vmem>>
      %parallel_loop3A_884 = arith.index_cast %parallel_loop3A_879 : i32 to index
      %parallel_loop3A_885 = arith.constant 0 : index
      %parallel_loop3A_886 = tpu.vector_load %parallel_loop3A_883[%parallel_loop3A_884, %parallel_loop3A_885] {strides = array<i32>} : memref<256x128xf32, #tpu.memory_space<vmem>>, vector<1x16xf32>,
      %parallel_loop3A_887 = vector.shape_cast %parallel_loop3A_886 : vector<1x16xf32> to vector<16xf32>
      %parallel_loop3A_888 = arith.constant 128 : i32
      %parallel_loop3A_889 = arith.addi %parallel_loop3A_888, %parallel_loop3A_879 : i32
      %parallel_loop3A_890 = arith.constant 0 : i32
      %parallel_loop3A_891 = arith.constant 0 : i32
      %parallel_loop3A_892 = tpu.memref_slice %arg6[%parallel_loop3A_841, %parallel_loop3A_890, %parallel_loop3A_891] : memref<2x256x128xf32, #tpu.memory_space<vmem>> -> memref<1x256x128xf32, #tpu.memory_space<vmem>>
      %parallel_loop3A_893 = tpu.memref_squeeze %parallel_loop3A_892 : memref<1x256x128xf32, #tpu.memory_space<vmem>> -> memref<256x128xf32, #tpu.memory_space<vmem>>
      %parallel_loop3A_894 = arith.index_cast %parallel_loop3A_889 : i32 to index
      %parallel_loop3A_895 = arith.constant 0 : index
      %parallel_loop3A_896 = tpu.vector_load %parallel_loop3A_893[%parallel_loop3A_894, %parallel_loop3A_895] {strides = array<i32>} : memref<256x128xf32, #tpu.memory_space<vmem>>, vector<1x16xf32>,
      %parallel_loop3A_897 = vector.shape_cast %parallel_loop3A_896 : vector<1x16xf32> to vector<16xf32>
      %parallel_loop3A_898 = arith.addf %parallel_loop3A_887, %parallel_loop3A_897 : vector<16xf32>
      %parallel_loop3A_899 = arith.constant 0 : i32
      %parallel_loop3A_900 = arith.constant 0 : i32
      %parallel_loop3A_901 = tpu.memref_slice %arg7[%parallel_loop3A_842, %parallel_loop3A_899, %parallel_loop3A_900] : memref<2x128x128xf32, #tpu.memory_space<vmem>> -> memref<1x128x128xf32, #tpu.memory_space<vmem>>
      %parallel_loop3A_902 = tpu.memref_squeeze %parallel_loop3A_901 : memref<1x128x128xf32, #tpu.memory_space<vmem>> -> memref<128x128xf32, #tpu.memory_space<vmem>>
      %parallel_loop3A_903 = arith.index_cast %parallel_loop3A_879 : i32 to index
      %parallel_loop3A_904 = arith.constant 0 : index
      %parallel_loop3A_905 = tpu.vector_load %parallel_loop3A_902[%parallel_loop3A_903, %parallel_loop3A_904] {strides = array<i32>} : memref<128x128xf32, #tpu.memory_space<vmem>>, vector<1x16xf32>,
      %parallel_loop3A_906 = vector.shape_cast %parallel_loop3A_905 : vector<1x16xf32> to vector<16xf32>
      %parallel_loop3A_907 = vector.shape_cast %parallel_loop3A_898 : vector<16xf32> to vector<1x16xf32>
      tpu.vector_store %parallel_loop3A_902[%parallel_loop3A_903, %parallel_loop3A_904], %parallel_loop3A_907 {strides = array<i32>} : memref<128x128xf32, #tpu.memory_space<vmem>>, vector<1x16xf32>,
      %parallel_loop3A_908 = arith.constant 0 : i32
      %parallel_loop3A_909 = arith.constant 0 : i32
      %parallel_loop3A_910 = tpu.memref_slice %arg6[%parallel_loop3A_841, %parallel_loop3A_908, %parallel_loop3A_909] : memref<2x256x128xf32, #tpu.memory_space<vmem>> -> memref<1x256x128xf32, #tpu.memory_space<vmem>>
      %parallel_loop3A_911 = tpu.memref_squeeze %parallel_loop3A_910 : memref<1x256x128xf32, #tpu.memory_space<vmem>> -> memref<256x128xf32, #tpu.memory_space<vmem>>
      %parallel_loop3A_912 = arith.index_cast %parallel_loop3A_879 : i32 to index
      %parallel_loop3A_913 = arith.constant 16 : index
      %parallel_loop3A_914 = tpu.vector_load %parallel_loop3A_911[%parallel_loop3A_912, %parallel_loop3A_913] {strides = array<i32>} : memref<256x128xf32, #tpu.memory_space<vmem>>, vector<1x16xf32>,
      %parallel_loop3A_915 = vector.shape_cast %parallel_loop3A_914 : vector<1x16xf32> to vector<16xf32>
      %parallel_loop3A_916 = arith.constant 128 : i32
      %parallel_loop3A_917 = arith.addi %parallel_loop3A_916, %parallel_loop3A_879 : i32
      %parallel_loop3A_918 = arith.constant 0 : i32
      %parallel_loop3A_919 = arith.constant 0 : i32
      %parallel_loop3A_920 = tpu.memref_slice %arg6[%parallel_loop3A_841, %parallel_loop3A_918, %parallel_loop3A_919] : memref<2x256x128xf32, #tpu.memory_space<vmem>> -> memref<1x256x128xf32, #tpu.memory_space<vmem>>
      %parallel_loop3A_921 = tpu.memref_squeeze %parallel_loop3A_920 : memref<1x256x128xf32, #tpu.memory_space<vmem>> -> memref<256x128xf32, #tpu.memory_space<vmem>>
      %parallel_loop3A_922 = arith.index_cast %parallel_loop3A_917 : i32 to index
      %parallel_loop3A_923 = arith.constant 16 : index
      %parallel_loop3A_924 = tpu.vector_load %parallel_loop3A_921[%parallel_loop3A_922, %parallel_loop3A_923] {strides = array<i32>} : memref<256x128xf32, #tpu.memory_space<vmem>>, vector<1x16xf32>,
      %parallel_loop3A_925 = vector.shape_cast %parallel_loop3A_924 : vector<1x16xf32> to vector<16xf32>
      %parallel_loop3A_926 = arith.addf %parallel_loop3A_915, %parallel_loop3A_925 : vector<16xf32>
      %parallel_loop3A_927 = arith.constant 0 : i32
      %parallel_loop3A_928 = arith.constant 0 : i32
      %parallel_loop3A_929 = tpu.memref_slice %arg7[%parallel_loop3A_842, %parallel_loop3A_927, %parallel_loop3A_928] : memref<2x128x128xf32, #tpu.memory_space<vmem>> -> memref<1x128x128xf32, #tpu.memory_space<vmem>>
      %parallel_loop3A_930 = tpu.memref_squeeze %parallel_loop3A_929 : memref<1x128x128xf32, #tpu.memory_space<vmem>> -> memref<128x128xf32, #tpu.memory_space<vmem>>
      %parallel_loop3A_931 = arith.index_cast %parallel_loop3A_879 : i32 to index
      %parallel_loop3A_932 = arith.constant 16 : index
      %parallel_loop3A_933 = tpu.vector_load %parallel_loop3A_930[%parallel_loop3A_931, %parallel_loop3A_932] {strides = array<i32>} : memref<128x128xf32, #tpu.memory_space<vmem>>, vector<1x16xf32>,
      %parallel_loop3A_934 = vector.shape_cast %parallel_loop3A_933 : vector<1x16xf32> to vector<16xf32>
      %parallel_loop3A_935 = vector.shape_cast %parallel_loop3A_926 : vector<16xf32> to vector<1x16xf32>
      tpu.vector_store %parallel_loop3A_930[%parallel_loop3A_931, %parallel_loop3A_932], %parallel_loop3A_935 {strides = array<i32>} : memref<128x128xf32, #tpu.memory_space<vmem>>, vector<1x16xf32>,
      %parallel_loop3A_936 = arith.constant 0 : i32
      %parallel_loop3A_937 = arith.constant 0 : i32
      %parallel_loop3A_938 = tpu.memref_slice %arg6[%parallel_loop3A_841, %parallel_loop3A_936, %parallel_loop3A_937] : memref<2x256x128xf32, #tpu.memory_space<vmem>> -> memref<1x256x128xf32, #tpu.memory_space<vmem>>
      %parallel_loop3A_939 = tpu.memref_squeeze %parallel_loop3A_938 : memref<1x256x128xf32, #tpu.memory_space<vmem>> -> memref<256x128xf32, #tpu.memory_space<vmem>>
      %parallel_loop3A_940 = arith.index_cast %parallel_loop3A_879 : i32 to index
      %parallel_loop3A_941 = arith.constant 32 : index
      %parallel_loop3A_942 = tpu.vector_load %parallel_loop3A_939[%parallel_loop3A_940, %parallel_loop3A_941] {strides = array<i32>} : memref<256x128xf32, #tpu.memory_space<vmem>>, vector<1x16xf32>,
      %parallel_loop3A_943 = vector.shape_cast %parallel_loop3A_942 : vector<1x16xf32> to vector<16xf32>
      %parallel_loop3A_944 = arith.constant 128 : i32
      %parallel_loop3A_945 = arith.addi %parallel_loop3A_944, %parallel_loop3A_879 : i32
      %parallel_loop3A_946 = arith.constant 0 : i32
      %parallel_loop3A_947 = arith.constant 0 : i32
      %parallel_loop3A_948 = tpu.memref_slice %arg6[%parallel_loop3A_841, %parallel_loop3A_946, %parallel_loop3A_947] : memref<2x256x128xf32, #tpu.memory_space<vmem>> -> memref<1x256x128xf32, #tpu.memory_space<vmem>>
      %parallel_loop3A_949 = tpu.memref_squeeze %parallel_loop3A_948 : memref<1x256x128xf32, #tpu.memory_space<vmem>> -> memref<256x128xf32, #tpu.memory_space<vmem>>
      %parallel_loop3A_950 = arith.index_cast %parallel_loop3A_945 : i32 to index
      %parallel_loop3A_951 = arith.constant 32 : index
      %parallel_loop3A_952 = tpu.vector_load %parallel_loop3A_949[%parallel_loop3A_950, %parallel_loop3A_951] {strides = array<i32>} : memref<256x128xf32, #tpu.memory_space<vmem>>, vector<1x16xf32>,
      %parallel_loop3A_953 = vector.shape_cast %parallel_loop3A_952 : vector<1x16xf32> to vector<16xf32>
      %parallel_loop3A_954 = arith.addf %parallel_loop3A_943, %parallel_loop3A_953 : vector<16xf32>
      %parallel_loop3A_955 = arith.constant 0 : i32
      %parallel_loop3A_956 = arith.constant 0 : i32
      %parallel_loop3A_957 = tpu.memref_slice %arg7[%parallel_loop3A_842, %parallel_loop3A_955, %parallel_loop3A_956] : memref<2x128x128xf32, #tpu.memory_space<vmem>> -> memref<1x128x128xf32, #tpu.memory_space<vmem>>
      %parallel_loop3A_958 = tpu.memref_squeeze %parallel_loop3A_957 : memref<1x128x128xf32, #tpu.memory_space<vmem>> -> memref<128x128xf32, #tpu.memory_space<vmem>>
      %parallel_loop3A_959 = arith.index_cast %parallel_loop3A_879 : i32 to index
      %parallel_loop3A_960 = arith.constant 32 : index
      %parallel_loop3A_961 = tpu.vector_load %parallel_loop3A_958[%parallel_loop3A_959, %parallel_loop3A_960] {strides = array<i32>} : memref<128x128xf32, #tpu.memory_space<vmem>>, vector<1x16xf32>,
      %parallel_loop3A_962 = vector.shape_cast %parallel_loop3A_961 : vector<1x16xf32> to vector<16xf32>
      %parallel_loop3A_963 = vector.shape_cast %parallel_loop3A_954 : vector<16xf32> to vector<1x16xf32>
      tpu.vector_store %parallel_loop3A_958[%parallel_loop3A_959, %parallel_loop3A_960], %parallel_loop3A_963 {strides = array<i32>} : memref<128x128xf32, #tpu.memory_space<vmem>>, vector<1x16xf32>,
      %parallel_loop3A_964 = arith.constant 0 : i32
      %parallel_loop3A_965 = arith.constant 0 : i32
      %parallel_loop3A_966 = tpu.memref_slice %arg6[%parallel_loop3A_841, %parallel_loop3A_964, %parallel_loop3A_965] : memref<2x256x128xf32, #tpu.memory_space<vmem>> -> memref<1x256x128xf32, #tpu.memory_space<vmem>>
      %parallel_loop3A_967 = tpu.memref_squeeze %parallel_loop3A_966 : memref<1x256x128xf32, #tpu.memory_space<vmem>> -> memref<256x128xf32, #tpu.memory_space<vmem>>
      %parallel_loop3A_968 = arith.index_cast %parallel_loop3A_879 : i32 to index
      %parallel_loop3A_969 = arith.constant 48 : index
      %parallel_loop3A_970 = tpu.vector_load %parallel_loop3A_967[%parallel_loop3A_968, %parallel_loop3A_969] {strides = array<i32>} : memref<256x128xf32, #tpu.memory_space<vmem>>, vector<1x16xf32>,
      %parallel_loop3A_971 = vector.shape_cast %parallel_loop3A_970 : vector<1x16xf32> to vector<16xf32>
      %parallel_loop3A_972 = arith.constant 128 : i32
      %parallel_loop3A_973 = arith.addi %parallel_loop3A_972, %parallel_loop3A_879 : i32
      %parallel_loop3A_974 = arith.constant 0 : i32
      %parallel_loop3A_975 = arith.constant 0 : i32
      %parallel_loop3A_976 = tpu.memref_slice %arg6[%parallel_loop3A_841, %parallel_loop3A_974, %parallel_loop3A_975] : memref<2x256x128xf32, #tpu.memory_space<vmem>> -> memref<1x256x128xf32, #tpu.memory_space<vmem>>
      %parallel_loop3A_977 = tpu.memref_squeeze %parallel_loop3A_976 : memref<1x256x128xf32, #tpu.memory_space<vmem>> -> memref<256x128xf32, #tpu.memory_space<vmem>>
      %parallel_loop3A_978 = arith.index_cast %parallel_loop3A_973 : i32 to index
      %parallel_loop3A_979 = arith.constant 48 : index
      %parallel_loop3A_980 = tpu.vector_load %parallel_loop3A_977[%parallel_loop3A_978, %parallel_loop3A_979] {strides = array<i32>} : memref<256x128xf32, #tpu.memory_space<vmem>>, vector<1x16xf32>,
      %parallel_loop3A_981 = vector.shape_cast %parallel_loop3A_980 : vector<1x16xf32> to vector<16xf32>
      %parallel_loop3A_982 = arith.addf %parallel_loop3A_971, %parallel_loop3A_981 : vector<16xf32>
      %parallel_loop3A_983 = arith.constant 0 : i32
      %parallel_loop3A_984 = arith.constant 0 : i32
      %parallel_loop3A_985 = tpu.memref_slice %arg7[%parallel_loop3A_842, %parallel_loop3A_983, %parallel_loop3A_984] : memref<2x128x128xf32, #tpu.memory_space<vmem>> -> memref<1x128x128xf32, #tpu.memory_space<vmem>>
      %parallel_loop3A_986 = tpu.memref_squeeze %parallel_loop3A_985 : memref<1x128x128xf32, #tpu.memory_space<vmem>> -> memref<128x128xf32, #tpu.memory_space<vmem>>
      %parallel_loop3A_987 = arith.index_cast %parallel_loop3A_879 : i32 to index
      %parallel_loop3A_988 = arith.constant 48 : index
      %parallel_loop3A_989 = tpu.vector_load %parallel_loop3A_986[%parallel_loop3A_987, %parallel_loop3A_988] {strides = array<i32>} : memref<128x128xf32, #tpu.memory_space<vmem>>, vector<1x16xf32>,
      %parallel_loop3A_990 = vector.shape_cast %parallel_loop3A_989 : vector<1x16xf32> to vector<16xf32>
      %parallel_loop3A_991 = vector.shape_cast %parallel_loop3A_982 : vector<16xf32> to vector<1x16xf32>
      tpu.vector_store %parallel_loop3A_986[%parallel_loop3A_987, %parallel_loop3A_988], %parallel_loop3A_991 {strides = array<i32>} : memref<128x128xf32, #tpu.memory_space<vmem>>, vector<1x16xf32>,
      %parallel_loop3A_992 = arith.constant 0 : i32
      %parallel_loop3A_993 = arith.constant 0 : i32
      %parallel_loop3A_994 = tpu.memref_slice %arg6[%parallel_loop3A_841, %parallel_loop3A_992, %parallel_loop3A_993] : memref<2x256x128xf32, #tpu.memory_space<vmem>> -> memref<1x256x128xf32, #tpu.memory_space<vmem>>
      %parallel_loop3A_995 = tpu.memref_squeeze %parallel_loop3A_994 : memref<1x256x128xf32, #tpu.memory_space<vmem>> -> memref<256x128xf32, #tpu.memory_space<vmem>>
      %parallel_loop3A_996 = arith.index_cast %parallel_loop3A_879 : i32 to index
      %parallel_loop3A_997 = arith.constant 64 : index
      %parallel_loop3A_998 = tpu.vector_load %parallel_loop3A_995[%parallel_loop3A_996, %parallel_loop3A_997] {strides = array<i32>} : memref<256x128xf32, #tpu.memory_space<vmem>>, vector<1x16xf32>,
      %parallel_loop3A_999 = vector.shape_cast %parallel_loop3A_998 : vector<1x16xf32> to vector<16xf32>
      %parallel_loop3A_1000 = arith.constant 128 : i32
      %parallel_loop3A_1001 = arith.addi %parallel_loop3A_1000, %parallel_loop3A_879 : i32
      %parallel_loop3A_1002 = arith.constant 0 : i32
      %parallel_loop3A_1003 = arith.constant 0 : i32
      %parallel_loop3A_1004 = tpu.memref_slice %arg6[%parallel_loop3A_841, %parallel_loop3A_1002, %parallel_loop3A_1003] : memref<2x256x128xf32, #tpu.memory_space<vmem>> -> memref<1x256x128xf32, #tpu.memory_space<vmem>>
      %parallel_loop3A_1005 = tpu.memref_squeeze %parallel_loop3A_1004 : memref<1x256x128xf32, #tpu.memory_space<vmem>> -> memref<256x128xf32, #tpu.memory_space<vmem>>
      %parallel_loop3A_1006 = arith.index_cast %parallel_loop3A_1001 : i32 to index
      %parallel_loop3A_1007 = arith.constant 64 : index
      %parallel_loop3A_1008 = tpu.vector_load %parallel_loop3A_1005[%parallel_loop3A_1006, %parallel_loop3A_1007] {strides = array<i32>} : memref<256x128xf32, #tpu.memory_space<vmem>>, vector<1x16xf32>,
      %parallel_loop3A_1009 = vector.shape_cast %parallel_loop3A_1008 : vector<1x16xf32> to vector<16xf32>
      %parallel_loop3A_1010 = arith.addf %parallel_loop3A_999, %parallel_loop3A_1009 : vector<16xf32>
      %parallel_loop3A_1011 = arith.constant 0 : i32
      %parallel_loop3A_1012 = arith.constant 0 : i32
      %parallel_loop3A_1013 = tpu.memref_slice %arg7[%parallel_loop3A_842, %parallel_loop3A_1011, %parallel_loop3A_1012] : memref<2x128x128xf32, #tpu.memory_space<vmem>> -> memref<1x128x128xf32, #tpu.memory_space<vmem>>
      %parallel_loop3A_1014 = tpu.memref_squeeze %parallel_loop3A_1013 : memref<1x128x128xf32, #tpu.memory_space<vmem>> -> memref<128x128xf32, #tpu.memory_space<vmem>>
      %parallel_loop3A_1015 = arith.index_cast %parallel_loop3A_879 : i32 to index
      %parallel_loop3A_1016 = arith.constant 64 : index
      %parallel_loop3A_1017 = tpu.vector_load %parallel_loop3A_1014[%parallel_loop3A_1015, %parallel_loop3A_1016] {strides = array<i32>} : memref<128x128xf32, #tpu.memory_space<vmem>>, vector<1x16xf32>,
      %parallel_loop3A_1018 = vector.shape_cast %parallel_loop3A_1017 : vector<1x16xf32> to vector<16xf32>
      %parallel_loop3A_1019 = vector.shape_cast %parallel_loop3A_1010 : vector<16xf32> to vector<1x16xf32>
      tpu.vector_store %parallel_loop3A_1014[%parallel_loop3A_1015, %parallel_loop3A_1016], %parallel_loop3A_1019 {strides = array<i32>} : memref<128x128xf32, #tpu.memory_space<vmem>>, vector<1x16xf32>,
      %parallel_loop3A_1020 = arith.constant 0 : i32
      %parallel_loop3A_1021 = arith.constant 0 : i32
      %parallel_loop3A_1022 = tpu.memref_slice %arg6[%parallel_loop3A_841, %parallel_loop3A_1020, %parallel_loop3A_1021] : memref<2x256x128xf32, #tpu.memory_space<vmem>> -> memref<1x256x128xf32, #tpu.memory_space<vmem>>
      %parallel_loop3A_1023 = tpu.memref_squeeze %parallel_loop3A_1022 : memref<1x256x128xf32, #tpu.memory_space<vmem>> -> memref<256x128xf32, #tpu.memory_space<vmem>>
      %parallel_loop3A_1024 = arith.index_cast %parallel_loop3A_879 : i32 to index
      %parallel_loop3A_1025 = arith.constant 80 : index
      %parallel_loop3A_1026 = tpu.vector_load %parallel_loop3A_1023[%parallel_loop3A_1024, %parallel_loop3A_1025] {strides = array<i32>} : memref<256x128xf32, #tpu.memory_space<vmem>>, vector<1x16xf32>,
      %parallel_loop3A_1027 = vector.shape_cast %parallel_loop3A_1026 : vector<1x16xf32> to vector<16xf32>
      %parallel_loop3A_1028 = arith.constant 128 : i32
      %parallel_loop3A_1029 = arith.addi %parallel_loop3A_1028, %parallel_loop3A_879 : i32
      %parallel_loop3A_1030 = arith.constant 0 : i32
      %parallel_loop3A_1031 = arith.constant 0 : i32
      %parallel_loop3A_1032 = tpu.memref_slice %arg6[%parallel_loop3A_841, %parallel_loop3A_1030, %parallel_loop3A_1031] : memref<2x256x128xf32, #tpu.memory_space<vmem>> -> memref<1x256x128xf32, #tpu.memory_space<vmem>>
      %parallel_loop3A_1033 = tpu.memref_squeeze %parallel_loop3A_1032 : memref<1x256x128xf32, #tpu.memory_space<vmem>> -> memref<256x128xf32, #tpu.memory_space<vmem>>
      %parallel_loop3A_1034 = arith.index_cast %parallel_loop3A_1029 : i32 to index
      %parallel_loop3A_1035 = arith.constant 80 : index
      %parallel_loop3A_1036 = tpu.vector_load %parallel_loop3A_1033[%parallel_loop3A_1034, %parallel_loop3A_1035] {strides = array<i32>} : memref<256x128xf32, #tpu.memory_space<vmem>>, vector<1x16xf32>,
      %parallel_loop3A_1037 = vector.shape_cast %parallel_loop3A_1036 : vector<1x16xf32> to vector<16xf32>
      %parallel_loop3A_1038 = arith.addf %parallel_loop3A_1027, %parallel_loop3A_1037 : vector<16xf32>
      %parallel_loop3A_1039 = arith.constant 0 : i32
      %parallel_loop3A_1040 = arith.constant 0 : i32
      %parallel_loop3A_1041 = tpu.memref_slice %arg7[%parallel_loop3A_842, %parallel_loop3A_1039, %parallel_loop3A_1040] : memref<2x128x128xf32, #tpu.memory_space<vmem>> -> memref<1x128x128xf32, #tpu.memory_space<vmem>>
      %parallel_loop3A_1042 = tpu.memref_squeeze %parallel_loop3A_1041 : memref<1x128x128xf32, #tpu.memory_space<vmem>> -> memref<128x128xf32, #tpu.memory_space<vmem>>
      %parallel_loop3A_1043 = arith.index_cast %parallel_loop3A_879 : i32 to index
      %parallel_loop3A_1044 = arith.constant 80 : index
      %parallel_loop3A_1045 = tpu.vector_load %parallel_loop3A_1042[%parallel_loop3A_1043, %parallel_loop3A_1044] {strides = array<i32>} : memref<128x128xf32, #tpu.memory_space<vmem>>, vector<1x16xf32>,
      %parallel_loop3A_1046 = vector.shape_cast %parallel_loop3A_1045 : vector<1x16xf32> to vector<16xf32>
      %parallel_loop3A_1047 = vector.shape_cast %parallel_loop3A_1038 : vector<16xf32> to vector<1x16xf32>
      tpu.vector_store %parallel_loop3A_1042[%parallel_loop3A_1043, %parallel_loop3A_1044], %parallel_loop3A_1047 {strides = array<i32>} : memref<128x128xf32, #tpu.memory_space<vmem>>, vector<1x16xf32>,
      %parallel_loop3A_1048 = arith.constant 0 : i32
      %parallel_loop3A_1049 = arith.constant 0 : i32
      %parallel_loop3A_1050 = tpu.memref_slice %arg6[%parallel_loop3A_841, %parallel_loop3A_1048, %parallel_loop3A_1049] : memref<2x256x128xf32, #tpu.memory_space<vmem>> -> memref<1x256x128xf32, #tpu.memory_space<vmem>>
      %parallel_loop3A_1051 = tpu.memref_squeeze %parallel_loop3A_1050 : memref<1x256x128xf32, #tpu.memory_space<vmem>> -> memref<256x128xf32, #tpu.memory_space<vmem>>
      %parallel_loop3A_1052 = arith.index_cast %parallel_loop3A_879 : i32 to index
      %parallel_loop3A_1053 = arith.constant 96 : index
      %parallel_loop3A_1054 = tpu.vector_load %parallel_loop3A_1051[%parallel_loop3A_1052, %parallel_loop3A_1053] {strides = array<i32>} : memref<256x128xf32, #tpu.memory_space<vmem>>, vector<1x16xf32>,
      %parallel_loop3A_1055 = vector.shape_cast %parallel_loop3A_1054 : vector<1x16xf32> to vector<16xf32>
      %parallel_loop3A_1056 = arith.constant 128 : i32
      %parallel_loop3A_1057 = arith.addi %parallel_loop3A_1056, %parallel_loop3A_879 : i32
      %parallel_loop3A_1058 = arith.constant 0 : i32
      %parallel_loop3A_1059 = arith.constant 0 : i32
      %parallel_loop3A_1060 = tpu.memref_slice %arg6[%parallel_loop3A_841, %parallel_loop3A_1058, %parallel_loop3A_1059] : memref<2x256x128xf32, #tpu.memory_space<vmem>> -> memref<1x256x128xf32, #tpu.memory_space<vmem>>
      %parallel_loop3A_1061 = tpu.memref_squeeze %parallel_loop3A_1060 : memref<1x256x128xf32, #tpu.memory_space<vmem>> -> memref<256x128xf32, #tpu.memory_space<vmem>>
      %parallel_loop3A_1062 = arith.index_cast %parallel_loop3A_1057 : i32 to index
      %parallel_loop3A_1063 = arith.constant 96 : index
      %parallel_loop3A_1064 = tpu.vector_load %parallel_loop3A_1061[%parallel_loop3A_1062, %parallel_loop3A_1063] {strides = array<i32>} : memref<256x128xf32, #tpu.memory_space<vmem>>, vector<1x16xf32>,
      %parallel_loop3A_1065 = vector.shape_cast %parallel_loop3A_1064 : vector<1x16xf32> to vector<16xf32>
      %parallel_loop3A_1066 = arith.addf %parallel_loop3A_1055, %parallel_loop3A_1065 : vector<16xf32>
      %parallel_loop3A_1067 = arith.constant 0 : i32
      %parallel_loop3A_1068 = arith.constant 0 : i32
      %parallel_loop3A_1069 = tpu.memref_slice %arg7[%parallel_loop3A_842, %parallel_loop3A_1067, %parallel_loop3A_1068] : memref<2x128x128xf32, #tpu.memory_space<vmem>> -> memref<1x128x128xf32, #tpu.memory_space<vmem>>
      %parallel_loop3A_1070 = tpu.memref_squeeze %parallel_loop3A_1069 : memref<1x128x128xf32, #tpu.memory_space<vmem>> -> memref<128x128xf32, #tpu.memory_space<vmem>>
      %parallel_loop3A_1071 = arith.index_cast %parallel_loop3A_879 : i32 to index
      %parallel_loop3A_1072 = arith.constant 96 : index
      %parallel_loop3A_1073 = tpu.vector_load %parallel_loop3A_1070[%parallel_loop3A_1071, %parallel_loop3A_1072] {strides = array<i32>} : memref<128x128xf32, #tpu.memory_space<vmem>>, vector<1x16xf32>,
      %parallel_loop3A_1074 = vector.shape_cast %parallel_loop3A_1073 : vector<1x16xf32> to vector<16xf32>
      %parallel_loop3A_1075 = vector.shape_cast %parallel_loop3A_1066 : vector<16xf32> to vector<1x16xf32>
      tpu.vector_store %parallel_loop3A_1070[%parallel_loop3A_1071, %parallel_loop3A_1072], %parallel_loop3A_1075 {strides = array<i32>} : memref<128x128xf32, #tpu.memory_space<vmem>>, vector<1x16xf32>,
      %parallel_loop3A_1076 = arith.constant 0 : i32
      %parallel_loop3A_1077 = arith.constant 0 : i32
      %parallel_loop3A_1078 = tpu.memref_slice %arg6[%parallel_loop3A_841, %parallel_loop3A_1076, %parallel_loop3A_1077] : memref<2x256x128xf32, #tpu.memory_space<vmem>> -> memref<1x256x128xf32, #tpu.memory_space<vmem>>
      %parallel_loop3A_1079 = tpu.memref_squeeze %parallel_loop3A_1078 : memref<1x256x128xf32, #tpu.memory_space<vmem>> -> memref<256x128xf32, #tpu.memory_space<vmem>>
      %parallel_loop3A_1080 = arith.index_cast %parallel_loop3A_879 : i32 to index
      %parallel_loop3A_1081 = arith.constant 112 : index
      %parallel_loop3A_1082 = tpu.vector_load %parallel_loop3A_1079[%parallel_loop3A_1080, %parallel_loop3A_1081] {strides = array<i32>} : memref<256x128xf32, #tpu.memory_space<vmem>>, vector<1x16xf32>,
      %parallel_loop3A_1083 = vector.shape_cast %parallel_loop3A_1082 : vector<1x16xf32> to vector<16xf32>
      %parallel_loop3A_1084 = arith.constant 128 : i32
      %parallel_loop3A_1085 = arith.addi %parallel_loop3A_1084, %parallel_loop3A_879 : i32
      %parallel_loop3A_1086 = arith.constant 0 : i32
      %parallel_loop3A_1087 = arith.constant 0 : i32
      %parallel_loop3A_1088 = tpu.memref_slice %arg6[%parallel_loop3A_841, %parallel_loop3A_1086, %parallel_loop3A_1087] : memref<2x256x128xf32, #tpu.memory_space<vmem>> -> memref<1x256x128xf32, #tpu.memory_space<vmem>>
      %parallel_loop3A_1089 = tpu.memref_squeeze %parallel_loop3A_1088 : memref<1x256x128xf32, #tpu.memory_space<vmem>> -> memref<256x128xf32, #tpu.memory_space<vmem>>
      %parallel_loop3A_1090 = arith.index_cast %parallel_loop3A_1085 : i32 to index
      %parallel_loop3A_1091 = arith.constant 112 : index
      %parallel_loop3A_1092 = tpu.vector_load %parallel_loop3A_1089[%parallel_loop3A_1090, %parallel_loop3A_1091] {strides = array<i32>} : memref<256x128xf32, #tpu.memory_space<vmem>>, vector<1x16xf32>,
      %parallel_loop3A_1093 = vector.shape_cast %parallel_loop3A_1092 : vector<1x16xf32> to vector<16xf32>
      %parallel_loop3A_1094 = arith.addf %parallel_loop3A_1083, %parallel_loop3A_1093 : vector<16xf32>
      %parallel_loop3A_1095 = arith.constant 0 : i32
      %parallel_loop3A_1096 = arith.constant 0 : i32
      %parallel_loop3A_1097 = tpu.memref_slice %arg7[%parallel_loop3A_842, %parallel_loop3A_1095, %parallel_loop3A_1096] : memref<2x128x128xf32, #tpu.memory_space<vmem>> -> memref<1x128x128xf32, #tpu.memory_space<vmem>>
      %parallel_loop3A_1098 = tpu.memref_squeeze %parallel_loop3A_1097 : memref<1x128x128xf32, #tpu.memory_space<vmem>> -> memref<128x128xf32, #tpu.memory_space<vmem>>
      %parallel_loop3A_1099 = arith.index_cast %parallel_loop3A_879 : i32 to index
      %parallel_loop3A_1100 = arith.constant 112 : index
      %parallel_loop3A_1101 = tpu.vector_load %parallel_loop3A_1098[%parallel_loop3A_1099, %parallel_loop3A_1100] {strides = array<i32>} : memref<128x128xf32, #tpu.memory_space<vmem>>, vector<1x16xf32>,
      %parallel_loop3A_1102 = vector.shape_cast %parallel_loop3A_1101 : vector<1x16xf32> to vector<16xf32>
      %parallel_loop3A_1103 = vector.shape_cast %parallel_loop3A_1094 : vector<16xf32> to vector<1x16xf32>
      tpu.vector_store %parallel_loop3A_1098[%parallel_loop3A_1099, %parallel_loop3A_1100], %parallel_loop3A_1103 {strides = array<i32>} : memref<128x128xf32, #tpu.memory_space<vmem>>, vector<1x16xf32>,
    } {sc.loop_unroll_factor = 4 : i64, sc.parallel_access}
    %dma_start3A_843 = arith.constant 1 : i32
    %dma_start3A_844 = arith.constant 1 : i32
    %dma_start3A_845 = arith.constant 0 : i32
    %dma_start3A_846 = arith.constant 0 : i32
    %dma_start3A_847 = tpu.memref_slice %arg7[%dma_start3A_843, %dma_start3A_845, %dma_start3A_846] : memref<2x128x128xf32, #tpu.memory_space<vmem>> -> memref<1x128x128xf32, #tpu.memory_space<vmem>>
    %dma_start3A_848 = tpu.memref_squeeze %dma_start3A_847 : memref<1x128x128xf32, #tpu.memory_space<vmem>> -> memref<128x128xf32, #tpu.memory_space<vmem>>
    %dma_start3A_849 = arith.constant 0 : i32
    %dma_start3A_850 = tpu.memref_slice %arg8[%dma_start3A_844, %dma_start3A_849] : memref<2x128xi32, #tpu.memory_space<vmem>> -> memref<1x128xi32, #tpu.memory_space<vmem>>
    %dma_start3A_851 = tpu.memref_squeeze %dma_start3A_850 : memref<1x128xi32, #tpu.memory_space<vmem>> -> memref<128xi32, #tpu.memory_space<vmem>>
    %dma_start3A_852 = arith.constant 0 : i32
    %dma_start3A_853 = arith.constant 0 : i32
    %dma_start3A_854 = tpu.memref_slice %arg4[%dma_start3A_852, %dma_start3A_853] : memref<204800x128xf32, #tpu.memory_space<hbm>> -> memref<204800x128xf32, #tpu.memory_space<hbm>>
    tpu.enqueue_indirect_dma source(%dma_start3A_848 : memref<128x128xf32, #tpu.memory_space<vmem>>) target(%dma_start3A_854 : memref<204800x128xf32, #tpu.memory_space<hbm>>) offsets(%dma_start3A_851 : memref<128xi32, #tpu.memory_space<vmem>>) semaphore(%arg13 : memref<!tpu.dma_semaphore, #tpu.memory_space<semaphore_mem>>)
    %dma_wait3A_855 = arith.constant 0 : i32
    %dma_wait3A_856 = arith.constant 0 : i32
    %dma_wait3A_857 = arith.constant 0 : i32
    %dma_wait3A_858 = arith.constant 0 : i32
    %dma_wait3A_859 = tpu.memref_slice %arg7[%dma_wait3A_855, %dma_wait3A_857, %dma_wait3A_858] : memref<2x128x128xf32, #tpu.memory_space<vmem>> -> memref<1x128x128xf32, #tpu.memory_space<vmem>>
    %dma_wait3A_860 = tpu.memref_squeeze %dma_wait3A_859 : memref<1x128x128xf32, #tpu.memory_space<vmem>> -> memref<128x128xf32, #tpu.memory_space<vmem>>
    %dma_wait3A_861 = arith.constant 0 : i32
    %dma_wait3A_862 = tpu.memref_slice %arg8[%dma_wait3A_856, %dma_wait3A_861] : memref<2x128xi32, #tpu.memory_space<vmem>> -> memref<1x128xi32, #tpu.memory_space<vmem>>
    %dma_wait3A_863 = tpu.memref_squeeze %dma_wait3A_862 : memref<1x128xi32, #tpu.memory_space<vmem>> -> memref<128xi32, #tpu.memory_space<vmem>>
    %dma_wait3A_864 = arith.constant 0 : i32
    %dma_wait3A_865 = arith.constant 0 : i32
    %dma_wait3A_866 = tpu.memref_slice %arg4[%dma_wait3A_864, %dma_wait3A_865] : memref<204800x128xf32, #tpu.memory_space<hbm>> -> memref<204800x128xf32, #tpu.memory_space<hbm>>
    tpu.wait_indirect_dma semaphore(%arg12 : memref<!tpu.dma_semaphore, #tpu.memory_space<semaphore_mem>>) src(%dma_wait3A_860 : memref<128x128xf32, #tpu.memory_space<vmem>>) dst(%dma_wait3A_866 : memref<204800x128xf32, #tpu.memory_space<hbm>>)
    %dma_wait3A_867 = arith.constant 1 : i32
    %dma_wait3A_868 = arith.constant 1 : i32
    %dma_wait3A_869 = arith.constant 0 : i32
    %dma_wait3A_870 = arith.constant 0 : i32
    %dma_wait3A_871 = tpu.memref_slice %arg7[%dma_wait3A_867, %dma_wait3A_869, %dma_wait3A_870] : memref<2x128x128xf32, #tpu.memory_space<vmem>> -> memref<1x128x128xf32, #tpu.memory_space<vmem>>
    %dma_wait3A_872 = tpu.memref_squeeze %dma_wait3A_871 : memref<1x128x128xf32, #tpu.memory_space<vmem>> -> memref<128x128xf32, #tpu.memory_space<vmem>>
    %dma_wait3A_873 = arith.constant 0 : i32
    %dma_wait3A_874 = tpu.memref_slice %arg8[%dma_wait3A_868, %dma_wait3A_873] : memref<2x128xi32, #tpu.memory_space<vmem>> -> memref<1x128xi32, #tpu.memory_space<vmem>>
    %dma_wait3A_875 = tpu.memref_squeeze %dma_wait3A_874 : memref<1x128xi32, #tpu.memory_space<vmem>> -> memref<128xi32, #tpu.memory_space<vmem>>
    %dma_wait3A_876 = arith.constant 0 : i32
    %dma_wait3A_877 = arith.constant 0 : i32
    %dma_wait3A_878 = tpu.memref_slice %arg4[%dma_wait3A_876, %dma_wait3A_877] : memref<204800x128xf32, #tpu.memory_space<hbm>> -> memref<204800x128xf32, #tpu.memory_space<hbm>>
    tpu.wait_indirect_dma semaphore(%arg13 : memref<!tpu.dma_semaphore, #tpu.memory_space<semaphore_mem>>) src(%dma_wait3A_872 : memref<128x128xf32, #tpu.memory_space<vmem>>) dst(%dma_wait3A_878 : memref<204800x128xf32, #tpu.memory_space<hbm>>)
    return
  }
}

</mosaic_0001>

<sc_bundles>
// kernel: _sc_embed.3.cloned.1.call-start
scs
__scs_entry_jumppad:
0x0: {  	(pc) =	sbr.rel $0x88, $3  }
0x1: {  	(tag) =	ssettag $0x0;
	lr =	simm.s32 $0x1  }
0x2: {  	[smem:$0x3F9F] =	sst lr;
	_ =	strace $0xD0000000  }
0x3: {  	_ = 	snop  }
0x4: {  	_ = 	snop  }
0x5: {  	_ = 	snop  }
0x6: {  	_ = 	snop  }
0x7: {  	_ = 	snop  }
__scs_overlays_trampoline_lowered:
0x8: {  	[smem:$0x3FAE] =	sst s0  }
0x9: {  	[smem:$0x3FAF] =	sst s1  }
0xa: {  	[smem:$0x3FB0] =	sst s2  }
0xb: {  	[smem:$0x3FB1] =	sst s3  }
0xc: {  	[smem:$0x3FB2] =	sst s4  }
0xd: {  	[smem:$0x3FB3] =	sst s5  }
0xe: {  	[smem:$0x3FB4] =	sst s6  }
0xf: {  	[smem:$0x3FB5] =	sst s7  }
0x10: {  	[smem:$0x3FB6] =	sst s8  }
0x11: {  	[smem:$0x3FB7] =	sst s9;
	s0 =	simm.s32 @!p0 $0x0  }
0x12: {  	s1 =	sld [smem:$0x3F9D];
	s0 =	simm.s32 @p0 $0x1  }
0x13: {  	[smem:$0x3FB8] =	sst s0;
	s0 =	simm.s32 @!p1 $0x0  }
0x14: {  	s2 =	sld [smem:$0x3F9C];
	s0 =	simm.s32 @p1 $0x1  }
0x15: {  	[smem:$0x3FB9] =	sst s0;
	s0 =	simm.s32 @!p2 $0x0  }
0x16: {  	s3 =	sld [smem:$0x3FDB];
	s0 =	simm.s32 @p2 $0x1  }
0x17: {  	s4 =	simm.s32 $0x1BF5;
	[smem:$0x3FBB] =	sst s0  }
0x18: {  	s0 =	sld [smem:$0x3F9E];
	_ =	swait.ge [sflag:s4], $0x0  }
0x19: {  	s7 =	sld [smem:$0x3F9F]  }
0x1a: {  	s8 =	sadd.s32 $0xFFFFE003, lr  }
0x1b: {  	s9 =	sadd.s32 $0xFFFFFEF7, lr;
	s5 =	simm.s32 $0xFFFFFFFF;
	p2 =	slt.u32 s8, $0xFFFFF086  }
0x1c: {  	p1 =	slt.u32 s9, $0xF7A;
	s5 =	simm.s32 @!p2 $0x0  }
0x1d: {  	s5 =	simm.s32 @p1 $0x1;
	p0 =	seq.s32 s7, s2  }
0x1e: {  	s7 =	smul.u32 @!p0 $0xF7A, s2;
	p2 =	seq.s32 @!p0 s5, $0x0  }
0x1f: {  	s9 =	smul.u32 $0xF7A, s1;
	s8 =	simm.s32 @!p0 $0x1BF5;
	p2 =	por !p2, p0  }
0x20: {  	[sflag:s8] =	ssyncset.s32 @!p0 $0xFFFFF086;
	s6 =	sadd.s32 @!p0 s3, s7;
	s7 =	simm.s32 @!p0 $0x108  }
0x21: {  	s3 =	sadd.s32 s3, s9;
	s6 =	sadd.s32 @!p0 $0x88, s6;
	s7 =	simm.s32 @p2 $0x1082  }
0x22: {  	[simem:s7], [sflag:s8] =	dma.local @!p0 [hbm:s6], $0xF7A  }
0x23: {  	s9 =	sor.u32 $0xD0000000, s2;
	s6 =	simm.s32 $0x108;
	_ =	swait.ge @!p0 [sflag:s8], $0x0  }
0x24: {  	s3 =	sadd.s32 $0x88, s3;
	s6 =	simm.s32 @!p1 $0x1082;
	[sflag:s4] =	ssyncset.s32 $0xFFFFF086  }
0x25: {  	[simem:s6], [sflag:s4] =	dma.local [hbm:s3], $0xF7A  }
0x26: {  	[smem:$0x3F9F] =	sst s1;
	(tag) =	ssettag s2;
	_ =	strace s9  }
0x27: {  	s1 =	sld [smem:$0x3FAF]  }
0x28: {  	s2 =	sld [smem:$0x3FB0]  }
0x29: {  	s4 =	sld [smem:$0x3FB2]  }
0x2a: {  	p0 =	seq.s32 s5, $0x0;
	s5 =	sld [smem:$0x3FB3]  }
0x2b: {  	s6 =	sld [smem:$0x3FB4]  }
0x2c: {  	s7 =	sld [smem:$0x3FB5]  }
0x2d: {  	s3 =	simm.s32 $0x108;
	s8 =	sld [smem:$0x3FB6]  }
0x2e: {  	s3 =	simm.s32 @!p0 $0x1082;
	s9 =	sld [smem:$0x3FB7]  }
0x2f: {  	lr =	sadd.s32 s0, s3;
	s0 =	sld [smem:$0x3FAE]  }
0x30: {  	s3 =	sld [smem:$0x3FB1]  }
0x31: {  	[smem:$0x3FBA] =	sst s10  }
0x32: {  	s10 =	sld [smem:$0x3FB8];
	_ =	sdelay $0x3  }
0x33: {  	p0 =	seq.s32 s10, $0x1;
	s10 =	sld [smem:$0x3FBA];
	_ =	sdelay $0x3  }
0x34: {  	[smem:$0x3FBA] =	sst s10  }
0x35: {  	s10 =	sld [smem:$0x3FB9];
	_ =	sdelay $0x3  }
0x36: {  	p1 =	seq.s32 s10, $0x1;
	s10 =	sld [smem:$0x3FBA];
	_ =	sdelay $0x3  }
0x37: {  	[smem:$0x3FBA] =	sst s10  }
0x38: {  	s10 =	sld [smem:$0x3FBB]  }
0x39: {  	_ = 	snop;
	(pc) =	sbr.ind lr, $3  }
0x3a: {  	_ = 	snop  }
0x3b: {  	_ = 	snop  }
0x3c: {  	p2 =	seq.s32 s10, $0x1;
	s10 =	sld [smem:$0x3FBA]  }
0x3d: {  	_ =	shalt  }
0x3e: {  	_ =	shalt  }
0x3f: {  	_ =	shalt  }
0x40: {  	_ =	shalt  }
0x41: {  	_ =	shalt  }
0x42: {  	_ =	shalt  }
0x43: {  	_ =	shalt  }
0x44: {  	_ =	shalt  }
0x45: {  	_ =	shalt  }
0x46: {  	_ =	shalt  }
0x47: {  	_ =	shalt  }
0x48: {  	_ =	shalt  }
0x49: {  	_ =	shalt  }
0x4a: {  	_ =	shalt  }
0x4b: {  	_ =	shalt  }
0x4c: {  	_ =	shalt  }
0x4d: {  	_ =	shalt  }
0x4e: {  	_ =	shalt  }
0x4f: {  	_ =	shalt  }
0x50: {  	_ =	shalt  }
0x51: {  	_ =	shalt  }
0x52: {  	_ =	shalt  }
0x53: {  	_ =	shalt  }
0x54: {  	_ =	shalt  }
0x55: {  	_ =	shalt  }
0x56: {  	_ =	shalt  }
0x57: {  	_ =	shalt  }
0x58: {  	_ =	shalt  }
0x59: {  	_ =	shalt  }
0x5a: {  	_ =	shalt  }
0x5b: {  	_ =	shalt  }
0x5c: {  	_ =	shalt  }
0x5d: {  	_ =	shalt  }
0x5e: {  	_ =	shalt  }
0x5f: {  	_ =	shalt  }
0x60: {  	_ =	shalt  }
0x61: {  	_ =	shalt  }
0x62: {  	_ =	shalt  }
0x63: {  	_ =	shalt  }
0x64: {  	_ =	shalt  }
0x65: {  	_ =	shalt  }
0x66: {  	_ =	shalt  }
0x67: {  	_ =	shalt  }
0x68: {  	_ =	shalt  }
0x69: {  	_ =	shalt  }
0x6a: {  	_ =	shalt  }
0x6b: {  	_ =	shalt  }
0x6c: {  	_ =	shalt  }
0x6d: {  	_ =	shalt  }
0x6e: {  	_ =	shalt  }
0x6f: {  	_ =	shalt  }
0x70: {  	_ =	shalt  }
0x71: {  	_ =	shalt  }
0x72: {  	_ =	shalt  }
0x73: {  	_ =	shalt  }
0x74: {  	_ =	shalt  }
0x75: {  	_ =	shalt  }
0x76: {  	_ =	shalt  }
0x77: {  	_ =	shalt  }
0x78: {  	_ =	shalt  }
0x79: {  	_ =	shalt  }
0x7a: {  	_ =	shalt  }
0x7b: {  	_ =	shalt  }
0x7c: {  	_ =	shalt  }
0x7d: {  	_ =	shalt  }
0x7e: {  	_ =	shalt  }
0x7f: {  	_ =	shalt  }
0x80: {  	_ =	shalt  }
0x81: {  	_ =	shalt  }
0x82: {  	_ =	shalt  }
0x83: {  	_ =	shalt  }
0x84: {  	_ =	shalt  }
0x85: {  	_ =	shalt  }
0x86: {  	_ =	shalt  }
0x87: {  	_ =	shalt  }
.Lfunc_end0:
.L_simem_size_0:
called_computation_lowered:
.L_overlay_start_0:
0x88: {  	s2 =	sld [smem:$0x3FD9]  }
0x89: {  	s3 =	sld [smem:$0x3FFE];
	_ =	sdelay $0x1  }
0x8a: {  	s1 =	srdreg.scid  }
0x8b: {  	s0 =	sand.u32 $0x1, s1  }
0x8c: {  	s18 =	sshll.u32 s0, $0xA;
	s2 =	sadd.s32 s3, s2  }
0x8d: {  	s2 =	sadd.s32 s2, s18  }
0x8e: {  	[smem:$0x3FC6] =	sst s2  }
0x8f: {  	_ = 	snop  }
0x90: {  	s2 =	sld [smem:$0x3FC9]  }
0x91: {  	s19 =	sld [smem:$0x3FC8]  }
0x92: {  	s4 =	sld [smem:$0x3FD0];
	(tm) =	ssettm $0x1  }
0x93: {  	s5 =	sld [smem:$0x3FFB];
	_ =	sdelay $0x3  }
0x94: {  	_ =	strace s5  }
0x95: {  	s5 =	sld [smem:$0x3FFC];
	_ =	sdelay $0x3  }
0x96: {  	_ =	strace s5  }
0x97: {  	s5 =	sld [smem:$0x3FFD];
	_ =	sdelay $0x3  }
0x98: {  	_ =	strace s5  }
0x99: {  	_ =	strace $0x8FFFFFFF  }
0x9a: {  	s20 =	sld [smem:$0x3FDB];
	_ =	sdelay $0x1  }
0x9b: {  	s6 =	simm.s32 $_scs_section_size  }
0x9c: {  	s7 =	simm.s32 $_size__tile_overlayer_lowered;
	s8 =	simm.s32 $_tile_overlayer_lowered  }
0x9d: {  	s23 =	simm.s32 $0x1BFF;
	s22 =	sshll.u32 s8, $0x1;
	s5 =	sadd.s32 s6, s20  }
0x9e: {  	s9 =	simm.s32 $0x0;
	s21 =	sshll.u32 s7, $0x1;
	s7 =	sadd.s32 s22, s5  }
0x9f: {  	[timem:s9], [sflag:s23] =	dma.local [hbm:s7], s21  }
0xa0: {  	_ =	swait.ge [sflag:s23], s21  }
0xa1: {  	s6 =	ssub.s32 $0x0, s21;
	[sflag:s23] =	ssyncset.done $0x0  }
0xa2: {  	[sflag:s23] =	ssyncadd.s32 s6;
	_ =	sdelay $0x1  }
0xa3: {  	s24 =	simm.s32 $0x1B8B  }
0xa4: {  	_ =	swait.ge [sflag:s24], $0x1  }
0xa5: {  	[sflag:s24] =	ssyncset.done $0x0  }
0xa6: {  	s25 =	simm.s32 $0x1B8E;
	[sflag:s24] =	ssyncadd.s32 $0xFFFFFFFF  }
0xa7: {  	s26 =	simm.s32 $execute0_lowered;
	[smem:$0x3FD2] =	sst s25  }
0xa8: {  	s6 =	sshll.u32 s26, $0x1;
	_ =	strace $0x80000046;
	[dreg:$0x1] =	wrdreg $0xFFFFFFFF  }
0xa9: {  	s28 =	simm.s32 $_size_execute0_lowered;
	s5 =	sadd.s32 s5, s6;
	[dreg:$0x0] =	wrdreg $0x0  }
0xaa: {  	s6 =	sshll.u32 s28, $0x1;
	[dreg:$0x2] =	wrdreg s5  }
0xab: {  	[dreg:$0x3] =	wrdreg s6  }
0xac: {  	[dreg:$0x4] =	wrdreg $0xC0  }
0xad: {  	_ =	task [dreg:s9], $0x5FFFF  }
0xae: {  	[dreg:$0x1] =	wrdreg $0xFFFFFFFF  }
0xaf: {  	[dreg:$0x0] =	wrdreg $0x60  }
0xb0: {  	[dreg:$0x2] =	wrdreg s2  }
0xb1: {  	[dreg:$0x3] =	wrdreg s19  }
0xb2: {  	[dreg:$0x4] =	wrdreg s4  }
0xb3: {  	[dreg:$0x5] =	wrdreg $0x9  }
0xb4: {  	_ =	task.clear_ibuf [dreg:s9], $0x6FFFF;
	_ =	strace $0x90000046  }
0xb5: {  	s29 =	simm.s32 $0x9;
	_ =	strace $0x80000048  }
0xb6: {  	_ =	swait.ge [sflag:s29], $0x1  }
0xb7: {  	[sflag:s29] =	ssyncadd.s32 $0xFFFFFFFF  }
0xb8: {  	_ =	strace $0x90000048  }
0xb9: {  	_ =	sfence  }
0xba: {  	s30 =	sld [smem:$0x0];
	_ =	sdelay $0x2  }
0xbb: {  	s31 =	sshll.u32 s1, $0xD;
	s1 =	sshrl.u32 s1, $0x2  }
0xbc: {  	s3 =	sand.u32 $0x4000, s31;
	s1 =	sadd.s32 s1, s30  }
0xbd: {  	s0 =	sor.u32 s3, s0;
	s1 =	sshll.u32 s1, $0x11  }
0xbe: {  	s0 =	sor.u32 s1, s0  }
0xbf: {  	s0 =	sadd.s32 $0x8F2B, s0  }
0xc0: {  	[sflag:s0] =	ssyncadd.remote.s32 $0x1  }
0xc1: {  	_ =	sfence.sel $0xFFFF  }
0xc2: {  	[dreg:$0x0] =	wrdreg $0xFFFFFFFF;
	(pc) =	sbr.abs _section_cstart, $3  }
0xc3: {  	[dreg:$0x1] =	wrdreg $0xFFFFFFFF  }
0xc4: {  	_ =	task.clear_ibuf [dreg:s9], $0x2FFFF;
	_ =	strace $0x9FFFFFFF  }
0xc5: {  	(tm) =	ssettm $0x7FFFFFFF  }
tec
execute0_lowered:
.L_overlay_start_1:
0x0: {  	(tag) =	ssettag $0x1  }
0x1: {  	s0 =	rddreg [dreg:$0x0]  }
0x2: {  	s2 =	rddreg [dreg:$0x1]  }
0x3: {  	s3 =	rddreg [dreg:$0x2];
	s1 =	srdreg.scid  }
0x4: {  	s5 =	stileid.u32;
	s6 =	simm.s32 $0x0;
	s28 =	simm.s32 $0x1B480  }
0x5: {  	s29 =	simm.s32 $0x17400;
	s4 =	sand.u32 $0x1, s1;
	s15 =	sshll.u32 s5, $0x1  }
0x6: {  	s30 =	simm.s32 $0x3;
	s31 =	simm.s32 $0x4;
	s1 =	sor.u32 s4, s15  }
0x7: {  	[smem:$0x7FF] =	sst s6;
	s16 =	ssub.s32 $0x2, s4;
	s7 =	smul.u32 $0x640, s1  }
0x8: {  	_ =	strace $0x80000047;
	s17 =	sshrl.u32 s16, $0x1;
	s6 =	smul.u32 $0x32, s1  }
0x9: {  	s5 =	ssub.s32 s16, s17;
	s17 =	simm.s32 $0x5;
	s18 =	sand.u32 $0xFF80, s7  }
0xa: {  	s7 =	sshll.u32 s4, $0x9;
	s21 =	sand.u32 $0x6, s6;
	s22 =	sor.u32 $0x1, s6  }
0xb: {  	s8 =	sand.u32 $0x7F8, s6;
	s23 =	sshrl.u32 s6, $0x3;
	s24 =	sadd.s32 $0x31, s6  }
0xc: {  	s16 =	smax.u32 s5, $0x1;
	s0 =	sadd.s32 s0, s18;
	s19 =	sor.u32 $0x80, s7  }
0xd: {  	s20 =	sor.u32 $0x100, s7;
	s9 =	sor.u32 $0x180, s7;
	s1 =	ssub.s32 s22, s8  }
0xe: {  	s12 =	sadd.s32 $0x200, s7;
	s10 =	sand.u32 $0x7, s24;
	s13 =	sadd.s32 $0x280, s7  }
0xf: {  	s14 =	sor.u32 $0x3100, s7;
	s15 =	sor.u32 $0x3180, s7;
	[dreg:$0x4] =	wrdreg s0  }
0x10: {  	v0 =	vlaneseq.u32;
	s18 =	simm.s32 $0x80;
	[dreg:$0x5] =	wrdreg s19;
	s0 =	smul.u32 $0x6400, s21  }
0x11: {  	v0 =	vmul.u32 $0xC8, v0;
	s22 =	simm.s32 $0xF400;
	[dreg:$0x6] =	wrdreg s20;
	s1 =	smul.u32 $0x6400, s1  }
0x12: {  	[dreg:$0x7] =	wrdreg s9;
	s25 =	smul.u32 $0x6400, s10;
	s9 =	sshrl.u32 s24, $0x3  }
0x13: {  	v5 =	vadd.s32 $0xC80, v0;
	v6 =	vadd.s32 $0x1900, v0;
	s19 =	simm.s32 $0x3400;
	s20 =	simm.s32 $0x7400;
	s21 =	simm.s32 $0xB400  }
0x14: {  	v7 =	vadd.s32 $0x2580, v0;
	v8 =	vadd.s32 $0x3200, v0;
	v9 =	vadd.s32 $0x3E80, v0;
	s24 =	simm.s32 $0x1B400;
	s0 =	sor.u32 s23, s0;
	s1 =	sor.u32 s23, s1  }
0x15: {  	v10 =	vadd.s32 $0x4B00, v0;
	v11 =	vadd.s32 $0x5780, v0;
	s8 =	sor.u32 s9, s25;
	s23 =	simm.s32 $0x1;
	s26 =	sadd.s32 $0x6, s0;
	v1 =	vmov s0  }
0x16: {  	s25 =	simm.s32 $0x13400;
	v2 =	vmov s1;
	v4 =	vmov s8;
	s0 =	simm.s32 $0x0;
	v3 =	vmov s26;
	s26 =	simm.s32 $0x2  }
.LBB2_1:
0x17: {  	s1 =	simm.s32 $0x0;
	s5 =	rddreg [dreg:$0x4]  }
0x18: {  	[tilespmem:s1], [sflag:$0x5] =	stream.linear.gather [hbm4b:s5+s1], $0x3400, $0x38;
	[tilespmem:$0x1B580] =	vst v63  }
0x19: {  	_ =	swait.ge [sflag:s17], $0x3400  }
0x1a: {  	[sflag:s17] =	ssyncset.done $0x0  }
0x1b: {  	[sflag:s17] =	ssyncadd.s32 $0xFFFFCC00  }
0x1c: {  	[tilespmem:$0x1B500] =	vst v0  }
0x1d: {  	[tilespmem:$0x1B510] =	vst v5  }
0x1e: {  	[tilespmem:$0x1B520] =	vst v6  }
0x1f: {  	[tilespmem:$0x1B530] =	vst v7  }
0x20: {  	[tilespmem:$0x1B540] =	vst v8  }
0x21: {  	[tilespmem:$0x1B550] =	vst v9  }
0x22: {  	[tilespmem:$0x1B560] =	vst v10  }
0x23: {  	[tilespmem:$0x1B570] =	vst v11  }
0x24: {  	[tilespmem:s19], [sflag:$0x1] =	stream.indirect.gather [hbm4b:s2+s18], $0x80, s7, s18, $0xb8;
	[tilespmem:$0x1B580] =	vst v63  }
0x25: {  	s9 =	rddreg [dreg:$0x5]  }
0x26: {  	[tilespmem:s20], [sflag:$0x1] =	stream.indirect.gather [hbm4b:s2+s18], $0x80, s9, s18, $0xb8;
	[tilespmem:$0x1B580] =	vst v63  }
0x27: {  	s10 =	rddreg [dreg:$0x6]  }
0x28: {  	[tilespmem:s21], [sflag:$0x2] =	stream.indirect.gather [hbm4b:s2+s18], $0x80, s10, s18, $0xb8;
	[tilespmem:$0x1B580] =	vst v63  }
0x29: {  	s11 =	rddreg [dreg:$0x7]  }
0x2a: {  	[tilespmem:s22], [sflag:$0x2] =	stream.indirect.gather [hbm4b:s2+s18], $0x80, s11, s18, $0xb8;
	[tilespmem:$0x1B580] =	vst v63  }
0x2b: {  	_ =	swait.ge [sflag:s23], $0x8000  }
0x2c: {  	[sflag:s23] =	ssyncset.done $0x0  }
0x2d: {  	[sflag:s23] =	ssyncadd.s32 $0xFFFF8000  }
0x2e: {  	v12 =	vld [tilespmem:$0x1B500]  }
0x2f: {  	v13 =	vld [tilespmem:$0x1B510]  }
0x30: {  	v14 =	vld [tilespmem:$0x1B520]  }
0x31: {  	v15 =	vld [tilespmem:$0x1B530]  }
0x32: {  	v16 =	vld [tilespmem:$0x1B540]  }
0x33: {  	v17 =	vld [tilespmem:$0x1B550];
	v12 =	vadd.s32 v1, v12  }
0x34: {  	[tilespmem:$0x1B400] =	vst v12;
	v12 =	vadd.s32 v1, v13;
	v13 =	vld [tilespmem:$0x1B560]  }
0x35: {  	[tilespmem:$0x1B410] =	vst v12;
	v12 =	vadd.s32 v1, v14;
	v14 =	vld [tilespmem:$0x1B570]  }
0x36: {  	[tilespmem:$0x1B420] =	vst v12;
	v12 =	vadd.s32 v1, v15  }
0x37: {  	[tilespmem:$0x1B430] =	vst v12;
	v12 =	vadd.s32 v1, v16  }
0x38: {  	[tilespmem:$0x1B440] =	vst v12;
	v12 =	vadd.s32 v1, v17  }
0x39: {  	[tilespmem:$0x1B450] =	vst v12;
	v12 =	vadd.s32 v1, v13  }
0x3a: {  	[tilespmem:$0x1B460] =	vst v12;
	v12 =	vadd.s32 v1, v14  }
0x3b: {  	s1 =	simm.s32 $0x0;
	[tilespmem:$0x1B470] =	vst v12  }
0x3c: {  	v12 =	vld [tilespmem:s1+$0x3400]  }
0x3d: {  	v13 =	vld [tilespmem:s1+$0x7400]  }
0x3e: {  	v14 =	vld [tilespmem:s1+$0x3410]  }
0x3f: {  	v15 =	vld [tilespmem:s1+$0x7410]  }
0x40: {  	v16 =	vld [tilespmem:s1+$0x3420]  }
0x41: {  	v17 =	vld [tilespmem:s1+$0x7420]  }
0x42: {  	v18 =	vld [tilespmem:s1+$0x7430]  }
0x43: {  	v19 =	vld [tilespmem:s1+$0x35F0]  }
0x44: {  	v20 =	vld [tilespmem:s1+$0x75F0]  }
0x45: {  	v21 =	vld [tilespmem:s1+$0x7460]  }
0x46: {  	v22 =	vld [tilespmem:s1+$0x3480]  }
0x47: {  	v23 =	vld [tilespmem:s1+$0x7480]  }
0x48: {  	v24 =	vld [tilespmem:s1+$0x3490]  }
0x49: {  	v25 =	vld [tilespmem:s1+$0x7490]  }
0x4a: {  	v26 =	vld [tilespmem:s1+$0x34A0]  }
0x4b: {  	v45 =	vld [tilespmem:s1+$0x34B0]  }
0x4c: {  	v27 =	vld [tilespmem:s1+$0x3470]  }
0x4d: {  	v47 =	vld [tilespmem:s1+$0x34C0]  }
0x4e: {  	v48 =	vld [tilespmem:s1+$0x74C0]  }
0x4f: {  	v28 =	vld [tilespmem:s1+$0x7470]  }
0x50: {  	v49 =	vld [tilespmem:s1+$0x34D0]  }
0x51: {  	v29 =	vld [tilespmem:s1+$0x74D0]  }
0x52: {  	v30 =	vld [tilespmem:s1+$0x3500]  }
0x53: {  	v31 =	vld [tilespmem:s1+$0x7500]  }
0x54: {  	v32 =	vld [tilespmem:s1+$0x3510]  }
0x55: {  	v33 =	vld [tilespmem:s1+$0x7510]  }
0x56: {  	v34 =	vld [tilespmem:s1+$0x3520]  }
0x57: {  	v50 =	vld [tilespmem:s1+$0x7520]  }
0x58: {  	v51 =	vld [tilespmem:s1+$0x3530]  }
0x59: {  	v35 =	vld [tilespmem:s1+$0x34E0]  }
0x5a: {  	v53 =	vld [tilespmem:s1+$0x3540]  }
0x5b: {  	v12 =	vadd.f32 v13, v12;
	v13 =	vld [tilespmem:s1+$0x3430]  }
0x5c: {  	v54 =	vld [tilespmem:s1+$0x7540]  }
0x5d: {  	v55 =	vld [tilespmem:s1+$0x74E0]  }
0x5e: {  	v56 =	vld [tilespmem:s1+$0x3550];
	v22 =	vadd.f32 v23, v22  }
0x5f: {  	v46 =	vadd.f32 v25, v24;
	[tilespmem:s1+$0x13400] =	vst v12;
	v12 =	vadd.f32 v15, v14;
	v14 =	vld [tilespmem:s1+$0x3440]  }
0x60: {  	[tilespmem:s1+$0x13480] =	vst v22;
	v13 =	vadd.f32 v18, v13;
	v18 =	vld [tilespmem:s1+$0x74A0]  }
0x61: {  	v30 =	vadd.f32 v31, v30;
	v15 =	vld [tilespmem:s1+$0x7440];
	[tilespmem:s1+$0x13490] =	vst v46  }
0x62: {  	v52 =	vadd.f32 v33, v32;
	[tilespmem:s1+$0x13410] =	vst v12;
	v12 =	vadd.f32 v17, v16;
	v16 =	vld [tilespmem:s1+$0x3450]  }
0x63: {  	[tilespmem:s1+$0x13500] =	vst v30;
	v17 =	vld [tilespmem:s1+$0x7450]  }
0x64: {  	v57 =	vld [tilespmem:s1+$0x34F0];
	v19 =	vadd.f32 v20, v19;
	[tilespmem:s1+$0x13510] =	vst v52  }
0x65: {  	[tilespmem:s1+$0x13420] =	vst v12;
	v12 =	vld [tilespmem:s1+$0x3460];
	v18 =	vadd.f32 v18, v26  }
0x66: {  	v58 =	vld [tilespmem:s1+$0x3560];
	[tilespmem:s1+$0x135F0] =	vst v19  }
0x67: {  	v14 =	vadd.f32 v15, v14;
	[tilespmem:s1+$0x134A0] =	vst v18;
	v18 =	vld [tilespmem:s1+$0x7530]  }
0x68: {  	[tilespmem:s1+$0x13430] =	vst v13;
	v13 =	vld [tilespmem:s1+$0x74B0];
	v16 =	vadd.f32 v17, v16  }
0x69: {  	v59 =	vld [tilespmem:s1+$0x7560];
	[tilespmem:s1+$0x13440] =	vst v14;
	v26 =	vadd.f32 v50, v34  }
0x6a: {  	v17 =	vld [tilespmem:s1+$0x3580];
	v12 =	vadd.f32 v21, v12;
	[tilespmem:s1+$0x13450] =	vst v16  }
0x6b: {  	v14 =	vld [tilespmem:s1+$0x7580];
	v16 =	vadd.f32 v28, v27;
	[tilespmem:s1+$0x13520] =	vst v26  }
0x6c: {  	v60 =	vld [tilespmem:s1+$0x7590];
	[tilespmem:s1+$0x13460] =	vst v12;
	v18 =	vadd.f32 v18, v51  }
0x6d: {  	v19 =	vld [tilespmem:s1+$0x3590];
	v13 =	vadd.f32 v13, v45;
	[tilespmem:s1+$0x13470] =	vst v16  }
0x6e: {  	v12 =	vadd.f32 v48, v47;
	[tilespmem:s1+$0x13530] =	vst v18;
	v18 =	vld [tilespmem:s1+$0x74F0]  }
0x6f: {  	v61 =	vld [tilespmem:s1+$0x35A0];
	v16 =	vadd.f32 v29, v49;
	[tilespmem:s1+$0x134B0] =	vst v13  }
0x70: {  	v63 =	vld [tilespmem:s1+$0x7570];
	v14 =	vadd.f32 v14, v17;
	[tilespmem:s1+$0x134C0] =	vst v12  }
0x71: {  	v13 =	vld [tilespmem:s1+$0x7550];
	v12 =	vadd.f32 v55, v35;
	[tilespmem:s1+$0x134D0] =	vst v16  }
0x72: {  	v15 =	vld [tilespmem:s1+$0x3570];
	[tilespmem:s1+$0x13580] =	vst v14;
	v14 =	vadd.f32 v60, v19  }
0x73: {  	v62 =	vld [tilespmem:s1+$0x75A0];
	[tilespmem:s1+$0x134E0] =	vst v12;
	v12 =	vadd.f32 v18, v57  }
0x74: {  	v17 =	vld [tilespmem:s1+$0x75B0];
	[tilespmem:s1+$0x13590] =	vst v14;
	v18 =	vadd.f32 v54, v53  }
0x75: {  	v16 =	vld [tilespmem:s1+$0x35B0];
	v19 =	vadd.f32 v59, v58;
	[tilespmem:s1+$0x134F0] =	vst v12  }
0x76: {  	v12 =	vld [tilespmem:s1+$0x35C0];
	[tilespmem:s1+$0x13540] =	vst v18;
	v18 =	vadd.f32 v13, v56  }
0x77: {  	[tilespmem:s1+$0x13560] =	vst v19;
	v19 =	vadd.f32 v63, v15;
	v13 =	vld [tilespmem:s1+$0x75C0]  }
0x78: {  	v14 =	vld [tilespmem:s1+$0x35D0];
	[tilespmem:s1+$0x13550] =	vst v18;
	v18 =	vadd.f32 v62, v61  }
0x79: {  	v15 =	vld [tilespmem:s1+$0x75D0];
	[tilespmem:s1+$0x13570] =	vst v19  }
0x7a: {  	s8 =	simm.s32 $0x800;
	s5 =	simm.s32 $0x0;
	v17 =	vadd.f32 v17, v16;
	v16 =	vld [tilespmem:s1+$0x35E0];
	[tilespmem:s1+$0x135A0] =	vst v18  }
.LBB2_2:
0x7b: {  	s9 =	sshra.s32 s8, $0x2;
	v18 =	vld [tilespmem:s1+$0x75E0]  }
0x7c: {  	s5 =	sadd.s32 $0x4, s5;
	v19 =	vld [tilespmem:s9+$0x35F0];
	[tilespmem:s1+$0x135B0] =	vst v17;
	v12 =	vadd.f32 v13, v12  }
0x7d: {  	p0 =	slt.u32 s5, $0x7C;
	v13 =	vld [tilespmem:s9+$0x75F0]  }
0x7e: {  	v17 =	vld [tilespmem:s9+$0x3400];
	[tilespmem:s1+$0x135C0] =	vst v12;
	v12 =	vadd.f32 v15, v14  }
0x7f: {  	v14 =	vld [tilespmem:s9+$0x7400]  }
0x80: {  	v15 =	vld [tilespmem:s9+$0x3410];
	[tilespmem:s1+$0x135D0] =	vst v12;
	v12 =	vadd.f32 v18, v16  }
0x81: {  	v16 =	vld [tilespmem:s9+$0x7410]  }
0x82: {  	v18 =	vld [tilespmem:s9+$0x3420];
	v13 =	vadd.f32 v13, v19;
	[tilespmem:s1+$0x135E0] =	vst v12;
	s1 =	smov.u32 s9  }
0x83: {  	v12 =	vld [tilespmem:s1+$0x7420]  }
0x84: {  	v14 =	vadd.f32 v14, v17;
	v17 =	vld [tilespmem:s1+$0x3430];
	[tilespmem:s1+$0x135F0] =	vst v13  }
0x85: {  	v13 =	vld [tilespmem:s1+$0x7430]  }
0x86: {  	[tilespmem:s1+$0x13400] =	vst v14;
	v14 =	vadd.f32 v16, v15;
	v15 =	vld [tilespmem:s1+$0x3440]  }
0x87: {  	v16 =	vld [tilespmem:s1+$0x7440]  }
0x88: {  	[tilespmem:s1+$0x13410] =	vst v14;
	v12 =	vadd.f32 v12, v18;
	v14 =	vld [tilespmem:s1+$0x3450]  }
0x89: {  	v18 =	vld [tilespmem:s1+$0x7450]  }
0x8a: {  	[tilespmem:s1+$0x13420] =	vst v12;
	v12 =	vadd.f32 v13, v17;
	v13 =	vld [tilespmem:s1+$0x3460]  }
0x8b: {  	v17 =	vld [tilespmem:s1+$0x7460]  }
0x8c: {  	[tilespmem:s1+$0x13430] =	vst v12;
	v12 =	vadd.f32 v16, v15;
	v15 =	vld [tilespmem:s1+$0x3470]  }
0x8d: {  	v16 =	vld [tilespmem:s1+$0x7470]  }
0x8e: {  	[tilespmem:s1+$0x13440] =	vst v12;
	v12 =	vadd.f32 v18, v14;
	v14 =	vld [tilespmem:s1+$0x3480]  }
0x8f: {  	v18 =	vld [tilespmem:s1+$0x7480]  }
0x90: {  	[tilespmem:s1+$0x13450] =	vst v12;
	v12 =	vadd.f32 v17, v13;
	v13 =	vld [tilespmem:s1+$0x3490]  }
0x91: {  	v17 =	vld [tilespmem:s1+$0x7490]  }
0x92: {  	[tilespmem:s1+$0x13460] =	vst v12;
	v12 =	vadd.f32 v16, v15;
	v15 =	vld [tilespmem:s1+$0x34A0]  }
0x93: {  	v16 =	vld [tilespmem:s1+$0x74A0]  }
0x94: {  	[tilespmem:s1+$0x13470] =	vst v12;
	v12 =	vadd.f32 v18, v14;
	v14 =	vld [tilespmem:s1+$0x34B0]  }
0x95: {  	v18 =	vld [tilespmem:s1+$0x74B0]  }
0x96: {  	[tilespmem:s1+$0x13480] =	vst v12;
	v12 =	vadd.f32 v17, v13;
	v13 =	vld [tilespmem:s1+$0x34C0]  }
0x97: {  	v17 =	vld [tilespmem:s1+$0x74C0]  }
0x98: {  	[tilespmem:s1+$0x13490] =	vst v12;
	v12 =	vadd.f32 v16, v15;
	v15 =	vld [tilespmem:s1+$0x34D0]  }
0x99: {  	v16 =	vld [tilespmem:s1+$0x74D0]  }
0x9a: {  	[tilespmem:s1+$0x134A0] =	vst v12;
	v12 =	vadd.f32 v18, v14;
	v14 =	vld [tilespmem:s1+$0x34E0]  }
0x9b: {  	v18 =	vld [tilespmem:s1+$0x74E0]  }
0x9c: {  	[tilespmem:s1+$0x134B0] =	vst v12;
	v12 =	vadd.f32 v17, v13;
	v13 =	vld [tilespmem:s1+$0x34F0]  }
0x9d: {  	v17 =	vld [tilespmem:s1+$0x74F0]  }
0x9e: {  	[tilespmem:s1+$0x134C0] =	vst v12;
	v12 =	vadd.f32 v16, v15;
	v15 =	vld [tilespmem:s1+$0x3500]  }
0x9f: {  	v16 =	vld [tilespmem:s1+$0x7500]  }
0xa0: {  	[tilespmem:s1+$0x134D0] =	vst v12;
	v12 =	vadd.f32 v18, v14;
	v14 =	vld [tilespmem:s1+$0x3510]  }
0xa1: {  	v18 =	vld [tilespmem:s1+$0x7510]  }
0xa2: {  	[tilespmem:s1+$0x134E0] =	vst v12;
	v12 =	vadd.f32 v17, v13;
	v13 =	vld [tilespmem:s1+$0x3520]  }
0xa3: {  	v17 =	vld [tilespmem:s1+$0x7520]  }
0xa4: {  	[tilespmem:s1+$0x134F0] =	vst v12;
	v12 =	vadd.f32 v16, v15;
	v15 =	vld [tilespmem:s1+$0x3530]  }
0xa5: {  	v16 =	vld [tilespmem:s1+$0x7530]  }
0xa6: {  	[tilespmem:s1+$0x13500] =	vst v12;
	v12 =	vadd.f32 v18, v14;
	v14 =	vld [tilespmem:s1+$0x3540]  }
0xa7: {  	v18 =	vld [tilespmem:s1+$0x7540]  }
0xa8: {  	[tilespmem:s1+$0x13510] =	vst v12;
	v12 =	vadd.f32 v17, v13;
	v13 =	vld [tilespmem:s1+$0x3550]  }
0xa9: {  	v17 =	vld [tilespmem:s1+$0x7550]  }
0xaa: {  	[tilespmem:s1+$0x13520] =	vst v12;
	v12 =	vadd.f32 v16, v15;
	v15 =	vld [tilespmem:s1+$0x3560]  }
0xab: {  	v16 =	vld [tilespmem:s1+$0x7560]  }
0xac: {  	[tilespmem:s1+$0x13530] =	vst v12;
	v12 =	vadd.f32 v18, v14;
	v14 =	vld [tilespmem:s1+$0x3570]  }
0xad: {  	v18 =	vld [tilespmem:s1+$0x7570]  }
0xae: {  	[tilespmem:s1+$0x13540] =	vst v12;
	v12 =	vadd.f32 v17, v13;
	v13 =	vld [tilespmem:s1+$0x3580]  }
0xaf: {  	v17 =	vld [tilespmem:s1+$0x7580]  }
0xb0: {  	[tilespmem:s1+$0x13550] =	vst v12;
	v12 =	vadd.f32 v16, v15;
	v15 =	vld [tilespmem:s1+$0x3590]  }
0xb1: {  	v16 =	vld [tilespmem:s1+$0x7590]  }
0xb2: {  	[tilespmem:s1+$0x13560] =	vst v12;
	v12 =	vadd.f32 v18, v14;
	v14 =	vld [tilespmem:s1+$0x35A0]  }
0xb3: {  	v18 =	vld [tilespmem:s1+$0x75A0]  }
0xb4: {  	[tilespmem:s1+$0x13570] =	vst v12;
	v12 =	vadd.f32 v17, v13;
	v17 =	vld [tilespmem:s1+$0x35B0]  }
0xb5: {  	v19 =	vld [tilespmem:s1+$0x75B0]  }
.Ltmp0:
0xb6: {  	[tilespmem:s1+$0x13580] =	vst v12;
	v15 =	vadd.f32 v16, v15;
	v12 =	vld [tilespmem:s1+$0x35C0];
	(pc) =	sbr.rel @p0 .LBB2_2-.Ltmp0, $4  }
0xb7: {  	v13 =	vld [tilespmem:s1+$0x75C0]  }
0xb8: {  	[tilespmem:s1+$0x13590] =	vst v15;
	v16 =	vadd.f32 v18, v14;
	v14 =	vld [tilespmem:s1+$0x35D0]  }
0xb9: {  	v15 =	vld [tilespmem:s1+$0x75D0]  }
0xba: {  	s8 =	sadd.s32 $0x800, s8;
	[tilespmem:s1+$0x135A0] =	vst v16;
	v17 =	vadd.f32 v19, v17;
	v16 =	vld [tilespmem:s1+$0x35E0]  }
0xbb: {  	v18 =	vld [tilespmem:s1+$0x75E0];
	_ =	sdelay $0x2  }
0xbc: {  	v12 =	vadd.f32 v13, v12  }
0xbd: {  	[tilespmem:s1+$0x135B0] =	vst v17;
	v13 =	vadd.f32 v15, v14  }
0xbe: {  	[tilespmem:s1+$0x135C0] =	vst v12;
	v12 =	vadd.f32 v18, v16  }
0xbf: {  	[tilespmem:s1+$0x135D0] =	vst v13  }
0xc0: {  	[tilespmem:s1+$0x135E0] =	vst v12  }
0xc1: {  	[hbm4b:s3+s18] =	stream.indirect.scatter [tilespmem:s25], [sflag:$0x3], $0x80, s24, s18, $0xb8;
	[tilespmem:$0x1B580] =	vst v63  }
0xc2: {  	_ = 	snop  }
0xc3: {  	[tilespmem:s19], [sflag:$0x1] =	stream.indirect.gather [hbm4b:s2+s18], $0x80, s12, s18, $0xb8;
	[tilespmem:$0x1B580] =	vst v63  }
0xc4: {  	_ = 	snop  }
0xc5: {  	[tilespmem:s20], [sflag:$0x1] =	stream.indirect.gather [hbm4b:s2+s18], $0x80, s13, s18, $0xb8;
	[tilespmem:$0x1B580] =	vst v63  }
0xc6: {  	_ =	swait.ge [sflag:s26], $0x8000  }
0xc7: {  	[sflag:s26] =	ssyncset.done $0x0  }
0xc8: {  	[sflag:s26] =	ssyncadd.s32 $0xFFFF8000  }
0xc9: {  	v12 =	vld [tilespmem:$0x1B500]  }
0xca: {  	v13 =	vld [tilespmem:$0x1B510]  }
0xcb: {  	v14 =	vld [tilespmem:$0x1B520]  }
0xcc: {  	v15 =	vld [tilespmem:$0x1B530]  }
0xcd: {  	v16 =	vld [tilespmem:$0x1B540]  }
0xce: {  	v17 =	vld [tilespmem:$0x1B550];
	v12 =	vadd.s32 v2, v12  }
0xcf: {  	[tilespmem:$0x1B480] =	vst v12;
	v12 =	vadd.s32 v2, v13;
	v13 =	vld [tilespmem:$0x1B560]  }
0xd0: {  	[tilespmem:$0x1B490] =	vst v12;
	v12 =	vadd.s32 v2, v14;
	v14 =	vld [tilespmem:$0x1B570]  }
0xd1: {  	[tilespmem:$0x1B4A0] =	vst v12;
	v12 =	vadd.s32 v2, v15  }
0xd2: {  	[tilespmem:$0x1B4B0] =	vst v12;
	v12 =	vadd.s32 v2, v16  }
0xd3: {  	[tilespmem:$0x1B4C0] =	vst v12;
	v12 =	vadd.s32 v2, v17  }
0xd4: {  	[tilespmem:$0x1B4D0] =	vst v12;
	v12 =	vadd.s32 v2, v13  }
0xd5: {  	[tilespmem:$0x1B4E0] =	vst v12;
	v12 =	vadd.s32 v2, v14  }
0xd6: {  	s1 =	simm.s32 $0x0;
	[tilespmem:$0x1B4F0] =	vst v12  }
0xd7: {  	v12 =	vld [tilespmem:s1+$0xB400]  }
0xd8: {  	v13 =	vld [tilespmem:s1+$0xF400]  }
0xd9: {  	v14 =	vld [tilespmem:s1+$0xB410]  }
0xda: {  	v15 =	vld [tilespmem:s1+$0xF410]  }
0xdb: {  	v16 =	vld [tilespmem:s1+$0xB420]  }
0xdc: {  	v17 =	vld [tilespmem:s1+$0xF420]  }
0xdd: {  	v18 =	vld [tilespmem:s1+$0xF430]  }
0xde: {  	v19 =	vld [tilespmem:s1+$0xB5F0]  }
0xdf: {  	v20 =	vld [tilespmem:s1+$0xF5F0]  }
0xe0: {  	v21 =	vld [tilespmem:s1+$0xF460]  }
0xe1: {  	v22 =	vld [tilespmem:s1+$0xB480]  }
0xe2: {  	v23 =	vld [tilespmem:s1+$0xF480]  }
0xe3: {  	v24 =	vld [tilespmem:s1+$0xB490]  }
0xe4: {  	v25 =	vld [tilespmem:s1+$0xF490]  }
0xe5: {  	v26 =	vld [tilespmem:s1+$0xB4A0]  }
0xe6: {  	v45 =	vld [tilespmem:s1+$0xB4B0]  }
0xe7: {  	v27 =	vld [tilespmem:s1+$0xB470]  }
0xe8: {  	v47 =	vld [tilespmem:s1+$0xB4C0]  }
0xe9: {  	v48 =	vld [tilespmem:s1+$0xF4C0]  }
0xea: {  	v28 =	vld [tilespmem:s1+$0xF470]  }
0xeb: {  	v49 =	vld [tilespmem:s1+$0xB4D0]  }
0xec: {  	v29 =	vld [tilespmem:s1+$0xF4D0]  }
0xed: {  	v30 =	vld [tilespmem:s1+$0xB500]  }
0xee: {  	v31 =	vld [tilespmem:s1+$0xF500]  }
0xef: {  	v32 =	vld [tilespmem:s1+$0xB510]  }
0xf0: {  	v33 =	vld [tilespmem:s1+$0xF510]  }
0xf1: {  	v34 =	vld [tilespmem:s1+$0xB520]  }
0xf2: {  	v50 =	vld [tilespmem:s1+$0xF520]  }
0xf3: {  	v51 =	vld [tilespmem:s1+$0xB530]  }
0xf4: {  	v35 =	vld [tilespmem:s1+$0xB4E0]  }
0xf5: {  	v53 =	vld [tilespmem:s1+$0xB540]  }
0xf6: {  	v12 =	vadd.f32 v13, v12;
	v13 =	vld [tilespmem:s1+$0xB430]  }
0xf7: {  	v54 =	vld [tilespmem:s1+$0xF540]  }
0xf8: {  	v55 =	vld [tilespmem:s1+$0xF4E0]  }
0xf9: {  	v56 =	vld [tilespmem:s1+$0xB550];
	v22 =	vadd.f32 v23, v22  }
0xfa: {  	v46 =	vadd.f32 v25, v24;
	[tilespmem:s1+$0x17400] =	vst v12;
	v12 =	vadd.f32 v15, v14;
	v14 =	vld [tilespmem:s1+$0xB440]  }
0xfb: {  	[tilespmem:s1+$0x17480] =	vst v22;
	v13 =	vadd.f32 v18, v13;
	v18 =	vld [tilespmem:s1+$0xF4A0]  }
0xfc: {  	v30 =	vadd.f32 v31, v30;
	v15 =	vld [tilespmem:s1+$0xF440];
	[tilespmem:s1+$0x17490] =	vst v46  }
0xfd: {  	v52 =	vadd.f32 v33, v32;
	[tilespmem:s1+$0x17410] =	vst v12;
	v12 =	vadd.f32 v17, v16;
	v16 =	vld [tilespmem:s1+$0xB450]  }
0xfe: {  	[tilespmem:s1+$0x17500] =	vst v30;
	v17 =	vld [tilespmem:s1+$0xF450]  }
0xff: {  	v57 =	vld [tilespmem:s1+$0xB4F0];
	v19 =	vadd.f32 v20, v19;
	[tilespmem:s1+$0x17510] =	vst v52  }
0x100: {  	[tilespmem:s1+$0x17420] =	vst v12;
	v12 =	vld [tilespmem:s1+$0xB460];
	v18 =	vadd.f32 v18, v26  }
0x101: {  	v58 =	vld [tilespmem:s1+$0xB560];
	[tilespmem:s1+$0x175F0] =	vst v19  }
0x102: {  	v14 =	vadd.f32 v15, v14;
	[tilespmem:s1+$0x174A0] =	vst v18;
	v18 =	vld [tilespmem:s1+$0xF530]  }
0x103: {  	[tilespmem:s1+$0x17430] =	vst v13;
	v13 =	vld [tilespmem:s1+$0xF4B0];
	v16 =	vadd.f32 v17, v16  }
0x104: {  	v59 =	vld [tilespmem:s1+$0xF560];
	[tilespmem:s1+$0x17440] =	vst v14;
	v26 =	vadd.f32 v50, v34  }
0x105: {  	v17 =	vld [tilespmem:s1+$0xB580];
	v12 =	vadd.f32 v21, v12;
	[tilespmem:s1+$0x17450] =	vst v16  }
0x106: {  	v14 =	vld [tilespmem:s1+$0xF580];
	v16 =	vadd.f32 v28, v27;
	[tilespmem:s1+$0x17520] =	vst v26  }
0x107: {  	v60 =	vld [tilespmem:s1+$0xF590];
	[tilespmem:s1+$0x17460] =	vst v12;
	v18 =	vadd.f32 v18, v51  }
0x108: {  	v19 =	vld [tilespmem:s1+$0xB590];
	v13 =	vadd.f32 v13, v45;
	[tilespmem:s1+$0x17470] =	vst v16  }
0x109: {  	v12 =	vadd.f32 v48, v47;
	[tilespmem:s1+$0x17530] =	vst v18;
	v18 =	vld [tilespmem:s1+$0xF4F0]  }
0x10a: {  	v61 =	vld [tilespmem:s1+$0xB5A0];
	v16 =	vadd.f32 v29, v49;
	[tilespmem:s1+$0x174B0] =	vst v13  }
0x10b: {  	v63 =	vld [tilespmem:s1+$0xF570];
	v14 =	vadd.f32 v14, v17;
	[tilespmem:s1+$0x174C0] =	vst v12  }
0x10c: {  	v13 =	vld [tilespmem:s1+$0xF550];
	v12 =	vadd.f32 v55, v35;
	[tilespmem:s1+$0x174D0] =	vst v16  }
0x10d: {  	v15 =	vld [tilespmem:s1+$0xB570];
	[tilespmem:s1+$0x17580] =	vst v14;
	v14 =	vadd.f32 v60, v19  }
0x10e: {  	v62 =	vld [tilespmem:s1+$0xF5A0];
	[tilespmem:s1+$0x174E0] =	vst v12;
	v12 =	vadd.f32 v18, v57  }
0x10f: {  	v17 =	vld [tilespmem:s1+$0xF5B0];
	[tilespmem:s1+$0x17590] =	vst v14;
	v18 =	vadd.f32 v54, v53  }
0x110: {  	v16 =	vld [tilespmem:s1+$0xB5B0];
	v19 =	vadd.f32 v59, v58;
	[tilespmem:s1+$0x174F0] =	vst v12  }
0x111: {  	v12 =	vld [tilespmem:s1+$0xB5C0];
	[tilespmem:s1+$0x17540] =	vst v18;
	v18 =	vadd.f32 v13, v56  }
0x112: {  	[tilespmem:s1+$0x17560] =	vst v19;
	v19 =	vadd.f32 v63, v15;
	v13 =	vld [tilespmem:s1+$0xF5C0]  }
0x113: {  	v14 =	vld [tilespmem:s1+$0xB5D0];
	[tilespmem:s1+$0x17550] =	vst v18;
	v18 =	vadd.f32 v62, v61  }
0x114: {  	v15 =	vld [tilespmem:s1+$0xF5D0];
	[tilespmem:s1+$0x17570] =	vst v19  }
0x115: {  	s5 =	simm.s32 $0x0;
	s8 =	simm.s32 $0x800;
	v17 =	vadd.f32 v17, v16;
	v16 =	vld [tilespmem:s1+$0xB5E0];
	[tilespmem:s1+$0x175A0] =	vst v18  }
.LBB2_4:
0x116: {  	s9 =	sshra.s32 s8, $0x2;
	v18 =	vld [tilespmem:s1+$0xF5E0]  }
0x117: {  	s5 =	sadd.s32 $0x4, s5;
	v19 =	vld [tilespmem:s9+$0xB5F0];
	[tilespmem:s1+$0x175B0] =	vst v17;
	v12 =	vadd.f32 v13, v12  }
0x118: {  	p0 =	slt.u32 s5, $0x7C;
	v13 =	vld [tilespmem:s9+$0xF5F0]  }
0x119: {  	v17 =	vld [tilespmem:s9+$0xB400];
	[tilespmem:s1+$0x175C0] =	vst v12;
	v12 =	vadd.f32 v15, v14  }
0x11a: {  	v14 =	vld [tilespmem:s9+$0xF400]  }
0x11b: {  	v15 =	vld [tilespmem:s9+$0xB410];
	[tilespmem:s1+$0x175D0] =	vst v12;
	v12 =	vadd.f32 v18, v16  }
0x11c: {  	v16 =	vld [tilespmem:s9+$0xF410]  }
0x11d: {  	v18 =	vld [tilespmem:s9+$0xB420];
	v13 =	vadd.f32 v13, v19;
	[tilespmem:s1+$0x175E0] =	vst v12;
	s1 =	smov.u32 s9  }
0x11e: {  	v12 =	vld [tilespmem:s1+$0xF420]  }
0x11f: {  	v14 =	vadd.f32 v14, v17;
	v17 =	vld [tilespmem:s1+$0xB430];
	[tilespmem:s1+$0x175F0] =	vst v13  }
0x120: {  	v13 =	vld [tilespmem:s1+$0xF430]  }
0x121: {  	[tilespmem:s1+$0x17400] =	vst v14;
	v14 =	vadd.f32 v16, v15;
	v15 =	vld [tilespmem:s1+$0xB440]  }
0x122: {  	v16 =	vld [tilespmem:s1+$0xF440]  }
0x123: {  	[tilespmem:s1+$0x17410] =	vst v14;
	v12 =	vadd.f32 v12, v18;
	v14 =	vld [tilespmem:s1+$0xB450]  }
0x124: {  	v18 =	vld [tilespmem:s1+$0xF450]  }
0x125: {  	[tilespmem:s1+$0x17420] =	vst v12;
	v12 =	vadd.f32 v13, v17;
	v13 =	vld [tilespmem:s1+$0xB460]  }
0x126: {  	v17 =	vld [tilespmem:s1+$0xF460]  }
0x127: {  	[tilespmem:s1+$0x17430] =	vst v12;
	v12 =	vadd.f32 v16, v15;
	v15 =	vld [tilespmem:s1+$0xB470]  }
0x128: {  	v16 =	vld [tilespmem:s1+$0xF470]  }
0x129: {  	[tilespmem:s1+$0x17440] =	vst v12;
	v12 =	vadd.f32 v18, v14;
	v14 =	vld [tilespmem:s1+$0xB480]  }
0x12a: {  	v18 =	vld [tilespmem:s1+$0xF480]  }
0x12b: {  	[tilespmem:s1+$0x17450] =	vst v12;
	v12 =	vadd.f32 v17, v13;
	v13 =	vld [tilespmem:s1+$0xB490]  }
0x12c: {  	v17 =	vld [tilespmem:s1+$0xF490]  }
0x12d: {  	[tilespmem:s1+$0x17460] =	vst v12;
	v12 =	vadd.f32 v16, v15;
	v15 =	vld [tilespmem:s1+$0xB4A0]  }
0x12e: {  	v16 =	vld [tilespmem:s1+$0xF4A0]  }
0x12f: {  	[tilespmem:s1+$0x17470] =	vst v12;
	v12 =	vadd.f32 v18, v14;
	v14 =	vld [tilespmem:s1+$0xB4B0]  }
0x130: {  	v18 =	vld [tilespmem:s1+$0xF4B0]  }
0x131: {  	[tilespmem:s1+$0x17480] =	vst v12;
	v12 =	vadd.f32 v17, v13;
	v13 =	vld [tilespmem:s1+$0xB4C0]  }
0x132: {  	v17 =	vld [tilespmem:s1+$0xF4C0]  }
0x133: {  	[tilespmem:s1+$0x17490] =	vst v12;
	v12 =	vadd.f32 v16, v15;
	v15 =	vld [tilespmem:s1+$0xB4D0]  }
0x134: {  	v16 =	vld [tilespmem:s1+$0xF4D0]  }
0x135: {  	[tilespmem:s1+$0x174A0] =	vst v12;
	v12 =	vadd.f32 v18, v14;
	v14 =	vld [tilespmem:s1+$0xB4E0]  }
0x136: {  	v18 =	vld [tilespmem:s1+$0xF4E0]  }
0x137: {  	[tilespmem:s1+$0x174B0] =	vst v12;
	v12 =	vadd.f32 v17, v13;
	v13 =	vld [tilespmem:s1+$0xB4F0]  }
0x138: {  	v17 =	vld [tilespmem:s1+$0xF4F0]  }
0x139: {  	[tilespmem:s1+$0x174C0] =	vst v12;
	v12 =	vadd.f32 v16, v15;
	v15 =	vld [tilespmem:s1+$0xB500]  }
0x13a: {  	v16 =	vld [tilespmem:s1+$0xF500]  }
0x13b: {  	[tilespmem:s1+$0x174D0] =	vst v12;
	v12 =	vadd.f32 v18, v14;
	v14 =	vld [tilespmem:s1+$0xB510]  }
0x13c: {  	v18 =	vld [tilespmem:s1+$0xF510]  }
0x13d: {  	[tilespmem:s1+$0x174E0] =	vst v12;
	v12 =	vadd.f32 v17, v13;
	v13 =	vld [tilespmem:s1+$0xB520]  }
0x13e: {  	v17 =	vld [tilespmem:s1+$0xF520]  }
0x13f: {  	[tilespmem:s1+$0x174F0] =	vst v12;
	v12 =	vadd.f32 v16, v15;
	v15 =	vld [tilespmem:s1+$0xB530]  }
0x140: {  	v16 =	vld [tilespmem:s1+$0xF530]  }
0x141: {  	[tilespmem:s1+$0x17500] =	vst v12;
	v12 =	vadd.f32 v18, v14;
	v14 =	vld [tilespmem:s1+$0xB540]  }
0x142: {  	v18 =	vld [tilespmem:s1+$0xF540]  }
0x143: {  	[tilespmem:s1+$0x17510] =	vst v12;
	v12 =	vadd.f32 v17, v13;
	v13 =	vld [tilespmem:s1+$0xB550]  }
0x144: {  	v17 =	vld [tilespmem:s1+$0xF550]  }
0x145: {  	[tilespmem:s1+$0x17520] =	vst v12;
	v12 =	vadd.f32 v16, v15;
	v15 =	vld [tilespmem:s1+$0xB560]  }
0x146: {  	v16 =	vld [tilespmem:s1+$0xF560]  }
0x147: {  	[tilespmem:s1+$0x17530] =	vst v12;
	v12 =	vadd.f32 v18, v14;
	v14 =	vld [tilespmem:s1+$0xB570]  }
0x148: {  	v18 =	vld [tilespmem:s1+$0xF570]  }
0x149: {  	[tilespmem:s1+$0x17540] =	vst v12;
	v12 =	vadd.f32 v17, v13;
	v13 =	vld [tilespmem:s1+$0xB580]  }
0x14a: {  	v17 =	vld [tilespmem:s1+$0xF580]  }
0x14b: {  	[tilespmem:s1+$0x17550] =	vst v12;
	v12 =	vadd.f32 v16, v15;
	v15 =	vld [tilespmem:s1+$0xB590]  }
0x14c: {  	v16 =	vld [tilespmem:s1+$0xF590]  }
0x14d: {  	[tilespmem:s1+$0x17560] =	vst v12;
	v12 =	vadd.f32 v18, v14;
	v14 =	vld [tilespmem:s1+$0xB5A0]  }
0x14e: {  	v18 =	vld [tilespmem:s1+$0xF5A0]  }
0x14f: {  	[tilespmem:s1+$0x17570] =	vst v12;
	v12 =	vadd.f32 v17, v13;
	v17 =	vld [tilespmem:s1+$0xB5B0]  }
0x150: {  	v19 =	vld [tilespmem:s1+$0xF5B0]  }
.Ltmp1:
0x151: {  	[tilespmem:s1+$0x17580] =	vst v12;
	v15 =	vadd.f32 v16, v15;
	v12 =	vld [tilespmem:s1+$0xB5C0];
	(pc) =	sbr.rel @p0 .LBB2_4-.Ltmp1, $4  }
0x152: {  	v13 =	vld [tilespmem:s1+$0xF5C0]  }
0x153: {  	[tilespmem:s1+$0x17590] =	vst v15;
	v16 =	vadd.f32 v18, v14;
	v14 =	vld [tilespmem:s1+$0xB5D0]  }
0x154: {  	v15 =	vld [tilespmem:s1+$0xF5D0]  }
0x155: {  	s8 =	sadd.s32 $0x800, s8;
	[tilespmem:s1+$0x175A0] =	vst v16;
	v17 =	vadd.f32 v19, v17;
	v16 =	vld [tilespmem:s1+$0xB5E0]  }
0x156: {  	v18 =	vld [tilespmem:s1+$0xF5E0];
	_ =	sdelay $0x2  }
0x157: {  	v12 =	vadd.f32 v13, v12  }
0x158: {  	[tilespmem:s1+$0x175B0] =	vst v17;
	v62 =	vadd.f32 v15, v14  }
0x159: {  	[tilespmem:s1+$0x175C0] =	vst v12;
	v63 =	vadd.f32 v18, v16  }
0x15a: {  	[tilespmem:s1+$0x175D0] =	vst v62  }
0x15b: {  	[tilespmem:s1+$0x175E0] =	vst v63;
	s1 =	simm.s32 $0x1  }
0x15c: {  	[hbm4b:s3+s18] =	stream.indirect.scatter [tilespmem:s29], [sflag:$0x4], $0x80, s28, s18, $0xb8;
	[tilespmem:$0x1B580] =	vst v63  }
.LBB2_6:
0x15d: {  	s5 =	sshllo.u32 s1, $0x1  }
0x15e: {  	s8 =	sshll.u32 s5, $0x8  }
0x15f: {  	s8 =	sand.u32 $0x3FFFFF00, s8  }
0x160: {  	s8 =	sadd.s32 s8, s7  }
0x161: {  	[tilespmem:s21], [sflag:$0x2] =	stream.indirect.gather [hbm4b:s2+s18], $0x80, s8, s18, $0xb8;
	[tilespmem:$0x1B580] =	vst v63  }
0x162: {  	s8 =	sadd.s32 $0x80, s8  }
0x163: {  	[tilespmem:s22], [sflag:$0x2] =	stream.indirect.gather [hbm4b:s2+s18], $0x80, s8, s18, $0xb8;
	[tilespmem:$0x1B580] =	vst v63  }
0x164: {  	_ =	swait.ge [sflag:s23], $0x8000  }
0x165: {  	[sflag:s23] =	ssyncset.done $0x0  }
0x166: {  	[sflag:s23] =	ssyncadd.s32 $0xFFFF8000  }
0x167: {  	_ =	swait.ge [sflag:s30], $0x4000  }
0x168: {  	[sflag:s30] =	ssyncset.done $0x0  }
0x169: {  	s11 =	sshll.u32 s1, $0x1;
	[sflag:s30] =	ssyncadd.s32 $0xFFFFC000  }
0x16a: {  	s8 =	sadd.s32 s6, s11;
	v12 =	vld [tilespmem:$0x1B500]  }
0x16b: {  	s9 =	sand.u32 $0x6, s8;
	v13 =	vld [tilespmem:$0x1B510]  }
0x16c: {  	s9 =	smul.u32 $0x6400, s9;
	v14 =	vld [tilespmem:$0x1B520]  }
0x16d: {  	s8 =	sshrl.u32 s8, $0x3;
	v15 =	vld [tilespmem:$0x1B530]  }
0x16e: {  	s8 =	sadd.s32 s8, s9;
	v16 =	vld [tilespmem:$0x1B540]  }
0x16f: {  	v17 =	vld [tilespmem:$0x1B550];
	v12 =	vadd.s32 s8, v12  }
0x170: {  	[tilespmem:$0x1B400] =	vst v12;
	v12 =	vadd.s32 s8, v13;
	v13 =	vld [tilespmem:$0x1B560]  }
0x171: {  	[tilespmem:$0x1B410] =	vst v12;
	v12 =	vadd.s32 s8, v14;
	v14 =	vld [tilespmem:$0x1B570]  }
0x172: {  	[tilespmem:$0x1B420] =	vst v12;
	v12 =	vadd.s32 s8, v15  }
0x173: {  	[tilespmem:$0x1B430] =	vst v12;
	v12 =	vadd.s32 s8, v16  }
0x174: {  	[tilespmem:$0x1B440] =	vst v12;
	v12 =	vadd.s32 s8, v17  }
0x175: {  	[tilespmem:$0x1B450] =	vst v12;
	v12 =	vadd.s32 s8, v13  }
0x176: {  	[tilespmem:$0x1B460] =	vst v12;
	v12 =	vadd.s32 s8, v14  }
0x177: {  	s8 =	simm.s32 $0x0;
	[tilespmem:$0x1B470] =	vst v12  }
0x178: {  	v12 =	vld [tilespmem:s8+$0x3400]  }
0x179: {  	v13 =	vld [tilespmem:s8+$0x7400]  }
0x17a: {  	v14 =	vld [tilespmem:s8+$0x3410]  }
0x17b: {  	v15 =	vld [tilespmem:s8+$0x7410]  }
0x17c: {  	v16 =	vld [tilespmem:s8+$0x3420]  }
0x17d: {  	v17 =	vld [tilespmem:s8+$0x7420]  }
0x17e: {  	v18 =	vld [tilespmem:s8+$0x7430]  }
0x17f: {  	v19 =	vld [tilespmem:s8+$0x35F0]  }
0x180: {  	v20 =	vld [tilespmem:s8+$0x75F0]  }
0x181: {  	v21 =	vld [tilespmem:s8+$0x7460]  }
0x182: {  	v22 =	vld [tilespmem:s8+$0x3480]  }
0x183: {  	v23 =	vld [tilespmem:s8+$0x7480]  }
0x184: {  	v24 =	vld [tilespmem:s8+$0x3490]  }
0x185: {  	v25 =	vld [tilespmem:s8+$0x7490]  }
0x186: {  	v26 =	vld [tilespmem:s8+$0x34A0]  }
0x187: {  	v45 =	vld [tilespmem:s8+$0x34B0]  }
0x188: {  	v27 =	vld [tilespmem:s8+$0x3470]  }
0x189: {  	v47 =	vld [tilespmem:s8+$0x34C0]  }
0x18a: {  	v48 =	vld [tilespmem:s8+$0x74C0]  }
0x18b: {  	v28 =	vld [tilespmem:s8+$0x7470]  }
0x18c: {  	v49 =	vld [tilespmem:s8+$0x34D0]  }
0x18d: {  	v29 =	vld [tilespmem:s8+$0x74D0]  }
0x18e: {  	v30 =	vld [tilespmem:s8+$0x3500]  }
0x18f: {  	v31 =	vld [tilespmem:s8+$0x7500]  }
0x190: {  	v32 =	vld [tilespmem:s8+$0x3510]  }
0x191: {  	v33 =	vld [tilespmem:s8+$0x7510]  }
0x192: {  	v34 =	vld [tilespmem:s8+$0x3520]  }
0x193: {  	v50 =	vld [tilespmem:s8+$0x7520]  }
0x194: {  	v51 =	vld [tilespmem:s8+$0x3530]  }
0x195: {  	v35 =	vld [tilespmem:s8+$0x34E0]  }
0x196: {  	v53 =	vld [tilespmem:s8+$0x3540]  }
0x197: {  	v12 =	vadd.f32 v13, v12;
	v13 =	vld [tilespmem:s8+$0x3430]  }
0x198: {  	v54 =	vld [tilespmem:s8+$0x7540]  }
0x199: {  	v55 =	vld [tilespmem:s8+$0x74E0]  }
0x19a: {  	v56 =	vld [tilespmem:s8+$0x3550];
	v22 =	vadd.f32 v23, v22  }
0x19b: {  	v46 =	vadd.f32 v25, v24;
	[tilespmem:s8+$0x13400] =	vst v12;
	v12 =	vadd.f32 v15, v14;
	v14 =	vld [tilespmem:s8+$0x3440]  }
0x19c: {  	[tilespmem:s8+$0x13480] =	vst v22;
	v13 =	vadd.f32 v18, v13;
	v18 =	vld [tilespmem:s8+$0x74A0]  }
0x19d: {  	v30 =	vadd.f32 v31, v30;
	v15 =	vld [tilespmem:s8+$0x7440];
	[tilespmem:s8+$0x13490] =	vst v46  }
0x19e: {  	v52 =	vadd.f32 v33, v32;
	[tilespmem:s8+$0x13410] =	vst v12;
	v12 =	vadd.f32 v17, v16;
	v16 =	vld [tilespmem:s8+$0x3450]  }
0x19f: {  	[tilespmem:s8+$0x13500] =	vst v30;
	v17 =	vld [tilespmem:s8+$0x7450]  }
0x1a0: {  	v57 =	vld [tilespmem:s8+$0x34F0];
	v19 =	vadd.f32 v20, v19;
	[tilespmem:s8+$0x13510] =	vst v52  }
0x1a1: {  	[tilespmem:s8+$0x13420] =	vst v12;
	v12 =	vld [tilespmem:s8+$0x3460];
	v18 =	vadd.f32 v18, v26  }
0x1a2: {  	v58 =	vld [tilespmem:s8+$0x3560];
	[tilespmem:s8+$0x135F0] =	vst v19  }
0x1a3: {  	v14 =	vadd.f32 v15, v14;
	[tilespmem:s8+$0x134A0] =	vst v18;
	v18 =	vld [tilespmem:s8+$0x7530]  }
0x1a4: {  	[tilespmem:s8+$0x13430] =	vst v13;
	v13 =	vld [tilespmem:s8+$0x74B0];
	v16 =	vadd.f32 v17, v16  }
0x1a5: {  	v59 =	vld [tilespmem:s8+$0x7560];
	[tilespmem:s8+$0x13440] =	vst v14;
	v26 =	vadd.f32 v50, v34  }
0x1a6: {  	v17 =	vld [tilespmem:s8+$0x3580];
	v12 =	vadd.f32 v21, v12;
	[tilespmem:s8+$0x13450] =	vst v16  }
0x1a7: {  	v14 =	vld [tilespmem:s8+$0x7580];
	v16 =	vadd.f32 v28, v27;
	[tilespmem:s8+$0x13520] =	vst v26  }
0x1a8: {  	v60 =	vld [tilespmem:s8+$0x7590];
	[tilespmem:s8+$0x13460] =	vst v12;
	v18 =	vadd.f32 v18, v51  }
0x1a9: {  	v19 =	vld [tilespmem:s8+$0x3590];
	v13 =	vadd.f32 v13, v45;
	[tilespmem:s8+$0x13470] =	vst v16  }
0x1aa: {  	v12 =	vadd.f32 v48, v47;
	[tilespmem:s8+$0x13530] =	vst v18;
	v18 =	vld [tilespmem:s8+$0x74F0]  }
0x1ab: {  	v61 =	vld [tilespmem:s8+$0x35A0];
	v16 =	vadd.f32 v29, v49;
	[tilespmem:s8+$0x134B0] =	vst v13  }
0x1ac: {  	v63 =	vld [tilespmem:s8+$0x7570];
	v14 =	vadd.f32 v14, v17;
	[tilespmem:s8+$0x134C0] =	vst v12  }
0x1ad: {  	v13 =	vld [tilespmem:s8+$0x7550];
	v12 =	vadd.f32 v55, v35;
	[tilespmem:s8+$0x134D0] =	vst v16  }
0x1ae: {  	v15 =	vld [tilespmem:s8+$0x3570];
	[tilespmem:s8+$0x13580] =	vst v14;
	v14 =	vadd.f32 v60, v19  }
0x1af: {  	v62 =	vld [tilespmem:s8+$0x75A0];
	[tilespmem:s8+$0x134E0] =	vst v12;
	v12 =	vadd.f32 v18, v57  }
0x1b0: {  	v17 =	vld [tilespmem:s8+$0x75B0];
	[tilespmem:s8+$0x13590] =	vst v14;
	v18 =	vadd.f32 v54, v53  }
0x1b1: {  	v16 =	vld [tilespmem:s8+$0x35B0];
	v19 =	vadd.f32 v59, v58;
	[tilespmem:s8+$0x134F0] =	vst v12  }
0x1b2: {  	v12 =	vld [tilespmem:s8+$0x35C0];
	[tilespmem:s8+$0x13540] =	vst v18;
	v18 =	vadd.f32 v13, v56  }
0x1b3: {  	[tilespmem:s8+$0x13560] =	vst v19;
	v19 =	vadd.f32 v63, v15;
	v13 =	vld [tilespmem:s8+$0x75C0]  }
0x1b4: {  	v14 =	vld [tilespmem:s8+$0x35D0];
	[tilespmem:s8+$0x13550] =	vst v18;
	v18 =	vadd.f32 v62, v61  }
0x1b5: {  	v15 =	vld [tilespmem:s8+$0x75D0];
	[tilespmem:s8+$0x13570] =	vst v19  }
0x1b6: {  	s10 =	simm.s32 $0x800;
	s9 =	simm.s32 $0x0;
	v17 =	vadd.f32 v17, v16;
	v16 =	vld [tilespmem:s8+$0x35E0];
	[tilespmem:s8+$0x135A0] =	vst v18  }
.LBB2_7:
0x1b7: {  	s11 =	sshra.s32 s10, $0x2;
	v18 =	vld [tilespmem:s8+$0x75E0]  }
0x1b8: {  	s9 =	sadd.s32 $0x4, s9;
	v19 =	vld [tilespmem:s11+$0x35F0];
	[tilespmem:s8+$0x135B0] =	vst v17;
	v12 =	vadd.f32 v13, v12  }
0x1b9: {  	p0 =	slt.u32 s9, $0x7C;
	v13 =	vld [tilespmem:s11+$0x75F0]  }
0x1ba: {  	v17 =	vld [tilespmem:s11+$0x3400];
	[tilespmem:s8+$0x135C0] =	vst v12;
	v12 =	vadd.f32 v15, v14  }
0x1bb: {  	v14 =	vld [tilespmem:s11+$0x7400]  }
0x1bc: {  	v15 =	vld [tilespmem:s11+$0x3410];
	[tilespmem:s8+$0x135D0] =	vst v12;
	v12 =	vadd.f32 v18, v16  }
0x1bd: {  	v16 =	vld [tilespmem:s11+$0x7410]  }
0x1be: {  	v18 =	vld [tilespmem:s11+$0x3420];
	v13 =	vadd.f32 v13, v19;
	[tilespmem:s8+$0x135E0] =	vst v12;
	s8 =	smov.u32 s11  }
0x1bf: {  	v12 =	vld [tilespmem:s8+$0x7420]  }
0x1c0: {  	v14 =	vadd.f32 v14, v17;
	v17 =	vld [tilespmem:s8+$0x3430];
	[tilespmem:s8+$0x135F0] =	vst v13  }
0x1c1: {  	v13 =	vld [tilespmem:s8+$0x7430]  }
0x1c2: {  	[tilespmem:s8+$0x13400] =	vst v14;
	v14 =	vadd.f32 v16, v15;
	v15 =	vld [tilespmem:s8+$0x3440]  }
0x1c3: {  	v16 =	vld [tilespmem:s8+$0x7440]  }
0x1c4: {  	[tilespmem:s8+$0x13410] =	vst v14;
	v12 =	vadd.f32 v12, v18;
	v14 =	vld [tilespmem:s8+$0x3450]  }
0x1c5: {  	v18 =	vld [tilespmem:s8+$0x7450]  }
0x1c6: {  	[tilespmem:s8+$0x13420] =	vst v12;
	v12 =	vadd.f32 v13, v17;
	v13 =	vld [tilespmem:s8+$0x3460]  }
0x1c7: {  	v17 =	vld [tilespmem:s8+$0x7460]  }
0x1c8: {  	[tilespmem:s8+$0x13430] =	vst v12;
	v12 =	vadd.f32 v16, v15;
	v15 =	vld [tilespmem:s8+$0x3470]  }
0x1c9: {  	v16 =	vld [tilespmem:s8+$0x7470]  }
0x1ca: {  	[tilespmem:s8+$0x13440] =	vst v12;
	v12 =	vadd.f32 v18, v14;
	v14 =	vld [tilespmem:s8+$0x3480]  }
0x1cb: {  	v18 =	vld [tilespmem:s8+$0x7480]  }
0x1cc: {  	[tilespmem:s8+$0x13450] =	vst v12;
	v12 =	vadd.f32 v17, v13;
	v13 =	vld [tilespmem:s8+$0x3490]  }
0x1cd: {  	v17 =	vld [tilespmem:s8+$0x7490]  }
0x1ce: {  	[tilespmem:s8+$0x13460] =	vst v12;
	v12 =	vadd.f32 v16, v15;
	v15 =	vld [tilespmem:s8+$0x34A0]  }
0x1cf: {  	v16 =	vld [tilespmem:s8+$0x74A0]  }
0x1d0: {  	[tilespmem:s8+$0x13470] =	vst v12;
	v12 =	vadd.f32 v18, v14;
	v14 =	vld [tilespmem:s8+$0x34B0]  }
0x1d1: {  	v18 =	vld [tilespmem:s8+$0x74B0]  }
0x1d2: {  	[tilespmem:s8+$0x13480] =	vst v12;
	v12 =	vadd.f32 v17, v13;
	v13 =	vld [tilespmem:s8+$0x34C0]  }
0x1d3: {  	v17 =	vld [tilespmem:s8+$0x74C0]  }
0x1d4: {  	[tilespmem:s8+$0x13490] =	vst v12;
	v12 =	vadd.f32 v16, v15;
	v15 =	vld [tilespmem:s8+$0x34D0]  }
0x1d5: {  	v16 =	vld [tilespmem:s8+$0x74D0]  }
0x1d6: {  	[tilespmem:s8+$0x134A0] =	vst v12;
	v12 =	vadd.f32 v18, v14;
	v14 =	vld [tilespmem:s8+$0x34E0]  }
0x1d7: {  	v18 =	vld [tilespmem:s8+$0x74E0]  }
0x1d8: {  	[tilespmem:s8+$0x134B0] =	vst v12;
	v12 =	vadd.f32 v17, v13;
	v13 =	vld [tilespmem:s8+$0x34F0]  }
0x1d9: {  	v17 =	vld [tilespmem:s8+$0x74F0]  }
0x1da: {  	[tilespmem:s8+$0x134C0] =	vst v12;
	v12 =	vadd.f32 v16, v15;
	v15 =	vld [tilespmem:s8+$0x3500]  }
0x1db: {  	v16 =	vld [tilespmem:s8+$0x7500]  }
0x1dc: {  	[tilespmem:s8+$0x134D0] =	vst v12;
	v12 =	vadd.f32 v18, v14;
	v14 =	vld [tilespmem:s8+$0x3510]  }
0x1dd: {  	v18 =	vld [tilespmem:s8+$0x7510]  }
0x1de: {  	[tilespmem:s8+$0x134E0] =	vst v12;
	v12 =	vadd.f32 v17, v13;
	v13 =	vld [tilespmem:s8+$0x3520]  }
0x1df: {  	v17 =	vld [tilespmem:s8+$0x7520]  }
0x1e0: {  	[tilespmem:s8+$0x134F0] =	vst v12;
	v12 =	vadd.f32 v16, v15;
	v15 =	vld [tilespmem:s8+$0x3530]  }
0x1e1: {  	v16 =	vld [tilespmem:s8+$0x7530]  }
0x1e2: {  	[tilespmem:s8+$0x13500] =	vst v12;
	v12 =	vadd.f32 v18, v14;
	v14 =	vld [tilespmem:s8+$0x3540]  }
0x1e3: {  	v18 =	vld [tilespmem:s8+$0x7540]  }
0x1e4: {  	[tilespmem:s8+$0x13510] =	vst v12;
	v12 =	vadd.f32 v17, v13;
	v13 =	vld [tilespmem:s8+$0x3550]  }
0x1e5: {  	v17 =	vld [tilespmem:s8+$0x7550]  }
0x1e6: {  	[tilespmem:s8+$0x13520] =	vst v12;
	v12 =	vadd.f32 v16, v15;
	v15 =	vld [tilespmem:s8+$0x3560]  }
0x1e7: {  	v16 =	vld [tilespmem:s8+$0x7560]  }
0x1e8: {  	[tilespmem:s8+$0x13530] =	vst v12;
	v12 =	vadd.f32 v18, v14;
	v14 =	vld [tilespmem:s8+$0x3570]  }
0x1e9: {  	v18 =	vld [tilespmem:s8+$0x7570]  }
0x1ea: {  	[tilespmem:s8+$0x13540] =	vst v12;
	v12 =	vadd.f32 v17, v13;
	v13 =	vld [tilespmem:s8+$0x3580]  }
0x1eb: {  	v17 =	vld [tilespmem:s8+$0x7580]  }
0x1ec: {  	[tilespmem:s8+$0x13550] =	vst v12;
	v12 =	vadd.f32 v16, v15;
	v15 =	vld [tilespmem:s8+$0x3590]  }
0x1ed: {  	v16 =	vld [tilespmem:s8+$0x7590]  }
0x1ee: {  	[tilespmem:s8+$0x13560] =	vst v12;
	v12 =	vadd.f32 v18, v14;
	v14 =	vld [tilespmem:s8+$0x35A0]  }
0x1ef: {  	v18 =	vld [tilespmem:s8+$0x75A0]  }
0x1f0: {  	[tilespmem:s8+$0x13570] =	vst v12;
	v12 =	vadd.f32 v17, v13;
	v17 =	vld [tilespmem:s8+$0x35B0]  }
0x1f1: {  	v19 =	vld [tilespmem:s8+$0x75B0]  }
.Ltmp2:
0x1f2: {  	[tilespmem:s8+$0x13580] =	vst v12;
	v15 =	vadd.f32 v16, v15;
	v12 =	vld [tilespmem:s8+$0x35C0];
	(pc) =	sbr.rel @p0 .LBB2_7-.Ltmp2, $4  }
0x1f3: {  	v13 =	vld [tilespmem:s8+$0x75C0]  }
0x1f4: {  	[tilespmem:s8+$0x13590] =	vst v15;
	v16 =	vadd.f32 v18, v14;
	v14 =	vld [tilespmem:s8+$0x35D0]  }
0x1f5: {  	v15 =	vld [tilespmem:s8+$0x75D0]  }
0x1f6: {  	s10 =	sadd.s32 $0x800, s10;
	[tilespmem:s8+$0x135A0] =	vst v16;
	v17 =	vadd.f32 v19, v17;
	v16 =	vld [tilespmem:s8+$0x35E0]  }
0x1f7: {  	v18 =	vld [tilespmem:s8+$0x75E0];
	_ =	sdelay $0x2  }
0x1f8: {  	v12 =	vadd.f32 v13, v12  }
0x1f9: {  	[tilespmem:s8+$0x135B0] =	vst v17;
	v13 =	vadd.f32 v15, v14  }
0x1fa: {  	[tilespmem:s8+$0x135C0] =	vst v12;
	v12 =	vadd.f32 v18, v16  }
0x1fb: {  	s10 =	sadd.s32 s4, s1;
	[tilespmem:s8+$0x135D0] =	vst v13  }
0x1fc: {  	[tilespmem:s8+$0x135E0] =	vst v12;
	s8 =	sshll.u32 s10, $0x9  }
0x1fd: {  	[hbm4b:s3+s18] =	stream.indirect.scatter [tilespmem:s25], [sflag:$0x3], $0x80, s24, s18, $0xb8;
	[tilespmem:$0x1B580] =	vst v63  }
0x1fe: {  	s8 =	sand.u32 $0x3FFFFE00, s8  }
0x1ff: {  	s9 =	sadd.s32 $0x200, s8  }
0x200: {  	[tilespmem:s19], [sflag:$0x1] =	stream.indirect.gather [hbm4b:s2+s18], $0x80, s9, s18, $0xb8;
	[tilespmem:$0x1B580] =	vst v63  }
0x201: {  	s8 =	sadd.s32 $0x280, s8  }
0x202: {  	[tilespmem:s20], [sflag:$0x1] =	stream.indirect.gather [hbm4b:s2+s18], $0x80, s8, s18, $0xb8;
	[tilespmem:$0x1B580] =	vst v63  }
0x203: {  	_ =	swait.ge [sflag:s26], $0x8000  }
0x204: {  	[sflag:s26] =	ssyncset.done $0x0  }
0x205: {  	[sflag:s26] =	ssyncadd.s32 $0xFFFF8000  }
0x206: {  	_ =	swait.ge [sflag:s31], $0x4000  }
0x207: {  	[sflag:s31] =	ssyncset.done $0x0  }
0x208: {  	[sflag:s31] =	ssyncadd.s32 $0xFFFFC000  }
0x209: {  	s5 =	sadd.s32 s6, s5;
	v12 =	vld [tilespmem:$0x1B500]  }
0x20a: {  	s11 =	sand.u32 $0x7, s5;
	v13 =	vld [tilespmem:$0x1B510]  }
0x20b: {  	s8 =	smul.u32 $0x6400, s11;
	v14 =	vld [tilespmem:$0x1B520]  }
0x20c: {  	s5 =	sshrl.u32 s5, $0x3;
	v15 =	vld [tilespmem:$0x1B530]  }
0x20d: {  	s5 =	sadd.s32 s5, s8;
	v16 =	vld [tilespmem:$0x1B540]  }
0x20e: {  	v17 =	vld [tilespmem:$0x1B550];
	v12 =	vadd.s32 s5, v12  }
0x20f: {  	[tilespmem:$0x1B480] =	vst v12;
	v12 =	vadd.s32 s5, v13;
	v13 =	vld [tilespmem:$0x1B560]  }
0x210: {  	[tilespmem:$0x1B490] =	vst v12;
	v12 =	vadd.s32 s5, v14;
	v14 =	vld [tilespmem:$0x1B570]  }
0x211: {  	[tilespmem:$0x1B4A0] =	vst v12;
	v12 =	vadd.s32 s5, v15  }
0x212: {  	[tilespmem:$0x1B4B0] =	vst v12;
	v12 =	vadd.s32 s5, v16  }
0x213: {  	[tilespmem:$0x1B4C0] =	vst v12;
	v12 =	vadd.s32 s5, v17  }
0x214: {  	[tilespmem:$0x1B4D0] =	vst v12;
	v12 =	vadd.s32 s5, v13  }
0x215: {  	[tilespmem:$0x1B4E0] =	vst v12;
	v12 =	vadd.s32 s5, v14  }
0x216: {  	s5 =	simm.s32 $0x0;
	[tilespmem:$0x1B4F0] =	vst v12  }
0x217: {  	v12 =	vld [tilespmem:s5+$0xB400]  }
0x218: {  	v13 =	vld [tilespmem:s5+$0xF400]  }
0x219: {  	v14 =	vld [tilespmem:s5+$0xB410]  }
0x21a: {  	v15 =	vld [tilespmem:s5+$0xF410]  }
0x21b: {  	v16 =	vld [tilespmem:s5+$0xB420]  }
0x21c: {  	v17 =	vld [tilespmem:s5+$0xF420]  }
0x21d: {  	v18 =	vld [tilespmem:s5+$0xF430]  }
0x21e: {  	v19 =	vld [tilespmem:s5+$0xB5F0]  }
0x21f: {  	v20 =	vld [tilespmem:s5+$0xF5F0]  }
0x220: {  	v21 =	vld [tilespmem:s5+$0xF460]  }
0x221: {  	v22 =	vld [tilespmem:s5+$0xB480]  }
0x222: {  	v23 =	vld [tilespmem:s5+$0xF480]  }
0x223: {  	v24 =	vld [tilespmem:s5+$0xB490]  }
0x224: {  	v25 =	vld [tilespmem:s5+$0xF490]  }
0x225: {  	v26 =	vld [tilespmem:s5+$0xB4A0]  }
0x226: {  	v45 =	vld [tilespmem:s5+$0xB4B0]  }
0x227: {  	v27 =	vld [tilespmem:s5+$0xB470]  }
0x228: {  	v47 =	vld [tilespmem:s5+$0xB4C0]  }
0x229: {  	v48 =	vld [tilespmem:s5+$0xF4C0]  }
0x22a: {  	v28 =	vld [tilespmem:s5+$0xF470]  }
0x22b: {  	v49 =	vld [tilespmem:s5+$0xB4D0]  }
0x22c: {  	v29 =	vld [tilespmem:s5+$0xF4D0]  }
0x22d: {  	v30 =	vld [tilespmem:s5+$0xB500]  }
0x22e: {  	v31 =	vld [tilespmem:s5+$0xF500]  }
0x22f: {  	v32 =	vld [tilespmem:s5+$0xB510]  }
0x230: {  	v33 =	vld [tilespmem:s5+$0xF510]  }
0x231: {  	v34 =	vld [tilespmem:s5+$0xB520]  }
0x232: {  	v50 =	vld [tilespmem:s5+$0xF520]  }
0x233: {  	v51 =	vld [tilespmem:s5+$0xB530]  }
0x234: {  	v35 =	vld [tilespmem:s5+$0xB4E0]  }
0x235: {  	v53 =	vld [tilespmem:s5+$0xB540]  }
0x236: {  	v12 =	vadd.f32 v13, v12;
	v13 =	vld [tilespmem:s5+$0xB430]  }
0x237: {  	v54 =	vld [tilespmem:s5+$0xF540]  }
0x238: {  	v55 =	vld [tilespmem:s5+$0xF4E0]  }
0x239: {  	v56 =	vld [tilespmem:s5+$0xB550];
	v22 =	vadd.f32 v23, v22  }
0x23a: {  	v46 =	vadd.f32 v25, v24;
	[tilespmem:s5+$0x17400] =	vst v12;
	v12 =	vadd.f32 v15, v14;
	v14 =	vld [tilespmem:s5+$0xB440]  }
0x23b: {  	[tilespmem:s5+$0x17480] =	vst v22;
	v13 =	vadd.f32 v18, v13;
	v18 =	vld [tilespmem:s5+$0xF4A0]  }
0x23c: {  	v30 =	vadd.f32 v31, v30;
	v15 =	vld [tilespmem:s5+$0xF440];
	[tilespmem:s5+$0x17490] =	vst v46  }
0x23d: {  	v52 =	vadd.f32 v33, v32;
	[tilespmem:s5+$0x17410] =	vst v12;
	v12 =	vadd.f32 v17, v16;
	v16 =	vld [tilespmem:s5+$0xB450]  }
0x23e: {  	[tilespmem:s5+$0x17500] =	vst v30;
	v17 =	vld [tilespmem:s5+$0xF450]  }
0x23f: {  	v57 =	vld [tilespmem:s5+$0xB4F0];
	v19 =	vadd.f32 v20, v19;
	[tilespmem:s5+$0x17510] =	vst v52  }
0x240: {  	[tilespmem:s5+$0x17420] =	vst v12;
	v12 =	vld [tilespmem:s5+$0xB460];
	v18 =	vadd.f32 v18, v26  }
0x241: {  	v58 =	vld [tilespmem:s5+$0xB560];
	[tilespmem:s5+$0x175F0] =	vst v19  }
0x242: {  	v14 =	vadd.f32 v15, v14;
	[tilespmem:s5+$0x174A0] =	vst v18;
	v18 =	vld [tilespmem:s5+$0xF530]  }
0x243: {  	[tilespmem:s5+$0x17430] =	vst v13;
	v13 =	vld [tilespmem:s5+$0xF4B0];
	v16 =	vadd.f32 v17, v16  }
0x244: {  	v59 =	vld [tilespmem:s5+$0xF560];
	[tilespmem:s5+$0x17440] =	vst v14;
	v26 =	vadd.f32 v50, v34  }
0x245: {  	v17 =	vld [tilespmem:s5+$0xB580];
	v12 =	vadd.f32 v21, v12;
	[tilespmem:s5+$0x17450] =	vst v16  }
0x246: {  	v14 =	vld [tilespmem:s5+$0xF580];
	v16 =	vadd.f32 v28, v27;
	[tilespmem:s5+$0x17520] =	vst v26  }
0x247: {  	v60 =	vld [tilespmem:s5+$0xF590];
	[tilespmem:s5+$0x17460] =	vst v12;
	v18 =	vadd.f32 v18, v51  }
0x248: {  	v19 =	vld [tilespmem:s5+$0xB590];
	v13 =	vadd.f32 v13, v45;
	[tilespmem:s5+$0x17470] =	vst v16  }
0x249: {  	v12 =	vadd.f32 v48, v47;
	[tilespmem:s5+$0x17530] =	vst v18;
	v18 =	vld [tilespmem:s5+$0xF4F0]  }
0x24a: {  	v61 =	vld [tilespmem:s5+$0xB5A0];
	v16 =	vadd.f32 v29, v49;
	[tilespmem:s5+$0x174B0] =	vst v13  }
0x24b: {  	v63 =	vld [tilespmem:s5+$0xF570];
	v14 =	vadd.f32 v14, v17;
	[tilespmem:s5+$0x174C0] =	vst v12  }
0x24c: {  	v13 =	vld [tilespmem:s5+$0xF550];
	v12 =	vadd.f32 v55, v35;
	[tilespmem:s5+$0x174D0] =	vst v16  }
0x24d: {  	v15 =	vld [tilespmem:s5+$0xB570];
	[tilespmem:s5+$0x17580] =	vst v14;
	v14 =	vadd.f32 v60, v19  }
0x24e: {  	v62 =	vld [tilespmem:s5+$0xF5A0];
	[tilespmem:s5+$0x174E0] =	vst v12;
	v12 =	vadd.f32 v18, v57  }
0x24f: {  	v17 =	vld [tilespmem:s5+$0xF5B0];
	[tilespmem:s5+$0x17590] =	vst v14;
	v18 =	vadd.f32 v54, v53  }
0x250: {  	v16 =	vld [tilespmem:s5+$0xB5B0];
	v19 =	vadd.f32 v59, v58;
	[tilespmem:s5+$0x174F0] =	vst v12  }
0x251: {  	v12 =	vld [tilespmem:s5+$0xB5C0];
	[tilespmem:s5+$0x17540] =	vst v18;
	v18 =	vadd.f32 v13, v56  }
0x252: {  	[tilespmem:s5+$0x17560] =	vst v19;
	v19 =	vadd.f32 v63, v15;
	v13 =	vld [tilespmem:s5+$0xF5C0]  }
0x253: {  	v14 =	vld [tilespmem:s5+$0xB5D0];
	[tilespmem:s5+$0x17550] =	vst v18;
	v18 =	vadd.f32 v62, v61  }
0x254: {  	v15 =	vld [tilespmem:s5+$0xF5D0];
	[tilespmem:s5+$0x17570] =	vst v19  }
0x255: {  	s9 =	simm.s32 $0x800;
	s8 =	simm.s32 $0x0;
	v17 =	vadd.f32 v17, v16;
	v16 =	vld [tilespmem:s5+$0xB5E0];
	[tilespmem:s5+$0x175A0] =	vst v18  }
.LBB2_9:
0x256: {  	s10 =	sshra.s32 s9, $0x2;
	v18 =	vld [tilespmem:s5+$0xF5E0]  }
0x257: {  	s8 =	sadd.s32 $0x4, s8;
	v19 =	vld [tilespmem:s10+$0xB5F0];
	[tilespmem:s5+$0x175B0] =	vst v17;
	v12 =	vadd.f32 v13, v12  }
0x258: {  	p0 =	slt.u32 s8, $0x7C;
	v13 =	vld [tilespmem:s10+$0xF5F0]  }
0x259: {  	v17 =	vld [tilespmem:s10+$0xB400];
	[tilespmem:s5+$0x175C0] =	vst v12;
	v12 =	vadd.f32 v15, v14  }
0x25a: {  	v14 =	vld [tilespmem:s10+$0xF400]  }
0x25b: {  	v15 =	vld [tilespmem:s10+$0xB410];
	[tilespmem:s5+$0x175D0] =	vst v12;
	v12 =	vadd.f32 v18, v16  }
0x25c: {  	v16 =	vld [tilespmem:s10+$0xF410]  }
0x25d: {  	v18 =	vld [tilespmem:s10+$0xB420];
	v13 =	vadd.f32 v13, v19;
	[tilespmem:s5+$0x175E0] =	vst v12;
	s5 =	smov.u32 s10  }
0x25e: {  	v12 =	vld [tilespmem:s5+$0xF420]  }
0x25f: {  	v14 =	vadd.f32 v14, v17;
	v17 =	vld [tilespmem:s5+$0xB430];
	[tilespmem:s5+$0x175F0] =	vst v13  }
0x260: {  	v13 =	vld [tilespmem:s5+$0xF430]  }
0x261: {  	[tilespmem:s5+$0x17400] =	vst v14;
	v14 =	vadd.f32 v16, v15;
	v15 =	vld [tilespmem:s5+$0xB440]  }
0x262: {  	v16 =	vld [tilespmem:s5+$0xF440]  }
0x263: {  	[tilespmem:s5+$0x17410] =	vst v14;
	v12 =	vadd.f32 v12, v18;
	v14 =	vld [tilespmem:s5+$0xB450]  }
0x264: {  	v18 =	vld [tilespmem:s5+$0xF450]  }
0x265: {  	[tilespmem:s5+$0x17420] =	vst v12;
	v12 =	vadd.f32 v13, v17;
	v13 =	vld [tilespmem:s5+$0xB460]  }
0x266: {  	v17 =	vld [tilespmem:s5+$0xF460]  }
0x267: {  	[tilespmem:s5+$0x17430] =	vst v12;
	v12 =	vadd.f32 v16, v15;
	v15 =	vld [tilespmem:s5+$0xB470]  }
0x268: {  	v16 =	vld [tilespmem:s5+$0xF470]  }
0x269: {  	[tilespmem:s5+$0x17440] =	vst v12;
	v12 =	vadd.f32 v18, v14;
	v14 =	vld [tilespmem:s5+$0xB480]  }
0x26a: {  	v18 =	vld [tilespmem:s5+$0xF480]  }
0x26b: {  	[tilespmem:s5+$0x17450] =	vst v12;
	v12 =	vadd.f32 v17, v13;
	v13 =	vld [tilespmem:s5+$0xB490]  }
0x26c: {  	v17 =	vld [tilespmem:s5+$0xF490]  }
0x26d: {  	[tilespmem:s5+$0x17460] =	vst v12;
	v12 =	vadd.f32 v16, v15;
	v15 =	vld [tilespmem:s5+$0xB4A0]  }
0x26e: {  	v16 =	vld [tilespmem:s5+$0xF4A0]  }
0x26f: {  	[tilespmem:s5+$0x17470] =	vst v12;
	v12 =	vadd.f32 v18, v14;
	v14 =	vld [tilespmem:s5+$0xB4B0]  }
0x270: {  	v18 =	vld [tilespmem:s5+$0xF4B0]  }
0x271: {  	[tilespmem:s5+$0x17480] =	vst v12;
	v12 =	vadd.f32 v17, v13;
	v13 =	vld [tilespmem:s5+$0xB4C0]  }
0x272: {  	v17 =	vld [tilespmem:s5+$0xF4C0]  }
0x273: {  	[tilespmem:s5+$0x17490] =	vst v12;
	v12 =	vadd.f32 v16, v15;
	v15 =	vld [tilespmem:s5+$0xB4D0]  }
0x274: {  	v16 =	vld [tilespmem:s5+$0xF4D0]  }
0x275: {  	[tilespmem:s5+$0x174A0] =	vst v12;
	v12 =	vadd.f32 v18, v14;
	v14 =	vld [tilespmem:s5+$0xB4E0]  }
0x276: {  	v18 =	vld [tilespmem:s5+$0xF4E0]  }
0x277: {  	[tilespmem:s5+$0x174B0] =	vst v12;
	v12 =	vadd.f32 v17, v13;
	v13 =	vld [tilespmem:s5+$0xB4F0]  }
0x278: {  	v17 =	vld [tilespmem:s5+$0xF4F0]  }
0x279: {  	[tilespmem:s5+$0x174C0] =	vst v12;
	v12 =	vadd.f32 v16, v15;
	v15 =	vld [tilespmem:s5+$0xB500]  }
0x27a: {  	v16 =	vld [tilespmem:s5+$0xF500]  }
0x27b: {  	[tilespmem:s5+$0x174D0] =	vst v12;
	v12 =	vadd.f32 v18, v14;
	v14 =	vld [tilespmem:s5+$0xB510]  }
0x27c: {  	v18 =	vld [tilespmem:s5+$0xF510]  }
0x27d: {  	[tilespmem:s5+$0x174E0] =	vst v12;
	v12 =	vadd.f32 v17, v13;
	v13 =	vld [tilespmem:s5+$0xB520]  }
0x27e: {  	v17 =	vld [tilespmem:s5+$0xF520]  }
0x27f: {  	[tilespmem:s5+$0x174F0] =	vst v12;
	v12 =	vadd.f32 v16, v15;
	v15 =	vld [tilespmem:s5+$0xB530]  }
0x280: {  	v16 =	vld [tilespmem:s5+$0xF530]  }
0x281: {  	[tilespmem:s5+$0x17500] =	vst v12;
	v12 =	vadd.f32 v18, v14;
	v14 =	vld [tilespmem:s5+$0xB540]  }
0x282: {  	v18 =	vld [tilespmem:s5+$0xF540]  }
0x283: {  	[tilespmem:s5+$0x17510] =	vst v12;
	v12 =	vadd.f32 v17, v13;
	v13 =	vld [tilespmem:s5+$0xB550]  }
0x284: {  	v17 =	vld [tilespmem:s5+$0xF550]  }
0x285: {  	[tilespmem:s5+$0x17520] =	vst v12;
	v12 =	vadd.f32 v16, v15;
	v15 =	vld [tilespmem:s5+$0xB560]  }
0x286: {  	v16 =	vld [tilespmem:s5+$0xF560]  }
0x287: {  	[tilespmem:s5+$0x17530] =	vst v12;
	v12 =	vadd.f32 v18, v14;
	v14 =	vld [tilespmem:s5+$0xB570]  }
0x288: {  	v18 =	vld [tilespmem:s5+$0xF570]  }
0x289: {  	[tilespmem:s5+$0x17540] =	vst v12;
	v12 =	vadd.f32 v17, v13;
	v13 =	vld [tilespmem:s5+$0xB580]  }
0x28a: {  	v17 =	vld [tilespmem:s5+$0xF580]  }
0x28b: {  	[tilespmem:s5+$0x17550] =	vst v12;
	v12 =	vadd.f32 v16, v15;
	v15 =	vld [tilespmem:s5+$0xB590]  }
0x28c: {  	v16 =	vld [tilespmem:s5+$0xF590]  }
0x28d: {  	[tilespmem:s5+$0x17560] =	vst v12;
	v12 =	vadd.f32 v18, v14;
	v14 =	vld [tilespmem:s5+$0xB5A0]  }
0x28e: {  	v18 =	vld [tilespmem:s5+$0xF5A0]  }
0x28f: {  	[tilespmem:s5+$0x17570] =	vst v12;
	v12 =	vadd.f32 v17, v13;
	v17 =	vld [tilespmem:s5+$0xB5B0]  }
0x290: {  	v19 =	vld [tilespmem:s5+$0xF5B0]  }
.Ltmp3:
0x291: {  	[tilespmem:s5+$0x17580] =	vst v12;
	v15 =	vadd.f32 v16, v15;
	v12 =	vld [tilespmem:s5+$0xB5C0];
	(pc) =	sbr.rel @p0 .LBB2_9-.Ltmp3, $4  }
0x292: {  	v13 =	vld [tilespmem:s5+$0xF5C0]  }
0x293: {  	[tilespmem:s5+$0x17590] =	vst v15;
	v16 =	vadd.f32 v18, v14;
	v14 =	vld [tilespmem:s5+$0xB5D0]  }
0x294: {  	v15 =	vld [tilespmem:s5+$0xF5D0]  }
0x295: {  	s9 =	sadd.s32 $0x800, s9;
	[tilespmem:s5+$0x175A0] =	vst v16;
	v17 =	vadd.f32 v19, v17;
	v16 =	vld [tilespmem:s5+$0xB5E0]  }
0x296: {  	v18 =	vld [tilespmem:s5+$0xF5E0];
	_ =	sdelay $0x1  }
0x297: {  	s1 =	sadd.s32 $0x1, s1  }
0x298: {  	v12 =	vadd.f32 v13, v12;
	p0 =	sne.s32 s1, $0x18  }
.Ltmp4:
0x299: {  	[tilespmem:s5+$0x175B0] =	vst v17;
	v62 =	vadd.f32 v15, v14;
	(pc) =	sbr.rel @p0 .LBB2_6-.Ltmp4, $4  }
0x29a: {  	[tilespmem:s5+$0x175C0] =	vst v12;
	v63 =	vadd.f32 v18, v16  }
0x29b: {  	[tilespmem:s5+$0x175D0] =	vst v62  }
0x29c: {  	[tilespmem:s5+$0x175E0] =	vst v63  }
0x29d: {  	[hbm4b:s3+s18] =	stream.indirect.scatter [tilespmem:s29], [sflag:$0x4], $0x80, s28, s18, $0xb8;
	[tilespmem:$0x1B580] =	vst v63  }
0x29e: {  	[tilespmem:s21], [sflag:$0x2] =	stream.indirect.gather [hbm4b:s2+s18], $0x80, s14, s18, $0xb8;
	[tilespmem:$0x1B580] =	vst v63  }
0x29f: {  	_ = 	snop  }
0x2a0: {  	[tilespmem:s22], [sflag:$0x2] =	stream.indirect.gather [hbm4b:s2+s18], $0x80, s15, s18, $0xb8;
	[tilespmem:$0x1B580] =	vst v63  }
0x2a1: {  	_ =	swait.ge [sflag:s23], $0x8000  }
0x2a2: {  	[sflag:s23] =	ssyncset.done $0x0  }
0x2a3: {  	[sflag:s23] =	ssyncadd.s32 $0xFFFF8000  }
0x2a4: {  	_ =	swait.ge [sflag:s30], $0x4000  }
0x2a5: {  	[sflag:s30] =	ssyncset.done $0x0  }
0x2a6: {  	[sflag:s30] =	ssyncadd.s32 $0xFFFFC000  }
0x2a7: {  	v12 =	vld [tilespmem:$0x1B500]  }
0x2a8: {  	v13 =	vld [tilespmem:$0x1B510]  }
0x2a9: {  	v14 =	vld [tilespmem:$0x1B520]  }
0x2aa: {  	v15 =	vld [tilespmem:$0x1B530]  }
0x2ab: {  	v16 =	vld [tilespmem:$0x1B540]  }
0x2ac: {  	v17 =	vld [tilespmem:$0x1B550];
	v12 =	vadd.s32 v3, v12  }
0x2ad: {  	[tilespmem:$0x1B400] =	vst v12;
	v12 =	vadd.s32 v3, v13;
	v13 =	vld [tilespmem:$0x1B560]  }
0x2ae: {  	[tilespmem:$0x1B410] =	vst v12;
	v12 =	vadd.s32 v3, v14;
	v14 =	vld [tilespmem:$0x1B570]  }
0x2af: {  	[tilespmem:$0x1B420] =	vst v12;
	v12 =	vadd.s32 v3, v15  }
0x2b0: {  	[tilespmem:$0x1B430] =	vst v12;
	v12 =	vadd.s32 v3, v16  }
0x2b1: {  	[tilespmem:$0x1B440] =	vst v12;
	v12 =	vadd.s32 v3, v17  }
0x2b2: {  	[tilespmem:$0x1B450] =	vst v12;
	v12 =	vadd.s32 v3, v13  }
0x2b3: {  	[tilespmem:$0x1B460] =	vst v12;
	v12 =	vadd.s32 v3, v14  }
0x2b4: {  	s1 =	simm.s32 $0x0;
	[tilespmem:$0x1B470] =	vst v12  }
0x2b5: {  	v12 =	vld [tilespmem:s1+$0x3400]  }
0x2b6: {  	v13 =	vld [tilespmem:s1+$0x7400]  }
0x2b7: {  	v14 =	vld [tilespmem:s1+$0x3410]  }
0x2b8: {  	v15 =	vld [tilespmem:s1+$0x7410]  }
0x2b9: {  	v16 =	vld [tilespmem:s1+$0x3420]  }
0x2ba: {  	v17 =	vld [tilespmem:s1+$0x7420]  }
0x2bb: {  	v18 =	vld [tilespmem:s1+$0x7430]  }
0x2bc: {  	v19 =	vld [tilespmem:s1+$0x35F0]  }
0x2bd: {  	v20 =	vld [tilespmem:s1+$0x75F0]  }
0x2be: {  	v21 =	vld [tilespmem:s1+$0x7460]  }
0x2bf: {  	v22 =	vld [tilespmem:s1+$0x3480]  }
0x2c0: {  	v23 =	vld [tilespmem:s1+$0x7480]  }
0x2c1: {  	v24 =	vld [tilespmem:s1+$0x3490]  }
0x2c2: {  	v25 =	vld [tilespmem:s1+$0x7490]  }
0x2c3: {  	v26 =	vld [tilespmem:s1+$0x34A0]  }
0x2c4: {  	v45 =	vld [tilespmem:s1+$0x34B0]  }
0x2c5: {  	v27 =	vld [tilespmem:s1+$0x3470]  }
0x2c6: {  	v47 =	vld [tilespmem:s1+$0x34C0]  }
0x2c7: {  	v48 =	vld [tilespmem:s1+$0x74C0]  }
0x2c8: {  	v28 =	vld [tilespmem:s1+$0x7470]  }
0x2c9: {  	v49 =	vld [tilespmem:s1+$0x34D0]  }
0x2ca: {  	v29 =	vld [tilespmem:s1+$0x74D0]  }
0x2cb: {  	v30 =	vld [tilespmem:s1+$0x3500]  }
0x2cc: {  	v31 =	vld [tilespmem:s1+$0x7500]  }
0x2cd: {  	v32 =	vld [tilespmem:s1+$0x3510]  }
0x2ce: {  	v33 =	vld [tilespmem:s1+$0x7510]  }
0x2cf: {  	v34 =	vld [tilespmem:s1+$0x3520]  }
0x2d0: {  	v50 =	vld [tilespmem:s1+$0x7520]  }
0x2d1: {  	v51 =	vld [tilespmem:s1+$0x3530]  }
0x2d2: {  	v35 =	vld [tilespmem:s1+$0x34E0]  }
0x2d3: {  	v53 =	vld [tilespmem:s1+$0x3540]  }
0x2d4: {  	v12 =	vadd.f32 v13, v12;
	v13 =	vld [tilespmem:s1+$0x3430]  }
0x2d5: {  	v54 =	vld [tilespmem:s1+$0x7540]  }
0x2d6: {  	v55 =	vld [tilespmem:s1+$0x74E0]  }
0x2d7: {  	v56 =	vld [tilespmem:s1+$0x3550];
	v22 =	vadd.f32 v23, v22  }
0x2d8: {  	v46 =	vadd.f32 v25, v24;
	[tilespmem:s1+$0x13400] =	vst v12;
	v12 =	vadd.f32 v15, v14;
	v14 =	vld [tilespmem:s1+$0x3440]  }
0x2d9: {  	[tilespmem:s1+$0x13480] =	vst v22;
	v13 =	vadd.f32 v18, v13;
	v18 =	vld [tilespmem:s1+$0x74A0]  }
0x2da: {  	v30 =	vadd.f32 v31, v30;
	v15 =	vld [tilespmem:s1+$0x7440];
	[tilespmem:s1+$0x13490] =	vst v46  }
0x2db: {  	v52 =	vadd.f32 v33, v32;
	[tilespmem:s1+$0x13410] =	vst v12;
	v12 =	vadd.f32 v17, v16;
	v16 =	vld [tilespmem:s1+$0x3450]  }
0x2dc: {  	[tilespmem:s1+$0x13500] =	vst v30;
	v17 =	vld [tilespmem:s1+$0x7450]  }
0x2dd: {  	v57 =	vld [tilespmem:s1+$0x34F0];
	v19 =	vadd.f32 v20, v19;
	[tilespmem:s1+$0x13510] =	vst v52  }
0x2de: {  	[tilespmem:s1+$0x13420] =	vst v12;
	v12 =	vld [tilespmem:s1+$0x3460];
	v18 =	vadd.f32 v18, v26  }
0x2df: {  	v58 =	vld [tilespmem:s1+$0x3560];
	[tilespmem:s1+$0x135F0] =	vst v19  }
0x2e0: {  	v14 =	vadd.f32 v15, v14;
	[tilespmem:s1+$0x134A0] =	vst v18;
	v18 =	vld [tilespmem:s1+$0x7530]  }
0x2e1: {  	[tilespmem:s1+$0x13430] =	vst v13;
	v13 =	vld [tilespmem:s1+$0x74B0];
	v16 =	vadd.f32 v17, v16  }
0x2e2: {  	v59 =	vld [tilespmem:s1+$0x7560];
	[tilespmem:s1+$0x13440] =	vst v14;
	v26 =	vadd.f32 v50, v34  }
0x2e3: {  	v17 =	vld [tilespmem:s1+$0x3580];
	v12 =	vadd.f32 v21, v12;
	[tilespmem:s1+$0x13450] =	vst v16  }
0x2e4: {  	v14 =	vld [tilespmem:s1+$0x7580];
	v16 =	vadd.f32 v28, v27;
	[tilespmem:s1+$0x13520] =	vst v26  }
0x2e5: {  	v60 =	vld [tilespmem:s1+$0x7590];
	[tilespmem:s1+$0x13460] =	vst v12;
	v18 =	vadd.f32 v18, v51  }
0x2e6: {  	v19 =	vld [tilespmem:s1+$0x3590];
	v13 =	vadd.f32 v13, v45;
	[tilespmem:s1+$0x13470] =	vst v16  }
0x2e7: {  	v12 =	vadd.f32 v48, v47;
	[tilespmem:s1+$0x13530] =	vst v18;
	v18 =	vld [tilespmem:s1+$0x74F0]  }
0x2e8: {  	v61 =	vld [tilespmem:s1+$0x35A0];
	v16 =	vadd.f32 v29, v49;
	[tilespmem:s1+$0x134B0] =	vst v13  }
0x2e9: {  	v63 =	vld [tilespmem:s1+$0x7570];
	v14 =	vadd.f32 v14, v17;
	[tilespmem:s1+$0x134C0] =	vst v12  }
0x2ea: {  	v13 =	vld [tilespmem:s1+$0x7550];
	v12 =	vadd.f32 v55, v35;
	[tilespmem:s1+$0x134D0] =	vst v16  }
0x2eb: {  	v15 =	vld [tilespmem:s1+$0x3570];
	[tilespmem:s1+$0x13580] =	vst v14;
	v14 =	vadd.f32 v60, v19  }
0x2ec: {  	v62 =	vld [tilespmem:s1+$0x75A0];
	[tilespmem:s1+$0x134E0] =	vst v12;
	v12 =	vadd.f32 v18, v57  }
0x2ed: {  	v17 =	vld [tilespmem:s1+$0x75B0];
	[tilespmem:s1+$0x13590] =	vst v14;
	v18 =	vadd.f32 v54, v53  }
0x2ee: {  	v16 =	vld [tilespmem:s1+$0x35B0];
	v19 =	vadd.f32 v59, v58;
	[tilespmem:s1+$0x134F0] =	vst v12  }
0x2ef: {  	v12 =	vld [tilespmem:s1+$0x35C0];
	[tilespmem:s1+$0x13540] =	vst v18;
	v18 =	vadd.f32 v13, v56  }
0x2f0: {  	[tilespmem:s1+$0x13560] =	vst v19;
	v19 =	vadd.f32 v63, v15;
	v13 =	vld [tilespmem:s1+$0x75C0]  }
0x2f1: {  	v14 =	vld [tilespmem:s1+$0x35D0];
	[tilespmem:s1+$0x13550] =	vst v18;
	v18 =	vadd.f32 v62, v61  }
0x2f2: {  	v15 =	vld [tilespmem:s1+$0x75D0];
	[tilespmem:s1+$0x13570] =	vst v19  }
0x2f3: {  	s5 =	simm.s32 $0x0;
	s8 =	simm.s32 $0x800;
	v17 =	vadd.f32 v17, v16;
	v16 =	vld [tilespmem:s1+$0x35E0];
	[tilespmem:s1+$0x135A0] =	vst v18  }
.LBB2_12:
0x2f4: {  	s9 =	sshra.s32 s8, $0x2;
	v18 =	vld [tilespmem:s1+$0x75E0]  }
0x2f5: {  	s5 =	sadd.s32 $0x4, s5;
	v19 =	vld [tilespmem:s9+$0x35F0];
	[tilespmem:s1+$0x135B0] =	vst v17;
	v12 =	vadd.f32 v13, v12  }
0x2f6: {  	p0 =	slt.u32 s5, $0x7C;
	v13 =	vld [tilespmem:s9+$0x75F0]  }
0x2f7: {  	v17 =	vld [tilespmem:s9+$0x3400];
	[tilespmem:s1+$0x135C0] =	vst v12;
	v12 =	vadd.f32 v15, v14  }
0x2f8: {  	v14 =	vld [tilespmem:s9+$0x7400]  }
0x2f9: {  	v15 =	vld [tilespmem:s9+$0x3410];
	[tilespmem:s1+$0x135D0] =	vst v12;
	v12 =	vadd.f32 v18, v16  }
0x2fa: {  	v16 =	vld [tilespmem:s9+$0x7410]  }
0x2fb: {  	v18 =	vld [tilespmem:s9+$0x3420];
	v13 =	vadd.f32 v13, v19;
	[tilespmem:s1+$0x135E0] =	vst v12;
	s1 =	smov.u32 s9  }
0x2fc: {  	v12 =	vld [tilespmem:s1+$0x7420]  }
0x2fd: {  	v14 =	vadd.f32 v14, v17;
	v17 =	vld [tilespmem:s1+$0x3430];
	[tilespmem:s1+$0x135F0] =	vst v13  }
0x2fe: {  	v13 =	vld [tilespmem:s1+$0x7430]  }
0x2ff: {  	[tilespmem:s1+$0x13400] =	vst v14;
	v14 =	vadd.f32 v16, v15;
	v15 =	vld [tilespmem:s1+$0x3440]  }
0x300: {  	v16 =	vld [tilespmem:s1+$0x7440]  }
0x301: {  	[tilespmem:s1+$0x13410] =	vst v14;
	v12 =	vadd.f32 v12, v18;
	v14 =	vld [tilespmem:s1+$0x3450]  }
0x302: {  	v18 =	vld [tilespmem:s1+$0x7450]  }
0x303: {  	[tilespmem:s1+$0x13420] =	vst v12;
	v12 =	vadd.f32 v13, v17;
	v13 =	vld [tilespmem:s1+$0x3460]  }
0x304: {  	v17 =	vld [tilespmem:s1+$0x7460]  }
0x305: {  	[tilespmem:s1+$0x13430] =	vst v12;
	v12 =	vadd.f32 v16, v15;
	v15 =	vld [tilespmem:s1+$0x3470]  }
0x306: {  	v16 =	vld [tilespmem:s1+$0x7470]  }
0x307: {  	[tilespmem:s1+$0x13440] =	vst v12;
	v12 =	vadd.f32 v18, v14;
	v14 =	vld [tilespmem:s1+$0x3480]  }
0x308: {  	v18 =	vld [tilespmem:s1+$0x7480]  }
0x309: {  	[tilespmem:s1+$0x13450] =	vst v12;
	v12 =	vadd.f32 v17, v13;
	v13 =	vld [tilespmem:s1+$0x3490]  }
0x30a: {  	v17 =	vld [tilespmem:s1+$0x7490]  }
0x30b: {  	[tilespmem:s1+$0x13460] =	vst v12;
	v12 =	vadd.f32 v16, v15;
	v15 =	vld [tilespmem:s1+$0x34A0]  }
0x30c: {  	v16 =	vld [tilespmem:s1+$0x74A0]  }
0x30d: {  	[tilespmem:s1+$0x13470] =	vst v12;
	v12 =	vadd.f32 v18, v14;
	v14 =	vld [tilespmem:s1+$0x34B0]  }
0x30e: {  	v18 =	vld [tilespmem:s1+$0x74B0]  }
0x30f: {  	[tilespmem:s1+$0x13480] =	vst v12;
	v12 =	vadd.f32 v17, v13;
	v13 =	vld [tilespmem:s1+$0x34C0]  }
0x310: {  	v17 =	vld [tilespmem:s1+$0x74C0]  }
0x311: {  	[tilespmem:s1+$0x13490] =	vst v12;
	v12 =	vadd.f32 v16, v15;
	v15 =	vld [tilespmem:s1+$0x34D0]  }
0x312: {  	v16 =	vld [tilespmem:s1+$0x74D0]  }
0x313: {  	[tilespmem:s1+$0x134A0] =	vst v12;
	v12 =	vadd.f32 v18, v14;
	v14 =	vld [tilespmem:s1+$0x34E0]  }
0x314: {  	v18 =	vld [tilespmem:s1+$0x74E0]  }
0x315: {  	[tilespmem:s1+$0x134B0] =	vst v12;
	v12 =	vadd.f32 v17, v13;
	v13 =	vld [tilespmem:s1+$0x34F0]  }
0x316: {  	v17 =	vld [tilespmem:s1+$0x74F0]  }
0x317: {  	[tilespmem:s1+$0x134C0] =	vst v12;
	v12 =	vadd.f32 v16, v15;
	v15 =	vld [tilespmem:s1+$0x3500]  }
0x318: {  	v16 =	vld [tilespmem:s1+$0x7500]  }
0x319: {  	[tilespmem:s1+$0x134D0] =	vst v12;
	v12 =	vadd.f32 v18, v14;
	v14 =	vld [tilespmem:s1+$0x3510]  }
0x31a: {  	v18 =	vld [tilespmem:s1+$0x7510]  }
0x31b: {  	[tilespmem:s1+$0x134E0] =	vst v12;
	v12 =	vadd.f32 v17, v13;
	v13 =	vld [tilespmem:s1+$0x3520]  }
0x31c: {  	v17 =	vld [tilespmem:s1+$0x7520]  }
0x31d: {  	[tilespmem:s1+$0x134F0] =	vst v12;
	v12 =	vadd.f32 v16, v15;
	v15 =	vld [tilespmem:s1+$0x3530]  }
0x31e: {  	v16 =	vld [tilespmem:s1+$0x7530]  }
0x31f: {  	[tilespmem:s1+$0x13500] =	vst v12;
	v12 =	vadd.f32 v18, v14;
	v14 =	vld [tilespmem:s1+$0x3540]  }
0x320: {  	v18 =	vld [tilespmem:s1+$0x7540]  }
0x321: {  	[tilespmem:s1+$0x13510] =	vst v12;
	v12 =	vadd.f32 v17, v13;
	v13 =	vld [tilespmem:s1+$0x3550]  }
0x322: {  	v17 =	vld [tilespmem:s1+$0x7550]  }
0x323: {  	[tilespmem:s1+$0x13520] =	vst v12;
	v12 =	vadd.f32 v16, v15;
	v15 =	vld [tilespmem:s1+$0x3560]  }
0x324: {  	v16 =	vld [tilespmem:s1+$0x7560]  }
0x325: {  	[tilespmem:s1+$0x13530] =	vst v12;
	v12 =	vadd.f32 v18, v14;
	v14 =	vld [tilespmem:s1+$0x3570]  }
0x326: {  	v18 =	vld [tilespmem:s1+$0x7570]  }
0x327: {  	[tilespmem:s1+$0x13540] =	vst v12;
	v12 =	vadd.f32 v17, v13;
	v13 =	vld [tilespmem:s1+$0x3580]  }
0x328: {  	v17 =	vld [tilespmem:s1+$0x7580]  }
0x329: {  	[tilespmem:s1+$0x13550] =	vst v12;
	v12 =	vadd.f32 v16, v15;
	v15 =	vld [tilespmem:s1+$0x3590]  }
0x32a: {  	v16 =	vld [tilespmem:s1+$0x7590]  }
0x32b: {  	[tilespmem:s1+$0x13560] =	vst v12;
	v12 =	vadd.f32 v18, v14;
	v14 =	vld [tilespmem:s1+$0x35A0]  }
0x32c: {  	v18 =	vld [tilespmem:s1+$0x75A0]  }
0x32d: {  	[tilespmem:s1+$0x13570] =	vst v12;
	v12 =	vadd.f32 v17, v13;
	v17 =	vld [tilespmem:s1+$0x35B0]  }
0x32e: {  	v19 =	vld [tilespmem:s1+$0x75B0]  }
.Ltmp5:
0x32f: {  	[tilespmem:s1+$0x13580] =	vst v12;
	v15 =	vadd.f32 v16, v15;
	v12 =	vld [tilespmem:s1+$0x35C0];
	(pc) =	sbr.rel @p0 .LBB2_12-.Ltmp5, $4  }
0x330: {  	v13 =	vld [tilespmem:s1+$0x75C0]  }
0x331: {  	[tilespmem:s1+$0x13590] =	vst v15;
	v16 =	vadd.f32 v18, v14;
	v14 =	vld [tilespmem:s1+$0x35D0]  }
0x332: {  	v15 =	vld [tilespmem:s1+$0x75D0]  }
0x333: {  	s8 =	sadd.s32 $0x800, s8;
	[tilespmem:s1+$0x135A0] =	vst v16;
	v17 =	vadd.f32 v19, v17;
	v16 =	vld [tilespmem:s1+$0x35E0]  }
0x334: {  	v18 =	vld [tilespmem:s1+$0x75E0];
	_ =	sdelay $0x2  }
0x335: {  	v12 =	vadd.f32 v13, v12  }
0x336: {  	[tilespmem:s1+$0x135B0] =	vst v17;
	v13 =	vadd.f32 v15, v14  }
0x337: {  	[tilespmem:s1+$0x135C0] =	vst v12;
	v12 =	vadd.f32 v18, v16  }
0x338: {  	[tilespmem:s1+$0x135D0] =	vst v13  }
0x339: {  	[tilespmem:s1+$0x135E0] =	vst v12  }
0x33a: {  	[hbm4b:s3+s18] =	stream.indirect.scatter [tilespmem:s25], [sflag:$0x3], $0x80, s24, s18, $0xb8;
	[tilespmem:$0x1B580] =	vst v63  }
0x33b: {  	_ =	swait.ge [sflag:s26], $0x8000  }
0x33c: {  	[sflag:s26] =	ssyncset.done $0x0  }
0x33d: {  	[sflag:s26] =	ssyncadd.s32 $0xFFFF8000  }
0x33e: {  	_ =	swait.ge [sflag:s31], $0x4000  }
0x33f: {  	[sflag:s31] =	ssyncset.done $0x0  }
0x340: {  	[sflag:s31] =	ssyncadd.s32 $0xFFFFC000  }
0x341: {  	v12 =	vld [tilespmem:$0x1B500]  }
0x342: {  	v13 =	vld [tilespmem:$0x1B510]  }
0x343: {  	v14 =	vld [tilespmem:$0x1B520]  }
0x344: {  	v15 =	vld [tilespmem:$0x1B530]  }
0x345: {  	v16 =	vld [tilespmem:$0x1B540]  }
0x346: {  	v17 =	vld [tilespmem:$0x1B550];
	v12 =	vadd.s32 v4, v12  }
0x347: {  	[tilespmem:$0x1B480] =	vst v12;
	v12 =	vadd.s32 v4, v13;
	v13 =	vld [tilespmem:$0x1B560]  }
0x348: {  	[tilespmem:$0x1B490] =	vst v12;
	v12 =	vadd.s32 v4, v14;
	v14 =	vld [tilespmem:$0x1B570]  }
0x349: {  	[tilespmem:$0x1B4A0] =	vst v12;
	v12 =	vadd.s32 v4, v15  }
0x34a: {  	[tilespmem:$0x1B4B0] =	vst v12;
	v12 =	vadd.s32 v4, v16  }
0x34b: {  	[tilespmem:$0x1B4C0] =	vst v12;
	v12 =	vadd.s32 v4, v17  }
0x34c: {  	[tilespmem:$0x1B4D0] =	vst v12;
	v12 =	vadd.s32 v4, v13  }
0x34d: {  	[tilespmem:$0x1B4E0] =	vst v12;
	v12 =	vadd.s32 v4, v14  }
0x34e: {  	s1 =	simm.s32 $0x0;
	[tilespmem:$0x1B4F0] =	vst v12  }
0x34f: {  	v12 =	vld [tilespmem:s1+$0xB400]  }
0x350: {  	v13 =	vld [tilespmem:s1+$0xF400]  }
0x351: {  	v14 =	vld [tilespmem:s1+$0xB410]  }
0x352: {  	v15 =	vld [tilespmem:s1+$0xF410]  }
0x353: {  	v16 =	vld [tilespmem:s1+$0xB420]  }
0x354: {  	v17 =	vld [tilespmem:s1+$0xF420]  }
0x355: {  	v18 =	vld [tilespmem:s1+$0xF430]  }
0x356: {  	v19 =	vld [tilespmem:s1+$0xB5F0]  }
0x357: {  	v20 =	vld [tilespmem:s1+$0xF5F0]  }
0x358: {  	v21 =	vld [tilespmem:s1+$0xF460]  }
0x359: {  	v22 =	vld [tilespmem:s1+$0xB480]  }
0x35a: {  	v23 =	vld [tilespmem:s1+$0xF480]  }
0x35b: {  	v24 =	vld [tilespmem:s1+$0xB490]  }
0x35c: {  	v25 =	vld [tilespmem:s1+$0xF490]  }
0x35d: {  	v26 =	vld [tilespmem:s1+$0xB4A0]  }
0x35e: {  	v45 =	vld [tilespmem:s1+$0xB4B0]  }
0x35f: {  	v27 =	vld [tilespmem:s1+$0xB470]  }
0x360: {  	v47 =	vld [tilespmem:s1+$0xB4C0]  }
0x361: {  	v48 =	vld [tilespmem:s1+$0xF4C0]  }
0x362: {  	v28 =	vld [tilespmem:s1+$0xF470]  }
0x363: {  	v49 =	vld [tilespmem:s1+$0xB4D0]  }
0x364: {  	v29 =	vld [tilespmem:s1+$0xF4D0]  }
0x365: {  	v30 =	vld [tilespmem:s1+$0xB500]  }
0x366: {  	v31 =	vld [tilespmem:s1+$0xF500]  }
0x367: {  	v32 =	vld [tilespmem:s1+$0xB510]  }
0x368: {  	v33 =	vld [tilespmem:s1+$0xF510]  }
0x369: {  	v34 =	vld [tilespmem:s1+$0xB520]  }
0x36a: {  	v50 =	vld [tilespmem:s1+$0xF520]  }
0x36b: {  	v51 =	vld [tilespmem:s1+$0xB530]  }
0x36c: {  	v35 =	vld [tilespmem:s1+$0xB4E0]  }
0x36d: {  	v53 =	vld [tilespmem:s1+$0xB540]  }
0x36e: {  	v12 =	vadd.f32 v13, v12;
	v13 =	vld [tilespmem:s1+$0xB430]  }
0x36f: {  	v54 =	vld [tilespmem:s1+$0xF540]  }
0x370: {  	v55 =	vld [tilespmem:s1+$0xF4E0]  }
0x371: {  	v56 =	vld [tilespmem:s1+$0xB550];
	v22 =	vadd.f32 v23, v22  }
0x372: {  	v46 =	vadd.f32 v25, v24;
	[tilespmem:s1+$0x17400] =	vst v12;
	v12 =	vadd.f32 v15, v14;
	v14 =	vld [tilespmem:s1+$0xB440]  }
0x373: {  	[tilespmem:s1+$0x17480] =	vst v22;
	v13 =	vadd.f32 v18, v13;
	v18 =	vld [tilespmem:s1+$0xF4A0]  }
0x374: {  	v30 =	vadd.f32 v31, v30;
	v15 =	vld [tilespmem:s1+$0xF440];
	[tilespmem:s1+$0x17490] =	vst v46  }
0x375: {  	v52 =	vadd.f32 v33, v32;
	[tilespmem:s1+$0x17410] =	vst v12;
	v12 =	vadd.f32 v17, v16;
	v16 =	vld [tilespmem:s1+$0xB450]  }
0x376: {  	[tilespmem:s1+$0x17500] =	vst v30;
	v17 =	vld [tilespmem:s1+$0xF450]  }
0x377: {  	v57 =	vld [tilespmem:s1+$0xB4F0];
	v19 =	vadd.f32 v20, v19;
	[tilespmem:s1+$0x17510] =	vst v52  }
0x378: {  	[tilespmem:s1+$0x17420] =	vst v12;
	v12 =	vld [tilespmem:s1+$0xB460];
	v18 =	vadd.f32 v18, v26  }
0x379: {  	v58 =	vld [tilespmem:s1+$0xB560];
	[tilespmem:s1+$0x175F0] =	vst v19  }
0x37a: {  	v14 =	vadd.f32 v15, v14;
	[tilespmem:s1+$0x174A0] =	vst v18;
	v18 =	vld [tilespmem:s1+$0xF530]  }
0x37b: {  	[tilespmem:s1+$0x17430] =	vst v13;
	v13 =	vld [tilespmem:s1+$0xF4B0];
	v16 =	vadd.f32 v17, v16  }
0x37c: {  	v59 =	vld [tilespmem:s1+$0xF560];
	[tilespmem:s1+$0x17440] =	vst v14;
	v26 =	vadd.f32 v50, v34  }
0x37d: {  	v17 =	vld [tilespmem:s1+$0xB580];
	v12 =	vadd.f32 v21, v12;
	[tilespmem:s1+$0x17450] =	vst v16  }
0x37e: {  	v14 =	vld [tilespmem:s1+$0xF580];
	v16 =	vadd.f32 v28, v27;
	[tilespmem:s1+$0x17520] =	vst v26  }
0x37f: {  	v60 =	vld [tilespmem:s1+$0xF590];
	[tilespmem:s1+$0x17460] =	vst v12;
	v18 =	vadd.f32 v18, v51  }
0x380: {  	v19 =	vld [tilespmem:s1+$0xB590];
	v13 =	vadd.f32 v13, v45;
	[tilespmem:s1+$0x17470] =	vst v16  }
0x381: {  	v12 =	vadd.f32 v48, v47;
	[tilespmem:s1+$0x17530] =	vst v18;
	v18 =	vld [tilespmem:s1+$0xF4F0]  }
0x382: {  	v61 =	vld [tilespmem:s1+$0xB5A0];
	v16 =	vadd.f32 v29, v49;
	[tilespmem:s1+$0x174B0] =	vst v13  }
0x383: {  	v63 =	vld [tilespmem:s1+$0xF570];
	v14 =	vadd.f32 v14, v17;
	[tilespmem:s1+$0x174C0] =	vst v12  }
0x384: {  	v13 =	vld [tilespmem:s1+$0xF550];
	v12 =	vadd.f32 v55, v35;
	[tilespmem:s1+$0x174D0] =	vst v16  }
0x385: {  	v15 =	vld [tilespmem:s1+$0xB570];
	[tilespmem:s1+$0x17580] =	vst v14;
	v14 =	vadd.f32 v60, v19  }
0x386: {  	v62 =	vld [tilespmem:s1+$0xF5A0];
	[tilespmem:s1+$0x174E0] =	vst v12;
	v12 =	vadd.f32 v18, v57  }
0x387: {  	v17 =	vld [tilespmem:s1+$0xF5B0];
	[tilespmem:s1+$0x17590] =	vst v14;
	v18 =	vadd.f32 v54, v53  }
0x388: {  	v16 =	vld [tilespmem:s1+$0xB5B0];
	v19 =	vadd.f32 v59, v58;
	[tilespmem:s1+$0x174F0] =	vst v12  }
0x389: {  	v12 =	vld [tilespmem:s1+$0xB5C0];
	[tilespmem:s1+$0x17540] =	vst v18;
	v18 =	vadd.f32 v13, v56  }
0x38a: {  	[tilespmem:s1+$0x17560] =	vst v19;
	v19 =	vadd.f32 v63, v15;
	v13 =	vld [tilespmem:s1+$0xF5C0]  }
0x38b: {  	v14 =	vld [tilespmem:s1+$0xB5D0];
	[tilespmem:s1+$0x17550] =	vst v18;
	v18 =	vadd.f32 v62, v61  }
0x38c: {  	v15 =	vld [tilespmem:s1+$0xF5D0];
	[tilespmem:s1+$0x17570] =	vst v19  }
0x38d: {  	s5 =	simm.s32 $0x0;
	s8 =	simm.s32 $0x800;
	v17 =	vadd.f32 v17, v16;
	v16 =	vld [tilespmem:s1+$0xB5E0];
	[tilespmem:s1+$0x175A0] =	vst v18  }
.LBB2_14:
0x38e: {  	s9 =	sshra.s32 s8, $0x2;
	v18 =	vld [tilespmem:s1+$0xF5E0]  }
0x38f: {  	s5 =	sadd.s32 $0x4, s5;
	v19 =	vld [tilespmem:s9+$0xB5F0];
	[tilespmem:s1+$0x175B0] =	vst v17;
	v12 =	vadd.f32 v13, v12  }
0x390: {  	p0 =	slt.u32 s5, $0x7C;
	v13 =	vld [tilespmem:s9+$0xF5F0]  }
0x391: {  	v17 =	vld [tilespmem:s9+$0xB400];
	[tilespmem:s1+$0x175C0] =	vst v12;
	v12 =	vadd.f32 v15, v14  }
0x392: {  	v14 =	vld [tilespmem:s9+$0xF400]  }
0x393: {  	v15 =	vld [tilespmem:s9+$0xB410];
	[tilespmem:s1+$0x175D0] =	vst v12;
	v12 =	vadd.f32 v18, v16  }
0x394: {  	v16 =	vld [tilespmem:s9+$0xF410]  }
0x395: {  	v18 =	vld [tilespmem:s9+$0xB420];
	v13 =	vadd.f32 v13, v19;
	[tilespmem:s1+$0x175E0] =	vst v12;
	s1 =	smov.u32 s9  }
0x396: {  	v12 =	vld [tilespmem:s1+$0xF420]  }
0x397: {  	v14 =	vadd.f32 v14, v17;
	v17 =	vld [tilespmem:s1+$0xB430];
	[tilespmem:s1+$0x175F0] =	vst v13  }
0x398: {  	v13 =	vld [tilespmem:s1+$0xF430]  }
0x399: {  	[tilespmem:s1+$0x17400] =	vst v14;
	v14 =	vadd.f32 v16, v15;
	v15 =	vld [tilespmem:s1+$0xB440]  }
0x39a: {  	v16 =	vld [tilespmem:s1+$0xF440]  }
0x39b: {  	[tilespmem:s1+$0x17410] =	vst v14;
	v12 =	vadd.f32 v12, v18;
	v14 =	vld [tilespmem:s1+$0xB450]  }
0x39c: {  	v18 =	vld [tilespmem:s1+$0xF450]  }
0x39d: {  	[tilespmem:s1+$0x17420] =	vst v12;
	v12 =	vadd.f32 v13, v17;
	v13 =	vld [tilespmem:s1+$0xB460]  }
0x39e: {  	v17 =	vld [tilespmem:s1+$0xF460]  }
0x39f: {  	[tilespmem:s1+$0x17430] =	vst v12;
	v12 =	vadd.f32 v16, v15;
	v15 =	vld [tilespmem:s1+$0xB470]  }
0x3a0: {  	v16 =	vld [tilespmem:s1+$0xF470]  }
0x3a1: {  	[tilespmem:s1+$0x17440] =	vst v12;
	v12 =	vadd.f32 v18, v14;
	v14 =	vld [tilespmem:s1+$0xB480]  }
0x3a2: {  	v18 =	vld [tilespmem:s1+$0xF480]  }
0x3a3: {  	[tilespmem:s1+$0x17450] =	vst v12;
	v12 =	vadd.f32 v17, v13;
	v13 =	vld [tilespmem:s1+$0xB490]  }
0x3a4: {  	v17 =	vld [tilespmem:s1+$0xF490]  }
0x3a5: {  	[tilespmem:s1+$0x17460] =	vst v12;
	v12 =	vadd.f32 v16, v15;
	v15 =	vld [tilespmem:s1+$0xB4A0]  }
0x3a6: {  	v16 =	vld [tilespmem:s1+$0xF4A0]  }
0x3a7: {  	[tilespmem:s1+$0x17470] =	vst v12;
	v12 =	vadd.f32 v18, v14;
	v14 =	vld [tilespmem:s1+$0xB4B0]  }
0x3a8: {  	v18 =	vld [tilespmem:s1+$0xF4B0]  }
0x3a9: {  	[tilespmem:s1+$0x17480] =	vst v12;
	v12 =	vadd.f32 v17, v13;
	v13 =	vld [tilespmem:s1+$0xB4C0]  }
0x3aa: {  	v17 =	vld [tilespmem:s1+$0xF4C0]  }
0x3ab: {  	[tilespmem:s1+$0x17490] =	vst v12;
	v12 =	vadd.f32 v16, v15;
	v15 =	vld [tilespmem:s1+$0xB4D0]  }
0x3ac: {  	v16 =	vld [tilespmem:s1+$0xF4D0]  }
0x3ad: {  	[tilespmem:s1+$0x174A0] =	vst v12;
	v12 =	vadd.f32 v18, v14;
	v14 =	vld [tilespmem:s1+$0xB4E0]  }
0x3ae: {  	v18 =	vld [tilespmem:s1+$0xF4E0]  }
0x3af: {  	[tilespmem:s1+$0x174B0] =	vst v12;
	v12 =	vadd.f32 v17, v13;
	v13 =	vld [tilespmem:s1+$0xB4F0]  }
0x3b0: {  	v17 =	vld [tilespmem:s1+$0xF4F0]  }
0x3b1: {  	[tilespmem:s1+$0x174C0] =	vst v12;
	v12 =	vadd.f32 v16, v15;
	v15 =	vld [tilespmem:s1+$0xB500]  }
0x3b2: {  	v16 =	vld [tilespmem:s1+$0xF500]  }
0x3b3: {  	[tilespmem:s1+$0x174D0] =	vst v12;
	v12 =	vadd.f32 v18, v14;
	v14 =	vld [tilespmem:s1+$0xB510]  }
0x3b4: {  	v18 =	vld [tilespmem:s1+$0xF510]  }
0x3b5: {  	[tilespmem:s1+$0x174E0] =	vst v12;
	v12 =	vadd.f32 v17, v13;
	v13 =	vld [tilespmem:s1+$0xB520]  }
0x3b6: {  	v17 =	vld [tilespmem:s1+$0xF520]  }
0x3b7: {  	[tilespmem:s1+$0x174F0] =	vst v12;
	v12 =	vadd.f32 v16, v15;
	v15 =	vld [tilespmem:s1+$0xB530]  }
0x3b8: {  	v16 =	vld [tilespmem:s1+$0xF530]  }
0x3b9: {  	[tilespmem:s1+$0x17500] =	vst v12;
	v12 =	vadd.f32 v18, v14;
	v14 =	vld [tilespmem:s1+$0xB540]  }
0x3ba: {  	v18 =	vld [tilespmem:s1+$0xF540]  }
0x3bb: {  	[tilespmem:s1+$0x17510] =	vst v12;
	v12 =	vadd.f32 v17, v13;
	v13 =	vld [tilespmem:s1+$0xB550]  }
0x3bc: {  	v17 =	vld [tilespmem:s1+$0xF550]  }
0x3bd: {  	[tilespmem:s1+$0x17520] =	vst v12;
	v12 =	vadd.f32 v16, v15;
	v15 =	vld [tilespmem:s1+$0xB560]  }
0x3be: {  	v16 =	vld [tilespmem:s1+$0xF560]  }
0x3bf: {  	[tilespmem:s1+$0x17530] =	vst v12;
	v12 =	vadd.f32 v18, v14;
	v14 =	vld [tilespmem:s1+$0xB570]  }
0x3c0: {  	v18 =	vld [tilespmem:s1+$0xF570]  }
0x3c1: {  	[tilespmem:s1+$0x17540] =	vst v12;
	v12 =	vadd.f32 v17, v13;
	v13 =	vld [tilespmem:s1+$0xB580]  }
0x3c2: {  	v17 =	vld [tilespmem:s1+$0xF580]  }
0x3c3: {  	[tilespmem:s1+$0x17550] =	vst v12;
	v12 =	vadd.f32 v16, v15;
	v15 =	vld [tilespmem:s1+$0xB590]  }
0x3c4: {  	v16 =	vld [tilespmem:s1+$0xF590]  }
0x3c5: {  	[tilespmem:s1+$0x17560] =	vst v12;
	v12 =	vadd.f32 v18, v14;
	v14 =	vld [tilespmem:s1+$0xB5A0]  }
0x3c6: {  	v18 =	vld [tilespmem:s1+$0xF5A0]  }
0x3c7: {  	[tilespmem:s1+$0x17570] =	vst v12;
	v12 =	vadd.f32 v17, v13;
	v17 =	vld [tilespmem:s1+$0xB5B0]  }
0x3c8: {  	v19 =	vld [tilespmem:s1+$0xF5B0]  }
.Ltmp6:
0x3c9: {  	[tilespmem:s1+$0x17580] =	vst v12;
	v15 =	vadd.f32 v16, v15;
	v12 =	vld [tilespmem:s1+$0xB5C0];
	(pc) =	sbr.rel @p0 .LBB2_14-.Ltmp6, $4  }
0x3ca: {  	v13 =	vld [tilespmem:s1+$0xF5C0]  }
0x3cb: {  	[tilespmem:s1+$0x17590] =	vst v15;
	v16 =	vadd.f32 v18, v14;
	v14 =	vld [tilespmem:s1+$0xB5D0]  }
0x3cc: {  	v15 =	vld [tilespmem:s1+$0xF5D0]  }
0x3cd: {  	s8 =	sadd.s32 $0x800, s8;
	[tilespmem:s1+$0x175A0] =	vst v16;
	v17 =	vadd.f32 v19, v17;
	v16 =	vld [tilespmem:s1+$0xB5E0]  }
0x3ce: {  	v18 =	vld [tilespmem:s1+$0xF5E0];
	_ =	sdelay $0x2  }
0x3cf: {  	v12 =	vadd.f32 v13, v12  }
0x3d0: {  	[tilespmem:s1+$0x175B0] =	vst v17;
	v62 =	vadd.f32 v15, v14  }
0x3d1: {  	[tilespmem:s1+$0x175C0] =	vst v12;
	v63 =	vadd.f32 v18, v16  }
0x3d2: {  	[tilespmem:s1+$0x175D0] =	vst v62  }
0x3d3: {  	s0 =	sadd.s32 $0x1, s0;
	[tilespmem:s1+$0x175E0] =	vst v63  }
0x3d4: {  	[hbm4b:s3+s18] =	stream.indirect.scatter [tilespmem:s29], [sflag:$0x4], $0x80, s28, s18, $0xb8;
	[tilespmem:$0x1B580] =	vst v63  }
0x3d5: {  	p0 =	sne.s32 s0, s16;
	_ =	swait.ge [sflag:s30], $0x4000  }
.Ltmp7:
0x3d6: {  	[sflag:s30] =	ssyncset.done $0x0;
	(pc) =	sbr.rel @p0 .LBB2_1-.Ltmp7, $4  }
0x3d7: {  	[sflag:s30] =	ssyncadd.s32 $0xFFFFC000  }
0x3d8: {  	_ =	swait.ge [sflag:s31], $0x4000  }
0x3d9: {  	[sflag:s31] =	ssyncset.done $0x0  }
0x3da: {  	[sflag:s31] =	ssyncadd.s32 $0xFFFFC000  }
0x3db: {  	_ =	sfence.sel $0x180000  }
0x3dc: {  	[bflag:$0x0] =	sbarrier.arrive $0xFFFF  }
0x3dd: {  	_ =	strace $0x90000047  }
0x3de: {  	s0 =	stileid.u32;
	[bflag:$0x2] =	sbarrier.arrive $0xFFFF  }
0x3df: {  	p0 =	sne.s32 s0, $0x0;
	s0 =	rddreg [dreg:$0x3]  }
0x3e0: {  	s0 =	sadd.s32 @!p0 $0x100000, s0  }
0x3e1: {  	[sflag:s0] =	ssyncadd.tile.s32 @!p0 $0x1;
	_ =	shalt  }
.Lfunc_end2:
_tile_overlayer_lowered:
.L_overlay_start_2:
0x3e2: {  	(tag) =	ssettag $0x2  }
0x3e3: {  	s0 =	rddreg [dreg:$0x0];
	s2 =	stileid.u32  }
0x3e4: {  	s1 =	rddreg [dreg:$0x1];
	p0 =	sne.s32 s2, $0x0  }
0x3e5: {  	s3 =	rddreg [dreg:$0x2];
	[bflag:$0x3] =	sbarrier.arrive $0xFFFF;
	s2 =	simm.s32 @!p0 $0x1C05  }
0x3e6: {  	[timem:s3], [sflag:s2] =	dma.local @!p0 [hbm:s0], s1  }
0x3e7: {  	s0 =	simm.s32 @!p0 $0x5  }
0x3e8: {  	_ =	swait.ge @!p0 [sflag:s0], s1  }
0x3e9: {  	s1 =	ssub.s32 @!p0 $0x0, s1;
	[sflag:s0] =	ssyncset.done @!p0 $0x0  }
0x3ea: {  	[sflag:s0] =	ssyncadd.s32 @!p0 s1  }
0x3eb: {  	[bflag:$0x3] =	sbarrier.arrive $0xFFFF  }
0x3ec: {  	_ =	shalt  }

</sc_bundles>
